<compile_context>
chip_gen: v7x
topology: tpu7x:2x2x1
jax: 0.10.2.dev20260603
libtpu: 0.0.44.dev20260713+nightly
codegen_flags: <defaults>
</compile_context>

<pallas_src>
import functools

import jax
import jax.numpy as jnp
import numpy as np
from jax import lax
from jax.experimental import pallas as pl
from jax.experimental.pallas import tpu as pltpu
from jax.experimental.pallas import tpu_sc as plsc

_NC = 2
_NS = 16
_NW = _NC * _NS

_I32_MIN = np.int32(-2147483648)



def _router_body(x_ref, rw_ref, o_ref):
    o_ref[...] = jnp.dot(x_ref[...], rw_ref[...],
                         preferred_element_type=jnp.float32)


def _router(xf, router_w):
    n, d = xf.shape
    tm = 1024
    rw_pad = jnp.pad(router_w, ((0, 0), (0, 127)))
    out = pl.pallas_call(
        _router_body,
        grid=(n // tm,),
        in_specs=[
            pl.BlockSpec((tm, d), lambda i: (i, 0)),
            pl.BlockSpec((d, 128), lambda i: (0, 0)),
        ],
        out_specs=pl.BlockSpec((tm, 128), lambda i: (i, 0)),
        out_shape=jax.ShapeDtypeStruct((n, 128), jnp.float32),
    )(xf, rw_pad)
    return out[:, 0:1]



def _cumsum_cols(v, s):
    sh = 1
    while sh < s:
        v = v + jnp.concatenate(
            [jnp.zeros((sh, v.shape[1]), jnp.float32), v[:-sh, :]], axis=0)
        sh *= 2
    return v


def _route_body(k, wr_ref, wc_ref, rb_ref, idx_ref, sidx_ref, scale_ref):
    nb, s = wr_ref.shape
    rb = rb_ref[0, 0]
    w_r = wr_ref[...] + rb
    bits = lax.bitcast_convert_type(w_r, jnp.int32)
    key = jnp.where(bits >= 0, bits, jnp.bitwise_xor(~bits, _I32_MIN))

    cnt = jnp.sum(jnp.where(key >= 0, 1, 0), axis=1, keepdims=True)
    cs = jnp.where(cnt >= k, jnp.int32(0), _I32_MIN)
    for t in range(30, -1, -1):
        test = jnp.bitwise_or(cs, jnp.int32(1 << t))
        cnt = jnp.sum(jnp.where(key >= test, 1, 0), axis=1, keepdims=True)
        cs = jnp.where(cnt >= k, test, cs)
    thr_bits = jnp.where(cs >= 0, cs, ~jnp.bitwise_xor(cs, _I32_MIN))
    thr = lax.bitcast_convert_type(thr_bits, jnp.float32)
    gt_r = (w_r > thr).astype(jnp.float32)

    eyeb = jnp.where(lax.broadcasted_iota(jnp.int32, (nb, nb), 0)
                     == lax.broadcasted_iota(jnp.int32, (nb, nb), 1), 1.0, 0.0)
    thr_c = jnp.sum(thr * eyeb, axis=0, keepdims=True)
    w_c = wc_ref[...] + rb
    gt_c = (w_c > thr_c).astype(jnp.float32)
    eq_c = (w_c == thr_c).astype(jnp.float32)
    m_c = jnp.sum(gt_c, axis=0, keepdims=True)
    c2 = _cumsum_cols(eq_c, s)
    fill = eq_c * jnp.where(m_c + c2 <= k, 1.0, 0.0)
    mask2 = gt_c + fill
    pos = _cumsum_cols(mask2, s)

    jrow = lax.broadcasted_iota(jnp.int32, (1, k), 1).astype(jnp.float32) + 1.0
    iota_row = lax.broadcasted_iota(jnp.int32, (1, s), 1).astype(jnp.float32)
    for b in range(nb):
        one_hot = (jnp.where(pos[:, b:b + 1] == jrow, 1.0, 0.0)
                   * mask2[:, b:b + 1])
        idx_f = jnp.dot(iota_row, one_hot,
                        preferred_element_type=jnp.float32,
                        precision=lax.Precision.HIGHEST)
        wsel = jnp.dot(w_r[b:b + 1, :], one_hot,
                       preferred_element_type=jnp.float32,
                       precision=lax.Precision.HIGHEST)
        gtk = jnp.dot(gt_r[b:b + 1, :], one_hot,
                      preferred_element_type=jnp.float32,
                      precision=lax.Precision.HIGHEST)
        idx_i = idx_f.astype(jnp.int32) + b * s
        idx_ref[b] = idx_i
        sidx_ref[b] = jnp.where(gtk >= 0.5, idx_i, idx_i + nb * s)
        scale_ref[b] = wsel


def _route(wts2, rb, k):
    bsz, s = wts2.shape
    return pl.pallas_call(
        functools.partial(_route_body, k),
        in_specs=[
            pl.BlockSpec((bsz, s), lambda: (0, 0)),
            pl.BlockSpec((s, bsz), lambda: (0, 0)),
            pl.BlockSpec((1, 1), lambda: (0, 0)),
        ],
        out_specs=[
            pl.BlockSpec((bsz, 1, k), lambda: (0, 0, 0)),
            pl.BlockSpec((bsz, 1, k), lambda: (0, 0, 0)),
            pl.BlockSpec((bsz, 1, k), lambda: (0, 0, 0)),
        ],
        out_shape=[
            jax.ShapeDtypeStruct((bsz, 1, k), jnp.int32),
            jax.ShapeDtypeStruct((bsz, 1, k), jnp.int32),
            jax.ShapeDtypeStruct((bsz, 1, k), jnp.float32),
        ],
    )(wts2, wts2.T, rb)



def _gather(xf, gidx):
    n, d = xf.shape
    bk = gidx.shape[0]
    rpw = bk // _NW
    mesh = plsc.VectorSubcoreMesh(core_axis_name="c", subcore_axis_name="s",
                                  num_cores=_NC, num_subcores=_NS)

    @functools.partial(
        pl.kernel,
        out_type=jax.ShapeDtypeStruct((bk, d), jnp.float32),
        mesh=mesh,
        scratch_types=[pltpu.VMEM((rpw,), jnp.int32),
                       pltpu.VMEM((rpw, d), jnp.float32),
                       pltpu.SemaphoreType.DMA],
    )
    def _gather_k(x_hbm, idx_hbm, xg_hbm, idx_v, rows_v, sem):
        wid = lax.axis_index("s") * _NC + lax.axis_index("c")
        base = wid * rpw
        pltpu.sync_copy(idx_hbm.at[pl.ds(base, rpw)], idx_v)
        pltpu.async_copy(x_hbm.at[idx_v], rows_v, sem).wait()
        pltpu.sync_copy(rows_v, xg_hbm.at[pl.ds(base, rpw)])

    return _gather_k(xf, gidx)


def _mlp_body(xg_ref, w1_ref, b1_ref, w2_ref, b2_ref, sc_ref, o_ref):
    j = pl.program_id(0)
    h = jnp.dot(xg_ref[...], w1_ref[...],
                preferred_element_type=jnp.float32) + b1_ref[...]
    h = jax.nn.gelu(h)
    part = jnp.dot(h, w2_ref[...], preferred_element_type=jnp.float32)

    @pl.when(j == 0)
    def _():
        o_ref[...] = part

    @pl.when(j > 0)
    def _():
        o_ref[...] += part

    @pl.when(j == pl.num_programs(0) - 1)
    def _():
        o_ref[...] = (o_ref[...] + b2_ref[...]) * sc_ref[...]


def _mlp(xg, w1, b1r, w2, b2r, scale2):
    bk, d = xg.shape
    dff = w1.shape[1]
    tk = 512
    return pl.pallas_call(
        _mlp_body,
        grid=(dff // tk,),
        in_specs=[
            pl.BlockSpec((bk, d), lambda j: (0, 0)),
            pl.BlockSpec((d, tk), lambda j: (0, j)),
            pl.BlockSpec((1, tk), lambda j: (0, j)),
            pl.BlockSpec((tk, d), lambda j: (j, 0)),
            pl.BlockSpec((1, d), lambda j: (0, 0)),
            pl.BlockSpec((bk, 1), lambda j: (0, 0)),
        ],
        out_specs=pl.BlockSpec((bk, d), lambda j: (0, 0)),
        out_shape=jax.ShapeDtypeStruct((bk, d), jnp.float32),
    )(xg, w1, b1r, w2, b2r, scale2)



_SCATTER_RPS = 64


def _scatter_body(idx_ref, x_ref, v_ref, o_ref, scr, sems):
    i = pl.program_id(0)
    nsteps = pl.num_programs(0)
    n = x_ref.shape[0]
    par = i % 2
    base = i * _SCATTER_RPS

    def drain(p):
        pltpu.make_async_copy(x_ref.at[pl.ds(0, _SCATTER_RPS)],
                              scr.at[p], sems.at[p]).wait()

    @pl.when(i >= 2)
    def _():
        drain(par)

    scr[par] = v_ref[...]
    for r in range(_SCATTER_RPS):
        raw = idx_ref[base + r]
        row = lax.rem(raw, n)

        @pl.when(raw < n)
        def _():
            pltpu.make_async_copy(scr.at[par, pl.ds(r, 1)],
                                  o_ref.at[pl.ds(row, 1)],
                                  sems.at[par]).start()

        @pl.when(raw >= n)
        def _():
            pltpu.make_async_copy(x_ref.at[pl.ds(row, 1)],
                                  o_ref.at[pl.ds(row, 1)],
                                  sems.at[par]).start()

    @pl.when(i == nsteps - 1)
    def _():
        drain(1 - par)
        drain(par)


def _scatter(xf, vals, sidx):
    n, d = xf.shape
    bk = sidx.shape[0]
    grid_spec = pltpu.PrefetchScalarGridSpec(
        num_scalar_prefetch=1,
        grid=(bk // _SCATTER_RPS,),
        in_specs=[
            pl.BlockSpec(memory_space=pl.ANY),
            pl.BlockSpec((_SCATTER_RPS, d), lambda i, idx: (i, 0)),
        ],
        out_specs=pl.BlockSpec(memory_space=pl.ANY),
        scratch_shapes=[
            pltpu.VMEM((2, _SCATTER_RPS, d), jnp.float32),
            pltpu.SemaphoreType.DMA((2,)),
        ],
    )
    return pl.pallas_call(
        _scatter_body,
        grid_spec=grid_spec,
        out_shape=jax.ShapeDtypeStruct((n, d), jnp.float32),
        input_output_aliases={1: 0},
    )(sidx, xf, vals)



def kernel(x, causal_mask, position_ids, router_w, router_b, w1, b1, w2, b2):
    b, s, d = x.shape
    dff = w1.shape[1]
    k = s // 8
    xf = x.reshape(b * s, d)

    wts = _router(xf, router_w)
    idx3, sidx3, scale3 = _route(wts.reshape(b, s), router_b.reshape(1, 1), k)
    gidx = idx3.reshape(b * k)
    sidx = sidx3.reshape(b * k)

    xg = _gather(xf, gidx)
    vals = _mlp(xg, w1, b1.reshape(1, dff), w2, b2.reshape(1, d),
                scale3.reshape(b * k, 1))
    out = _scatter(xf, vals, sidx)
    return (out.reshape(b, s, d),)

# --- scband reference (transcript-rebuilt; emitter-appended) ---
"""Pipeline reference for scband-mo-d-67482526154878 (READ-ONLY COPY).

The authoritative reference and input builder live on the scoring server;
editing this copy changes nothing except your own understanding.
"""

import jax, jax.numpy as jnp
import numpy as np

B, S, D, DFF = 4, 2048, 2048, 8192
CAPACITY = 0.125

def setup_inputs(seed: int = 0) -> dict:
    key = jax.random.key(seed)
    ks = jax.random.split(key, 6)
    x = jax.random.normal(ks[0], (B, S, D), dtype=jnp.float32)
    causal_mask = jnp.zeros((1, 1, S, S), dtype=jnp.float32)
    position_ids = jnp.tile(jnp.arange(S, dtype=jnp.int32)[None, :], (B, 1))
    router_w = jax.random.normal(ks[1], (D, 1), dtype=jnp.float32) * (1.0 / np.sqrt(D))
    router_b = jnp.zeros((1,), dtype=jnp.float32)
    w1 = jax.random.normal(ks[2], (D, DFF), dtype=jnp.float32) * (1.0 / np.sqrt(D))
    b1 = jnp.zeros((DFF,), dtype=jnp.float32)
    w2 = jax.random.normal(ks[3], (DFF, D), dtype=jnp.float32) * (1.0 / np.sqrt(DFF))
    b2 = jnp.zeros((D,), dtype=jnp.float32)
    return {"x": x, "causal_mask": causal_mask, "position_ids": position_ids,
            "router_w": router_w, "router_b": router_b,
            "w1": w1, "b1": b1, "w2": w2, "b2": b2}

def _block(h, w1, b1, w2, b2):
    # pointwise transformer MLP block (hidden_size=D); position-independent so
    # running it on all tokens and masking is mathematically identical to the
    # torch code's ragged gather -> block -> scatter per batch element.
    return jax.nn.gelu(h @ w1 + b1) @ w2 + b2

def reference(x, causal_mask, position_ids, router_w, router_b, w1, b1, w2, b2):
    b, s, d = x.shape
    # TokenRouter: Linear(d, 1).squeeze(-1)
    weights = (x @ router_w + router_b)[..., 0]  # [B, S]
    k = int(CAPACITY * s)
    top_k_values = jax.lax.top_k(weights, k)[0]  # sorted descending [B, k]
    threshold = top_k_values[:, -1]              # [B]
    selected_mask = weights > threshold[:, None] # strict >, matches torch
    block_out = _block(x, w1, b1, w2, b2)        # [B, S, D]
    sel = selected_mask[..., None].astype(x.dtype)
    processed_tokens = block_out * weights[..., None] * sel
    output = processed_tokens + x * (1.0 - sel)
    return (output,)

if __name__ == "__main__":
    import jax
    _d = setup_inputs()
    print(jax.jit(kernel)(*tuple(_d.values())))

</pallas_src>

<mosaic_0001>
#map = affine_map<(d0, d1) -> (0, 0)>
#map1 = affine_map<(d0, d1) -> (0)>
module attributes {stable_mosaic.version = 14 : i64} {
  func.func @_gather_k(%arg0: i32, %arg1: i32, %arg2: memref<8192x2048xf32, #tpu.memory_space<hbm>>, %arg3: memref<1024xi32, #tpu.memory_space<hbm>>, %arg4: memref<1024x2048xf32, #tpu.memory_space<hbm>>, %arg5: memref<32xi32, #tpu.memory_space<vmem>>, %arg6: memref<32x2048xf32, #tpu.memory_space<vmem>>, %arg7: memref<!tpu.dma_semaphore, #tpu.memory_space<semaphore_mem>>) attributes {dimension_semantics = [#tpu.dimension_semantics<core_parallel>, #tpu.dimension_semantics<subcore_parallel>], iteration_bounds = array<i64: 2, 16>, scalar_prefetch = 0 : i64, scratch_operands = 3 : i64, tpu.core_type = #tpu.core_type<sc_vector_subcore>, window_params = [{transform_indices = #map}, {transform_indices = #map1}, {transform_indices = #map}]} {
    %mul3A = arith.constant 2 : i32
    %mul3A_0 = arith.muli %arg1, %mul3A : i32
    %add3A = arith.addi %mul3A_0, %arg0 : i32
    %mul3A_1 = arith.constant 32 : i32
    %mul3A_2 = arith.muli %add3A, %mul3A_1 : i32
    "tpu.region"() ({
      %run_scoped3A = tpu.sem_alloc : memref<!tpu.dma_semaphore, #tpu.memory_space<semaphore_mem>>
      %dma_start3A_7 = tpu.memref_slice %arg3[%mul3A_2] : memref<1024xi32, #tpu.memory_space<hbm>> -> memref<32xi32, #tpu.memory_space<hbm>>
      %dma_start3A_8 = tpu.memref_slice %arg3[%mul3A_2] : memref<1024xi32, #tpu.memory_space<hbm>> -> memref<32xi32, #tpu.memory_space<hbm>>
      tpu.enqueue_dma source(%dma_start3A_8 : memref<32xi32, #tpu.memory_space<hbm>>) target(%arg5 : memref<32xi32, #tpu.memory_space<vmem>>) target_semaphore(%run_scoped3A : memref<!tpu.dma_semaphore, #tpu.memory_space<semaphore_mem>>)
      %dma_wait3A_9 = tpu.memref_slice %arg3[%mul3A_2] : memref<1024xi32, #tpu.memory_space<hbm>> -> memref<32xi32, #tpu.memory_space<hbm>>
      %dma_wait3A_10 = tpu.memref_slice %arg3[%mul3A_2] : memref<1024xi32, #tpu.memory_space<hbm>> -> memref<32xi32, #tpu.memory_space<hbm>>
      tpu.wait_dma2 semaphore(%run_scoped3A : memref<!tpu.dma_semaphore, #tpu.memory_space<semaphore_mem>>) src(%dma_wait3A_10 : memref<32xi32, #tpu.memory_space<hbm>>) dst(%arg5 : memref<32xi32, #tpu.memory_space<vmem>>)
      tpu.yield
    }) : () -> ()
    %dma_start3A = arith.constant 0 : i32
    %dma_start3A_3 = arith.constant 0 : i32
    %dma_start3A_4 = tpu.memref_slice %arg2[%dma_start3A, %dma_start3A_3] : memref<8192x2048xf32, #tpu.memory_space<hbm>> -> memref<8192x2048xf32, #tpu.memory_space<hbm>>
    tpu.enqueue_indirect_dma source(%dma_start3A_4 : memref<8192x2048xf32, #tpu.memory_space<hbm>>) target(%arg6 : memref<32x2048xf32, #tpu.memory_space<vmem>>) offsets(%arg5 : memref<32xi32, #tpu.memory_space<vmem>>) semaphore(%arg7 : memref<!tpu.dma_semaphore, #tpu.memory_space<semaphore_mem>>)
    %dma_wait3A = arith.constant 0 : i32
    %dma_wait3A_5 = arith.constant 0 : i32
    %dma_wait3A_6 = tpu.memref_slice %arg2[%dma_wait3A, %dma_wait3A_5] : memref<8192x2048xf32, #tpu.memory_space<hbm>> -> memref<8192x2048xf32, #tpu.memory_space<hbm>>
    tpu.wait_indirect_dma semaphore(%arg7 : memref<!tpu.dma_semaphore, #tpu.memory_space<semaphore_mem>>) src(%dma_wait3A_6 : memref<8192x2048xf32, #tpu.memory_space<hbm>>) dst(%arg6 : memref<32x2048xf32, #tpu.memory_space<vmem>>)
    "tpu.region"() ({
      %run_scoped3A = tpu.sem_alloc : memref<!tpu.dma_semaphore, #tpu.memory_space<semaphore_mem>>
      %dma_start3A_7 = arith.constant 0 : i32
      %dma_start3A_8 = tpu.memref_slice %arg4[%mul3A_2, %dma_start3A_7] : memref<1024x2048xf32, #tpu.memory_space<hbm>> -> memref<32x2048xf32, #tpu.memory_space<hbm>>
      %dma_start3A_9 = arith.constant 0 : i32
      %dma_start3A_10 = tpu.memref_slice %arg4[%mul3A_2, %dma_start3A_9] : memref<1024x2048xf32, #tpu.memory_space<hbm>> -> memref<32x2048xf32, #tpu.memory_space<hbm>>
      tpu.enqueue_dma source(%arg6 : memref<32x2048xf32, #tpu.memory_space<vmem>>) target(%dma_start3A_10 : memref<32x2048xf32, #tpu.memory_space<hbm>>) target_semaphore(%run_scoped3A : memref<!tpu.dma_semaphore, #tpu.memory_space<semaphore_mem>>)
      %dma_wait3A_11 = arith.constant 0 : i32
      %dma_wait3A_12 = tpu.memref_slice %arg4[%mul3A_2, %dma_wait3A_11] : memref<1024x2048xf32, #tpu.memory_space<hbm>> -> memref<32x2048xf32, #tpu.memory_space<hbm>>
      %dma_wait3A_13 = arith.constant 0 : i32
      %dma_wait3A_14 = tpu.memref_slice %arg4[%mul3A_2, %dma_wait3A_13] : memref<1024x2048xf32, #tpu.memory_space<hbm>> -> memref<32x2048xf32, #tpu.memory_space<hbm>>
      tpu.wait_dma2 semaphore(%run_scoped3A : memref<!tpu.dma_semaphore, #tpu.memory_space<semaphore_mem>>) src(%arg6 : memref<32x2048xf32, #tpu.memory_space<vmem>>) dst(%dma_wait3A_14 : memref<32x2048xf32, #tpu.memory_space<hbm>>)
      tpu.yield
    }) : () -> ()
    return
  }
}

module attributes {stable_mosaic.version = 14 : i64} {
  func.func @_router_body(%arg0: i32, %arg1: memref<1024x2048xf32, #tpu.memory_space<vmem>>, %arg2: memref<2048x128xf32, #tpu.memory_space<vmem>>, %arg3: memref<1024x128xf32, #tpu.memory_space<vmem>>) attributes {dimension_semantics = [#tpu.dimension_semantics<arbitrary>], iteration_bounds = array<i64: 8>, scalar_prefetch = 0 : i64, scratch_operands = 0 : i64, tpu.core_type = #tpu.core_type<tc>, window_params = [{transform_indices = @transform_0, window_bounds = array<i64: 1024, 2048>}, {pipeline_mode = #tpu.pipeline_mode<synchronous>, transform_indices = @transform_1, window_bounds = array<i64: 2048, 128>}, {transform_indices = @transform_2, window_bounds = array<i64: 1024, 128>}]} {
    %get3A = arith.constant 0 : index
    %get3A_0 = arith.constant 0 : index
    %get3A_1 = vector.load %arg1[%get3A, %get3A_0] : memref<1024x2048xf32, #tpu.memory_space<vmem>>, vector<1024x2048xf32>
    %get3A_2 = arith.constant 0 : index
    %get3A_3 = arith.constant 0 : index
    %get3A_4 = vector.load %arg2[%get3A_2, %get3A_3] : memref<2048x128xf32, #tpu.memory_space<vmem>>, vector<2048x128xf32>
    %dot_general3A = arith.constant dense<0.000000e+00> : vector<1024x128xf32>
    %dot_general3A_5 = tpu.matmul %get3A_1, %get3A_4, %dot_general3A {dimension_numbers = #tpu.dot_dimension_numbers<[1], [0], [0], [1], [0, 0, 1, 1], [], []>, transpose_lhs_hint = false} : vector<1024x2048xf32>, vector<2048x128xf32>, vector<1024x128xf32> -> vector<1024x128xf32>
    %swap3A = arith.constant 0 : index
    %swap3A_6 = arith.constant 0 : index
    %swap3A_7 = vector.load %arg3[%swap3A, %swap3A_6] : memref<1024x128xf32, #tpu.memory_space<vmem>>, vector<1024x128xf32>
    tpu.vector_store %arg3[%swap3A, %swap3A_6], %dot_general3A_5 {strides = array<i32>} : memref<1024x128xf32, #tpu.memory_space<vmem>>, vector<1024x128xf32>,
    return
  }
  func.func @transform_0(%arg0: i32) -> (i32, i32) {
    %c0_i32 = arith.constant 0 : i32
    %c0_i32_0 = arith.constant 0 : i32
    return %arg0, %c0_i32 : i32, i32
  }
  func.func @transform_1(%arg0: i32) -> (i32, i32) {
    %c0_i32 = arith.constant 0 : i32
    %c0_i32_0 = arith.constant 0 : i32
    %c0_i32_1 = arith.constant 0 : i32
    return %c0_i32, %c0_i32_0 : i32, i32
  }
  func.func @transform_2(%arg0: i32) -> (i32, i32) {
    %c0_i32 = arith.constant 0 : i32
    %c0_i32_0 = arith.constant 0 : i32
    return %arg0, %c0_i32 : i32, i32
  }
}

module attributes {stable_mosaic.version = 14 : i64} {
  func.func @_route_body(%arg0: memref<4x2048xf32, #tpu.memory_space<vmem>>, %arg1: memref<2048x4xf32, #tpu.memory_space<vmem>>, %arg2: memref<1x1xf32, #tpu.memory_space<vmem>>, %arg3: memref<4x1x256xi32, #tpu.memory_space<vmem>>, %arg4: memref<4x1x256xi32, #tpu.memory_space<vmem>>, %arg5: memref<4x1x256xf32, #tpu.memory_space<vmem>>) attributes {dimension_semantics = [], scalar_prefetch = 0 : i64, scratch_operands = 0 : i64, tpu.core_type = #tpu.core_type<tc>} {
    %get3A = arith.constant 0 : index
    %get3A_0 = arith.constant 0 : index
    %get3A_1 = vector.load %arg2[%get3A, %get3A_0] : memref<1x1xf32, #tpu.memory_space<vmem>>, vector<1x1xf32>
    %get3A_2 = vector.extract %get3A_1[0, 0] : f32 from vector<1x1xf32>
    %get3A_3 = arith.constant 0 : index
    %get3A_4 = arith.constant 0 : index
    %get3A_5 = vector.load %arg0[%get3A_3, %get3A_4] : memref<4x2048xf32, #tpu.memory_space<vmem>>, vector<4x2048xf32>
    %add3A = vector.broadcast %get3A_2 : f32 to vector<4x2048xf32>
    %add3A_6 = arith.addf %get3A_5, %add3A : vector<4x2048xf32>
    %bitcast_convert_type3A = tpu.bitcast %add3A_6 : vector<4x2048xf32> -> vector<4x2048xi32>
    %ge3A = arith.constant 0 : i32
    %ge3A_7 = vector.broadcast %ge3A : i32 to vector<4x2048xi32>
    %ge3A_8 = arith.cmpi sge, %bitcast_convert_type3A, %ge3A_7 : vector<4x2048xi32>
    %not3A = arith.constant dense<-1> : vector<4x2048xi32>
    %not3A_9 = arith.xori %bitcast_convert_type3A, %not3A : vector<4x2048xi32>
    %xor3A = arith.constant -2147483648 : i32
    %xor3A_10 = vector.broadcast %xor3A : i32 to vector<4x2048xi32>
    %xor3A_11 = arith.xori %not3A_9, %xor3A_10 : vector<4x2048xi32>
    %select_n3A = arith.select %ge3A_8, %bitcast_convert_type3A, %xor3A_11 : vector<4x2048xi1>, vector<4x2048xi32>
    %ge3A_12 = arith.constant 0 : i32
    %ge3A_13 = vector.broadcast %ge3A_12 : i32 to vector<4x2048xi32>
    %ge3A_14 = arith.cmpi sge, %select_n3A, %ge3A_13 : vector<4x2048xi32>
    %jit3A = arith.constant 1 : i32
    %jit3A_15 = arith.constant 0 : i32
    %broadcast_in_dim3A = vector.broadcast %jit3A : i32 to vector<4x2048xi32>
    %broadcast_in_dim3A_16 = vector.broadcast %jit3A_15 : i32 to vector<4x2048xi32>
    %select_n3A_17 = arith.select %ge3A_14, %broadcast_in_dim3A, %broadcast_in_dim3A_16 : vector<4x2048xi1>, vector<4x2048xi32>
    %reduce_sum3A = arith.constant dense<0> : vector<4xi32>
    %reduce_sum3A_18 = vector.multi_reduction <add>, %select_n3A_17, %reduce_sum3A [1] : vector<4x2048xi32> to vector<4xi32>
    %broadcast_in_dim3A_19 = vector.shape_cast %reduce_sum3A_18 : vector<4xi32> to vector<4x1xi32>
    %ge3A_20 = arith.constant 256 : i32
    %ge3A_21 = vector.broadcast %ge3A_20 : i32 to vector<4x1xi32>
    %ge3A_22 = arith.cmpi sge, %broadcast_in_dim3A_19, %ge3A_21 : vector<4x1xi32>
    %jit3A_23 = arith.constant 0 : i32
    %jit3A_24 = arith.constant -2147483648 : i32
    %broadcast_in_dim3A_25 = vector.broadcast %jit3A_23 : i32 to vector<4x1xi32>
    %broadcast_in_dim3A_26 = vector.broadcast %jit3A_24 : i32 to vector<4x1xi32>
    %select_n3A_27 = arith.select %ge3A_22, %broadcast_in_dim3A_25, %broadcast_in_dim3A_26 : vector<4x1xi1>, vector<4x1xi32>
    %or3A = arith.constant 1073741824 : i32
    %or3A_28 = vector.broadcast %or3A : i32 to vector<4x1xi32>
    %or3A_29 = arith.ori %select_n3A_27, %or3A_28 : vector<4x1xi32>
    %ge3A_30 = vector.broadcast %or3A_29 : vector<4x1xi32> to vector<4x2048xi32>
    %ge3A_31 = arith.cmpi sge, %select_n3A, %ge3A_30 : vector<4x2048xi32>
    %jit3A_32 = arith.constant 1 : i32
    %jit3A_33 = arith.constant 0 : i32
    %broadcast_in_dim3A_34 = vector.broadcast %jit3A_32 : i32 to vector<4x2048xi32>
    %broadcast_in_dim3A_35 = vector.broadcast %jit3A_33 : i32 to vector<4x2048xi32>
    %select_n3A_36 = arith.select %ge3A_31, %broadcast_in_dim3A_34, %broadcast_in_dim3A_35 : vector<4x2048xi1>, vector<4x2048xi32>
    %reduce_sum3A_37 = arith.constant dense<0> : vector<4xi32>
    %reduce_sum3A_38 = vector.multi_reduction <add>, %select_n3A_36, %reduce_sum3A_37 [1] : vector<4x2048xi32> to vector<4xi32>
    %broadcast_in_dim3A_39 = vector.shape_cast %reduce_sum3A_38 : vector<4xi32> to vector<4x1xi32>
    %ge3A_40 = arith.constant 256 : i32
    %ge3A_41 = vector.broadcast %ge3A_40 : i32 to vector<4x1xi32>
    %ge3A_42 = arith.cmpi sge, %broadcast_in_dim3A_39, %ge3A_41 : vector<4x1xi32>
    %select_n3A_43 = arith.select %ge3A_42, %or3A_29, %select_n3A_27 : vector<4x1xi1>, vector<4x1xi32>
    %or3A_44 = arith.constant 536870912 : i32
    %or3A_45 = vector.broadcast %or3A_44 : i32 to vector<4x1xi32>
    %or3A_46 = arith.ori %select_n3A_43, %or3A_45 : vector<4x1xi32>
    %ge3A_47 = vector.broadcast %or3A_46 : vector<4x1xi32> to vector<4x2048xi32>
    %ge3A_48 = arith.cmpi sge, %select_n3A, %ge3A_47 : vector<4x2048xi32>
    %jit3A_49 = arith.constant 1 : i32
    %jit3A_50 = arith.constant 0 : i32
    %broadcast_in_dim3A_51 = vector.broadcast %jit3A_49 : i32 to vector<4x2048xi32>
    %broadcast_in_dim3A_52 = vector.broadcast %jit3A_50 : i32 to vector<4x2048xi32>
    %select_n3A_53 = arith.select %ge3A_48, %broadcast_in_dim3A_51, %broadcast_in_dim3A_52 : vector<4x2048xi1>, vector<4x2048xi32>
    %reduce_sum3A_54 = arith.constant dense<0> : vector<4xi32>
    %reduce_sum3A_55 = vector.multi_reduction <add>, %select_n3A_53, %reduce_sum3A_54 [1] : vector<4x2048xi32> to vector<4xi32>
    %broadcast_in_dim3A_56 = vector.shape_cast %reduce_sum3A_55 : vector<4xi32> to vector<4x1xi32>
    %ge3A_57 = arith.constant 256 : i32
    %ge3A_58 = vector.broadcast %ge3A_57 : i32 to vector<4x1xi32>
    %ge3A_59 = arith.cmpi sge, %broadcast_in_dim3A_56, %ge3A_58 : vector<4x1xi32>
    %select_n3A_60 = arith.select %ge3A_59, %or3A_46, %select_n3A_43 : vector<4x1xi1>, vector<4x1xi32>
    %or3A_61 = arith.constant 268435456 : i32
    %or3A_62 = vector.broadcast %or3A_61 : i32 to vector<4x1xi32>
    %or3A_63 = arith.ori %select_n3A_60, %or3A_62 : vector<4x1xi32>
    %ge3A_64 = vector.broadcast %or3A_63 : vector<4x1xi32> to vector<4x2048xi32>
    %ge3A_65 = arith.cmpi sge, %select_n3A, %ge3A_64 : vector<4x2048xi32>
    %jit3A_66 = arith.constant 1 : i32
    %jit3A_67 = arith.constant 0 : i32
    %broadcast_in_dim3A_68 = vector.broadcast %jit3A_66 : i32 to vector<4x2048xi32>
    %broadcast_in_dim3A_69 = vector.broadcast %jit3A_67 : i32 to vector<4x2048xi32>
    %select_n3A_70 = arith.select %ge3A_65, %broadcast_in_dim3A_68, %broadcast_in_dim3A_69 : vector<4x2048xi1>, vector<4x2048xi32>
    %reduce_sum3A_71 = arith.constant dense<0> : vector<4xi32>
    %reduce_sum3A_72 = vector.multi_reduction <add>, %select_n3A_70, %reduce_sum3A_71 [1] : vector<4x2048xi32> to vector<4xi32>
    %broadcast_in_dim3A_73 = vector.shape_cast %reduce_sum3A_72 : vector<4xi32> to vector<4x1xi32>
    %ge3A_74 = arith.constant 256 : i32
    %ge3A_75 = vector.broadcast %ge3A_74 : i32 to vector<4x1xi32>
    %ge3A_76 = arith.cmpi sge, %broadcast_in_dim3A_73, %ge3A_75 : vector<4x1xi32>
    %select_n3A_77 = arith.select %ge3A_76, %or3A_63, %select_n3A_60 : vector<4x1xi1>, vector<4x1xi32>
    %or3A_78 = arith.constant 134217728 : i32
    %or3A_79 = vector.broadcast %or3A_78 : i32 to vector<4x1xi32>
    %or3A_80 = arith.ori %select_n3A_77, %or3A_79 : vector<4x1xi32>
    %ge3A_81 = vector.broadcast %or3A_80 : vector<4x1xi32> to vector<4x2048xi32>
    %ge3A_82 = arith.cmpi sge, %select_n3A, %ge3A_81 : vector<4x2048xi32>
    %jit3A_83 = arith.constant 1 : i32
    %jit3A_84 = arith.constant 0 : i32
    %broadcast_in_dim3A_85 = vector.broadcast %jit3A_83 : i32 to vector<4x2048xi32>
    %broadcast_in_dim3A_86 = vector.broadcast %jit3A_84 : i32 to vector<4x2048xi32>
    %select_n3A_87 = arith.select %ge3A_82, %broadcast_in_dim3A_85, %broadcast_in_dim3A_86 : vector<4x2048xi1>, vector<4x2048xi32>
    %reduce_sum3A_88 = arith.constant dense<0> : vector<4xi32>
    %reduce_sum3A_89 = vector.multi_reduction <add>, %select_n3A_87, %reduce_sum3A_88 [1] : vector<4x2048xi32> to vector<4xi32>
    %broadcast_in_dim3A_90 = vector.shape_cast %reduce_sum3A_89 : vector<4xi32> to vector<4x1xi32>
    %ge3A_91 = arith.constant 256 : i32
    %ge3A_92 = vector.broadcast %ge3A_91 : i32 to vector<4x1xi32>
    %ge3A_93 = arith.cmpi sge, %broadcast_in_dim3A_90, %ge3A_92 : vector<4x1xi32>
    %select_n3A_94 = arith.select %ge3A_93, %or3A_80, %select_n3A_77 : vector<4x1xi1>, vector<4x1xi32>
    %or3A_95 = arith.constant 67108864 : i32
    %or3A_96 = vector.broadcast %or3A_95 : i32 to vector<4x1xi32>
    %or3A_97 = arith.ori %select_n3A_94, %or3A_96 : vector<4x1xi32>
    %ge3A_98 = vector.broadcast %or3A_97 : vector<4x1xi32> to vector<4x2048xi32>
    %ge3A_99 = arith.cmpi sge, %select_n3A, %ge3A_98 : vector<4x2048xi32>
    %jit3A_100 = arith.constant 1 : i32
    %jit3A_101 = arith.constant 0 : i32
    %broadcast_in_dim3A_102 = vector.broadcast %jit3A_100 : i32 to vector<4x2048xi32>
    %broadcast_in_dim3A_103 = vector.broadcast %jit3A_101 : i32 to vector<4x2048xi32>
    %select_n3A_104 = arith.select %ge3A_99, %broadcast_in_dim3A_102, %broadcast_in_dim3A_103 : vector<4x2048xi1>, vector<4x2048xi32>
    %reduce_sum3A_105 = arith.constant dense<0> : vector<4xi32>
    %reduce_sum3A_106 = vector.multi_reduction <add>, %select_n3A_104, %reduce_sum3A_105 [1] : vector<4x2048xi32> to vector<4xi32>
    %broadcast_in_dim3A_107 = vector.shape_cast %reduce_sum3A_106 : vector<4xi32> to vector<4x1xi32>
    %ge3A_108 = arith.constant 256 : i32
    %ge3A_109 = vector.broadcast %ge3A_108 : i32 to vector<4x1xi32>
    %ge3A_110 = arith.cmpi sge, %broadcast_in_dim3A_107, %ge3A_109 : vector<4x1xi32>
    %select_n3A_111 = arith.select %ge3A_110, %or3A_97, %select_n3A_94 : vector<4x1xi1>, vector<4x1xi32>
    %or3A_112 = arith.constant 33554432 : i32
    %or3A_113 = vector.broadcast %or3A_112 : i32 to vector<4x1xi32>
    %or3A_114 = arith.ori %select_n3A_111, %or3A_113 : vector<4x1xi32>
    %ge3A_115 = vector.broadcast %or3A_114 : vector<4x1xi32> to vector<4x2048xi32>
    %ge3A_116 = arith.cmpi sge, %select_n3A, %ge3A_115 : vector<4x2048xi32>
    %jit3A_117 = arith.constant 1 : i32
    %jit3A_118 = arith.constant 0 : i32
    %broadcast_in_dim3A_119 = vector.broadcast %jit3A_117 : i32 to vector<4x2048xi32>
    %broadcast_in_dim3A_120 = vector.broadcast %jit3A_118 : i32 to vector<4x2048xi32>
    %select_n3A_121 = arith.select %ge3A_116, %broadcast_in_dim3A_119, %broadcast_in_dim3A_120 : vector<4x2048xi1>, vector<4x2048xi32>
    %reduce_sum3A_122 = arith.constant dense<0> : vector<4xi32>
    %reduce_sum3A_123 = vector.multi_reduction <add>, %select_n3A_121, %reduce_sum3A_122 [1] : vector<4x2048xi32> to vector<4xi32>
    %broadcast_in_dim3A_124 = vector.shape_cast %reduce_sum3A_123 : vector<4xi32> to vector<4x1xi32>
    %ge3A_125 = arith.constant 256 : i32
    %ge3A_126 = vector.broadcast %ge3A_125 : i32 to vector<4x1xi32>
    %ge3A_127 = arith.cmpi sge, %broadcast_in_dim3A_124, %ge3A_126 : vector<4x1xi32>
    %select_n3A_128 = arith.select %ge3A_127, %or3A_114, %select_n3A_111 : vector<4x1xi1>, vector<4x1xi32>
    %or3A_129 = arith.constant 16777216 : i32
    %or3A_130 = vector.broadcast %or3A_129 : i32 to vector<4x1xi32>
    %or3A_131 = arith.ori %select_n3A_128, %or3A_130 : vector<4x1xi32>
    %ge3A_132 = vector.broadcast %or3A_131 : vector<4x1xi32> to vector<4x2048xi32>
    %ge3A_133 = arith.cmpi sge, %select_n3A, %ge3A_132 : vector<4x2048xi32>
    %jit3A_134 = arith.constant 1 : i32
    %jit3A_135 = arith.constant 0 : i32
    %broadcast_in_dim3A_136 = vector.broadcast %jit3A_134 : i32 to vector<4x2048xi32>
    %broadcast_in_dim3A_137 = vector.broadcast %jit3A_135 : i32 to vector<4x2048xi32>
    %select_n3A_138 = arith.select %ge3A_133, %broadcast_in_dim3A_136, %broadcast_in_dim3A_137 : vector<4x2048xi1>, vector<4x2048xi32>
    %reduce_sum3A_139 = arith.constant dense<0> : vector<4xi32>
    %reduce_sum3A_140 = vector.multi_reduction <add>, %select_n3A_138, %reduce_sum3A_139 [1] : vector<4x2048xi32> to vector<4xi32>
    %broadcast_in_dim3A_141 = vector.shape_cast %reduce_sum3A_140 : vector<4xi32> to vector<4x1xi32>
    %ge3A_142 = arith.constant 256 : i32
    %ge3A_143 = vector.broadcast %ge3A_142 : i32 to vector<4x1xi32>
    %ge3A_144 = arith.cmpi sge, %broadcast_in_dim3A_141, %ge3A_143 : vector<4x1xi32>
    %select_n3A_145 = arith.select %ge3A_144, %or3A_131, %select_n3A_128 : vector<4x1xi1>, vector<4x1xi32>
    %or3A_146 = arith.constant 8388608 : i32
    %or3A_147 = vector.broadcast %or3A_146 : i32 to vector<4x1xi32>
    %or3A_148 = arith.ori %select_n3A_145, %or3A_147 : vector<4x1xi32>
    %ge3A_149 = vector.broadcast %or3A_148 : vector<4x1xi32> to vector<4x2048xi32>
    %ge3A_150 = arith.cmpi sge, %select_n3A, %ge3A_149 : vector<4x2048xi32>
    %jit3A_151 = arith.constant 1 : i32
    %jit3A_152 = arith.constant 0 : i32
    %broadcast_in_dim3A_153 = vector.broadcast %jit3A_151 : i32 to vector<4x2048xi32>
    %broadcast_in_dim3A_154 = vector.broadcast %jit3A_152 : i32 to vector<4x2048xi32>
    %select_n3A_155 = arith.select %ge3A_150, %broadcast_in_dim3A_153, %broadcast_in_dim3A_154 : vector<4x2048xi1>, vector<4x2048xi32>
    %reduce_sum3A_156 = arith.constant dense<0> : vector<4xi32>
    %reduce_sum3A_157 = vector.multi_reduction <add>, %select_n3A_155, %reduce_sum3A_156 [1] : vector<4x2048xi32> to vector<4xi32>
    %broadcast_in_dim3A_158 = vector.shape_cast %reduce_sum3A_157 : vector<4xi32> to vector<4x1xi32>
    %ge3A_159 = arith.constant 256 : i32
    %ge3A_160 = vector.broadcast %ge3A_159 : i32 to vector<4x1xi32>
    %ge3A_161 = arith.cmpi sge, %broadcast_in_dim3A_158, %ge3A_160 : vector<4x1xi32>
    %select_n3A_162 = arith.select %ge3A_161, %or3A_148, %select_n3A_145 : vector<4x1xi1>, vector<4x1xi32>
    %or3A_163 = arith.constant 4194304 : i32
    %or3A_164 = vector.broadcast %or3A_163 : i32 to vector<4x1xi32>
    %or3A_165 = arith.ori %select_n3A_162, %or3A_164 : vector<4x1xi32>
    %ge3A_166 = vector.broadcast %or3A_165 : vector<4x1xi32> to vector<4x2048xi32>
    %ge3A_167 = arith.cmpi sge, %select_n3A, %ge3A_166 : vector<4x2048xi32>
    %jit3A_168 = arith.constant 1 : i32
    %jit3A_169 = arith.constant 0 : i32
    %broadcast_in_dim3A_170 = vector.broadcast %jit3A_168 : i32 to vector<4x2048xi32>
    %broadcast_in_dim3A_171 = vector.broadcast %jit3A_169 : i32 to vector<4x2048xi32>
    %select_n3A_172 = arith.select %ge3A_167, %broadcast_in_dim3A_170, %broadcast_in_dim3A_171 : vector<4x2048xi1>, vector<4x2048xi32>
    %reduce_sum3A_173 = arith.constant dense<0> : vector<4xi32>
    %reduce_sum3A_174 = vector.multi_reduction <add>, %select_n3A_172, %reduce_sum3A_173 [1] : vector<4x2048xi32> to vector<4xi32>
    %broadcast_in_dim3A_175 = vector.shape_cast %reduce_sum3A_174 : vector<4xi32> to vector<4x1xi32>
    %ge3A_176 = arith.constant 256 : i32
    %ge3A_177 = vector.broadcast %ge3A_176 : i32 to vector<4x1xi32>
    %ge3A_178 = arith.cmpi sge, %broadcast_in_dim3A_175, %ge3A_177 : vector<4x1xi32>
    %select_n3A_179 = arith.select %ge3A_178, %or3A_165, %select_n3A_162 : vector<4x1xi1>, vector<4x1xi32>
    %or3A_180 = arith.constant 2097152 : i32
    %or3A_181 = vector.broadcast %or3A_180 : i32 to vector<4x1xi32>
    %or3A_182 = arith.ori %select_n3A_179, %or3A_181 : vector<4x1xi32>
    %ge3A_183 = vector.broadcast %or3A_182 : vector<4x1xi32> to vector<4x2048xi32>
    %ge3A_184 = arith.cmpi sge, %select_n3A, %ge3A_183 : vector<4x2048xi32>
    %jit3A_185 = arith.constant 1 : i32
    %jit3A_186 = arith.constant 0 : i32
    %broadcast_in_dim3A_187 = vector.broadcast %jit3A_185 : i32 to vector<4x2048xi32>
    %broadcast_in_dim3A_188 = vector.broadcast %jit3A_186 : i32 to vector<4x2048xi32>
    %select_n3A_189 = arith.select %ge3A_184, %broadcast_in_dim3A_187, %broadcast_in_dim3A_188 : vector<4x2048xi1>, vector<4x2048xi32>
    %reduce_sum3A_190 = arith.constant dense<0> : vector<4xi32>
    %reduce_sum3A_191 = vector.multi_reduction <add>, %select_n3A_189, %reduce_sum3A_190 [1] : vector<4x2048xi32> to vector<4xi32>
    %broadcast_in_dim3A_192 = vector.shape_cast %reduce_sum3A_191 : vector<4xi32> to vector<4x1xi32>
    %ge3A_193 = arith.constant 256 : i32
    %ge3A_194 = vector.broadcast %ge3A_193 : i32 to vector<4x1xi32>
    %ge3A_195 = arith.cmpi sge, %broadcast_in_dim3A_192, %ge3A_194 : vector<4x1xi32>
    %select_n3A_196 = arith.select %ge3A_195, %or3A_182, %select_n3A_179 : vector<4x1xi1>, vector<4x1xi32>
    %or3A_197 = arith.constant 1048576 : i32
    %or3A_198 = vector.broadcast %or3A_197 : i32 to vector<4x1xi32>
    %or3A_199 = arith.ori %select_n3A_196, %or3A_198 : vector<4x1xi32>
    %ge3A_200 = vector.broadcast %or3A_199 : vector<4x1xi32> to vector<4x2048xi32>
    %ge3A_201 = arith.cmpi sge, %select_n3A, %ge3A_200 : vector<4x2048xi32>
    %jit3A_202 = arith.constant 1 : i32
    %jit3A_203 = arith.constant 0 : i32
    %broadcast_in_dim3A_204 = vector.broadcast %jit3A_202 : i32 to vector<4x2048xi32>
    %broadcast_in_dim3A_205 = vector.broadcast %jit3A_203 : i32 to vector<4x2048xi32>
    %select_n3A_206 = arith.select %ge3A_201, %broadcast_in_dim3A_204, %broadcast_in_dim3A_205 : vector<4x2048xi1>, vector<4x2048xi32>
    %reduce_sum3A_207 = arith.constant dense<0> : vector<4xi32>
    %reduce_sum3A_208 = vector.multi_reduction <add>, %select_n3A_206, %reduce_sum3A_207 [1] : vector<4x2048xi32> to vector<4xi32>
    %broadcast_in_dim3A_209 = vector.shape_cast %reduce_sum3A_208 : vector<4xi32> to vector<4x1xi32>
    %ge3A_210 = arith.constant 256 : i32
    %ge3A_211 = vector.broadcast %ge3A_210 : i32 to vector<4x1xi32>
    %ge3A_212 = arith.cmpi sge, %broadcast_in_dim3A_209, %ge3A_211 : vector<4x1xi32>
    %select_n3A_213 = arith.select %ge3A_212, %or3A_199, %select_n3A_196 : vector<4x1xi1>, vector<4x1xi32>
    %or3A_214 = arith.constant 524288 : i32
    %or3A_215 = vector.broadcast %or3A_214 : i32 to vector<4x1xi32>
    %or3A_216 = arith.ori %select_n3A_213, %or3A_215 : vector<4x1xi32>
    %ge3A_217 = vector.broadcast %or3A_216 : vector<4x1xi32> to vector<4x2048xi32>
    %ge3A_218 = arith.cmpi sge, %select_n3A, %ge3A_217 : vector<4x2048xi32>
    %jit3A_219 = arith.constant 1 : i32
    %jit3A_220 = arith.constant 0 : i32
    %broadcast_in_dim3A_221 = vector.broadcast %jit3A_219 : i32 to vector<4x2048xi32>
    %broadcast_in_dim3A_222 = vector.broadcast %jit3A_220 : i32 to vector<4x2048xi32>
    %select_n3A_223 = arith.select %ge3A_218, %broadcast_in_dim3A_221, %broadcast_in_dim3A_222 : vector<4x2048xi1>, vector<4x2048xi32>
    %reduce_sum3A_224 = arith.constant dense<0> : vector<4xi32>
    %reduce_sum3A_225 = vector.multi_reduction <add>, %select_n3A_223, %reduce_sum3A_224 [1] : vector<4x2048xi32> to vector<4xi32>
    %broadcast_in_dim3A_226 = vector.shape_cast %reduce_sum3A_225 : vector<4xi32> to vector<4x1xi32>
    %ge3A_227 = arith.constant 256 : i32
    %ge3A_228 = vector.broadcast %ge3A_227 : i32 to vector<4x1xi32>
    %ge3A_229 = arith.cmpi sge, %broadcast_in_dim3A_226, %ge3A_228 : vector<4x1xi32>
    %select_n3A_230 = arith.select %ge3A_229, %or3A_216, %select_n3A_213 : vector<4x1xi1>, vector<4x1xi32>
    %or3A_231 = arith.constant 262144 : i32
    %or3A_232 = vector.broadcast %or3A_231 : i32 to vector<4x1xi32>
    %or3A_233 = arith.ori %select_n3A_230, %or3A_232 : vector<4x1xi32>
    %ge3A_234 = vector.broadcast %or3A_233 : vector<4x1xi32> to vector<4x2048xi32>
    %ge3A_235 = arith.cmpi sge, %select_n3A, %ge3A_234 : vector<4x2048xi32>
    %jit3A_236 = arith.constant 1 : i32
    %jit3A_237 = arith.constant 0 : i32
    %broadcast_in_dim3A_238 = vector.broadcast %jit3A_236 : i32 to vector<4x2048xi32>
    %broadcast_in_dim3A_239 = vector.broadcast %jit3A_237 : i32 to vector<4x2048xi32>
    %select_n3A_240 = arith.select %ge3A_235, %broadcast_in_dim3A_238, %broadcast_in_dim3A_239 : vector<4x2048xi1>, vector<4x2048xi32>
    %reduce_sum3A_241 = arith.constant dense<0> : vector<4xi32>
    %reduce_sum3A_242 = vector.multi_reduction <add>, %select_n3A_240, %reduce_sum3A_241 [1] : vector<4x2048xi32> to vector<4xi32>
    %broadcast_in_dim3A_243 = vector.shape_cast %reduce_sum3A_242 : vector<4xi32> to vector<4x1xi32>
    %ge3A_244 = arith.constant 256 : i32
    %ge3A_245 = vector.broadcast %ge3A_244 : i32 to vector<4x1xi32>
    %ge3A_246 = arith.cmpi sge, %broadcast_in_dim3A_243, %ge3A_245 : vector<4x1xi32>
    %select_n3A_247 = arith.select %ge3A_246, %or3A_233, %select_n3A_230 : vector<4x1xi1>, vector<4x1xi32>
    %or3A_248 = arith.constant 131072 : i32
    %or3A_249 = vector.broadcast %or3A_248 : i32 to vector<4x1xi32>
    %or3A_250 = arith.ori %select_n3A_247, %or3A_249 : vector<4x1xi32>
    %ge3A_251 = vector.broadcast %or3A_250 : vector<4x1xi32> to vector<4x2048xi32>
    %ge3A_252 = arith.cmpi sge, %select_n3A, %ge3A_251 : vector<4x2048xi32>
    %jit3A_253 = arith.constant 1 : i32
    %jit3A_254 = arith.constant 0 : i32
    %broadcast_in_dim3A_255 = vector.broadcast %jit3A_253 : i32 to vector<4x2048xi32>
    %broadcast_in_dim3A_256 = vector.broadcast %jit3A_254 : i32 to vector<4x2048xi32>
    %select_n3A_257 = arith.select %ge3A_252, %broadcast_in_dim3A_255, %broadcast_in_dim3A_256 : vector<4x2048xi1>, vector<4x2048xi32>
    %reduce_sum3A_258 = arith.constant dense<0> : vector<4xi32>
    %reduce_sum3A_259 = vector.multi_reduction <add>, %select_n3A_257, %reduce_sum3A_258 [1] : vector<4x2048xi32> to vector<4xi32>
    %broadcast_in_dim3A_260 = vector.shape_cast %reduce_sum3A_259 : vector<4xi32> to vector<4x1xi32>
    %ge3A_261 = arith.constant 256 : i32
    %ge3A_262 = vector.broadcast %ge3A_261 : i32 to vector<4x1xi32>
    %ge3A_263 = arith.cmpi sge, %broadcast_in_dim3A_260, %ge3A_262 : vector<4x1xi32>
    %select_n3A_264 = arith.select %ge3A_263, %or3A_250, %select_n3A_247 : vector<4x1xi1>, vector<4x1xi32>
    %or3A_265 = arith.constant 65536 : i32
    %or3A_266 = vector.broadcast %or3A_265 : i32 to vector<4x1xi32>
    %or3A_267 = arith.ori %select_n3A_264, %or3A_266 : vector<4x1xi32>
    %ge3A_268 = vector.broadcast %or3A_267 : vector<4x1xi32> to vector<4x2048xi32>
    %ge3A_269 = arith.cmpi sge, %select_n3A, %ge3A_268 : vector<4x2048xi32>
    %jit3A_270 = arith.constant 1 : i32
    %jit3A_271 = arith.constant 0 : i32
    %broadcast_in_dim3A_272 = vector.broadcast %jit3A_270 : i32 to vector<4x2048xi32>
    %broadcast_in_dim3A_273 = vector.broadcast %jit3A_271 : i32 to vector<4x2048xi32>
    %select_n3A_274 = arith.select %ge3A_269, %broadcast_in_dim3A_272, %broadcast_in_dim3A_273 : vector<4x2048xi1>, vector<4x2048xi32>
    %reduce_sum3A_275 = arith.constant dense<0> : vector<4xi32>
    %reduce_sum3A_276 = vector.multi_reduction <add>, %select_n3A_274, %reduce_sum3A_275 [1] : vector<4x2048xi32> to vector<4xi32>
    %broadcast_in_dim3A_277 = vector.shape_cast %reduce_sum3A_276 : vector<4xi32> to vector<4x1xi32>
    %ge3A_278 = arith.constant 256 : i32
    %ge3A_279 = vector.broadcast %ge3A_278 : i32 to vector<4x1xi32>
    %ge3A_280 = arith.cmpi sge, %broadcast_in_dim3A_277, %ge3A_279 : vector<4x1xi32>
    %select_n3A_281 = arith.select %ge3A_280, %or3A_267, %select_n3A_264 : vector<4x1xi1>, vector<4x1xi32>
    %or3A_282 = arith.constant 32768 : i32
    %or3A_283 = vector.broadcast %or3A_282 : i32 to vector<4x1xi32>
    %or3A_284 = arith.ori %select_n3A_281, %or3A_283 : vector<4x1xi32>
    %ge3A_285 = vector.broadcast %or3A_284 : vector<4x1xi32> to vector<4x2048xi32>
    %ge3A_286 = arith.cmpi sge, %select_n3A, %ge3A_285 : vector<4x2048xi32>
    %jit3A_287 = arith.constant 1 : i32
    %jit3A_288 = arith.constant 0 : i32
    %broadcast_in_dim3A_289 = vector.broadcast %jit3A_287 : i32 to vector<4x2048xi32>
    %broadcast_in_dim3A_290 = vector.broadcast %jit3A_288 : i32 to vector<4x2048xi32>
    %select_n3A_291 = arith.select %ge3A_286, %broadcast_in_dim3A_289, %broadcast_in_dim3A_290 : vector<4x2048xi1>, vector<4x2048xi32>
    %reduce_sum3A_292 = arith.constant dense<0> : vector<4xi32>
    %reduce_sum3A_293 = vector.multi_reduction <add>, %select_n3A_291, %reduce_sum3A_292 [1] : vector<4x2048xi32> to vector<4xi32>
    %broadcast_in_dim3A_294 = vector.shape_cast %reduce_sum3A_293 : vector<4xi32> to vector<4x1xi32>
    %ge3A_295 = arith.constant 256 : i32
    %ge3A_296 = vector.broadcast %ge3A_295 : i32 to vector<4x1xi32>
    %ge3A_297 = arith.cmpi sge, %broadcast_in_dim3A_294, %ge3A_296 : vector<4x1xi32>
    %select_n3A_298 = arith.select %ge3A_297, %or3A_284, %select_n3A_281 : vector<4x1xi1>, vector<4x1xi32>
    %or3A_299 = arith.constant 16384 : i32
    %or3A_300 = vector.broadcast %or3A_299 : i32 to vector<4x1xi32>
    %or3A_301 = arith.ori %select_n3A_298, %or3A_300 : vector<4x1xi32>
    %ge3A_302 = vector.broadcast %or3A_301 : vector<4x1xi32> to vector<4x2048xi32>
    %ge3A_303 = arith.cmpi sge, %select_n3A, %ge3A_302 : vector<4x2048xi32>
    %jit3A_304 = arith.constant 1 : i32
    %jit3A_305 = arith.constant 0 : i32
    %broadcast_in_dim3A_306 = vector.broadcast %jit3A_304 : i32 to vector<4x2048xi32>
    %broadcast_in_dim3A_307 = vector.broadcast %jit3A_305 : i32 to vector<4x2048xi32>
    %select_n3A_308 = arith.select %ge3A_303, %broadcast_in_dim3A_306, %broadcast_in_dim3A_307 : vector<4x2048xi1>, vector<4x2048xi32>
    %reduce_sum3A_309 = arith.constant dense<0> : vector<4xi32>
    %reduce_sum3A_310 = vector.multi_reduction <add>, %select_n3A_308, %reduce_sum3A_309 [1] : vector<4x2048xi32> to vector<4xi32>
    %broadcast_in_dim3A_311 = vector.shape_cast %reduce_sum3A_310 : vector<4xi32> to vector<4x1xi32>
    %ge3A_312 = arith.constant 256 : i32
    %ge3A_313 = vector.broadcast %ge3A_312 : i32 to vector<4x1xi32>
    %ge3A_314 = arith.cmpi sge, %broadcast_in_dim3A_311, %ge3A_313 : vector<4x1xi32>
    %select_n3A_315 = arith.select %ge3A_314, %or3A_301, %select_n3A_298 : vector<4x1xi1>, vector<4x1xi32>
    %or3A_316 = arith.constant 8192 : i32
    %or3A_317 = vector.broadcast %or3A_316 : i32 to vector<4x1xi32>
    %or3A_318 = arith.ori %select_n3A_315, %or3A_317 : vector<4x1xi32>
    %ge3A_319 = vector.broadcast %or3A_318 : vector<4x1xi32> to vector<4x2048xi32>
    %ge3A_320 = arith.cmpi sge, %select_n3A, %ge3A_319 : vector<4x2048xi32>
    %jit3A_321 = arith.constant 1 : i32
    %jit3A_322 = arith.constant 0 : i32
    %broadcast_in_dim3A_323 = vector.broadcast %jit3A_321 : i32 to vector<4x2048xi32>
    %broadcast_in_dim3A_324 = vector.broadcast %jit3A_322 : i32 to vector<4x2048xi32>
    %select_n3A_325 = arith.select %ge3A_320, %broadcast_in_dim3A_323, %broadcast_in_dim3A_324 : vector<4x2048xi1>, vector<4x2048xi32>
    %reduce_sum3A_326 = arith.constant dense<0> : vector<4xi32>
    %reduce_sum3A_327 = vector.multi_reduction <add>, %select_n3A_325, %reduce_sum3A_326 [1] : vector<4x2048xi32> to vector<4xi32>
    %broadcast_in_dim3A_328 = vector.shape_cast %reduce_sum3A_327 : vector<4xi32> to vector<4x1xi32>
    %ge3A_329 = arith.constant 256 : i32
    %ge3A_330 = vector.broadcast %ge3A_329 : i32 to vector<4x1xi32>
    %ge3A_331 = arith.cmpi sge, %broadcast_in_dim3A_328, %ge3A_330 : vector<4x1xi32>
    %select_n3A_332 = arith.select %ge3A_331, %or3A_318, %select_n3A_315 : vector<4x1xi1>, vector<4x1xi32>
    %or3A_333 = arith.constant 4096 : i32
    %or3A_334 = vector.broadcast %or3A_333 : i32 to vector<4x1xi32>
    %or3A_335 = arith.ori %select_n3A_332, %or3A_334 : vector<4x1xi32>
    %ge3A_336 = vector.broadcast %or3A_335 : vector<4x1xi32> to vector<4x2048xi32>
    %ge3A_337 = arith.cmpi sge, %select_n3A, %ge3A_336 : vector<4x2048xi32>
    %jit3A_338 = arith.constant 1 : i32
    %jit3A_339 = arith.constant 0 : i32
    %broadcast_in_dim3A_340 = vector.broadcast %jit3A_338 : i32 to vector<4x2048xi32>
    %broadcast_in_dim3A_341 = vector.broadcast %jit3A_339 : i32 to vector<4x2048xi32>
    %select_n3A_342 = arith.select %ge3A_337, %broadcast_in_dim3A_340, %broadcast_in_dim3A_341 : vector<4x2048xi1>, vector<4x2048xi32>
    %reduce_sum3A_343 = arith.constant dense<0> : vector<4xi32>
    %reduce_sum3A_344 = vector.multi_reduction <add>, %select_n3A_342, %reduce_sum3A_343 [1] : vector<4x2048xi32> to vector<4xi32>
    %broadcast_in_dim3A_345 = vector.shape_cast %reduce_sum3A_344 : vector<4xi32> to vector<4x1xi32>
    %ge3A_346 = arith.constant 256 : i32
    %ge3A_347 = vector.broadcast %ge3A_346 : i32 to vector<4x1xi32>
    %ge3A_348 = arith.cmpi sge, %broadcast_in_dim3A_345, %ge3A_347 : vector<4x1xi32>
    %select_n3A_349 = arith.select %ge3A_348, %or3A_335, %select_n3A_332 : vector<4x1xi1>, vector<4x1xi32>
    %or3A_350 = arith.constant 2048 : i32
    %or3A_351 = vector.broadcast %or3A_350 : i32 to vector<4x1xi32>
    %or3A_352 = arith.ori %select_n3A_349, %or3A_351 : vector<4x1xi32>
    %ge3A_353 = vector.broadcast %or3A_352 : vector<4x1xi32> to vector<4x2048xi32>
    %ge3A_354 = arith.cmpi sge, %select_n3A, %ge3A_353 : vector<4x2048xi32>
    %jit3A_355 = arith.constant 1 : i32
    %jit3A_356 = arith.constant 0 : i32
    %broadcast_in_dim3A_357 = vector.broadcast %jit3A_355 : i32 to vector<4x2048xi32>
    %broadcast_in_dim3A_358 = vector.broadcast %jit3A_356 : i32 to vector<4x2048xi32>
    %select_n3A_359 = arith.select %ge3A_354, %broadcast_in_dim3A_357, %broadcast_in_dim3A_358 : vector<4x2048xi1>, vector<4x2048xi32>
    %reduce_sum3A_360 = arith.constant dense<0> : vector<4xi32>
    %reduce_sum3A_361 = vector.multi_reduction <add>, %select_n3A_359, %reduce_sum3A_360 [1] : vector<4x2048xi32> to vector<4xi32>
    %broadcast_in_dim3A_362 = vector.shape_cast %reduce_sum3A_361 : vector<4xi32> to vector<4x1xi32>
    %ge3A_363 = arith.constant 256 : i32
    %ge3A_364 = vector.broadcast %ge3A_363 : i32 to vector<4x1xi32>
    %ge3A_365 = arith.cmpi sge, %broadcast_in_dim3A_362, %ge3A_364 : vector<4x1xi32>
    %select_n3A_366 = arith.select %ge3A_365, %or3A_352, %select_n3A_349 : vector<4x1xi1>, vector<4x1xi32>
    %or3A_367 = arith.constant 1024 : i32
    %or3A_368 = vector.broadcast %or3A_367 : i32 to vector<4x1xi32>
    %or3A_369 = arith.ori %select_n3A_366, %or3A_368 : vector<4x1xi32>
    %ge3A_370 = vector.broadcast %or3A_369 : vector<4x1xi32> to vector<4x2048xi32>
    %ge3A_371 = arith.cmpi sge, %select_n3A, %ge3A_370 : vector<4x2048xi32>
    %jit3A_372 = arith.constant 1 : i32
    %jit3A_373 = arith.constant 0 : i32
    %broadcast_in_dim3A_374 = vector.broadcast %jit3A_372 : i32 to vector<4x2048xi32>
    %broadcast_in_dim3A_375 = vector.broadcast %jit3A_373 : i32 to vector<4x2048xi32>
    %select_n3A_376 = arith.select %ge3A_371, %broadcast_in_dim3A_374, %broadcast_in_dim3A_375 : vector<4x2048xi1>, vector<4x2048xi32>
    %reduce_sum3A_377 = arith.constant dense<0> : vector<4xi32>
    %reduce_sum3A_378 = vector.multi_reduction <add>, %select_n3A_376, %reduce_sum3A_377 [1] : vector<4x2048xi32> to vector<4xi32>
    %broadcast_in_dim3A_379 = vector.shape_cast %reduce_sum3A_378 : vector<4xi32> to vector<4x1xi32>
    %ge3A_380 = arith.constant 256 : i32
    %ge3A_381 = vector.broadcast %ge3A_380 : i32 to vector<4x1xi32>
    %ge3A_382 = arith.cmpi sge, %broadcast_in_dim3A_379, %ge3A_381 : vector<4x1xi32>
    %select_n3A_383 = arith.select %ge3A_382, %or3A_369, %select_n3A_366 : vector<4x1xi1>, vector<4x1xi32>
    %or3A_384 = arith.constant 512 : i32
    %or3A_385 = vector.broadcast %or3A_384 : i32 to vector<4x1xi32>
    %or3A_386 = arith.ori %select_n3A_383, %or3A_385 : vector<4x1xi32>
    %ge3A_387 = vector.broadcast %or3A_386 : vector<4x1xi32> to vector<4x2048xi32>
    %ge3A_388 = arith.cmpi sge, %select_n3A, %ge3A_387 : vector<4x2048xi32>
    %jit3A_389 = arith.constant 1 : i32
    %jit3A_390 = arith.constant 0 : i32
    %broadcast_in_dim3A_391 = vector.broadcast %jit3A_389 : i32 to vector<4x2048xi32>
    %broadcast_in_dim3A_392 = vector.broadcast %jit3A_390 : i32 to vector<4x2048xi32>
    %select_n3A_393 = arith.select %ge3A_388, %broadcast_in_dim3A_391, %broadcast_in_dim3A_392 : vector<4x2048xi1>, vector<4x2048xi32>
    %reduce_sum3A_394 = arith.constant dense<0> : vector<4xi32>
    %reduce_sum3A_395 = vector.multi_reduction <add>, %select_n3A_393, %reduce_sum3A_394 [1] : vector<4x2048xi32> to vector<4xi32>
    %broadcast_in_dim3A_396 = vector.shape_cast %reduce_sum3A_395 : vector<4xi32> to vector<4x1xi32>
    %ge3A_397 = arith.constant 256 : i32
    %ge3A_398 = vector.broadcast %ge3A_397 : i32 to vector<4x1xi32>
    %ge3A_399 = arith.cmpi sge, %broadcast_in_dim3A_396, %ge3A_398 : vector<4x1xi32>
    %select_n3A_400 = arith.select %ge3A_399, %or3A_386, %select_n3A_383 : vector<4x1xi1>, vector<4x1xi32>
    %or3A_401 = arith.constant 256 : i32
    %or3A_402 = vector.broadcast %or3A_401 : i32 to vector<4x1xi32>
    %or3A_403 = arith.ori %select_n3A_400, %or3A_402 : vector<4x1xi32>
    %ge3A_404 = vector.broadcast %or3A_403 : vector<4x1xi32> to vector<4x2048xi32>
    %ge3A_405 = arith.cmpi sge, %select_n3A, %ge3A_404 : vector<4x2048xi32>
    %jit3A_406 = arith.constant 1 : i32
    %jit3A_407 = arith.constant 0 : i32
    %broadcast_in_dim3A_408 = vector.broadcast %jit3A_406 : i32 to vector<4x2048xi32>
    %broadcast_in_dim3A_409 = vector.broadcast %jit3A_407 : i32 to vector<4x2048xi32>
    %select_n3A_410 = arith.select %ge3A_405, %broadcast_in_dim3A_408, %broadcast_in_dim3A_409 : vector<4x2048xi1>, vector<4x2048xi32>
    %reduce_sum3A_411 = arith.constant dense<0> : vector<4xi32>
    %reduce_sum3A_412 = vector.multi_reduction <add>, %select_n3A_410, %reduce_sum3A_411 [1] : vector<4x2048xi32> to vector<4xi32>
    %broadcast_in_dim3A_413 = vector.shape_cast %reduce_sum3A_412 : vector<4xi32> to vector<4x1xi32>
    %ge3A_414 = arith.constant 256 : i32
    %ge3A_415 = vector.broadcast %ge3A_414 : i32 to vector<4x1xi32>
    %ge3A_416 = arith.cmpi sge, %broadcast_in_dim3A_413, %ge3A_415 : vector<4x1xi32>
    %select_n3A_417 = arith.select %ge3A_416, %or3A_403, %select_n3A_400 : vector<4x1xi1>, vector<4x1xi32>
    %or3A_418 = arith.constant 128 : i32
    %or3A_419 = vector.broadcast %or3A_418 : i32 to vector<4x1xi32>
    %or3A_420 = arith.ori %select_n3A_417, %or3A_419 : vector<4x1xi32>
    %ge3A_421 = vector.broadcast %or3A_420 : vector<4x1xi32> to vector<4x2048xi32>
    %ge3A_422 = arith.cmpi sge, %select_n3A, %ge3A_421 : vector<4x2048xi32>
    %jit3A_423 = arith.constant 1 : i32
    %jit3A_424 = arith.constant 0 : i32
    %broadcast_in_dim3A_425 = vector.broadcast %jit3A_423 : i32 to vector<4x2048xi32>
    %broadcast_in_dim3A_426 = vector.broadcast %jit3A_424 : i32 to vector<4x2048xi32>
    %select_n3A_427 = arith.select %ge3A_422, %broadcast_in_dim3A_425, %broadcast_in_dim3A_426 : vector<4x2048xi1>, vector<4x2048xi32>
    %reduce_sum3A_428 = arith.constant dense<0> : vector<4xi32>
    %reduce_sum3A_429 = vector.multi_reduction <add>, %select_n3A_427, %reduce_sum3A_428 [1] : vector<4x2048xi32> to vector<4xi32>
    %broadcast_in_dim3A_430 = vector.shape_cast %reduce_sum3A_429 : vector<4xi32> to vector<4x1xi32>
    %ge3A_431 = arith.constant 256 : i32
    %ge3A_432 = vector.broadcast %ge3A_431 : i32 to vector<4x1xi32>
    %ge3A_433 = arith.cmpi sge, %broadcast_in_dim3A_430, %ge3A_432 : vector<4x1xi32>
    %select_n3A_434 = arith.select %ge3A_433, %or3A_420, %select_n3A_417 : vector<4x1xi1>, vector<4x1xi32>
    %or3A_435 = arith.constant 64 : i32
    %or3A_436 = vector.broadcast %or3A_435 : i32 to vector<4x1xi32>
    %or3A_437 = arith.ori %select_n3A_434, %or3A_436 : vector<4x1xi32>
    %ge3A_438 = vector.broadcast %or3A_437 : vector<4x1xi32> to vector<4x2048xi32>
    %ge3A_439 = arith.cmpi sge, %select_n3A, %ge3A_438 : vector<4x2048xi32>
    %jit3A_440 = arith.constant 1 : i32
    %jit3A_441 = arith.constant 0 : i32
    %broadcast_in_dim3A_442 = vector.broadcast %jit3A_440 : i32 to vector<4x2048xi32>
    %broadcast_in_dim3A_443 = vector.broadcast %jit3A_441 : i32 to vector<4x2048xi32>
    %select_n3A_444 = arith.select %ge3A_439, %broadcast_in_dim3A_442, %broadcast_in_dim3A_443 : vector<4x2048xi1>, vector<4x2048xi32>
    %reduce_sum3A_445 = arith.constant dense<0> : vector<4xi32>
    %reduce_sum3A_446 = vector.multi_reduction <add>, %select_n3A_444, %reduce_sum3A_445 [1] : vector<4x2048xi32> to vector<4xi32>
    %broadcast_in_dim3A_447 = vector.shape_cast %reduce_sum3A_446 : vector<4xi32> to vector<4x1xi32>
    %ge3A_448 = arith.constant 256 : i32
    %ge3A_449 = vector.broadcast %ge3A_448 : i32 to vector<4x1xi32>
    %ge3A_450 = arith.cmpi sge, %broadcast_in_dim3A_447, %ge3A_449 : vector<4x1xi32>
    %select_n3A_451 = arith.select %ge3A_450, %or3A_437, %select_n3A_434 : vector<4x1xi1>, vector<4x1xi32>
    %or3A_452 = arith.constant 32 : i32
    %or3A_453 = vector.broadcast %or3A_452 : i32 to vector<4x1xi32>
    %or3A_454 = arith.ori %select_n3A_451, %or3A_453 : vector<4x1xi32>
    %ge3A_455 = vector.broadcast %or3A_454 : vector<4x1xi32> to vector<4x2048xi32>
    %ge3A_456 = arith.cmpi sge, %select_n3A, %ge3A_455 : vector<4x2048xi32>
    %jit3A_457 = arith.constant 1 : i32
    %jit3A_458 = arith.constant 0 : i32
    %broadcast_in_dim3A_459 = vector.broadcast %jit3A_457 : i32 to vector<4x2048xi32>
    %broadcast_in_dim3A_460 = vector.broadcast %jit3A_458 : i32 to vector<4x2048xi32>
    %select_n3A_461 = arith.select %ge3A_456, %broadcast_in_dim3A_459, %broadcast_in_dim3A_460 : vector<4x2048xi1>, vector<4x2048xi32>
    %reduce_sum3A_462 = arith.constant dense<0> : vector<4xi32>
    %reduce_sum3A_463 = vector.multi_reduction <add>, %select_n3A_461, %reduce_sum3A_462 [1] : vector<4x2048xi32> to vector<4xi32>
    %broadcast_in_dim3A_464 = vector.shape_cast %reduce_sum3A_463 : vector<4xi32> to vector<4x1xi32>
    %ge3A_465 = arith.constant 256 : i32
    %ge3A_466 = vector.broadcast %ge3A_465 : i32 to vector<4x1xi32>
    %ge3A_467 = arith.cmpi sge, %broadcast_in_dim3A_464, %ge3A_466 : vector<4x1xi32>
    %select_n3A_468 = arith.select %ge3A_467, %or3A_454, %select_n3A_451 : vector<4x1xi1>, vector<4x1xi32>
    %or3A_469 = arith.constant 16 : i32
    %or3A_470 = vector.broadcast %or3A_469 : i32 to vector<4x1xi32>
    %or3A_471 = arith.ori %select_n3A_468, %or3A_470 : vector<4x1xi32>
    %ge3A_472 = vector.broadcast %or3A_471 : vector<4x1xi32> to vector<4x2048xi32>
    %ge3A_473 = arith.cmpi sge, %select_n3A, %ge3A_472 : vector<4x2048xi32>
    %jit3A_474 = arith.constant 1 : i32
    %jit3A_475 = arith.constant 0 : i32
    %broadcast_in_dim3A_476 = vector.broadcast %jit3A_474 : i32 to vector<4x2048xi32>
    %broadcast_in_dim3A_477 = vector.broadcast %jit3A_475 : i32 to vector<4x2048xi32>
    %select_n3A_478 = arith.select %ge3A_473, %broadcast_in_dim3A_476, %broadcast_in_dim3A_477 : vector<4x2048xi1>, vector<4x2048xi32>
    %reduce_sum3A_479 = arith.constant dense<0> : vector<4xi32>
    %reduce_sum3A_480 = vector.multi_reduction <add>, %select_n3A_478, %reduce_sum3A_479 [1] : vector<4x2048xi32> to vector<4xi32>
    %broadcast_in_dim3A_481 = vector.shape_cast %reduce_sum3A_480 : vector<4xi32> to vector<4x1xi32>
    %ge3A_482 = arith.constant 256 : i32
    %ge3A_483 = vector.broadcast %ge3A_482 : i32 to vector<4x1xi32>
    %ge3A_484 = arith.cmpi sge, %broadcast_in_dim3A_481, %ge3A_483 : vector<4x1xi32>
    %select_n3A_485 = arith.select %ge3A_484, %or3A_471, %select_n3A_468 : vector<4x1xi1>, vector<4x1xi32>
    %or3A_486 = arith.constant 8 : i32
    %or3A_487 = vector.broadcast %or3A_486 : i32 to vector<4x1xi32>
    %or3A_488 = arith.ori %select_n3A_485, %or3A_487 : vector<4x1xi32>
    %ge3A_489 = vector.broadcast %or3A_488 : vector<4x1xi32> to vector<4x2048xi32>
    %ge3A_490 = arith.cmpi sge, %select_n3A, %ge3A_489 : vector<4x2048xi32>
    %jit3A_491 = arith.constant 1 : i32
    %jit3A_492 = arith.constant 0 : i32
    %broadcast_in_dim3A_493 = vector.broadcast %jit3A_491 : i32 to vector<4x2048xi32>
    %broadcast_in_dim3A_494 = vector.broadcast %jit3A_492 : i32 to vector<4x2048xi32>
    %select_n3A_495 = arith.select %ge3A_490, %broadcast_in_dim3A_493, %broadcast_in_dim3A_494 : vector<4x2048xi1>, vector<4x2048xi32>
    %reduce_sum3A_496 = arith.constant dense<0> : vector<4xi32>
    %reduce_sum3A_497 = vector.multi_reduction <add>, %select_n3A_495, %reduce_sum3A_496 [1] : vector<4x2048xi32> to vector<4xi32>
    %broadcast_in_dim3A_498 = vector.shape_cast %reduce_sum3A_497 : vector<4xi32> to vector<4x1xi32>
    %ge3A_499 = arith.constant 256 : i32
    %ge3A_500 = vector.broadcast %ge3A_499 : i32 to vector<4x1xi32>
    %ge3A_501 = arith.cmpi sge, %broadcast_in_dim3A_498, %ge3A_500 : vector<4x1xi32>
    %select_n3A_502 = arith.select %ge3A_501, %or3A_488, %select_n3A_485 : vector<4x1xi1>, vector<4x1xi32>
    %or3A_503 = arith.constant 4 : i32
    %or3A_504 = vector.broadcast %or3A_503 : i32 to vector<4x1xi32>
    %or3A_505 = arith.ori %select_n3A_502, %or3A_504 : vector<4x1xi32>
    %ge3A_506 = vector.broadcast %or3A_505 : vector<4x1xi32> to vector<4x2048xi32>
    %ge3A_507 = arith.cmpi sge, %select_n3A, %ge3A_506 : vector<4x2048xi32>
    %jit3A_508 = arith.constant 1 : i32
    %jit3A_509 = arith.constant 0 : i32
    %broadcast_in_dim3A_510 = vector.broadcast %jit3A_508 : i32 to vector<4x2048xi32>
    %broadcast_in_dim3A_511 = vector.broadcast %jit3A_509 : i32 to vector<4x2048xi32>
    %select_n3A_512 = arith.select %ge3A_507, %broadcast_in_dim3A_510, %broadcast_in_dim3A_511 : vector<4x2048xi1>, vector<4x2048xi32>
    %reduce_sum3A_513 = arith.constant dense<0> : vector<4xi32>
    %reduce_sum3A_514 = vector.multi_reduction <add>, %select_n3A_512, %reduce_sum3A_513 [1] : vector<4x2048xi32> to vector<4xi32>
    %broadcast_in_dim3A_515 = vector.shape_cast %reduce_sum3A_514 : vector<4xi32> to vector<4x1xi32>
    %ge3A_516 = arith.constant 256 : i32
    %ge3A_517 = vector.broadcast %ge3A_516 : i32 to vector<4x1xi32>
    %ge3A_518 = arith.cmpi sge, %broadcast_in_dim3A_515, %ge3A_517 : vector<4x1xi32>
    %select_n3A_519 = arith.select %ge3A_518, %or3A_505, %select_n3A_502 : vector<4x1xi1>, vector<4x1xi32>
    %or3A_520 = arith.constant 2 : i32
    %or3A_521 = vector.broadcast %or3A_520 : i32 to vector<4x1xi32>
    %or3A_522 = arith.ori %select_n3A_519, %or3A_521 : vector<4x1xi32>
    %ge3A_523 = vector.broadcast %or3A_522 : vector<4x1xi32> to vector<4x2048xi32>
    %ge3A_524 = arith.cmpi sge, %select_n3A, %ge3A_523 : vector<4x2048xi32>
    %jit3A_525 = arith.constant 1 : i32
    %jit3A_526 = arith.constant 0 : i32
    %broadcast_in_dim3A_527 = vector.broadcast %jit3A_525 : i32 to vector<4x2048xi32>
    %broadcast_in_dim3A_528 = vector.broadcast %jit3A_526 : i32 to vector<4x2048xi32>
    %select_n3A_529 = arith.select %ge3A_524, %broadcast_in_dim3A_527, %broadcast_in_dim3A_528 : vector<4x2048xi1>, vector<4x2048xi32>
    %reduce_sum3A_530 = arith.constant dense<0> : vector<4xi32>
    %reduce_sum3A_531 = vector.multi_reduction <add>, %select_n3A_529, %reduce_sum3A_530 [1] : vector<4x2048xi32> to vector<4xi32>
    %broadcast_in_dim3A_532 = vector.shape_cast %reduce_sum3A_531 : vector<4xi32> to vector<4x1xi32>
    %ge3A_533 = arith.constant 256 : i32
    %ge3A_534 = vector.broadcast %ge3A_533 : i32 to vector<4x1xi32>
    %ge3A_535 = arith.cmpi sge, %broadcast_in_dim3A_532, %ge3A_534 : vector<4x1xi32>
    %select_n3A_536 = arith.select %ge3A_535, %or3A_522, %select_n3A_519 : vector<4x1xi1>, vector<4x1xi32>
    %or3A_537 = arith.constant 1 : i32
    %or3A_538 = vector.broadcast %or3A_537 : i32 to vector<4x1xi32>
    %or3A_539 = arith.ori %select_n3A_536, %or3A_538 : vector<4x1xi32>
    %ge3A_540 = vector.broadcast %or3A_539 : vector<4x1xi32> to vector<4x2048xi32>
    %ge3A_541 = arith.cmpi sge, %select_n3A, %ge3A_540 : vector<4x2048xi32>
    %jit3A_542 = arith.constant 1 : i32
    %jit3A_543 = arith.constant 0 : i32
    %broadcast_in_dim3A_544 = vector.broadcast %jit3A_542 : i32 to vector<4x2048xi32>
    %broadcast_in_dim3A_545 = vector.broadcast %jit3A_543 : i32 to vector<4x2048xi32>
    %select_n3A_546 = arith.select %ge3A_541, %broadcast_in_dim3A_544, %broadcast_in_dim3A_545 : vector<4x2048xi1>, vector<4x2048xi32>
    %reduce_sum3A_547 = arith.constant dense<0> : vector<4xi32>
    %reduce_sum3A_548 = vector.multi_reduction <add>, %select_n3A_546, %reduce_sum3A_547 [1] : vector<4x2048xi32> to vector<4xi32>
    %broadcast_in_dim3A_549 = vector.shape_cast %reduce_sum3A_548 : vector<4xi32> to vector<4x1xi32>
    %ge3A_550 = arith.constant 256 : i32
    %ge3A_551 = vector.broadcast %ge3A_550 : i32 to vector<4x1xi32>
    %ge3A_552 = arith.cmpi sge, %broadcast_in_dim3A_549, %ge3A_551 : vector<4x1xi32>
    %select_n3A_553 = arith.select %ge3A_552, %or3A_539, %select_n3A_536 : vector<4x1xi1>, vector<4x1xi32>
    %ge3A_554 = arith.constant 0 : i32
    %ge3A_555 = vector.broadcast %ge3A_554 : i32 to vector<4x1xi32>
    %ge3A_556 = arith.cmpi sge, %select_n3A_553, %ge3A_555 : vector<4x1xi32>
    %xor3A_557 = arith.constant -2147483648 : i32
    %xor3A_558 = vector.broadcast %xor3A_557 : i32 to vector<4x1xi32>
    %xor3A_559 = arith.xori %select_n3A_553, %xor3A_558 : vector<4x1xi32>
    %not3A_560 = arith.constant dense<-1> : vector<4x1xi32>
    %not3A_561 = arith.xori %xor3A_559, %not3A_560 : vector<4x1xi32>
    %select_n3A_562 = arith.select %ge3A_556, %select_n3A_553, %not3A_561 : vector<4x1xi1>, vector<4x1xi32>
    %bitcast_convert_type3A_563 = tpu.bitcast %select_n3A_562 : vector<4x1xi32> -> vector<4x1xf32>
    %gt3A = vector.broadcast %bitcast_convert_type3A_563 : vector<4x1xf32> to vector<4x2048xf32>
    %gt3A_564 = arith.cmpf ogt, %add3A_6, %gt3A : vector<4x2048xf32>
    %convert_element_type3A = arith.extui %gt3A_564 : vector<4x2048xi1> to vector<4x2048xi32>
    %convert_element_type3A_565 = arith.sitofp %convert_element_type3A : vector<4x2048xi32> to vector<4x2048xf32>
    %iota3A = tpu.iota {dimensions = array<i32: 0>} : vector<4x4xi32>
    %iota3A_566 = tpu.iota {dimensions = array<i32: 1>} : vector<4x4xi32>
    %eq3A = arith.cmpi eq, %iota3A, %iota3A_566 : vector<4x4xi32>
    %jit3A_567 = arith.constant 1.000000e+00 : f32
    %jit3A_568 = arith.constant 0.000000e+00 : f32
    %broadcast_in_dim3A_569 = vector.broadcast %jit3A_567 : f32 to vector<4x4xf32>
    %broadcast_in_dim3A_570 = vector.broadcast %jit3A_568 : f32 to vector<4x4xf32>
    %select_n3A_571 = arith.select %eq3A, %broadcast_in_dim3A_569, %broadcast_in_dim3A_570 : vector<4x4xi1>, vector<4x4xf32>
    %mul3A = vector.broadcast %bitcast_convert_type3A_563 : vector<4x1xf32> to vector<4x4xf32>
    %mul3A_572 = arith.mulf %mul3A, %select_n3A_571 : vector<4x4xf32>
    %reduce_sum3A_573 = arith.constant dense<0.000000e+00> : vector<4xf32>
    %reduce_sum3A_574 = vector.multi_reduction <add>, %mul3A_572, %reduce_sum3A_573 [0] : vector<4x4xf32> to vector<4xf32>
    %broadcast_in_dim3A_575 = vector.shape_cast %reduce_sum3A_574 : vector<4xf32> to vector<1x4xf32>
    %get3A_576 = arith.constant 0 : index
    %get3A_577 = arith.constant 0 : index
    %get3A_578 = vector.load %arg1[%get3A_576, %get3A_577] : memref<2048x4xf32, #tpu.memory_space<vmem>>, vector<2048x4xf32>
    %add3A_579 = vector.broadcast %get3A_2 : f32 to vector<2048x4xf32>
    %add3A_580 = arith.addf %get3A_578, %add3A_579 : vector<2048x4xf32>
    %gt3A_581 = vector.broadcast %broadcast_in_dim3A_575 : vector<1x4xf32> to vector<2048x4xf32>
    %gt3A_582 = arith.cmpf ogt, %add3A_580, %gt3A_581 : vector<2048x4xf32>
    %convert_element_type3A_583 = arith.extui %gt3A_582 : vector<2048x4xi1> to vector<2048x4xi32>
    %convert_element_type3A_584 = arith.sitofp %convert_element_type3A_583 : vector<2048x4xi32> to vector<2048x4xf32>
    %eq3A_585 = vector.broadcast %broadcast_in_dim3A_575 : vector<1x4xf32> to vector<2048x4xf32>
    %eq3A_586 = arith.cmpf oeq, %add3A_580, %eq3A_585 : vector<2048x4xf32>
    %convert_element_type3A_587 = arith.extui %eq3A_586 : vector<2048x4xi1> to vector<2048x4xi32>
    %convert_element_type3A_588 = arith.sitofp %convert_element_type3A_587 : vector<2048x4xi32> to vector<2048x4xf32>
    %reduce_sum3A_589 = arith.constant dense<0.000000e+00> : vector<4xf32>
    %reduce_sum3A_590 = vector.multi_reduction <add>, %convert_element_type3A_584, %reduce_sum3A_589 [0] : vector<2048x4xf32> to vector<4xf32>
    %broadcast_in_dim3A_591 = vector.shape_cast %reduce_sum3A_590 : vector<4xf32> to vector<1x4xf32>
    %broadcast_in_dim3A_592 = arith.constant 0.000000e+00 : f32
    %broadcast_in_dim3A_593 = vector.broadcast %broadcast_in_dim3A_592 : f32 to vector<1x4xf32>
    %slice3A = vector.extract_strided_slice %convert_element_type3A_588 {offsets = [0, 0], sizes = [2047, 4], strides = [1, 1]} : vector<2048x4xf32> to vector<2047x4xf32>
    %concatenate3A = tpu.concatenate %broadcast_in_dim3A_593, %slice3A in 0 : vector<1x4xf32>, vector<2047x4xf32> -> vector<2048x4xf32>
    %add3A_594 = arith.addf %convert_element_type3A_588, %concatenate3A : vector<2048x4xf32>
    %broadcast_in_dim3A_595 = arith.constant 0.000000e+00 : f32
    %broadcast_in_dim3A_596 = vector.broadcast %broadcast_in_dim3A_595 : f32 to vector<2x4xf32>
    %slice3A_597 = vector.extract_strided_slice %add3A_594 {offsets = [0, 0], sizes = [2046, 4], strides = [1, 1]} : vector<2048x4xf32> to vector<2046x4xf32>
    %concatenate3A_598 = tpu.concatenate %broadcast_in_dim3A_596, %slice3A_597 in 0 : vector<2x4xf32>, vector<2046x4xf32> -> vector<2048x4xf32>
    %add3A_599 = arith.addf %add3A_594, %concatenate3A_598 : vector<2048x4xf32>
    %broadcast_in_dim3A_600 = arith.constant 0.000000e+00 : f32
    %broadcast_in_dim3A_601 = vector.broadcast %broadcast_in_dim3A_600 : f32 to vector<4x4xf32>
    %slice3A_602 = vector.extract_strided_slice %add3A_599 {offsets = [0, 0], sizes = [2044, 4], strides = [1, 1]} : vector<2048x4xf32> to vector<2044x4xf32>
    %concatenate3A_603 = tpu.concatenate %broadcast_in_dim3A_601, %slice3A_602 in 0 : vector<4x4xf32>, vector<2044x4xf32> -> vector<2048x4xf32>
    %add3A_604 = arith.addf %add3A_599, %concatenate3A_603 : vector<2048x4xf32>
    %broadcast_in_dim3A_605 = arith.constant 0.000000e+00 : f32
    %broadcast_in_dim3A_606 = vector.broadcast %broadcast_in_dim3A_605 : f32 to vector<8x4xf32>
    %slice3A_607 = vector.extract_strided_slice %add3A_604 {offsets = [0, 0], sizes = [2040, 4], strides = [1, 1]} : vector<2048x4xf32> to vector<2040x4xf32>
    %concatenate3A_608 = tpu.concatenate %broadcast_in_dim3A_606, %slice3A_607 in 0 : vector<8x4xf32>, vector<2040x4xf32> -> vector<2048x4xf32>
    %add3A_609 = arith.addf %add3A_604, %concatenate3A_608 : vector<2048x4xf32>
    %broadcast_in_dim3A_610 = arith.constant 0.000000e+00 : f32
    %broadcast_in_dim3A_611 = vector.broadcast %broadcast_in_dim3A_610 : f32 to vector<16x4xf32>
    %slice3A_612 = vector.extract_strided_slice %add3A_609 {offsets = [0, 0], sizes = [2032, 4], strides = [1, 1]} : vector<2048x4xf32> to vector<2032x4xf32>
    %concatenate3A_613 = tpu.concatenate %broadcast_in_dim3A_611, %slice3A_612 in 0 : vector<16x4xf32>, vector<2032x4xf32> -> vector<2048x4xf32>
    %add3A_614 = arith.addf %add3A_609, %concatenate3A_613 : vector<2048x4xf32>
    %broadcast_in_dim3A_615 = arith.constant 0.000000e+00 : f32
    %broadcast_in_dim3A_616 = vector.broadcast %broadcast_in_dim3A_615 : f32 to vector<32x4xf32>
    %slice3A_617 = vector.extract_strided_slice %add3A_614 {offsets = [0, 0], sizes = [2016, 4], strides = [1, 1]} : vector<2048x4xf32> to vector<2016x4xf32>
    %concatenate3A_618 = tpu.concatenate %broadcast_in_dim3A_616, %slice3A_617 in 0 : vector<32x4xf32>, vector<2016x4xf32> -> vector<2048x4xf32>
    %add3A_619 = arith.addf %add3A_614, %concatenate3A_618 : vector<2048x4xf32>
    %broadcast_in_dim3A_620 = arith.constant 0.000000e+00 : f32
    %broadcast_in_dim3A_621 = vector.broadcast %broadcast_in_dim3A_620 : f32 to vector<64x4xf32>
    %slice3A_622 = vector.extract_strided_slice %add3A_619 {offsets = [0, 0], sizes = [1984, 4], strides = [1, 1]} : vector<2048x4xf32> to vector<1984x4xf32>
    %concatenate3A_623 = tpu.concatenate %broadcast_in_dim3A_621, %slice3A_622 in 0 : vector<64x4xf32>, vector<1984x4xf32> -> vector<2048x4xf32>
    %add3A_624 = arith.addf %add3A_619, %concatenate3A_623 : vector<2048x4xf32>
    %broadcast_in_dim3A_625 = arith.constant 0.000000e+00 : f32
    %broadcast_in_dim3A_626 = vector.broadcast %broadcast_in_dim3A_625 : f32 to vector<128x4xf32>
    %slice3A_627 = vector.extract_strided_slice %add3A_624 {offsets = [0, 0], sizes = [1920, 4], strides = [1, 1]} : vector<2048x4xf32> to vector<1920x4xf32>
    %concatenate3A_628 = tpu.concatenate %broadcast_in_dim3A_626, %slice3A_627 in 0 : vector<128x4xf32>, vector<1920x4xf32> -> vector<2048x4xf32>
    %add3A_629 = arith.addf %add3A_624, %concatenate3A_628 : vector<2048x4xf32>
    %broadcast_in_dim3A_630 = arith.constant 0.000000e+00 : f32
    %broadcast_in_dim3A_631 = vector.broadcast %broadcast_in_dim3A_630 : f32 to vector<256x4xf32>
    %slice3A_632 = vector.extract_strided_slice %add3A_629 {offsets = [0, 0], sizes = [1792, 4], strides = [1, 1]} : vector<2048x4xf32> to vector<1792x4xf32>
    %concatenate3A_633 = tpu.concatenate %broadcast_in_dim3A_631, %slice3A_632 in 0 : vector<256x4xf32>, vector<1792x4xf32> -> vector<2048x4xf32>
    %add3A_634 = arith.addf %add3A_629, %concatenate3A_633 : vector<2048x4xf32>
    %broadcast_in_dim3A_635 = arith.constant 0.000000e+00 : f32
    %broadcast_in_dim3A_636 = vector.broadcast %broadcast_in_dim3A_635 : f32 to vector<512x4xf32>
    %slice3A_637 = vector.extract_strided_slice %add3A_634 {offsets = [0, 0], sizes = [1536, 4], strides = [1, 1]} : vector<2048x4xf32> to vector<1536x4xf32>
    %concatenate3A_638 = tpu.concatenate %broadcast_in_dim3A_636, %slice3A_637 in 0 : vector<512x4xf32>, vector<1536x4xf32> -> vector<2048x4xf32>
    %add3A_639 = arith.addf %add3A_634, %concatenate3A_638 : vector<2048x4xf32>
    %broadcast_in_dim3A_640 = arith.constant 0.000000e+00 : f32
    %broadcast_in_dim3A_641 = vector.broadcast %broadcast_in_dim3A_640 : f32 to vector<1024x4xf32>
    %slice3A_642 = vector.extract_strided_slice %add3A_639 {offsets = [0, 0], sizes = [1024, 4], strides = [1, 1]} : vector<2048x4xf32> to vector<1024x4xf32>
    %concatenate3A_643 = tpu.concatenate %broadcast_in_dim3A_641, %slice3A_642 in 0 : vector<1024x4xf32>, vector<1024x4xf32> -> vector<2048x4xf32>
    %add3A_644 = arith.addf %add3A_639, %concatenate3A_643 : vector<2048x4xf32>
    %add3A_645 = vector.broadcast %broadcast_in_dim3A_591 : vector<1x4xf32> to vector<2048x4xf32>
    %add3A_646 = arith.addf %add3A_645, %add3A_644 : vector<2048x4xf32>
    %le3A = arith.constant 2.560000e+02 : f32
    %le3A_647 = vector.broadcast %le3A : f32 to vector<2048x4xf32>
    %le3A_648 = arith.cmpf ole, %add3A_646, %le3A_647 : vector<2048x4xf32>
    %jit3A_649 = arith.constant 1.000000e+00 : f32
    %jit3A_650 = arith.constant 0.000000e+00 : f32
    %broadcast_in_dim3A_651 = vector.broadcast %jit3A_649 : f32 to vector<2048x4xf32>
    %broadcast_in_dim3A_652 = vector.broadcast %jit3A_650 : f32 to vector<2048x4xf32>
    %select_n3A_653 = arith.select %le3A_648, %broadcast_in_dim3A_651, %broadcast_in_dim3A_652 : vector<2048x4xi1>, vector<2048x4xf32>
    %mul3A_654 = arith.mulf %convert_element_type3A_588, %select_n3A_653 : vector<2048x4xf32>
    %add3A_655 = arith.addf %convert_element_type3A_584, %mul3A_654 : vector<2048x4xf32>
    %broadcast_in_dim3A_656 = arith.constant 0.000000e+00 : f32
    %broadcast_in_dim3A_657 = vector.broadcast %broadcast_in_dim3A_656 : f32 to vector<1x4xf32>
    %slice3A_658 = vector.extract_strided_slice %add3A_655 {offsets = [0, 0], sizes = [2047, 4], strides = [1, 1]} : vector<2048x4xf32> to vector<2047x4xf32>
    %concatenate3A_659 = tpu.concatenate %broadcast_in_dim3A_657, %slice3A_658 in 0 : vector<1x4xf32>, vector<2047x4xf32> -> vector<2048x4xf32>
    %add3A_660 = arith.addf %add3A_655, %concatenate3A_659 : vector<2048x4xf32>
    %broadcast_in_dim3A_661 = arith.constant 0.000000e+00 : f32
    %broadcast_in_dim3A_662 = vector.broadcast %broadcast_in_dim3A_661 : f32 to vector<2x4xf32>
    %slice3A_663 = vector.extract_strided_slice %add3A_660 {offsets = [0, 0], sizes = [2046, 4], strides = [1, 1]} : vector<2048x4xf32> to vector<2046x4xf32>
    %concatenate3A_664 = tpu.concatenate %broadcast_in_dim3A_662, %slice3A_663 in 0 : vector<2x4xf32>, vector<2046x4xf32> -> vector<2048x4xf32>
    %add3A_665 = arith.addf %add3A_660, %concatenate3A_664 : vector<2048x4xf32>
    %broadcast_in_dim3A_666 = arith.constant 0.000000e+00 : f32
    %broadcast_in_dim3A_667 = vector.broadcast %broadcast_in_dim3A_666 : f32 to vector<4x4xf32>
    %slice3A_668 = vector.extract_strided_slice %add3A_665 {offsets = [0, 0], sizes = [2044, 4], strides = [1, 1]} : vector<2048x4xf32> to vector<2044x4xf32>
    %concatenate3A_669 = tpu.concatenate %broadcast_in_dim3A_667, %slice3A_668 in 0 : vector<4x4xf32>, vector<2044x4xf32> -> vector<2048x4xf32>
    %add3A_670 = arith.addf %add3A_665, %concatenate3A_669 : vector<2048x4xf32>
    %broadcast_in_dim3A_671 = arith.constant 0.000000e+00 : f32
    %broadcast_in_dim3A_672 = vector.broadcast %broadcast_in_dim3A_671 : f32 to vector<8x4xf32>
    %slice3A_673 = vector.extract_strided_slice %add3A_670 {offsets = [0, 0], sizes = [2040, 4], strides = [1, 1]} : vector<2048x4xf32> to vector<2040x4xf32>
    %concatenate3A_674 = tpu.concatenate %broadcast_in_dim3A_672, %slice3A_673 in 0 : vector<8x4xf32>, vector<2040x4xf32> -> vector<2048x4xf32>
    %add3A_675 = arith.addf %add3A_670, %concatenate3A_674 : vector<2048x4xf32>
    %broadcast_in_dim3A_676 = arith.constant 0.000000e+00 : f32
    %broadcast_in_dim3A_677 = vector.broadcast %broadcast_in_dim3A_676 : f32 to vector<16x4xf32>
    %slice3A_678 = vector.extract_strided_slice %add3A_675 {offsets = [0, 0], sizes = [2032, 4], strides = [1, 1]} : vector<2048x4xf32> to vector<2032x4xf32>
    %concatenate3A_679 = tpu.concatenate %broadcast_in_dim3A_677, %slice3A_678 in 0 : vector<16x4xf32>, vector<2032x4xf32> -> vector<2048x4xf32>
    %add3A_680 = arith.addf %add3A_675, %concatenate3A_679 : vector<2048x4xf32>
    %broadcast_in_dim3A_681 = arith.constant 0.000000e+00 : f32
    %broadcast_in_dim3A_682 = vector.broadcast %broadcast_in_dim3A_681 : f32 to vector<32x4xf32>
    %slice3A_683 = vector.extract_strided_slice %add3A_680 {offsets = [0, 0], sizes = [2016, 4], strides = [1, 1]} : vector<2048x4xf32> to vector<2016x4xf32>
    %concatenate3A_684 = tpu.concatenate %broadcast_in_dim3A_682, %slice3A_683 in 0 : vector<32x4xf32>, vector<2016x4xf32> -> vector<2048x4xf32>
    %add3A_685 = arith.addf %add3A_680, %concatenate3A_684 : vector<2048x4xf32>
    %broadcast_in_dim3A_686 = arith.constant 0.000000e+00 : f32
    %broadcast_in_dim3A_687 = vector.broadcast %broadcast_in_dim3A_686 : f32 to vector<64x4xf32>
    %slice3A_688 = vector.extract_strided_slice %add3A_685 {offsets = [0, 0], sizes = [1984, 4], strides = [1, 1]} : vector<2048x4xf32> to vector<1984x4xf32>
    %concatenate3A_689 = tpu.concatenate %broadcast_in_dim3A_687, %slice3A_688 in 0 : vector<64x4xf32>, vector<1984x4xf32> -> vector<2048x4xf32>
    %add3A_690 = arith.addf %add3A_685, %concatenate3A_689 : vector<2048x4xf32>
    %broadcast_in_dim3A_691 = arith.constant 0.000000e+00 : f32
    %broadcast_in_dim3A_692 = vector.broadcast %broadcast_in_dim3A_691 : f32 to vector<128x4xf32>
    %slice3A_693 = vector.extract_strided_slice %add3A_690 {offsets = [0, 0], sizes = [1920, 4], strides = [1, 1]} : vector<2048x4xf32> to vector<1920x4xf32>
    %concatenate3A_694 = tpu.concatenate %broadcast_in_dim3A_692, %slice3A_693 in 0 : vector<128x4xf32>, vector<1920x4xf32> -> vector<2048x4xf32>
    %add3A_695 = arith.addf %add3A_690, %concatenate3A_694 : vector<2048x4xf32>
    %broadcast_in_dim3A_696 = arith.constant 0.000000e+00 : f32
    %broadcast_in_dim3A_697 = vector.broadcast %broadcast_in_dim3A_696 : f32 to vector<256x4xf32>
    %slice3A_698 = vector.extract_strided_slice %add3A_695 {offsets = [0, 0], sizes = [1792, 4], strides = [1, 1]} : vector<2048x4xf32> to vector<1792x4xf32>
    %concatenate3A_699 = tpu.concatenate %broadcast_in_dim3A_697, %slice3A_698 in 0 : vector<256x4xf32>, vector<1792x4xf32> -> vector<2048x4xf32>
    %add3A_700 = arith.addf %add3A_695, %concatenate3A_699 : vector<2048x4xf32>
    %broadcast_in_dim3A_701 = arith.constant 0.000000e+00 : f32
    %broadcast_in_dim3A_702 = vector.broadcast %broadcast_in_dim3A_701 : f32 to vector<512x4xf32>
    %slice3A_703 = vector.extract_strided_slice %add3A_700 {offsets = [0, 0], sizes = [1536, 4], strides = [1, 1]} : vector<2048x4xf32> to vector<1536x4xf32>
    %concatenate3A_704 = tpu.concatenate %broadcast_in_dim3A_702, %slice3A_703 in 0 : vector<512x4xf32>, vector<1536x4xf32> -> vector<2048x4xf32>
    %add3A_705 = arith.addf %add3A_700, %concatenate3A_704 : vector<2048x4xf32>
    %broadcast_in_dim3A_706 = arith.constant 0.000000e+00 : f32
    %broadcast_in_dim3A_707 = vector.broadcast %broadcast_in_dim3A_706 : f32 to vector<1024x4xf32>
    %slice3A_708 = vector.extract_strided_slice %add3A_705 {offsets = [0, 0], sizes = [1024, 4], strides = [1, 1]} : vector<2048x4xf32> to vector<1024x4xf32>
    %concatenate3A_709 = tpu.concatenate %broadcast_in_dim3A_707, %slice3A_708 in 0 : vector<1024x4xf32>, vector<1024x4xf32> -> vector<2048x4xf32>
    %add3A_710 = arith.addf %add3A_705, %concatenate3A_709 : vector<2048x4xf32>
    %iota3A_711 = tpu.iota {dimensions = array<i32: 1>} : vector<1x256xi32>
    %convert_element_type3A_712 = arith.sitofp %iota3A_711 : vector<1x256xi32> to vector<1x256xf32>
    %add3A_713 = arith.constant 1.000000e+00 : f32
    %add3A_714 = vector.broadcast %add3A_713 : f32 to vector<1x256xf32>
    %add3A_715 = arith.addf %convert_element_type3A_712, %add3A_714 : vector<1x256xf32>
    %iota3A_716 = tpu.iota {dimensions = array<i32: 1>} : vector<1x2048xi32>
    %convert_element_type3A_717 = arith.sitofp %iota3A_716 : vector<1x2048xi32> to vector<1x2048xf32>
    %slice3A_718 = vector.extract_strided_slice %add3A_710 {offsets = [0, 0], sizes = [2048, 1], strides = [1, 1]} : vector<2048x4xf32> to vector<2048x1xf32>
    %eq3A_719 = vector.broadcast %slice3A_718 : vector<2048x1xf32> to vector<2048x256xf32>
    %eq3A_720 = vector.broadcast %add3A_715 : vector<1x256xf32> to vector<2048x256xf32>
    %eq3A_721 = arith.cmpf oeq, %eq3A_719, %eq3A_720 : vector<2048x256xf32>
    %jit3A_722 = arith.constant 1.000000e+00 : f32
    %jit3A_723 = arith.constant 0.000000e+00 : f32
    %broadcast_in_dim3A_724 = vector.broadcast %jit3A_722 : f32 to vector<2048x256xf32>
    %broadcast_in_dim3A_725 = vector.broadcast %jit3A_723 : f32 to vector<2048x256xf32>
    %select_n3A_726 = arith.select %eq3A_721, %broadcast_in_dim3A_724, %broadcast_in_dim3A_725 : vector<2048x256xi1>, vector<2048x256xf32>
    %slice3A_727 = vector.extract_strided_slice %add3A_655 {offsets = [0, 0], sizes = [2048, 1], strides = [1, 1]} : vector<2048x4xf32> to vector<2048x1xf32>
    %mul3A_728 = vector.broadcast %slice3A_727 : vector<2048x1xf32> to vector<2048x256xf32>
    %mul3A_729 = arith.mulf %select_n3A_726, %mul3A_728 : vector<2048x256xf32>
    %dot_general3A = arith.constant dense<0.000000e+00> : vector<1x256xf32>
    %dot_general3A_730 = tpu.matmul %convert_element_type3A_717, %mul3A_729, %dot_general3A {dimension_numbers = #tpu.dot_dimension_numbers<[1], [0], [0], [1], [0, 0, 1, 1], [], []>, precision = #tpu.contract_precision<fp32>, transpose_lhs_hint = false} : vector<1x2048xf32>, vector<2048x256xf32>, vector<1x256xf32> -> vector<1x256xf32>
    %slice3A_731 = vector.extract_strided_slice %add3A_6 {offsets = [0, 0], sizes = [1, 2048], strides = [1, 1]} : vector<4x2048xf32> to vector<1x2048xf32>
    %dot_general3A_732 = arith.constant dense<0.000000e+00> : vector<1x256xf32>
    %dot_general3A_733 = tpu.matmul %slice3A_731, %mul3A_729, %dot_general3A_732 {dimension_numbers = #tpu.dot_dimension_numbers<[1], [0], [0], [1], [0, 0, 1, 1], [], []>, precision = #tpu.contract_precision<fp32>, transpose_lhs_hint = false} : vector<1x2048xf32>, vector<2048x256xf32>, vector<1x256xf32> -> vector<1x256xf32>
    %slice3A_734 = vector.extract_strided_slice %convert_element_type3A_565 {offsets = [0, 0], sizes = [1, 2048], strides = [1, 1]} : vector<4x2048xf32> to vector<1x2048xf32>
    %dot_general3A_735 = arith.constant dense<0.000000e+00> : vector<1x256xf32>
    %dot_general3A_736 = tpu.matmul %slice3A_734, %mul3A_729, %dot_general3A_735 {dimension_numbers = #tpu.dot_dimension_numbers<[1], [0], [0], [1], [0, 0, 1, 1], [], []>, precision = #tpu.contract_precision<fp32>, transpose_lhs_hint = false} : vector<1x2048xf32>, vector<2048x256xf32>, vector<1x256xf32> -> vector<1x256xf32>
    %convert_element_type3A_737 = arith.fptosi %dot_general3A_730 : vector<1x256xf32> to vector<1x256xi32>
    %add3A_738 = arith.constant 0 : i32
    %add3A_739 = vector.broadcast %add3A_738 : i32 to vector<1x256xi32>
    %add3A_740 = arith.addi %convert_element_type3A_737, %add3A_739 : vector<1x256xi32>
    %swap3A = arith.constant 0 : index
    %swap3A_741 = arith.constant 0 : index
    %swap3A_742 = arith.constant 0 : index
    %swap3A_743 = vector.load %arg3[%swap3A, %swap3A_741, %swap3A_742] : memref<4x1x256xi32, #tpu.memory_space<vmem>>, vector<1x1x256xi32>
    %swap3A_744 = vector.shape_cast %swap3A_743 : vector<1x1x256xi32> to vector<1x256xi32>
    %swap3A_745 = vector.shape_cast %add3A_740 : vector<1x256xi32> to vector<1x1x256xi32>
    tpu.vector_store %arg3[%swap3A, %swap3A_741, %swap3A_742], %swap3A_745 {strides = array<i32>} : memref<4x1x256xi32, #tpu.memory_space<vmem>>, vector<1x1x256xi32>,
    %ge3A_746 = arith.constant 5.000000e-01 : f32
    %ge3A_747 = vector.broadcast %ge3A_746 : f32 to vector<1x256xf32>
    %ge3A_748 = arith.cmpf oge, %dot_general3A_736, %ge3A_747 : vector<1x256xf32>
    %add3A_749 = arith.constant 8192 : i32
    %add3A_750 = vector.broadcast %add3A_749 : i32 to vector<1x256xi32>
    %add3A_751 = arith.addi %add3A_740, %add3A_750 : vector<1x256xi32>
    %select_n3A_752 = arith.select %ge3A_748, %add3A_740, %add3A_751 : vector<1x256xi1>, vector<1x256xi32>
    %swap3A_753 = arith.constant 0 : index
    %swap3A_754 = arith.constant 0 : index
    %swap3A_755 = arith.constant 0 : index
    %swap3A_756 = vector.load %arg4[%swap3A_753, %swap3A_754, %swap3A_755] : memref<4x1x256xi32, #tpu.memory_space<vmem>>, vector<1x1x256xi32>
    %swap3A_757 = vector.shape_cast %swap3A_756 : vector<1x1x256xi32> to vector<1x256xi32>
    %swap3A_758 = vector.shape_cast %select_n3A_752 : vector<1x256xi32> to vector<1x1x256xi32>
    tpu.vector_store %arg4[%swap3A_753, %swap3A_754, %swap3A_755], %swap3A_758 {strides = array<i32>} : memref<4x1x256xi32, #tpu.memory_space<vmem>>, vector<1x1x256xi32>,
    %swap3A_759 = arith.constant 0 : index
    %swap3A_760 = arith.constant 0 : index
    %swap3A_761 = arith.constant 0 : index
    %swap3A_762 = vector.load %arg5[%swap3A_759, %swap3A_760, %swap3A_761] : memref<4x1x256xf32, #tpu.memory_space<vmem>>, vector<1x1x256xf32>
    %swap3A_763 = vector.shape_cast %swap3A_762 : vector<1x1x256xf32> to vector<1x256xf32>
    %swap3A_764 = vector.shape_cast %dot_general3A_733 : vector<1x256xf32> to vector<1x1x256xf32>
    tpu.vector_store %arg5[%swap3A_759, %swap3A_760, %swap3A_761], %swap3A_764 {strides = array<i32>} : memref<4x1x256xf32, #tpu.memory_space<vmem>>, vector<1x1x256xf32>,
    %slice3A_765 = vector.extract_strided_slice %add3A_710 {offsets = [0, 1], sizes = [2048, 1], strides = [1, 1]} : vector<2048x4xf32> to vector<2048x1xf32>
    %eq3A_766 = vector.broadcast %slice3A_765 : vector<2048x1xf32> to vector<2048x256xf32>
    %eq3A_767 = vector.broadcast %add3A_715 : vector<1x256xf32> to vector<2048x256xf32>
    %eq3A_768 = arith.cmpf oeq, %eq3A_766, %eq3A_767 : vector<2048x256xf32>
    %jit3A_769 = arith.constant 1.000000e+00 : f32
    %jit3A_770 = arith.constant 0.000000e+00 : f32
    %broadcast_in_dim3A_771 = vector.broadcast %jit3A_769 : f32 to vector<2048x256xf32>
    %broadcast_in_dim3A_772 = vector.broadcast %jit3A_770 : f32 to vector<2048x256xf32>
    %select_n3A_773 = arith.select %eq3A_768, %broadcast_in_dim3A_771, %broadcast_in_dim3A_772 : vector<2048x256xi1>, vector<2048x256xf32>
    %slice3A_774 = vector.extract_strided_slice %add3A_655 {offsets = [0, 1], sizes = [2048, 1], strides = [1, 1]} : vector<2048x4xf32> to vector<2048x1xf32>
    %mul3A_775 = vector.broadcast %slice3A_774 : vector<2048x1xf32> to vector<2048x256xf32>
    %mul3A_776 = arith.mulf %select_n3A_773, %mul3A_775 : vector<2048x256xf32>
    %dot_general3A_777 = arith.constant dense<0.000000e+00> : vector<1x256xf32>
    %dot_general3A_778 = tpu.matmul %convert_element_type3A_717, %mul3A_776, %dot_general3A_777 {dimension_numbers = #tpu.dot_dimension_numbers<[1], [0], [0], [1], [0, 0, 1, 1], [], []>, precision = #tpu.contract_precision<fp32>, transpose_lhs_hint = false} : vector<1x2048xf32>, vector<2048x256xf32>, vector<1x256xf32> -> vector<1x256xf32>
    %slice3A_779 = vector.extract_strided_slice %add3A_6 {offsets = [1, 0], sizes = [1, 2048], strides = [1, 1]} : vector<4x2048xf32> to vector<1x2048xf32>
    %dot_general3A_780 = arith.constant dense<0.000000e+00> : vector<1x256xf32>
    %dot_general3A_781 = tpu.matmul %slice3A_779, %mul3A_776, %dot_general3A_780 {dimension_numbers = #tpu.dot_dimension_numbers<[1], [0], [0], [1], [0, 0, 1, 1], [], []>, precision = #tpu.contract_precision<fp32>, transpose_lhs_hint = false} : vector<1x2048xf32>, vector<2048x256xf32>, vector<1x256xf32> -> vector<1x256xf32>
    %slice3A_782 = vector.extract_strided_slice %convert_element_type3A_565 {offsets = [1, 0], sizes = [1, 2048], strides = [1, 1]} : vector<4x2048xf32> to vector<1x2048xf32>
    %dot_general3A_783 = arith.constant dense<0.000000e+00> : vector<1x256xf32>
    %dot_general3A_784 = tpu.matmul %slice3A_782, %mul3A_776, %dot_general3A_783 {dimension_numbers = #tpu.dot_dimension_numbers<[1], [0], [0], [1], [0, 0, 1, 1], [], []>, precision = #tpu.contract_precision<fp32>, transpose_lhs_hint = false} : vector<1x2048xf32>, vector<2048x256xf32>, vector<1x256xf32> -> vector<1x256xf32>
    %convert_element_type3A_785 = arith.fptosi %dot_general3A_778 : vector<1x256xf32> to vector<1x256xi32>
    %add3A_786 = arith.constant 2048 : i32
    %add3A_787 = vector.broadcast %add3A_786 : i32 to vector<1x256xi32>
    %add3A_788 = arith.addi %convert_element_type3A_785, %add3A_787 : vector<1x256xi32>
    %swap3A_789 = arith.constant 1 : index
    %swap3A_790 = arith.constant 0 : index
    %swap3A_791 = arith.constant 0 : index
    %swap3A_792 = vector.load %arg3[%swap3A_789, %swap3A_790, %swap3A_791] : memref<4x1x256xi32, #tpu.memory_space<vmem>>, vector<1x1x256xi32>
    %swap3A_793 = vector.shape_cast %swap3A_792 : vector<1x1x256xi32> to vector<1x256xi32>
    %swap3A_794 = vector.shape_cast %add3A_788 : vector<1x256xi32> to vector<1x1x256xi32>
    tpu.vector_store %arg3[%swap3A_789, %swap3A_790, %swap3A_791], %swap3A_794 {strides = array<i32>} : memref<4x1x256xi32, #tpu.memory_space<vmem>>, vector<1x1x256xi32>,
    %ge3A_795 = arith.constant 5.000000e-01 : f32
    %ge3A_796 = vector.broadcast %ge3A_795 : f32 to vector<1x256xf32>
    %ge3A_797 = arith.cmpf oge, %dot_general3A_784, %ge3A_796 : vector<1x256xf32>
    %add3A_798 = arith.constant 8192 : i32
    %add3A_799 = vector.broadcast %add3A_798 : i32 to vector<1x256xi32>
    %add3A_800 = arith.addi %add3A_788, %add3A_799 : vector<1x256xi32>
    %select_n3A_801 = arith.select %ge3A_797, %add3A_788, %add3A_800 : vector<1x256xi1>, vector<1x256xi32>
    %swap3A_802 = arith.constant 1 : index
    %swap3A_803 = arith.constant 0 : index
    %swap3A_804 = arith.constant 0 : index
    %swap3A_805 = vector.load %arg4[%swap3A_802, %swap3A_803, %swap3A_804] : memref<4x1x256xi32, #tpu.memory_space<vmem>>, vector<1x1x256xi32>
    %swap3A_806 = vector.shape_cast %swap3A_805 : vector<1x1x256xi32> to vector<1x256xi32>
    %swap3A_807 = vector.shape_cast %select_n3A_801 : vector<1x256xi32> to vector<1x1x256xi32>
    tpu.vector_store %arg4[%swap3A_802, %swap3A_803, %swap3A_804], %swap3A_807 {strides = array<i32>} : memref<4x1x256xi32, #tpu.memory_space<vmem>>, vector<1x1x256xi32>,
    %swap3A_808 = arith.constant 1 : index
    %swap3A_809 = arith.constant 0 : index
    %swap3A_810 = arith.constant 0 : index
    %swap3A_811 = vector.load %arg5[%swap3A_808, %swap3A_809, %swap3A_810] : memref<4x1x256xf32, #tpu.memory_space<vmem>>, vector<1x1x256xf32>
    %swap3A_812 = vector.shape_cast %swap3A_811 : vector<1x1x256xf32> to vector<1x256xf32>
    %swap3A_813 = vector.shape_cast %dot_general3A_781 : vector<1x256xf32> to vector<1x1x256xf32>
    tpu.vector_store %arg5[%swap3A_808, %swap3A_809, %swap3A_810], %swap3A_813 {strides = array<i32>} : memref<4x1x256xf32, #tpu.memory_space<vmem>>, vector<1x1x256xf32>,
    %slice3A_814 = vector.extract_strided_slice %add3A_710 {offsets = [0, 2], sizes = [2048, 1], strides = [1, 1]} : vector<2048x4xf32> to vector<2048x1xf32>
    %eq3A_815 = vector.broadcast %slice3A_814 : vector<2048x1xf32> to vector<2048x256xf32>
    %eq3A_816 = vector.broadcast %add3A_715 : vector<1x256xf32> to vector<2048x256xf32>
    %eq3A_817 = arith.cmpf oeq, %eq3A_815, %eq3A_816 : vector<2048x256xf32>
    %jit3A_818 = arith.constant 1.000000e+00 : f32
    %jit3A_819 = arith.constant 0.000000e+00 : f32
    %broadcast_in_dim3A_820 = vector.broadcast %jit3A_818 : f32 to vector<2048x256xf32>
    %broadcast_in_dim3A_821 = vector.broadcast %jit3A_819 : f32 to vector<2048x256xf32>
    %select_n3A_822 = arith.select %eq3A_817, %broadcast_in_dim3A_820, %broadcast_in_dim3A_821 : vector<2048x256xi1>, vector<2048x256xf32>
    %slice3A_823 = vector.extract_strided_slice %add3A_655 {offsets = [0, 2], sizes = [2048, 1], strides = [1, 1]} : vector<2048x4xf32> to vector<2048x1xf32>
    %mul3A_824 = vector.broadcast %slice3A_823 : vector<2048x1xf32> to vector<2048x256xf32>
    %mul3A_825 = arith.mulf %select_n3A_822, %mul3A_824 : vector<2048x256xf32>
    %dot_general3A_826 = arith.constant dense<0.000000e+00> : vector<1x256xf32>
    %dot_general3A_827 = tpu.matmul %convert_element_type3A_717, %mul3A_825, %dot_general3A_826 {dimension_numbers = #tpu.dot_dimension_numbers<[1], [0], [0], [1], [0, 0, 1, 1], [], []>, precision = #tpu.contract_precision<fp32>, transpose_lhs_hint = false} : vector<1x2048xf32>, vector<2048x256xf32>, vector<1x256xf32> -> vector<1x256xf32>
    %slice3A_828 = vector.extract_strided_slice %add3A_6 {offsets = [2, 0], sizes = [1, 2048], strides = [1, 1]} : vector<4x2048xf32> to vector<1x2048xf32>
    %dot_general3A_829 = arith.constant dense<0.000000e+00> : vector<1x256xf32>
    %dot_general3A_830 = tpu.matmul %slice3A_828, %mul3A_825, %dot_general3A_829 {dimension_numbers = #tpu.dot_dimension_numbers<[1], [0], [0], [1], [0, 0, 1, 1], [], []>, precision = #tpu.contract_precision<fp32>, transpose_lhs_hint = false} : vector<1x2048xf32>, vector<2048x256xf32>, vector<1x256xf32> -> vector<1x256xf32>
    %slice3A_831 = vector.extract_strided_slice %convert_element_type3A_565 {offsets = [2, 0], sizes = [1, 2048], strides = [1, 1]} : vector<4x2048xf32> to vector<1x2048xf32>
    %dot_general3A_832 = arith.constant dense<0.000000e+00> : vector<1x256xf32>
    %dot_general3A_833 = tpu.matmul %slice3A_831, %mul3A_825, %dot_general3A_832 {dimension_numbers = #tpu.dot_dimension_numbers<[1], [0], [0], [1], [0, 0, 1, 1], [], []>, precision = #tpu.contract_precision<fp32>, transpose_lhs_hint = false} : vector<1x2048xf32>, vector<2048x256xf32>, vector<1x256xf32> -> vector<1x256xf32>
    %convert_element_type3A_834 = arith.fptosi %dot_general3A_827 : vector<1x256xf32> to vector<1x256xi32>
    %add3A_835 = arith.constant 4096 : i32
    %add3A_836 = vector.broadcast %add3A_835 : i32 to vector<1x256xi32>
    %add3A_837 = arith.addi %convert_element_type3A_834, %add3A_836 : vector<1x256xi32>
    %swap3A_838 = arith.constant 2 : index
    %swap3A_839 = arith.constant 0 : index
    %swap3A_840 = arith.constant 0 : index
    %swap3A_841 = vector.load %arg3[%swap3A_838, %swap3A_839, %swap3A_840] : memref<4x1x256xi32, #tpu.memory_space<vmem>>, vector<1x1x256xi32>
    %swap3A_842 = vector.shape_cast %swap3A_841 : vector<1x1x256xi32> to vector<1x256xi32>
    %swap3A_843 = vector.shape_cast %add3A_837 : vector<1x256xi32> to vector<1x1x256xi32>
    tpu.vector_store %arg3[%swap3A_838, %swap3A_839, %swap3A_840], %swap3A_843 {strides = array<i32>} : memref<4x1x256xi32, #tpu.memory_space<vmem>>, vector<1x1x256xi32>,
    %ge3A_844 = arith.constant 5.000000e-01 : f32
    %ge3A_845 = vector.broadcast %ge3A_844 : f32 to vector<1x256xf32>
    %ge3A_846 = arith.cmpf oge, %dot_general3A_833, %ge3A_845 : vector<1x256xf32>
    %add3A_847 = arith.constant 8192 : i32
    %add3A_848 = vector.broadcast %add3A_847 : i32 to vector<1x256xi32>
    %add3A_849 = arith.addi %add3A_837, %add3A_848 : vector<1x256xi32>
    %select_n3A_850 = arith.select %ge3A_846, %add3A_837, %add3A_849 : vector<1x256xi1>, vector<1x256xi32>
    %swap3A_851 = arith.constant 2 : index
    %swap3A_852 = arith.constant 0 : index
    %swap3A_853 = arith.constant 0 : index
    %swap3A_854 = vector.load %arg4[%swap3A_851, %swap3A_852, %swap3A_853] : memref<4x1x256xi32, #tpu.memory_space<vmem>>, vector<1x1x256xi32>
    %swap3A_855 = vector.shape_cast %swap3A_854 : vector<1x1x256xi32> to vector<1x256xi32>
    %swap3A_856 = vector.shape_cast %select_n3A_850 : vector<1x256xi32> to vector<1x1x256xi32>
    tpu.vector_store %arg4[%swap3A_851, %swap3A_852, %swap3A_853], %swap3A_856 {strides = array<i32>} : memref<4x1x256xi32, #tpu.memory_space<vmem>>, vector<1x1x256xi32>,
    %swap3A_857 = arith.constant 2 : index
    %swap3A_858 = arith.constant 0 : index
    %swap3A_859 = arith.constant 0 : index
    %swap3A_860 = vector.load %arg5[%swap3A_857, %swap3A_858, %swap3A_859] : memref<4x1x256xf32, #tpu.memory_space<vmem>>, vector<1x1x256xf32>
    %swap3A_861 = vector.shape_cast %swap3A_860 : vector<1x1x256xf32> to vector<1x256xf32>
    %swap3A_862 = vector.shape_cast %dot_general3A_830 : vector<1x256xf32> to vector<1x1x256xf32>
    tpu.vector_store %arg5[%swap3A_857, %swap3A_858, %swap3A_859], %swap3A_862 {strides = array<i32>} : memref<4x1x256xf32, #tpu.memory_space<vmem>>, vector<1x1x256xf32>,
    %slice3A_863 = vector.extract_strided_slice %add3A_710 {offsets = [0, 3], sizes = [2048, 1], strides = [1, 1]} : vector<2048x4xf32> to vector<2048x1xf32>
    %eq3A_864 = vector.broadcast %slice3A_863 : vector<2048x1xf32> to vector<2048x256xf32>
    %eq3A_865 = vector.broadcast %add3A_715 : vector<1x256xf32> to vector<2048x256xf32>
    %eq3A_866 = arith.cmpf oeq, %eq3A_864, %eq3A_865 : vector<2048x256xf32>
    %jit3A_867 = arith.constant 1.000000e+00 : f32
    %jit3A_868 = arith.constant 0.000000e+00 : f32
    %broadcast_in_dim3A_869 = vector.broadcast %jit3A_867 : f32 to vector<2048x256xf32>
    %broadcast_in_dim3A_870 = vector.broadcast %jit3A_868 : f32 to vector<2048x256xf32>
    %select_n3A_871 = arith.select %eq3A_866, %broadcast_in_dim3A_869, %broadcast_in_dim3A_870 : vector<2048x256xi1>, vector<2048x256xf32>
    %slice3A_872 = vector.extract_strided_slice %add3A_655 {offsets = [0, 3], sizes = [2048, 1], strides = [1, 1]} : vector<2048x4xf32> to vector<2048x1xf32>
    %mul3A_873 = vector.broadcast %slice3A_872 : vector<2048x1xf32> to vector<2048x256xf32>
    %mul3A_874 = arith.mulf %select_n3A_871, %mul3A_873 : vector<2048x256xf32>
    %dot_general3A_875 = arith.constant dense<0.000000e+00> : vector<1x256xf32>
    %dot_general3A_876 = tpu.matmul %convert_element_type3A_717, %mul3A_874, %dot_general3A_875 {dimension_numbers = #tpu.dot_dimension_numbers<[1], [0], [0], [1], [0, 0, 1, 1], [], []>, precision = #tpu.contract_precision<fp32>, transpose_lhs_hint = false} : vector<1x2048xf32>, vector<2048x256xf32>, vector<1x256xf32> -> vector<1x256xf32>
    %slice3A_877 = vector.extract_strided_slice %add3A_6 {offsets = [3, 0], sizes = [1, 2048], strides = [1, 1]} : vector<4x2048xf32> to vector<1x2048xf32>
    %dot_general3A_878 = arith.constant dense<0.000000e+00> : vector<1x256xf32>
    %dot_general3A_879 = tpu.matmul %slice3A_877, %mul3A_874, %dot_general3A_878 {dimension_numbers = #tpu.dot_dimension_numbers<[1], [0], [0], [1], [0, 0, 1, 1], [], []>, precision = #tpu.contract_precision<fp32>, transpose_lhs_hint = false} : vector<1x2048xf32>, vector<2048x256xf32>, vector<1x256xf32> -> vector<1x256xf32>
    %slice3A_880 = vector.extract_strided_slice %convert_element_type3A_565 {offsets = [3, 0], sizes = [1, 2048], strides = [1, 1]} : vector<4x2048xf32> to vector<1x2048xf32>
    %dot_general3A_881 = arith.constant dense<0.000000e+00> : vector<1x256xf32>
    %dot_general3A_882 = tpu.matmul %slice3A_880, %mul3A_874, %dot_general3A_881 {dimension_numbers = #tpu.dot_dimension_numbers<[1], [0], [0], [1], [0, 0, 1, 1], [], []>, precision = #tpu.contract_precision<fp32>, transpose_lhs_hint = false} : vector<1x2048xf32>, vector<2048x256xf32>, vector<1x256xf32> -> vector<1x256xf32>
    %convert_element_type3A_883 = arith.fptosi %dot_general3A_876 : vector<1x256xf32> to vector<1x256xi32>
    %add3A_884 = arith.constant 6144 : i32
    %add3A_885 = vector.broadcast %add3A_884 : i32 to vector<1x256xi32>
    %add3A_886 = arith.addi %convert_element_type3A_883, %add3A_885 : vector<1x256xi32>
    %swap3A_887 = arith.constant 3 : index
    %swap3A_888 = arith.constant 0 : index
    %swap3A_889 = arith.constant 0 : index
    %swap3A_890 = vector.load %arg3[%swap3A_887, %swap3A_888, %swap3A_889] : memref<4x1x256xi32, #tpu.memory_space<vmem>>, vector<1x1x256xi32>
    %swap3A_891 = vector.shape_cast %swap3A_890 : vector<1x1x256xi32> to vector<1x256xi32>
    %swap3A_892 = vector.shape_cast %add3A_886 : vector<1x256xi32> to vector<1x1x256xi32>
    tpu.vector_store %arg3[%swap3A_887, %swap3A_888, %swap3A_889], %swap3A_892 {strides = array<i32>} : memref<4x1x256xi32, #tpu.memory_space<vmem>>, vector<1x1x256xi32>,
    %ge3A_893 = arith.constant 5.000000e-01 : f32
    %ge3A_894 = vector.broadcast %ge3A_893 : f32 to vector<1x256xf32>
    %ge3A_895 = arith.cmpf oge, %dot_general3A_882, %ge3A_894 : vector<1x256xf32>
    %add3A_896 = arith.constant 8192 : i32
    %add3A_897 = vector.broadcast %add3A_896 : i32 to vector<1x256xi32>
    %add3A_898 = arith.addi %add3A_886, %add3A_897 : vector<1x256xi32>
    %select_n3A_899 = arith.select %ge3A_895, %add3A_886, %add3A_898 : vector<1x256xi1>, vector<1x256xi32>
    %swap3A_900 = arith.constant 3 : index
    %swap3A_901 = arith.constant 0 : index
    %swap3A_902 = arith.constant 0 : index
    %swap3A_903 = vector.load %arg4[%swap3A_900, %swap3A_901, %swap3A_902] : memref<4x1x256xi32, #tpu.memory_space<vmem>>, vector<1x1x256xi32>
    %swap3A_904 = vector.shape_cast %swap3A_903 : vector<1x1x256xi32> to vector<1x256xi32>
    %swap3A_905 = vector.shape_cast %select_n3A_899 : vector<1x256xi32> to vector<1x1x256xi32>
    tpu.vector_store %arg4[%swap3A_900, %swap3A_901, %swap3A_902], %swap3A_905 {strides = array<i32>} : memref<4x1x256xi32, #tpu.memory_space<vmem>>, vector<1x1x256xi32>,
    %swap3A_906 = arith.constant 3 : index
    %swap3A_907 = arith.constant 0 : index
    %swap3A_908 = arith.constant 0 : index
    %swap3A_909 = vector.load %arg5[%swap3A_906, %swap3A_907, %swap3A_908] : memref<4x1x256xf32, #tpu.memory_space<vmem>>, vector<1x1x256xf32>
    %swap3A_910 = vector.shape_cast %swap3A_909 : vector<1x1x256xf32> to vector<1x256xf32>
    %swap3A_911 = vector.shape_cast %dot_general3A_879 : vector<1x256xf32> to vector<1x1x256xf32>
    tpu.vector_store %arg5[%swap3A_906, %swap3A_907, %swap3A_908], %swap3A_911 {strides = array<i32>} : memref<4x1x256xf32, #tpu.memory_space<vmem>>, vector<1x1x256xf32>,
    return
  }
}

module attributes {stable_mosaic.version = 14 : i64} {
  func.func @_mlp_body(%arg0: i32, %arg1: memref<1024x2048xf32, #tpu.memory_space<vmem>>, %arg2: memref<2048x512xf32, #tpu.memory_space<vmem>>, %arg3: memref<1x512xf32, #tpu.memory_space<vmem>>, %arg4: memref<512x2048xf32, #tpu.memory_space<vmem>>, %arg5: memref<1x2048xf32, #tpu.memory_space<vmem>>, %arg6: memref<1024x1xf32, #tpu.memory_space<vmem>>, %arg7: memref<1024x2048xf32, #tpu.memory_space<vmem>>) attributes {dimension_semantics = [#tpu.dimension_semantics<arbitrary>], iteration_bounds = array<i64: 16>, scalar_prefetch = 0 : i64, scratch_operands = 0 : i64, tpu.core_type = #tpu.core_type<tc>, window_params = [{pipeline_mode = #tpu.pipeline_mode<synchronous>, transform_indices = @transform_0, window_bounds = array<i64: 1024, 2048>}, {transform_indices = @transform_1, window_bounds = array<i64: 2048, 512>}, {transform_indices = @transform_2, window_bounds = array<i64: 1, 512>}, {transform_indices = @transform_3, window_bounds = array<i64: 512, 2048>}, {pipeline_mode = #tpu.pipeline_mode<synchronous>, transform_indices = @transform_4, window_bounds = array<i64: 1, 2048>}, {pipeline_mode = #tpu.pipeline_mode<synchronous>, transform_indices = @transform_5, window_bounds = array<i64: 1024, 1>}, {pipeline_mode = #tpu.pipeline_mode<synchronous>, transform_indices = @transform_6, window_bounds = array<i64: 1024, 2048>}]} {
    %get3A = arith.constant 0 : index
    %get3A_0 = arith.constant 0 : index
    %get3A_1 = vector.load %arg1[%get3A, %get3A_0] : memref<1024x2048xf32, #tpu.memory_space<vmem>>, vector<1024x2048xf32>
    %get3A_2 = arith.constant 0 : index
    %get3A_3 = arith.constant 0 : index
    %get3A_4 = vector.load %arg2[%get3A_2, %get3A_3] : memref<2048x512xf32, #tpu.memory_space<vmem>>, vector<2048x512xf32>
    %dot_general3A = arith.constant dense<0.000000e+00> : vector<1024x512xf32>
    %dot_general3A_5 = tpu.matmul %get3A_1, %get3A_4, %dot_general3A {dimension_numbers = #tpu.dot_dimension_numbers<[1], [0], [0], [1], [0, 0, 1, 1], [], []>, transpose_lhs_hint = false} : vector<1024x2048xf32>, vector<2048x512xf32>, vector<1024x512xf32> -> vector<1024x512xf32>
    %get3A_6 = arith.constant 0 : index
    %get3A_7 = arith.constant 0 : index
    %get3A_8 = vector.load %arg3[%get3A_6, %get3A_7] : memref<1x512xf32, #tpu.memory_space<vmem>>, vector<1x512xf32>
    %add3A = vector.broadcast %get3A_8 : vector<1x512xf32> to vector<1024x512xf32>
    %add3A_9 = arith.addf %dot_general3A_5, %add3A : vector<1024x512xf32>
    %integer_pow3A = arith.mulf %add3A_9, %add3A_9 : vector<1024x512xf32>
    %integer_pow3A_10 = arith.mulf %add3A_9, %integer_pow3A : vector<1024x512xf32>
    %mul3A = arith.constant 4.471500e-02 : f32
    %mul3A_11 = vector.broadcast %mul3A : f32 to vector<1024x512xf32>
    %mul3A_12 = arith.mulf %mul3A_11, %integer_pow3A_10 : vector<1024x512xf32>
    %add3A_13 = arith.addf %add3A_9, %mul3A_12 : vector<1024x512xf32>
    %mul3A_14 = arith.constant 0.797884583 : f32
    %mul3A_15 = vector.broadcast %mul3A_14 : f32 to vector<1024x512xf32>
    %mul3A_16 = arith.mulf %mul3A_15, %add3A_13 : vector<1024x512xf32>
    %tanh3A = math.tanh %mul3A_16 : vector<1024x512xf32>
    %add3A_17 = arith.constant 1.000000e+00 : f32
    %add3A_18 = vector.broadcast %add3A_17 : f32 to vector<1024x512xf32>
    %add3A_19 = arith.addf %add3A_18, %tanh3A : vector<1024x512xf32>
    %mul3A_20 = arith.constant 5.000000e-01 : f32
    %mul3A_21 = vector.broadcast %mul3A_20 : f32 to vector<1024x512xf32>
    %mul3A_22 = arith.mulf %mul3A_21, %add3A_19 : vector<1024x512xf32>
    %mul3A_23 = arith.mulf %add3A_9, %mul3A_22 : vector<1024x512xf32>
    %get3A_24 = arith.constant 0 : index
    %get3A_25 = arith.constant 0 : index
    %get3A_26 = vector.load %arg4[%get3A_24, %get3A_25] : memref<512x2048xf32, #tpu.memory_space<vmem>>, vector<512x2048xf32>
    %dot_general3A_27 = arith.constant dense<0.000000e+00> : vector<1024x2048xf32>
    %dot_general3A_28 = tpu.matmul %mul3A_23, %get3A_26, %dot_general3A_27 {dimension_numbers = #tpu.dot_dimension_numbers<[1], [0], [0], [1], [0, 0, 1, 1], [], []>, transpose_lhs_hint = false} : vector<1024x512xf32>, vector<512x2048xf32>, vector<1024x2048xf32> -> vector<1024x2048xf32>
    %eq3A = arith.constant 0 : i32
    %eq3A_29 = arith.cmpi eq, %arg0, %eq3A : i32
    %convert_element_type3A = arith.extui %eq3A_29 : i1 to i32
    %cond3A = arith.constant 0 : i32
    %cond3A_30 = arith.cmpi ne, %convert_element_type3A, %cond3A : i32
    scf.if %cond3A_30 {
      %swap3A = arith.constant 0 : index
      %swap3A_40 = arith.constant 0 : index
      %swap3A_41 = vector.load %arg7[%swap3A, %swap3A_40] : memref<1024x2048xf32, #tpu.memory_space<vmem>>, vector<1024x2048xf32>
      tpu.vector_store %arg7[%swap3A, %swap3A_40], %dot_general3A_28 {strides = array<i32>} : memref<1024x2048xf32, #tpu.memory_space<vmem>>, vector<1024x2048xf32>,
    } else {
    }
    %gt3A = arith.constant 0 : i32
    %gt3A_31 = arith.cmpi sgt, %arg0, %gt3A : i32
    %convert_element_type3A_32 = arith.extui %gt3A_31 : i1 to i32
    %cond3A_33 = arith.constant 0 : i32
    %cond3A_34 = arith.cmpi ne, %convert_element_type3A_32, %cond3A_33 : i32
    scf.if %cond3A_34 {
      %get3A_40 = arith.constant 0 : index
      %get3A_41 = arith.constant 0 : index
      %get3A_42 = vector.load %arg7[%get3A_40, %get3A_41] : memref<1024x2048xf32, #tpu.memory_space<vmem>>, vector<1024x2048xf32>
      %add3A_43 = arith.addf %get3A_42, %dot_general3A_28 : vector<1024x2048xf32>
      %swap3A = arith.constant 0 : index
      %swap3A_44 = arith.constant 0 : index
      %swap3A_45 = vector.load %arg7[%swap3A, %swap3A_44] : memref<1024x2048xf32, #tpu.memory_space<vmem>>, vector<1024x2048xf32>
      tpu.vector_store %arg7[%swap3A, %swap3A_44], %add3A_43 {strides = array<i32>} : memref<1024x2048xf32, #tpu.memory_space<vmem>>, vector<1024x2048xf32>,
    } else {
    }
    %eq3A_35 = arith.constant 15 : i32
    %eq3A_36 = arith.cmpi eq, %arg0, %eq3A_35 : i32
    %convert_element_type3A_37 = arith.extui %eq3A_36 : i1 to i32
    %cond3A_38 = arith.constant 0 : i32
    %cond3A_39 = arith.cmpi ne, %convert_element_type3A_37, %cond3A_38 : i32
    scf.if %cond3A_39 {
      %get3A_40 = arith.constant 0 : index
      %get3A_41 = arith.constant 0 : index
      %get3A_42 = vector.load %arg7[%get3A_40, %get3A_41] : memref<1024x2048xf32, #tpu.memory_space<vmem>>, vector<1024x2048xf32>
      %get3A_43 = arith.constant 0 : index
      %get3A_44 = arith.constant 0 : index
      %get3A_45 = vector.load %arg5[%get3A_43, %get3A_44] : memref<1x2048xf32, #tpu.memory_space<vmem>>, vector<1x2048xf32>
      %add3A_46 = vector.broadcast %get3A_45 : vector<1x2048xf32> to vector<1024x2048xf32>
      %add3A_47 = arith.addf %get3A_42, %add3A_46 : vector<1024x2048xf32>
      %get3A_48 = arith.constant 0 : index
      %get3A_49 = arith.constant 0 : index
      %get3A_50 = vector.load %arg6[%get3A_48, %get3A_49] : memref<1024x1xf32, #tpu.memory_space<vmem>>, vector<1024x1xf32>
      %mul3A_51 = vector.broadcast %get3A_50 : vector<1024x1xf32> to vector<1024x2048xf32>
      %mul3A_52 = arith.mulf %add3A_47, %mul3A_51 : vector<1024x2048xf32>
      %swap3A = arith.constant 0 : index
      %swap3A_53 = arith.constant 0 : index
      %swap3A_54 = vector.load %arg7[%swap3A, %swap3A_53] : memref<1024x2048xf32, #tpu.memory_space<vmem>>, vector<1024x2048xf32>
      tpu.vector_store %arg7[%swap3A, %swap3A_53], %mul3A_52 {strides = array<i32>} : memref<1024x2048xf32, #tpu.memory_space<vmem>>, vector<1024x2048xf32>,
    } else {
    }
    return
  }
  func.func @transform_0(%arg0: i32) -> (i32, i32) {
    %c0_i32 = arith.constant 0 : i32
    %c0_i32_0 = arith.constant 0 : i32
    %c0_i32_1 = arith.constant 0 : i32
    return %c0_i32, %c0_i32_0 : i32, i32
  }
  func.func @transform_1(%arg0: i32) -> (i32, i32) {
    %c0_i32 = arith.constant 0 : i32
    %c0_i32_0 = arith.constant 0 : i32
    return %c0_i32, %arg0 : i32, i32
  }
  func.func @transform_2(%arg0: i32) -> (i32, i32) {
    %c0_i32 = arith.constant 0 : i32
    %c0_i32_0 = arith.constant 0 : i32
    return %c0_i32, %arg0 : i32, i32
  }
  func.func @transform_3(%arg0: i32) -> (i32, i32) {
    %c0_i32 = arith.constant 0 : i32
    %c0_i32_0 = arith.constant 0 : i32
    return %arg0, %c0_i32 : i32, i32
  }
  func.func @transform_4(%arg0: i32) -> (i32, i32) {
    %c0_i32 = arith.constant 0 : i32
    %c0_i32_0 = arith.constant 0 : i32
    %c0_i32_1 = arith.constant 0 : i32
    return %c0_i32, %c0_i32_0 : i32, i32
  }
  func.func @transform_5(%arg0: i32) -> (i32, i32) {
    %c0_i32 = arith.constant 0 : i32
    %c0_i32_0 = arith.constant 0 : i32
    %c0_i32_1 = arith.constant 0 : i32
    return %c0_i32, %c0_i32_0 : i32, i32
  }
  func.func @transform_6(%arg0: i32) -> (i32, i32) {
    %c0_i32 = arith.constant 0 : i32
    %c0_i32_0 = arith.constant 0 : i32
    %c0_i32_1 = arith.constant 0 : i32
    return %c0_i32, %c0_i32_0 : i32, i32
  }
}

module attributes {stable_mosaic.version = 14 : i64} {
  func.func @_scatter_body(%arg0: i32, %arg1: memref<1024xi32, #tpu.memory_space<smem>>, %arg2: memref<8192x2048xf32, #tpu.memory_space<any>>, %arg3: memref<64x2048xf32, #tpu.memory_space<vmem>>, %arg4: memref<8192x2048xf32, #tpu.memory_space<any>>, %arg5: memref<2x64x2048xf32, #tpu.memory_space<vmem>>, %arg6: memref<2x!tpu.dma_semaphore, #tpu.memory_space<semaphore_mem>>) attributes {dimension_semantics = [#tpu.dimension_semantics<arbitrary>], iteration_bounds = array<i64: 16>, scalar_prefetch = 1 : i64, scratch_operands = 2 : i64, tpu.core_type = #tpu.core_type<tc>, window_params = [{}, {transform_indices = @transform_1, window_bounds = array<i64: 64, 2048>}, {}]} {
    %jit3A = arith.constant 2 : i32
    %eq3A = arith.constant 0 : i32
    %eq3A_0 = arith.cmpi eq, %jit3A, %eq3A : i32
    %jit3A_1 = arith.constant 1 : i32
    %select_n3A = arith.select %eq3A_0, %jit3A_1, %jit3A : i32
    %rem3A = arith.remsi %arg0, %select_n3A : i32
    %ne3A = arith.constant 0 : i32
    %ne3A_2 = arith.cmpi ne, %rem3A, %ne3A : i32
    %lt3A = arith.constant 0 : i32
    %lt3A_3 = arith.cmpi slt, %rem3A, %lt3A : i32
    %lt3A_4 = arith.constant 0 : i32
    %lt3A_5 = arith.cmpi slt, %select_n3A, %lt3A_4 : i32
    %ne3A_6 = arith.xori %lt3A_3, %lt3A_5 : i1
    %and3A = arith.andi %ne3A_6, %ne3A_2 : i1
    %add3A = arith.addi %rem3A, %select_n3A : i32
    %select_n3A_7 = arith.select %and3A, %add3A, %rem3A : i32
    %mul3A = arith.constant 64 : i32
    %mul3A_8 = arith.muli %arg0, %mul3A : i32
    %ge3A = arith.constant 2 : i32
    %ge3A_9 = arith.cmpi sge, %arg0, %ge3A : i32
    %convert_element_type3A = arith.extui %ge3A_9 : i1 to i32
    %cond3A = arith.constant 0 : i32
    %cond3A_10 = arith.cmpi ne, %convert_element_type3A, %cond3A : i32
    scf.if %cond3A_10 {
      %dma_wait3A = tpu.memref_slice %arg6[%select_n3A_7] : memref<2x!tpu.dma_semaphore, #tpu.memory_space<semaphore_mem>> -> memref<1x!tpu.dma_semaphore, #tpu.memory_space<semaphore_mem>>
      %dma_wait3A_1047 = tpu.memref_squeeze %dma_wait3A : memref<1x!tpu.dma_semaphore, #tpu.memory_space<semaphore_mem>> -> memref<!tpu.dma_semaphore, #tpu.memory_space<semaphore_mem>>
      %dma_wait3A_1048 = arith.constant 0 : i32
      %dma_wait3A_1049 = arith.constant 0 : i32
      %dma_wait3A_1050 = tpu.memref_slice %arg5[%select_n3A_7, %dma_wait3A_1048, %dma_wait3A_1049] : memref<2x64x2048xf32, #tpu.memory_space<vmem>> -> memref<1x64x2048xf32, #tpu.memory_space<vmem>>
      %dma_wait3A_1051 = tpu.memref_squeeze %dma_wait3A_1050 : memref<1x64x2048xf32, #tpu.memory_space<vmem>> -> memref<64x2048xf32, #tpu.memory_space<vmem>>
      %dma_wait3A_1052 = arith.constant 0 : i32
      %dma_wait3A_1053 = arith.constant 0 : i32
      %dma_wait3A_1054 = tpu.memref_slice %arg2[%dma_wait3A_1052, %dma_wait3A_1053] : memref<8192x2048xf32, #tpu.memory_space<any>> -> memref<64x2048xf32, #tpu.memory_space<any>>
      tpu.wait_dma2 semaphore(%dma_wait3A_1047 : memref<!tpu.dma_semaphore, #tpu.memory_space<semaphore_mem>>) src(%dma_wait3A_1054 : memref<64x2048xf32, #tpu.memory_space<any>>) dst(%dma_wait3A_1051 : memref<64x2048xf32, #tpu.memory_space<vmem>>)
    } else {
    }
    %get3A = arith.constant 0 : index
    %get3A_11 = arith.constant 0 : index
    %get3A_12 = vector.load %arg3[%get3A, %get3A_11] : memref<64x2048xf32, #tpu.memory_space<vmem>>, vector<64x2048xf32>
    %swap3A = arith.index_cast %select_n3A_7 : i32 to index
    %swap3A_13 = arith.constant 0 : index
    %swap3A_14 = arith.constant 0 : index
    %swap3A_15 = vector.load %arg5[%swap3A, %swap3A_13, %swap3A_14] : memref<2x64x2048xf32, #tpu.memory_space<vmem>>, vector<1x64x2048xf32>
    %swap3A_16 = vector.shape_cast %swap3A_15 : vector<1x64x2048xf32> to vector<64x2048xf32>
    %swap3A_17 = vector.shape_cast %get3A_12 : vector<64x2048xf32> to vector<1x64x2048xf32>
    tpu.vector_store %arg5[%swap3A, %swap3A_13, %swap3A_14], %swap3A_17 {strides = array<i32>} : memref<2x64x2048xf32, #tpu.memory_space<vmem>>, vector<1x64x2048xf32>,
    %add3A_18 = arith.constant 0 : i32
    %add3A_19 = arith.addi %mul3A_8, %add3A_18 : i32
    %get3A_20 = arith.index_cast %add3A_19 : i32 to index
    %get3A_21 = memref.load %arg1[%get3A_20] : memref<1024xi32, #tpu.memory_space<smem>>
    %rem3A_22 = arith.constant 8192 : i32
    %rem3A_23 = arith.remsi %get3A_21, %rem3A_22 : i32
    %lt3A_24 = arith.constant 8192 : i32
    %lt3A_25 = arith.cmpi slt, %get3A_21, %lt3A_24 : i32
    %convert_element_type3A_26 = arith.extui %lt3A_25 : i1 to i32
    %cond3A_27 = arith.constant 0 : i32
    %cond3A_28 = arith.cmpi ne, %convert_element_type3A_26, %cond3A_27 : i32
    scf.if %cond3A_28 {
      %dma_start3A = tpu.memref_slice %arg6[%select_n3A_7] : memref<2x!tpu.dma_semaphore, #tpu.memory_space<semaphore_mem>> -> memref<1x!tpu.dma_semaphore, #tpu.memory_space<semaphore_mem>>
      %dma_start3A_1047 = tpu.memref_squeeze %dma_start3A : memref<1x!tpu.dma_semaphore, #tpu.memory_space<semaphore_mem>> -> memref<!tpu.dma_semaphore, #tpu.memory_space<semaphore_mem>>
      %dma_start3A_1048 = arith.constant 0 : i32
      %dma_start3A_1049 = tpu.memref_slice %arg4[%rem3A_23, %dma_start3A_1048] : memref<8192x2048xf32, #tpu.memory_space<any>> -> memref<1x2048xf32, #tpu.memory_space<any>>
      %dma_start3A_1050 = arith.constant 0 : i32
      %dma_start3A_1051 = arith.constant 0 : i32
      %dma_start3A_1052 = tpu.memref_slice %arg5[%select_n3A_7, %dma_start3A_1050, %dma_start3A_1051] : memref<2x64x2048xf32, #tpu.memory_space<vmem>> -> memref<1x1x2048xf32, #tpu.memory_space<vmem>>
      %dma_start3A_1053 = tpu.memref_squeeze %dma_start3A_1052 : memref<1x1x2048xf32, #tpu.memory_space<vmem>> -> memref<1x2048xf32, #tpu.memory_space<vmem>>
      tpu.enqueue_dma source(%dma_start3A_1053 : memref<1x2048xf32, #tpu.memory_space<vmem>>) target(%dma_start3A_1049 : memref<1x2048xf32, #tpu.memory_space<any>>) target_semaphore(%dma_start3A_1047 : memref<!tpu.dma_semaphore, #tpu.memory_space<semaphore_mem>>)
    } else {
    }
    %ge3A_29 = arith.constant 8192 : i32
    %ge3A_30 = arith.cmpi sge, %get3A_21, %ge3A_29 : i32
    %convert_element_type3A_31 = arith.extui %ge3A_30 : i1 to i32
    %cond3A_32 = arith.constant 0 : i32
    %cond3A_33 = arith.cmpi ne, %convert_element_type3A_31, %cond3A_32 : i32
    scf.if %cond3A_33 {
      %dma_start3A = tpu.memref_slice %arg6[%select_n3A_7] : memref<2x!tpu.dma_semaphore, #tpu.memory_space<semaphore_mem>> -> memref<1x!tpu.dma_semaphore, #tpu.memory_space<semaphore_mem>>
      %dma_start3A_1047 = tpu.memref_squeeze %dma_start3A : memref<1x!tpu.dma_semaphore, #tpu.memory_space<semaphore_mem>> -> memref<!tpu.dma_semaphore, #tpu.memory_space<semaphore_mem>>
      %dma_start3A_1048 = arith.constant 0 : i32
      %dma_start3A_1049 = tpu.memref_slice %arg4[%rem3A_23, %dma_start3A_1048] : memref<8192x2048xf32, #tpu.memory_space<any>> -> memref<1x2048xf32, #tpu.memory_space<any>>
      %dma_start3A_1050 = arith.constant 0 : i32
      %dma_start3A_1051 = tpu.memref_slice %arg2[%rem3A_23, %dma_start3A_1050] : memref<8192x2048xf32, #tpu.memory_space<any>> -> memref<1x2048xf32, #tpu.memory_space<any>>
      tpu.enqueue_dma source(%dma_start3A_1051 : memref<1x2048xf32, #tpu.memory_space<any>>) target(%dma_start3A_1049 : memref<1x2048xf32, #tpu.memory_space<any>>) target_semaphore(%dma_start3A_1047 : memref<!tpu.dma_semaphore, #tpu.memory_space<semaphore_mem>>)
    } else {
    }
    %add3A_34 = arith.constant 1 : i32
    %add3A_35 = arith.addi %mul3A_8, %add3A_34 : i32
    %get3A_36 = arith.index_cast %add3A_35 : i32 to index
    %get3A_37 = memref.load %arg1[%get3A_36] : memref<1024xi32, #tpu.memory_space<smem>>
    %rem3A_38 = arith.constant 8192 : i32
    %rem3A_39 = arith.remsi %get3A_37, %rem3A_38 : i32
    %lt3A_40 = arith.constant 8192 : i32
    %lt3A_41 = arith.cmpi slt, %get3A_37, %lt3A_40 : i32
    %convert_element_type3A_42 = arith.extui %lt3A_41 : i1 to i32
    %cond3A_43 = arith.constant 0 : i32
    %cond3A_44 = arith.cmpi ne, %convert_element_type3A_42, %cond3A_43 : i32
    scf.if %cond3A_44 {
      %dma_start3A = tpu.memref_slice %arg6[%select_n3A_7] : memref<2x!tpu.dma_semaphore, #tpu.memory_space<semaphore_mem>> -> memref<1x!tpu.dma_semaphore, #tpu.memory_space<semaphore_mem>>
      %dma_start3A_1047 = tpu.memref_squeeze %dma_start3A : memref<1x!tpu.dma_semaphore, #tpu.memory_space<semaphore_mem>> -> memref<!tpu.dma_semaphore, #tpu.memory_space<semaphore_mem>>
      %dma_start3A_1048 = arith.constant 0 : i32
      %dma_start3A_1049 = tpu.memref_slice %arg4[%rem3A_39, %dma_start3A_1048] : memref<8192x2048xf32, #tpu.memory_space<any>> -> memref<1x2048xf32, #tpu.memory_space<any>>
      %dma_start3A_1050 = arith.constant 1 : i32
      %dma_start3A_1051 = arith.constant 0 : i32
      %dma_start3A_1052 = tpu.memref_slice %arg5[%select_n3A_7, %dma_start3A_1050, %dma_start3A_1051] : memref<2x64x2048xf32, #tpu.memory_space<vmem>> -> memref<1x1x2048xf32, #tpu.memory_space<vmem>>
      %dma_start3A_1053 = tpu.memref_squeeze %dma_start3A_1052 : memref<1x1x2048xf32, #tpu.memory_space<vmem>> -> memref<1x2048xf32, #tpu.memory_space<vmem>>
      tpu.enqueue_dma source(%dma_start3A_1053 : memref<1x2048xf32, #tpu.memory_space<vmem>>) target(%dma_start3A_1049 : memref<1x2048xf32, #tpu.memory_space<any>>) target_semaphore(%dma_start3A_1047 : memref<!tpu.dma_semaphore, #tpu.memory_space<semaphore_mem>>)
    } else {
    }
    %ge3A_45 = arith.constant 8192 : i32
    %ge3A_46 = arith.cmpi sge, %get3A_37, %ge3A_45 : i32
    %convert_element_type3A_47 = arith.extui %ge3A_46 : i1 to i32
    %cond3A_48 = arith.constant 0 : i32
    %cond3A_49 = arith.cmpi ne, %convert_element_type3A_47, %cond3A_48 : i32
    scf.if %cond3A_49 {
      %dma_start3A = tpu.memref_slice %arg6[%select_n3A_7] : memref<2x!tpu.dma_semaphore, #tpu.memory_space<semaphore_mem>> -> memref<1x!tpu.dma_semaphore, #tpu.memory_space<semaphore_mem>>
      %dma_start3A_1047 = tpu.memref_squeeze %dma_start3A : memref<1x!tpu.dma_semaphore, #tpu.memory_space<semaphore_mem>> -> memref<!tpu.dma_semaphore, #tpu.memory_space<semaphore_mem>>
      %dma_start3A_1048 = arith.constant 0 : i32
      %dma_start3A_1049 = tpu.memref_slice %arg4[%rem3A_39, %dma_start3A_1048] : memref<8192x2048xf32, #tpu.memory_space<any>> -> memref<1x2048xf32, #tpu.memory_space<any>>
      %dma_start3A_1050 = arith.constant 0 : i32
      %dma_start3A_1051 = tpu.memref_slice %arg2[%rem3A_39, %dma_start3A_1050] : memref<8192x2048xf32, #tpu.memory_space<any>> -> memref<1x2048xf32, #tpu.memory_space<any>>
      tpu.enqueue_dma source(%dma_start3A_1051 : memref<1x2048xf32, #tpu.memory_space<any>>) target(%dma_start3A_1049 : memref<1x2048xf32, #tpu.memory_space<any>>) target_semaphore(%dma_start3A_1047 : memref<!tpu.dma_semaphore, #tpu.memory_space<semaphore_mem>>)
    } else {
    }
    %add3A_50 = arith.constant 2 : i32
    %add3A_51 = arith.addi %mul3A_8, %add3A_50 : i32
    %get3A_52 = arith.index_cast %add3A_51 : i32 to index
    %get3A_53 = memref.load %arg1[%get3A_52] : memref<1024xi32, #tpu.memory_space<smem>>
    %rem3A_54 = arith.constant 8192 : i32
    %rem3A_55 = arith.remsi %get3A_53, %rem3A_54 : i32
    %lt3A_56 = arith.constant 8192 : i32
    %lt3A_57 = arith.cmpi slt, %get3A_53, %lt3A_56 : i32
    %convert_element_type3A_58 = arith.extui %lt3A_57 : i1 to i32
    %cond3A_59 = arith.constant 0 : i32
    %cond3A_60 = arith.cmpi ne, %convert_element_type3A_58, %cond3A_59 : i32
    scf.if %cond3A_60 {
      %dma_start3A = tpu.memref_slice %arg6[%select_n3A_7] : memref<2x!tpu.dma_semaphore, #tpu.memory_space<semaphore_mem>> -> memref<1x!tpu.dma_semaphore, #tpu.memory_space<semaphore_mem>>
      %dma_start3A_1047 = tpu.memref_squeeze %dma_start3A : memref<1x!tpu.dma_semaphore, #tpu.memory_space<semaphore_mem>> -> memref<!tpu.dma_semaphore, #tpu.memory_space<semaphore_mem>>
      %dma_start3A_1048 = arith.constant 0 : i32
      %dma_start3A_1049 = tpu.memref_slice %arg4[%rem3A_55, %dma_start3A_1048] : memref<8192x2048xf32, #tpu.memory_space<any>> -> memref<1x2048xf32, #tpu.memory_space<any>>
      %dma_start3A_1050 = arith.constant 2 : i32
      %dma_start3A_1051 = arith.constant 0 : i32
      %dma_start3A_1052 = tpu.memref_slice %arg5[%select_n3A_7, %dma_start3A_1050, %dma_start3A_1051] : memref<2x64x2048xf32, #tpu.memory_space<vmem>> -> memref<1x1x2048xf32, #tpu.memory_space<vmem>>
      %dma_start3A_1053 = tpu.memref_squeeze %dma_start3A_1052 : memref<1x1x2048xf32, #tpu.memory_space<vmem>> -> memref<1x2048xf32, #tpu.memory_space<vmem>>
      tpu.enqueue_dma source(%dma_start3A_1053 : memref<1x2048xf32, #tpu.memory_space<vmem>>) target(%dma_start3A_1049 : memref<1x2048xf32, #tpu.memory_space<any>>) target_semaphore(%dma_start3A_1047 : memref<!tpu.dma_semaphore, #tpu.memory_space<semaphore_mem>>)
    } else {
    }
    %ge3A_61 = arith.constant 8192 : i32
    %ge3A_62 = arith.cmpi sge, %get3A_53, %ge3A_61 : i32
    %convert_element_type3A_63 = arith.extui %ge3A_62 : i1 to i32
    %cond3A_64 = arith.constant 0 : i32
    %cond3A_65 = arith.cmpi ne, %convert_element_type3A_63, %cond3A_64 : i32
    scf.if %cond3A_65 {
      %dma_start3A = tpu.memref_slice %arg6[%select_n3A_7] : memref<2x!tpu.dma_semaphore, #tpu.memory_space<semaphore_mem>> -> memref<1x!tpu.dma_semaphore, #tpu.memory_space<semaphore_mem>>
      %dma_start3A_1047 = tpu.memref_squeeze %dma_start3A : memref<1x!tpu.dma_semaphore, #tpu.memory_space<semaphore_mem>> -> memref<!tpu.dma_semaphore, #tpu.memory_space<semaphore_mem>>
      %dma_start3A_1048 = arith.constant 0 : i32
      %dma_start3A_1049 = tpu.memref_slice %arg4[%rem3A_55, %dma_start3A_1048] : memref<8192x2048xf32, #tpu.memory_space<any>> -> memref<1x2048xf32, #tpu.memory_space<any>>
      %dma_start3A_1050 = arith.constant 0 : i32
      %dma_start3A_1051 = tpu.memref_slice %arg2[%rem3A_55, %dma_start3A_1050] : memref<8192x2048xf32, #tpu.memory_space<any>> -> memref<1x2048xf32, #tpu.memory_space<any>>
      tpu.enqueue_dma source(%dma_start3A_1051 : memref<1x2048xf32, #tpu.memory_space<any>>) target(%dma_start3A_1049 : memref<1x2048xf32, #tpu.memory_space<any>>) target_semaphore(%dma_start3A_1047 : memref<!tpu.dma_semaphore, #tpu.memory_space<semaphore_mem>>)
    } else {
    }
    %add3A_66 = arith.constant 3 : i32
    %add3A_67 = arith.addi %mul3A_8, %add3A_66 : i32
    %get3A_68 = arith.index_cast %add3A_67 : i32 to index
    %get3A_69 = memref.load %arg1[%get3A_68] : memref<1024xi32, #tpu.memory_space<smem>>
    %rem3A_70 = arith.constant 8192 : i32
    %rem3A_71 = arith.remsi %get3A_69, %rem3A_70 : i32
    %lt3A_72 = arith.constant 8192 : i32
    %lt3A_73 = arith.cmpi slt, %get3A_69, %lt3A_72 : i32
    %convert_element_type3A_74 = arith.extui %lt3A_73 : i1 to i32
    %cond3A_75 = arith.constant 0 : i32
    %cond3A_76 = arith.cmpi ne, %convert_element_type3A_74, %cond3A_75 : i32
    scf.if %cond3A_76 {
      %dma_start3A = tpu.memref_slice %arg6[%select_n3A_7] : memref<2x!tpu.dma_semaphore, #tpu.memory_space<semaphore_mem>> -> memref<1x!tpu.dma_semaphore, #tpu.memory_space<semaphore_mem>>
      %dma_start3A_1047 = tpu.memref_squeeze %dma_start3A : memref<1x!tpu.dma_semaphore, #tpu.memory_space<semaphore_mem>> -> memref<!tpu.dma_semaphore, #tpu.memory_space<semaphore_mem>>
      %dma_start3A_1048 = arith.constant 0 : i32
      %dma_start3A_1049 = tpu.memref_slice %arg4[%rem3A_71, %dma_start3A_1048] : memref<8192x2048xf32, #tpu.memory_space<any>> -> memref<1x2048xf32, #tpu.memory_space<any>>
      %dma_start3A_1050 = arith.constant 3 : i32
      %dma_start3A_1051 = arith.constant 0 : i32
      %dma_start3A_1052 = tpu.memref_slice %arg5[%select_n3A_7, %dma_start3A_1050, %dma_start3A_1051] : memref<2x64x2048xf32, #tpu.memory_space<vmem>> -> memref<1x1x2048xf32, #tpu.memory_space<vmem>>
      %dma_start3A_1053 = tpu.memref_squeeze %dma_start3A_1052 : memref<1x1x2048xf32, #tpu.memory_space<vmem>> -> memref<1x2048xf32, #tpu.memory_space<vmem>>
      tpu.enqueue_dma source(%dma_start3A_1053 : memref<1x2048xf32, #tpu.memory_space<vmem>>) target(%dma_start3A_1049 : memref<1x2048xf32, #tpu.memory_space<any>>) target_semaphore(%dma_start3A_1047 : memref<!tpu.dma_semaphore, #tpu.memory_space<semaphore_mem>>)
    } else {
    }
    %ge3A_77 = arith.constant 8192 : i32
    %ge3A_78 = arith.cmpi sge, %get3A_69, %ge3A_77 : i32
    %convert_element_type3A_79 = arith.extui %ge3A_78 : i1 to i32
    %cond3A_80 = arith.constant 0 : i32
    %cond3A_81 = arith.cmpi ne, %convert_element_type3A_79, %cond3A_80 : i32
    scf.if %cond3A_81 {
      %dma_start3A = tpu.memref_slice %arg6[%select_n3A_7] : memref<2x!tpu.dma_semaphore, #tpu.memory_space<semaphore_mem>> -> memref<1x!tpu.dma_semaphore, #tpu.memory_space<semaphore_mem>>
      %dma_start3A_1047 = tpu.memref_squeeze %dma_start3A : memref<1x!tpu.dma_semaphore, #tpu.memory_space<semaphore_mem>> -> memref<!tpu.dma_semaphore, #tpu.memory_space<semaphore_mem>>
      %dma_start3A_1048 = arith.constant 0 : i32
      %dma_start3A_1049 = tpu.memref_slice %arg4[%rem3A_71, %dma_start3A_1048] : memref<8192x2048xf32, #tpu.memory_space<any>> -> memref<1x2048xf32, #tpu.memory_space<any>>
      %dma_start3A_1050 = arith.constant 0 : i32
      %dma_start3A_1051 = tpu.memref_slice %arg2[%rem3A_71, %dma_start3A_1050] : memref<8192x2048xf32, #tpu.memory_space<any>> -> memref<1x2048xf32, #tpu.memory_space<any>>
      tpu.enqueue_dma source(%dma_start3A_1051 : memref<1x2048xf32, #tpu.memory_space<any>>) target(%dma_start3A_1049 : memref<1x2048xf32, #tpu.memory_space<any>>) target_semaphore(%dma_start3A_1047 : memref<!tpu.dma_semaphore, #tpu.memory_space<semaphore_mem>>)
    } else {
    }
    %add3A_82 = arith.constant 4 : i32
    %add3A_83 = arith.addi %mul3A_8, %add3A_82 : i32
    %get3A_84 = arith.index_cast %add3A_83 : i32 to index
    %get3A_85 = memref.load %arg1[%get3A_84] : memref<1024xi32, #tpu.memory_space<smem>>
    %rem3A_86 = arith.constant 8192 : i32
    %rem3A_87 = arith.remsi %get3A_85, %rem3A_86 : i32
    %lt3A_88 = arith.constant 8192 : i32
    %lt3A_89 = arith.cmpi slt, %get3A_85, %lt3A_88 : i32
    %convert_element_type3A_90 = arith.extui %lt3A_89 : i1 to i32
    %cond3A_91 = arith.constant 0 : i32
    %cond3A_92 = arith.cmpi ne, %convert_element_type3A_90, %cond3A_91 : i32
    scf.if %cond3A_92 {
      %dma_start3A = tpu.memref_slice %arg6[%select_n3A_7] : memref<2x!tpu.dma_semaphore, #tpu.memory_space<semaphore_mem>> -> memref<1x!tpu.dma_semaphore, #tpu.memory_space<semaphore_mem>>
      %dma_start3A_1047 = tpu.memref_squeeze %dma_start3A : memref<1x!tpu.dma_semaphore, #tpu.memory_space<semaphore_mem>> -> memref<!tpu.dma_semaphore, #tpu.memory_space<semaphore_mem>>
      %dma_start3A_1048 = arith.constant 0 : i32
      %dma_start3A_1049 = tpu.memref_slice %arg4[%rem3A_87, %dma_start3A_1048] : memref<8192x2048xf32, #tpu.memory_space<any>> -> memref<1x2048xf32, #tpu.memory_space<any>>
      %dma_start3A_1050 = arith.constant 4 : i32
      %dma_start3A_1051 = arith.constant 0 : i32
      %dma_start3A_1052 = tpu.memref_slice %arg5[%select_n3A_7, %dma_start3A_1050, %dma_start3A_1051] : memref<2x64x2048xf32, #tpu.memory_space<vmem>> -> memref<1x1x2048xf32, #tpu.memory_space<vmem>>
      %dma_start3A_1053 = tpu.memref_squeeze %dma_start3A_1052 : memref<1x1x2048xf32, #tpu.memory_space<vmem>> -> memref<1x2048xf32, #tpu.memory_space<vmem>>
      tpu.enqueue_dma source(%dma_start3A_1053 : memref<1x2048xf32, #tpu.memory_space<vmem>>) target(%dma_start3A_1049 : memref<1x2048xf32, #tpu.memory_space<any>>) target_semaphore(%dma_start3A_1047 : memref<!tpu.dma_semaphore, #tpu.memory_space<semaphore_mem>>)
    } else {
    }
    %ge3A_93 = arith.constant 8192 : i32
    %ge3A_94 = arith.cmpi sge, %get3A_85, %ge3A_93 : i32
    %convert_element_type3A_95 = arith.extui %ge3A_94 : i1 to i32
    %cond3A_96 = arith.constant 0 : i32
    %cond3A_97 = arith.cmpi ne, %convert_element_type3A_95, %cond3A_96 : i32
    scf.if %cond3A_97 {
      %dma_start3A = tpu.memref_slice %arg6[%select_n3A_7] : memref<2x!tpu.dma_semaphore, #tpu.memory_space<semaphore_mem>> -> memref<1x!tpu.dma_semaphore, #tpu.memory_space<semaphore_mem>>
      %dma_start3A_1047 = tpu.memref_squeeze %dma_start3A : memref<1x!tpu.dma_semaphore, #tpu.memory_space<semaphore_mem>> -> memref<!tpu.dma_semaphore, #tpu.memory_space<semaphore_mem>>
      %dma_start3A_1048 = arith.constant 0 : i32
      %dma_start3A_1049 = tpu.memref_slice %arg4[%rem3A_87, %dma_start3A_1048] : memref<8192x2048xf32, #tpu.memory_space<any>> -> memref<1x2048xf32, #tpu.memory_space<any>>
      %dma_start3A_1050 = arith.constant 0 : i32
      %dma_start3A_1051 = tpu.memref_slice %arg2[%rem3A_87, %dma_start3A_1050] : memref<8192x2048xf32, #tpu.memory_space<any>> -> memref<1x2048xf32, #tpu.memory_space<any>>
      tpu.enqueue_dma source(%dma_start3A_1051 : memref<1x2048xf32, #tpu.memory_space<any>>) target(%dma_start3A_1049 : memref<1x2048xf32, #tpu.memory_space<any>>) target_semaphore(%dma_start3A_1047 : memref<!tpu.dma_semaphore, #tpu.memory_space<semaphore_mem>>)
    } else {
    }
    %add3A_98 = arith.constant 5 : i32
    %add3A_99 = arith.addi %mul3A_8, %add3A_98 : i32
    %get3A_100 = arith.index_cast %add3A_99 : i32 to index
    %get3A_101 = memref.load %arg1[%get3A_100] : memref<1024xi32, #tpu.memory_space<smem>>
    %rem3A_102 = arith.constant 8192 : i32
    %rem3A_103 = arith.remsi %get3A_101, %rem3A_102 : i32
    %lt3A_104 = arith.constant 8192 : i32
    %lt3A_105 = arith.cmpi slt, %get3A_101, %lt3A_104 : i32
    %convert_element_type3A_106 = arith.extui %lt3A_105 : i1 to i32
    %cond3A_107 = arith.constant 0 : i32
    %cond3A_108 = arith.cmpi ne, %convert_element_type3A_106, %cond3A_107 : i32
    scf.if %cond3A_108 {
      %dma_start3A = tpu.memref_slice %arg6[%select_n3A_7] : memref<2x!tpu.dma_semaphore, #tpu.memory_space<semaphore_mem>> -> memref<1x!tpu.dma_semaphore, #tpu.memory_space<semaphore_mem>>
      %dma_start3A_1047 = tpu.memref_squeeze %dma_start3A : memref<1x!tpu.dma_semaphore, #tpu.memory_space<semaphore_mem>> -> memref<!tpu.dma_semaphore, #tpu.memory_space<semaphore_mem>>
      %dma_start3A_1048 = arith.constant 0 : i32
      %dma_start3A_1049 = tpu.memref_slice %arg4[%rem3A_103, %dma_start3A_1048] : memref<8192x2048xf32, #tpu.memory_space<any>> -> memref<1x2048xf32, #tpu.memory_space<any>>
      %dma_start3A_1050 = arith.constant 5 : i32
      %dma_start3A_1051 = arith.constant 0 : i32
      %dma_start3A_1052 = tpu.memref_slice %arg5[%select_n3A_7, %dma_start3A_1050, %dma_start3A_1051] : memref<2x64x2048xf32, #tpu.memory_space<vmem>> -> memref<1x1x2048xf32, #tpu.memory_space<vmem>>
      %dma_start3A_1053 = tpu.memref_squeeze %dma_start3A_1052 : memref<1x1x2048xf32, #tpu.memory_space<vmem>> -> memref<1x2048xf32, #tpu.memory_space<vmem>>
      tpu.enqueue_dma source(%dma_start3A_1053 : memref<1x2048xf32, #tpu.memory_space<vmem>>) target(%dma_start3A_1049 : memref<1x2048xf32, #tpu.memory_space<any>>) target_semaphore(%dma_start3A_1047 : memref<!tpu.dma_semaphore, #tpu.memory_space<semaphore_mem>>)
    } else {
    }
    %ge3A_109 = arith.constant 8192 : i32
    %ge3A_110 = arith.cmpi sge, %get3A_101, %ge3A_109 : i32
    %convert_element_type3A_111 = arith.extui %ge3A_110 : i1 to i32
    %cond3A_112 = arith.constant 0 : i32
    %cond3A_113 = arith.cmpi ne, %convert_element_type3A_111, %cond3A_112 : i32
    scf.if %cond3A_113 {
      %dma_start3A = tpu.memref_slice %arg6[%select_n3A_7] : memref<2x!tpu.dma_semaphore, #tpu.memory_space<semaphore_mem>> -> memref<1x!tpu.dma_semaphore, #tpu.memory_space<semaphore_mem>>
      %dma_start3A_1047 = tpu.memref_squeeze %dma_start3A : memref<1x!tpu.dma_semaphore, #tpu.memory_space<semaphore_mem>> -> memref<!tpu.dma_semaphore, #tpu.memory_space<semaphore_mem>>
      %dma_start3A_1048 = arith.constant 0 : i32
      %dma_start3A_1049 = tpu.memref_slice %arg4[%rem3A_103, %dma_start3A_1048] : memref<8192x2048xf32, #tpu.memory_space<any>> -> memref<1x2048xf32, #tpu.memory_space<any>>
      %dma_start3A_1050 = arith.constant 0 : i32
      %dma_start3A_1051 = tpu.memref_slice %arg2[%rem3A_103, %dma_start3A_1050] : memref<8192x2048xf32, #tpu.memory_space<any>> -> memref<1x2048xf32, #tpu.memory_space<any>>
      tpu.enqueue_dma source(%dma_start3A_1051 : memref<1x2048xf32, #tpu.memory_space<any>>) target(%dma_start3A_1049 : memref<1x2048xf32, #tpu.memory_space<any>>) target_semaphore(%dma_start3A_1047 : memref<!tpu.dma_semaphore, #tpu.memory_space<semaphore_mem>>)
    } else {
    }
    %add3A_114 = arith.constant 6 : i32
    %add3A_115 = arith.addi %mul3A_8, %add3A_114 : i32
    %get3A_116 = arith.index_cast %add3A_115 : i32 to index
    %get3A_117 = memref.load %arg1[%get3A_116] : memref<1024xi32, #tpu.memory_space<smem>>
    %rem3A_118 = arith.constant 8192 : i32
    %rem3A_119 = arith.remsi %get3A_117, %rem3A_118 : i32
    %lt3A_120 = arith.constant 8192 : i32
    %lt3A_121 = arith.cmpi slt, %get3A_117, %lt3A_120 : i32
    %convert_element_type3A_122 = arith.extui %lt3A_121 : i1 to i32
    %cond3A_123 = arith.constant 0 : i32
    %cond3A_124 = arith.cmpi ne, %convert_element_type3A_122, %cond3A_123 : i32
    scf.if %cond3A_124 {
      %dma_start3A = tpu.memref_slice %arg6[%select_n3A_7] : memref<2x!tpu.dma_semaphore, #tpu.memory_space<semaphore_mem>> -> memref<1x!tpu.dma_semaphore, #tpu.memory_space<semaphore_mem>>
      %dma_start3A_1047 = tpu.memref_squeeze %dma_start3A : memref<1x!tpu.dma_semaphore, #tpu.memory_space<semaphore_mem>> -> memref<!tpu.dma_semaphore, #tpu.memory_space<semaphore_mem>>
      %dma_start3A_1048 = arith.constant 0 : i32
      %dma_start3A_1049 = tpu.memref_slice %arg4[%rem3A_119, %dma_start3A_1048] : memref<8192x2048xf32, #tpu.memory_space<any>> -> memref<1x2048xf32, #tpu.memory_space<any>>
      %dma_start3A_1050 = arith.constant 6 : i32
      %dma_start3A_1051 = arith.constant 0 : i32
      %dma_start3A_1052 = tpu.memref_slice %arg5[%select_n3A_7, %dma_start3A_1050, %dma_start3A_1051] : memref<2x64x2048xf32, #tpu.memory_space<vmem>> -> memref<1x1x2048xf32, #tpu.memory_space<vmem>>
      %dma_start3A_1053 = tpu.memref_squeeze %dma_start3A_1052 : memref<1x1x2048xf32, #tpu.memory_space<vmem>> -> memref<1x2048xf32, #tpu.memory_space<vmem>>
      tpu.enqueue_dma source(%dma_start3A_1053 : memref<1x2048xf32, #tpu.memory_space<vmem>>) target(%dma_start3A_1049 : memref<1x2048xf32, #tpu.memory_space<any>>) target_semaphore(%dma_start3A_1047 : memref<!tpu.dma_semaphore, #tpu.memory_space<semaphore_mem>>)
    } else {
    }
    %ge3A_125 = arith.constant 8192 : i32
    %ge3A_126 = arith.cmpi sge, %get3A_117, %ge3A_125 : i32
    %convert_element_type3A_127 = arith.extui %ge3A_126 : i1 to i32
    %cond3A_128 = arith.constant 0 : i32
    %cond3A_129 = arith.cmpi ne, %convert_element_type3A_127, %cond3A_128 : i32
    scf.if %cond3A_129 {
      %dma_start3A = tpu.memref_slice %arg6[%select_n3A_7] : memref<2x!tpu.dma_semaphore, #tpu.memory_space<semaphore_mem>> -> memref<1x!tpu.dma_semaphore, #tpu.memory_space<semaphore_mem>>
      %dma_start3A_1047 = tpu.memref_squeeze %dma_start3A : memref<1x!tpu.dma_semaphore, #tpu.memory_space<semaphore_mem>> -> memref<!tpu.dma_semaphore, #tpu.memory_space<semaphore_mem>>
      %dma_start3A_1048 = arith.constant 0 : i32
      %dma_start3A_1049 = tpu.memref_slice %arg4[%rem3A_119, %dma_start3A_1048] : memref<8192x2048xf32, #tpu.memory_space<any>> -> memref<1x2048xf32, #tpu.memory_space<any>>
      %dma_start3A_1050 = arith.constant 0 : i32
      %dma_start3A_1051 = tpu.memref_slice %arg2[%rem3A_119, %dma_start3A_1050] : memref<8192x2048xf32, #tpu.memory_space<any>> -> memref<1x2048xf32, #tpu.memory_space<any>>
      tpu.enqueue_dma source(%dma_start3A_1051 : memref<1x2048xf32, #tpu.memory_space<any>>) target(%dma_start3A_1049 : memref<1x2048xf32, #tpu.memory_space<any>>) target_semaphore(%dma_start3A_1047 : memref<!tpu.dma_semaphore, #tpu.memory_space<semaphore_mem>>)
    } else {
    }
    %add3A_130 = arith.constant 7 : i32
    %add3A_131 = arith.addi %mul3A_8, %add3A_130 : i32
    %get3A_132 = arith.index_cast %add3A_131 : i32 to index
    %get3A_133 = memref.load %arg1[%get3A_132] : memref<1024xi32, #tpu.memory_space<smem>>
    %rem3A_134 = arith.constant 8192 : i32
    %rem3A_135 = arith.remsi %get3A_133, %rem3A_134 : i32
    %lt3A_136 = arith.constant 8192 : i32
    %lt3A_137 = arith.cmpi slt, %get3A_133, %lt3A_136 : i32
    %convert_element_type3A_138 = arith.extui %lt3A_137 : i1 to i32
    %cond3A_139 = arith.constant 0 : i32
    %cond3A_140 = arith.cmpi ne, %convert_element_type3A_138, %cond3A_139 : i32
    scf.if %cond3A_140 {
      %dma_start3A = tpu.memref_slice %arg6[%select_n3A_7] : memref<2x!tpu.dma_semaphore, #tpu.memory_space<semaphore_mem>> -> memref<1x!tpu.dma_semaphore, #tpu.memory_space<semaphore_mem>>
      %dma_start3A_1047 = tpu.memref_squeeze %dma_start3A : memref<1x!tpu.dma_semaphore, #tpu.memory_space<semaphore_mem>> -> memref<!tpu.dma_semaphore, #tpu.memory_space<semaphore_mem>>
      %dma_start3A_1048 = arith.constant 0 : i32
      %dma_start3A_1049 = tpu.memref_slice %arg4[%rem3A_135, %dma_start3A_1048] : memref<8192x2048xf32, #tpu.memory_space<any>> -> memref<1x2048xf32, #tpu.memory_space<any>>
      %dma_start3A_1050 = arith.constant 7 : i32
      %dma_start3A_1051 = arith.constant 0 : i32
      %dma_start3A_1052 = tpu.memref_slice %arg5[%select_n3A_7, %dma_start3A_1050, %dma_start3A_1051] : memref<2x64x2048xf32, #tpu.memory_space<vmem>> -> memref<1x1x2048xf32, #tpu.memory_space<vmem>>
      %dma_start3A_1053 = tpu.memref_squeeze %dma_start3A_1052 : memref<1x1x2048xf32, #tpu.memory_space<vmem>> -> memref<1x2048xf32, #tpu.memory_space<vmem>>
      tpu.enqueue_dma source(%dma_start3A_1053 : memref<1x2048xf32, #tpu.memory_space<vmem>>) target(%dma_start3A_1049 : memref<1x2048xf32, #tpu.memory_space<any>>) target_semaphore(%dma_start3A_1047 : memref<!tpu.dma_semaphore, #tpu.memory_space<semaphore_mem>>)
    } else {
    }
    %ge3A_141 = arith.constant 8192 : i32
    %ge3A_142 = arith.cmpi sge, %get3A_133, %ge3A_141 : i32
    %convert_element_type3A_143 = arith.extui %ge3A_142 : i1 to i32
    %cond3A_144 = arith.constant 0 : i32
    %cond3A_145 = arith.cmpi ne, %convert_element_type3A_143, %cond3A_144 : i32
    scf.if %cond3A_145 {
      %dma_start3A = tpu.memref_slice %arg6[%select_n3A_7] : memref<2x!tpu.dma_semaphore, #tpu.memory_space<semaphore_mem>> -> memref<1x!tpu.dma_semaphore, #tpu.memory_space<semaphore_mem>>
      %dma_start3A_1047 = tpu.memref_squeeze %dma_start3A : memref<1x!tpu.dma_semaphore, #tpu.memory_space<semaphore_mem>> -> memref<!tpu.dma_semaphore, #tpu.memory_space<semaphore_mem>>
      %dma_start3A_1048 = arith.constant 0 : i32
      %dma_start3A_1049 = tpu.memref_slice %arg4[%rem3A_135, %dma_start3A_1048] : memref<8192x2048xf32, #tpu.memory_space<any>> -> memref<1x2048xf32, #tpu.memory_space<any>>
      %dma_start3A_1050 = arith.constant 0 : i32
      %dma_start3A_1051 = tpu.memref_slice %arg2[%rem3A_135, %dma_start3A_1050] : memref<8192x2048xf32, #tpu.memory_space<any>> -> memref<1x2048xf32, #tpu.memory_space<any>>
      tpu.enqueue_dma source(%dma_start3A_1051 : memref<1x2048xf32, #tpu.memory_space<any>>) target(%dma_start3A_1049 : memref<1x2048xf32, #tpu.memory_space<any>>) target_semaphore(%dma_start3A_1047 : memref<!tpu.dma_semaphore, #tpu.memory_space<semaphore_mem>>)
    } else {
    }
    %add3A_146 = arith.constant 8 : i32
    %add3A_147 = arith.addi %mul3A_8, %add3A_146 : i32
    %get3A_148 = arith.index_cast %add3A_147 : i32 to index
    %get3A_149 = memref.load %arg1[%get3A_148] : memref<1024xi32, #tpu.memory_space<smem>>
    %rem3A_150 = arith.constant 8192 : i32
    %rem3A_151 = arith.remsi %get3A_149, %rem3A_150 : i32
    %lt3A_152 = arith.constant 8192 : i32
    %lt3A_153 = arith.cmpi slt, %get3A_149, %lt3A_152 : i32
    %convert_element_type3A_154 = arith.extui %lt3A_153 : i1 to i32
    %cond3A_155 = arith.constant 0 : i32
    %cond3A_156 = arith.cmpi ne, %convert_element_type3A_154, %cond3A_155 : i32
    scf.if %cond3A_156 {
      %dma_start3A = tpu.memref_slice %arg6[%select_n3A_7] : memref<2x!tpu.dma_semaphore, #tpu.memory_space<semaphore_mem>> -> memref<1x!tpu.dma_semaphore, #tpu.memory_space<semaphore_mem>>
      %dma_start3A_1047 = tpu.memref_squeeze %dma_start3A : memref<1x!tpu.dma_semaphore, #tpu.memory_space<semaphore_mem>> -> memref<!tpu.dma_semaphore, #tpu.memory_space<semaphore_mem>>
      %dma_start3A_1048 = arith.constant 0 : i32
      %dma_start3A_1049 = tpu.memref_slice %arg4[%rem3A_151, %dma_start3A_1048] : memref<8192x2048xf32, #tpu.memory_space<any>> -> memref<1x2048xf32, #tpu.memory_space<any>>
      %dma_start3A_1050 = arith.constant 8 : i32
      %dma_start3A_1051 = arith.constant 0 : i32
      %dma_start3A_1052 = tpu.memref_slice %arg5[%select_n3A_7, %dma_start3A_1050, %dma_start3A_1051] : memref<2x64x2048xf32, #tpu.memory_space<vmem>> -> memref<1x1x2048xf32, #tpu.memory_space<vmem>>
      %dma_start3A_1053 = tpu.memref_squeeze %dma_start3A_1052 : memref<1x1x2048xf32, #tpu.memory_space<vmem>> -> memref<1x2048xf32, #tpu.memory_space<vmem>>
      tpu.enqueue_dma source(%dma_start3A_1053 : memref<1x2048xf32, #tpu.memory_space<vmem>>) target(%dma_start3A_1049 : memref<1x2048xf32, #tpu.memory_space<any>>) target_semaphore(%dma_start3A_1047 : memref<!tpu.dma_semaphore, #tpu.memory_space<semaphore_mem>>)
    } else {
    }
    %ge3A_157 = arith.constant 8192 : i32
    %ge3A_158 = arith.cmpi sge, %get3A_149, %ge3A_157 : i32
    %convert_element_type3A_159 = arith.extui %ge3A_158 : i1 to i32
    %cond3A_160 = arith.constant 0 : i32
    %cond3A_161 = arith.cmpi ne, %convert_element_type3A_159, %cond3A_160 : i32
    scf.if %cond3A_161 {
      %dma_start3A = tpu.memref_slice %arg6[%select_n3A_7] : memref<2x!tpu.dma_semaphore, #tpu.memory_space<semaphore_mem>> -> memref<1x!tpu.dma_semaphore, #tpu.memory_space<semaphore_mem>>
      %dma_start3A_1047 = tpu.memref_squeeze %dma_start3A : memref<1x!tpu.dma_semaphore, #tpu.memory_space<semaphore_mem>> -> memref<!tpu.dma_semaphore, #tpu.memory_space<semaphore_mem>>
      %dma_start3A_1048 = arith.constant 0 : i32
      %dma_start3A_1049 = tpu.memref_slice %arg4[%rem3A_151, %dma_start3A_1048] : memref<8192x2048xf32, #tpu.memory_space<any>> -> memref<1x2048xf32, #tpu.memory_space<any>>
      %dma_start3A_1050 = arith.constant 0 : i32
      %dma_start3A_1051 = tpu.memref_slice %arg2[%rem3A_151, %dma_start3A_1050] : memref<8192x2048xf32, #tpu.memory_space<any>> -> memref<1x2048xf32, #tpu.memory_space<any>>
      tpu.enqueue_dma source(%dma_start3A_1051 : memref<1x2048xf32, #tpu.memory_space<any>>) target(%dma_start3A_1049 : memref<1x2048xf32, #tpu.memory_space<any>>) target_semaphore(%dma_start3A_1047 : memref<!tpu.dma_semaphore, #tpu.memory_space<semaphore_mem>>)
    } else {
    }
    %add3A_162 = arith.constant 9 : i32
    %add3A_163 = arith.addi %mul3A_8, %add3A_162 : i32
    %get3A_164 = arith.index_cast %add3A_163 : i32 to index
    %get3A_165 = memref.load %arg1[%get3A_164] : memref<1024xi32, #tpu.memory_space<smem>>
    %rem3A_166 = arith.constant 8192 : i32
    %rem3A_167 = arith.remsi %get3A_165, %rem3A_166 : i32
    %lt3A_168 = arith.constant 8192 : i32
    %lt3A_169 = arith.cmpi slt, %get3A_165, %lt3A_168 : i32
    %convert_element_type3A_170 = arith.extui %lt3A_169 : i1 to i32
    %cond3A_171 = arith.constant 0 : i32
    %cond3A_172 = arith.cmpi ne, %convert_element_type3A_170, %cond3A_171 : i32
    scf.if %cond3A_172 {
      %dma_start3A = tpu.memref_slice %arg6[%select_n3A_7] : memref<2x!tpu.dma_semaphore, #tpu.memory_space<semaphore_mem>> -> memref<1x!tpu.dma_semaphore, #tpu.memory_space<semaphore_mem>>
      %dma_start3A_1047 = tpu.memref_squeeze %dma_start3A : memref<1x!tpu.dma_semaphore, #tpu.memory_space<semaphore_mem>> -> memref<!tpu.dma_semaphore, #tpu.memory_space<semaphore_mem>>
      %dma_start3A_1048 = arith.constant 0 : i32
      %dma_start3A_1049 = tpu.memref_slice %arg4[%rem3A_167, %dma_start3A_1048] : memref<8192x2048xf32, #tpu.memory_space<any>> -> memref<1x2048xf32, #tpu.memory_space<any>>
      %dma_start3A_1050 = arith.constant 9 : i32
      %dma_start3A_1051 = arith.constant 0 : i32
      %dma_start3A_1052 = tpu.memref_slice %arg5[%select_n3A_7, %dma_start3A_1050, %dma_start3A_1051] : memref<2x64x2048xf32, #tpu.memory_space<vmem>> -> memref<1x1x2048xf32, #tpu.memory_space<vmem>>
      %dma_start3A_1053 = tpu.memref_squeeze %dma_start3A_1052 : memref<1x1x2048xf32, #tpu.memory_space<vmem>> -> memref<1x2048xf32, #tpu.memory_space<vmem>>
      tpu.enqueue_dma source(%dma_start3A_1053 : memref<1x2048xf32, #tpu.memory_space<vmem>>) target(%dma_start3A_1049 : memref<1x2048xf32, #tpu.memory_space<any>>) target_semaphore(%dma_start3A_1047 : memref<!tpu.dma_semaphore, #tpu.memory_space<semaphore_mem>>)
    } else {
    }
    %ge3A_173 = arith.constant 8192 : i32
    %ge3A_174 = arith.cmpi sge, %get3A_165, %ge3A_173 : i32
    %convert_element_type3A_175 = arith.extui %ge3A_174 : i1 to i32
    %cond3A_176 = arith.constant 0 : i32
    %cond3A_177 = arith.cmpi ne, %convert_element_type3A_175, %cond3A_176 : i32
    scf.if %cond3A_177 {
      %dma_start3A = tpu.memref_slice %arg6[%select_n3A_7] : memref<2x!tpu.dma_semaphore, #tpu.memory_space<semaphore_mem>> -> memref<1x!tpu.dma_semaphore, #tpu.memory_space<semaphore_mem>>
      %dma_start3A_1047 = tpu.memref_squeeze %dma_start3A : memref<1x!tpu.dma_semaphore, #tpu.memory_space<semaphore_mem>> -> memref<!tpu.dma_semaphore, #tpu.memory_space<semaphore_mem>>
      %dma_start3A_1048 = arith.constant 0 : i32
      %dma_start3A_1049 = tpu.memref_slice %arg4[%rem3A_167, %dma_start3A_1048] : memref<8192x2048xf32, #tpu.memory_space<any>> -> memref<1x2048xf32, #tpu.memory_space<any>>
      %dma_start3A_1050 = arith.constant 0 : i32
      %dma_start3A_1051 = tpu.memref_slice %arg2[%rem3A_167, %dma_start3A_1050] : memref<8192x2048xf32, #tpu.memory_space<any>> -> memref<1x2048xf32, #tpu.memory_space<any>>
      tpu.enqueue_dma source(%dma_start3A_1051 : memref<1x2048xf32, #tpu.memory_space<any>>) target(%dma_start3A_1049 : memref<1x2048xf32, #tpu.memory_space<any>>) target_semaphore(%dma_start3A_1047 : memref<!tpu.dma_semaphore, #tpu.memory_space<semaphore_mem>>)
    } else {
    }
    %add3A_178 = arith.constant 10 : i32
    %add3A_179 = arith.addi %mul3A_8, %add3A_178 : i32
    %get3A_180 = arith.index_cast %add3A_179 : i32 to index
    %get3A_181 = memref.load %arg1[%get3A_180] : memref<1024xi32, #tpu.memory_space<smem>>
    %rem3A_182 = arith.constant 8192 : i32
    %rem3A_183 = arith.remsi %get3A_181, %rem3A_182 : i32
    %lt3A_184 = arith.constant 8192 : i32
    %lt3A_185 = arith.cmpi slt, %get3A_181, %lt3A_184 : i32
    %convert_element_type3A_186 = arith.extui %lt3A_185 : i1 to i32
    %cond3A_187 = arith.constant 0 : i32
    %cond3A_188 = arith.cmpi ne, %convert_element_type3A_186, %cond3A_187 : i32
    scf.if %cond3A_188 {
      %dma_start3A = tpu.memref_slice %arg6[%select_n3A_7] : memref<2x!tpu.dma_semaphore, #tpu.memory_space<semaphore_mem>> -> memref<1x!tpu.dma_semaphore, #tpu.memory_space<semaphore_mem>>
      %dma_start3A_1047 = tpu.memref_squeeze %dma_start3A : memref<1x!tpu.dma_semaphore, #tpu.memory_space<semaphore_mem>> -> memref<!tpu.dma_semaphore, #tpu.memory_space<semaphore_mem>>
      %dma_start3A_1048 = arith.constant 0 : i32
      %dma_start3A_1049 = tpu.memref_slice %arg4[%rem3A_183, %dma_start3A_1048] : memref<8192x2048xf32, #tpu.memory_space<any>> -> memref<1x2048xf32, #tpu.memory_space<any>>
      %dma_start3A_1050 = arith.constant 10 : i32
      %dma_start3A_1051 = arith.constant 0 : i32
      %dma_start3A_1052 = tpu.memref_slice %arg5[%select_n3A_7, %dma_start3A_1050, %dma_start3A_1051] : memref<2x64x2048xf32, #tpu.memory_space<vmem>> -> memref<1x1x2048xf32, #tpu.memory_space<vmem>>
      %dma_start3A_1053 = tpu.memref_squeeze %dma_start3A_1052 : memref<1x1x2048xf32, #tpu.memory_space<vmem>> -> memref<1x2048xf32, #tpu.memory_space<vmem>>
      tpu.enqueue_dma source(%dma_start3A_1053 : memref<1x2048xf32, #tpu.memory_space<vmem>>) target(%dma_start3A_1049 : memref<1x2048xf32, #tpu.memory_space<any>>) target_semaphore(%dma_start3A_1047 : memref<!tpu.dma_semaphore, #tpu.memory_space<semaphore_mem>>)
    } else {
    }
    %ge3A_189 = arith.constant 8192 : i32
    %ge3A_190 = arith.cmpi sge, %get3A_181, %ge3A_189 : i32
    %convert_element_type3A_191 = arith.extui %ge3A_190 : i1 to i32
    %cond3A_192 = arith.constant 0 : i32
    %cond3A_193 = arith.cmpi ne, %convert_element_type3A_191, %cond3A_192 : i32
    scf.if %cond3A_193 {
      %dma_start3A = tpu.memref_slice %arg6[%select_n3A_7] : memref<2x!tpu.dma_semaphore, #tpu.memory_space<semaphore_mem>> -> memref<1x!tpu.dma_semaphore, #tpu.memory_space<semaphore_mem>>
      %dma_start3A_1047 = tpu.memref_squeeze %dma_start3A : memref<1x!tpu.dma_semaphore, #tpu.memory_space<semaphore_mem>> -> memref<!tpu.dma_semaphore, #tpu.memory_space<semaphore_mem>>
      %dma_start3A_1048 = arith.constant 0 : i32
      %dma_start3A_1049 = tpu.memref_slice %arg4[%rem3A_183, %dma_start3A_1048] : memref<8192x2048xf32, #tpu.memory_space<any>> -> memref<1x2048xf32, #tpu.memory_space<any>>
      %dma_start3A_1050 = arith.constant 0 : i32
      %dma_start3A_1051 = tpu.memref_slice %arg2[%rem3A_183, %dma_start3A_1050] : memref<8192x2048xf32, #tpu.memory_space<any>> -> memref<1x2048xf32, #tpu.memory_space<any>>
      tpu.enqueue_dma source(%dma_start3A_1051 : memref<1x2048xf32, #tpu.memory_space<any>>) target(%dma_start3A_1049 : memref<1x2048xf32, #tpu.memory_space<any>>) target_semaphore(%dma_start3A_1047 : memref<!tpu.dma_semaphore, #tpu.memory_space<semaphore_mem>>)
    } else {
    }
    %add3A_194 = arith.constant 11 : i32
    %add3A_195 = arith.addi %mul3A_8, %add3A_194 : i32
    %get3A_196 = arith.index_cast %add3A_195 : i32 to index
    %get3A_197 = memref.load %arg1[%get3A_196] : memref<1024xi32, #tpu.memory_space<smem>>
    %rem3A_198 = arith.constant 8192 : i32
    %rem3A_199 = arith.remsi %get3A_197, %rem3A_198 : i32
    %lt3A_200 = arith.constant 8192 : i32
    %lt3A_201 = arith.cmpi slt, %get3A_197, %lt3A_200 : i32
    %convert_element_type3A_202 = arith.extui %lt3A_201 : i1 to i32
    %cond3A_203 = arith.constant 0 : i32
    %cond3A_204 = arith.cmpi ne, %convert_element_type3A_202, %cond3A_203 : i32
    scf.if %cond3A_204 {
      %dma_start3A = tpu.memref_slice %arg6[%select_n3A_7] : memref<2x!tpu.dma_semaphore, #tpu.memory_space<semaphore_mem>> -> memref<1x!tpu.dma_semaphore, #tpu.memory_space<semaphore_mem>>
      %dma_start3A_1047 = tpu.memref_squeeze %dma_start3A : memref<1x!tpu.dma_semaphore, #tpu.memory_space<semaphore_mem>> -> memref<!tpu.dma_semaphore, #tpu.memory_space<semaphore_mem>>
      %dma_start3A_1048 = arith.constant 0 : i32
      %dma_start3A_1049 = tpu.memref_slice %arg4[%rem3A_199, %dma_start3A_1048] : memref<8192x2048xf32, #tpu.memory_space<any>> -> memref<1x2048xf32, #tpu.memory_space<any>>
      %dma_start3A_1050 = arith.constant 11 : i32
      %dma_start3A_1051 = arith.constant 0 : i32
      %dma_start3A_1052 = tpu.memref_slice %arg5[%select_n3A_7, %dma_start3A_1050, %dma_start3A_1051] : memref<2x64x2048xf32, #tpu.memory_space<vmem>> -> memref<1x1x2048xf32, #tpu.memory_space<vmem>>
      %dma_start3A_1053 = tpu.memref_squeeze %dma_start3A_1052 : memref<1x1x2048xf32, #tpu.memory_space<vmem>> -> memref<1x2048xf32, #tpu.memory_space<vmem>>
      tpu.enqueue_dma source(%dma_start3A_1053 : memref<1x2048xf32, #tpu.memory_space<vmem>>) target(%dma_start3A_1049 : memref<1x2048xf32, #tpu.memory_space<any>>) target_semaphore(%dma_start3A_1047 : memref<!tpu.dma_semaphore, #tpu.memory_space<semaphore_mem>>)
    } else {
    }
    %ge3A_205 = arith.constant 8192 : i32
    %ge3A_206 = arith.cmpi sge, %get3A_197, %ge3A_205 : i32
    %convert_element_type3A_207 = arith.extui %ge3A_206 : i1 to i32
    %cond3A_208 = arith.constant 0 : i32
    %cond3A_209 = arith.cmpi ne, %convert_element_type3A_207, %cond3A_208 : i32
    scf.if %cond3A_209 {
      %dma_start3A = tpu.memref_slice %arg6[%select_n3A_7] : memref<2x!tpu.dma_semaphore, #tpu.memory_space<semaphore_mem>> -> memref<1x!tpu.dma_semaphore, #tpu.memory_space<semaphore_mem>>
      %dma_start3A_1047 = tpu.memref_squeeze %dma_start3A : memref<1x!tpu.dma_semaphore, #tpu.memory_space<semaphore_mem>> -> memref<!tpu.dma_semaphore, #tpu.memory_space<semaphore_mem>>
      %dma_start3A_1048 = arith.constant 0 : i32
      %dma_start3A_1049 = tpu.memref_slice %arg4[%rem3A_199, %dma_start3A_1048] : memref<8192x2048xf32, #tpu.memory_space<any>> -> memref<1x2048xf32, #tpu.memory_space<any>>
      %dma_start3A_1050 = arith.constant 0 : i32
      %dma_start3A_1051 = tpu.memref_slice %arg2[%rem3A_199, %dma_start3A_1050] : memref<8192x2048xf32, #tpu.memory_space<any>> -> memref<1x2048xf32, #tpu.memory_space<any>>
      tpu.enqueue_dma source(%dma_start3A_1051 : memref<1x2048xf32, #tpu.memory_space<any>>) target(%dma_start3A_1049 : memref<1x2048xf32, #tpu.memory_space<any>>) target_semaphore(%dma_start3A_1047 : memref<!tpu.dma_semaphore, #tpu.memory_space<semaphore_mem>>)
    } else {
    }
    %add3A_210 = arith.constant 12 : i32
    %add3A_211 = arith.addi %mul3A_8, %add3A_210 : i32
    %get3A_212 = arith.index_cast %add3A_211 : i32 to index
    %get3A_213 = memref.load %arg1[%get3A_212] : memref<1024xi32, #tpu.memory_space<smem>>
    %rem3A_214 = arith.constant 8192 : i32
    %rem3A_215 = arith.remsi %get3A_213, %rem3A_214 : i32
    %lt3A_216 = arith.constant 8192 : i32
    %lt3A_217 = arith.cmpi slt, %get3A_213, %lt3A_216 : i32
    %convert_element_type3A_218 = arith.extui %lt3A_217 : i1 to i32
    %cond3A_219 = arith.constant 0 : i32
    %cond3A_220 = arith.cmpi ne, %convert_element_type3A_218, %cond3A_219 : i32
    scf.if %cond3A_220 {
      %dma_start3A = tpu.memref_slice %arg6[%select_n3A_7] : memref<2x!tpu.dma_semaphore, #tpu.memory_space<semaphore_mem>> -> memref<1x!tpu.dma_semaphore, #tpu.memory_space<semaphore_mem>>
      %dma_start3A_1047 = tpu.memref_squeeze %dma_start3A : memref<1x!tpu.dma_semaphore, #tpu.memory_space<semaphore_mem>> -> memref<!tpu.dma_semaphore, #tpu.memory_space<semaphore_mem>>
      %dma_start3A_1048 = arith.constant 0 : i32
      %dma_start3A_1049 = tpu.memref_slice %arg4[%rem3A_215, %dma_start3A_1048] : memref<8192x2048xf32, #tpu.memory_space<any>> -> memref<1x2048xf32, #tpu.memory_space<any>>
      %dma_start3A_1050 = arith.constant 12 : i32
      %dma_start3A_1051 = arith.constant 0 : i32
      %dma_start3A_1052 = tpu.memref_slice %arg5[%select_n3A_7, %dma_start3A_1050, %dma_start3A_1051] : memref<2x64x2048xf32, #tpu.memory_space<vmem>> -> memref<1x1x2048xf32, #tpu.memory_space<vmem>>
      %dma_start3A_1053 = tpu.memref_squeeze %dma_start3A_1052 : memref<1x1x2048xf32, #tpu.memory_space<vmem>> -> memref<1x2048xf32, #tpu.memory_space<vmem>>
      tpu.enqueue_dma source(%dma_start3A_1053 : memref<1x2048xf32, #tpu.memory_space<vmem>>) target(%dma_start3A_1049 : memref<1x2048xf32, #tpu.memory_space<any>>) target_semaphore(%dma_start3A_1047 : memref<!tpu.dma_semaphore, #tpu.memory_space<semaphore_mem>>)
    } else {
    }
    %ge3A_221 = arith.constant 8192 : i32
    %ge3A_222 = arith.cmpi sge, %get3A_213, %ge3A_221 : i32
    %convert_element_type3A_223 = arith.extui %ge3A_222 : i1 to i32
    %cond3A_224 = arith.constant 0 : i32
    %cond3A_225 = arith.cmpi ne, %convert_element_type3A_223, %cond3A_224 : i32
    scf.if %cond3A_225 {
      %dma_start3A = tpu.memref_slice %arg6[%select_n3A_7] : memref<2x!tpu.dma_semaphore, #tpu.memory_space<semaphore_mem>> -> memref<1x!tpu.dma_semaphore, #tpu.memory_space<semaphore_mem>>
      %dma_start3A_1047 = tpu.memref_squeeze %dma_start3A : memref<1x!tpu.dma_semaphore, #tpu.memory_space<semaphore_mem>> -> memref<!tpu.dma_semaphore, #tpu.memory_space<semaphore_mem>>
      %dma_start3A_1048 = arith.constant 0 : i32
      %dma_start3A_1049 = tpu.memref_slice %arg4[%rem3A_215, %dma_start3A_1048] : memref<8192x2048xf32, #tpu.memory_space<any>> -> memref<1x2048xf32, #tpu.memory_space<any>>
      %dma_start3A_1050 = arith.constant 0 : i32
      %dma_start3A_1051 = tpu.memref_slice %arg2[%rem3A_215, %dma_start3A_1050] : memref<8192x2048xf32, #tpu.memory_space<any>> -> memref<1x2048xf32, #tpu.memory_space<any>>
      tpu.enqueue_dma source(%dma_start3A_1051 : memref<1x2048xf32, #tpu.memory_space<any>>) target(%dma_start3A_1049 : memref<1x2048xf32, #tpu.memory_space<any>>) target_semaphore(%dma_start3A_1047 : memref<!tpu.dma_semaphore, #tpu.memory_space<semaphore_mem>>)
    } else {
    }
    %add3A_226 = arith.constant 13 : i32
    %add3A_227 = arith.addi %mul3A_8, %add3A_226 : i32
    %get3A_228 = arith.index_cast %add3A_227 : i32 to index
    %get3A_229 = memref.load %arg1[%get3A_228] : memref<1024xi32, #tpu.memory_space<smem>>
    %rem3A_230 = arith.constant 8192 : i32
    %rem3A_231 = arith.remsi %get3A_229, %rem3A_230 : i32
    %lt3A_232 = arith.constant 8192 : i32
    %lt3A_233 = arith.cmpi slt, %get3A_229, %lt3A_232 : i32
    %convert_element_type3A_234 = arith.extui %lt3A_233 : i1 to i32
    %cond3A_235 = arith.constant 0 : i32
    %cond3A_236 = arith.cmpi ne, %convert_element_type3A_234, %cond3A_235 : i32
    scf.if %cond3A_236 {
      %dma_start3A = tpu.memref_slice %arg6[%select_n3A_7] : memref<2x!tpu.dma_semaphore, #tpu.memory_space<semaphore_mem>> -> memref<1x!tpu.dma_semaphore, #tpu.memory_space<semaphore_mem>>
      %dma_start3A_1047 = tpu.memref_squeeze %dma_start3A : memref<1x!tpu.dma_semaphore, #tpu.memory_space<semaphore_mem>> -> memref<!tpu.dma_semaphore, #tpu.memory_space<semaphore_mem>>
      %dma_start3A_1048 = arith.constant 0 : i32
      %dma_start3A_1049 = tpu.memref_slice %arg4[%rem3A_231, %dma_start3A_1048] : memref<8192x2048xf32, #tpu.memory_space<any>> -> memref<1x2048xf32, #tpu.memory_space<any>>
      %dma_start3A_1050 = arith.constant 13 : i32
      %dma_start3A_1051 = arith.constant 0 : i32
      %dma_start3A_1052 = tpu.memref_slice %arg5[%select_n3A_7, %dma_start3A_1050, %dma_start3A_1051] : memref<2x64x2048xf32, #tpu.memory_space<vmem>> -> memref<1x1x2048xf32, #tpu.memory_space<vmem>>
      %dma_start3A_1053 = tpu.memref_squeeze %dma_start3A_1052 : memref<1x1x2048xf32, #tpu.memory_space<vmem>> -> memref<1x2048xf32, #tpu.memory_space<vmem>>
      tpu.enqueue_dma source(%dma_start3A_1053 : memref<1x2048xf32, #tpu.memory_space<vmem>>) target(%dma_start3A_1049 : memref<1x2048xf32, #tpu.memory_space<any>>) target_semaphore(%dma_start3A_1047 : memref<!tpu.dma_semaphore, #tpu.memory_space<semaphore_mem>>)
    } else {
    }
    %ge3A_237 = arith.constant 8192 : i32
    %ge3A_238 = arith.cmpi sge, %get3A_229, %ge3A_237 : i32
    %convert_element_type3A_239 = arith.extui %ge3A_238 : i1 to i32
    %cond3A_240 = arith.constant 0 : i32
    %cond3A_241 = arith.cmpi ne, %convert_element_type3A_239, %cond3A_240 : i32
    scf.if %cond3A_241 {
      %dma_start3A = tpu.memref_slice %arg6[%select_n3A_7] : memref<2x!tpu.dma_semaphore, #tpu.memory_space<semaphore_mem>> -> memref<1x!tpu.dma_semaphore, #tpu.memory_space<semaphore_mem>>
      %dma_start3A_1047 = tpu.memref_squeeze %dma_start3A : memref<1x!tpu.dma_semaphore, #tpu.memory_space<semaphore_mem>> -> memref<!tpu.dma_semaphore, #tpu.memory_space<semaphore_mem>>
      %dma_start3A_1048 = arith.constant 0 : i32
      %dma_start3A_1049 = tpu.memref_slice %arg4[%rem3A_231, %dma_start3A_1048] : memref<8192x2048xf32, #tpu.memory_space<any>> -> memref<1x2048xf32, #tpu.memory_space<any>>
      %dma_start3A_1050 = arith.constant 0 : i32
      %dma_start3A_1051 = tpu.memref_slice %arg2[%rem3A_231, %dma_start3A_1050] : memref<8192x2048xf32, #tpu.memory_space<any>> -> memref<1x2048xf32, #tpu.memory_space<any>>
      tpu.enqueue_dma source(%dma_start3A_1051 : memref<1x2048xf32, #tpu.memory_space<any>>) target(%dma_start3A_1049 : memref<1x2048xf32, #tpu.memory_space<any>>) target_semaphore(%dma_start3A_1047 : memref<!tpu.dma_semaphore, #tpu.memory_space<semaphore_mem>>)
    } else {
    }
    %add3A_242 = arith.constant 14 : i32
    %add3A_243 = arith.addi %mul3A_8, %add3A_242 : i32
    %get3A_244 = arith.index_cast %add3A_243 : i32 to index
    %get3A_245 = memref.load %arg1[%get3A_244] : memref<1024xi32, #tpu.memory_space<smem>>
    %rem3A_246 = arith.constant 8192 : i32
    %rem3A_247 = arith.remsi %get3A_245, %rem3A_246 : i32
    %lt3A_248 = arith.constant 8192 : i32
    %lt3A_249 = arith.cmpi slt, %get3A_245, %lt3A_248 : i32
    %convert_element_type3A_250 = arith.extui %lt3A_249 : i1 to i32
    %cond3A_251 = arith.constant 0 : i32
    %cond3A_252 = arith.cmpi ne, %convert_element_type3A_250, %cond3A_251 : i32
    scf.if %cond3A_252 {
      %dma_start3A = tpu.memref_slice %arg6[%select_n3A_7] : memref<2x!tpu.dma_semaphore, #tpu.memory_space<semaphore_mem>> -> memref<1x!tpu.dma_semaphore, #tpu.memory_space<semaphore_mem>>
      %dma_start3A_1047 = tpu.memref_squeeze %dma_start3A : memref<1x!tpu.dma_semaphore, #tpu.memory_space<semaphore_mem>> -> memref<!tpu.dma_semaphore, #tpu.memory_space<semaphore_mem>>
      %dma_start3A_1048 = arith.constant 0 : i32
      %dma_start3A_1049 = tpu.memref_slice %arg4[%rem3A_247, %dma_start3A_1048] : memref<8192x2048xf32, #tpu.memory_space<any>> -> memref<1x2048xf32, #tpu.memory_space<any>>
      %dma_start3A_1050 = arith.constant 14 : i32
      %dma_start3A_1051 = arith.constant 0 : i32
      %dma_start3A_1052 = tpu.memref_slice %arg5[%select_n3A_7, %dma_start3A_1050, %dma_start3A_1051] : memref<2x64x2048xf32, #tpu.memory_space<vmem>> -> memref<1x1x2048xf32, #tpu.memory_space<vmem>>
      %dma_start3A_1053 = tpu.memref_squeeze %dma_start3A_1052 : memref<1x1x2048xf32, #tpu.memory_space<vmem>> -> memref<1x2048xf32, #tpu.memory_space<vmem>>
      tpu.enqueue_dma source(%dma_start3A_1053 : memref<1x2048xf32, #tpu.memory_space<vmem>>) target(%dma_start3A_1049 : memref<1x2048xf32, #tpu.memory_space<any>>) target_semaphore(%dma_start3A_1047 : memref<!tpu.dma_semaphore, #tpu.memory_space<semaphore_mem>>)
    } else {
    }
    %ge3A_253 = arith.constant 8192 : i32
    %ge3A_254 = arith.cmpi sge, %get3A_245, %ge3A_253 : i32
    %convert_element_type3A_255 = arith.extui %ge3A_254 : i1 to i32
    %cond3A_256 = arith.constant 0 : i32
    %cond3A_257 = arith.cmpi ne, %convert_element_type3A_255, %cond3A_256 : i32
    scf.if %cond3A_257 {
      %dma_start3A = tpu.memref_slice %arg6[%select_n3A_7] : memref<2x!tpu.dma_semaphore, #tpu.memory_space<semaphore_mem>> -> memref<1x!tpu.dma_semaphore, #tpu.memory_space<semaphore_mem>>
      %dma_start3A_1047 = tpu.memref_squeeze %dma_start3A : memref<1x!tpu.dma_semaphore, #tpu.memory_space<semaphore_mem>> -> memref<!tpu.dma_semaphore, #tpu.memory_space<semaphore_mem>>
      %dma_start3A_1048 = arith.constant 0 : i32
      %dma_start3A_1049 = tpu.memref_slice %arg4[%rem3A_247, %dma_start3A_1048] : memref<8192x2048xf32, #tpu.memory_space<any>> -> memref<1x2048xf32, #tpu.memory_space<any>>
      %dma_start3A_1050 = arith.constant 0 : i32
      %dma_start3A_1051 = tpu.memref_slice %arg2[%rem3A_247, %dma_start3A_1050] : memref<8192x2048xf32, #tpu.memory_space<any>> -> memref<1x2048xf32, #tpu.memory_space<any>>
      tpu.enqueue_dma source(%dma_start3A_1051 : memref<1x2048xf32, #tpu.memory_space<any>>) target(%dma_start3A_1049 : memref<1x2048xf32, #tpu.memory_space<any>>) target_semaphore(%dma_start3A_1047 : memref<!tpu.dma_semaphore, #tpu.memory_space<semaphore_mem>>)
    } else {
    }
    %add3A_258 = arith.constant 15 : i32
    %add3A_259 = arith.addi %mul3A_8, %add3A_258 : i32
    %get3A_260 = arith.index_cast %add3A_259 : i32 to index
    %get3A_261 = memref.load %arg1[%get3A_260] : memref<1024xi32, #tpu.memory_space<smem>>
    %rem3A_262 = arith.constant 8192 : i32
    %rem3A_263 = arith.remsi %get3A_261, %rem3A_262 : i32
    %lt3A_264 = arith.constant 8192 : i32
    %lt3A_265 = arith.cmpi slt, %get3A_261, %lt3A_264 : i32
    %convert_element_type3A_266 = arith.extui %lt3A_265 : i1 to i32
    %cond3A_267 = arith.constant 0 : i32
    %cond3A_268 = arith.cmpi ne, %convert_element_type3A_266, %cond3A_267 : i32
    scf.if %cond3A_268 {
      %dma_start3A = tpu.memref_slice %arg6[%select_n3A_7] : memref<2x!tpu.dma_semaphore, #tpu.memory_space<semaphore_mem>> -> memref<1x!tpu.dma_semaphore, #tpu.memory_space<semaphore_mem>>
      %dma_start3A_1047 = tpu.memref_squeeze %dma_start3A : memref<1x!tpu.dma_semaphore, #tpu.memory_space<semaphore_mem>> -> memref<!tpu.dma_semaphore, #tpu.memory_space<semaphore_mem>>
      %dma_start3A_1048 = arith.constant 0 : i32
      %dma_start3A_1049 = tpu.memref_slice %arg4[%rem3A_263, %dma_start3A_1048] : memref<8192x2048xf32, #tpu.memory_space<any>> -> memref<1x2048xf32, #tpu.memory_space<any>>
      %dma_start3A_1050 = arith.constant 15 : i32
      %dma_start3A_1051 = arith.constant 0 : i32
      %dma_start3A_1052 = tpu.memref_slice %arg5[%select_n3A_7, %dma_start3A_1050, %dma_start3A_1051] : memref<2x64x2048xf32, #tpu.memory_space<vmem>> -> memref<1x1x2048xf32, #tpu.memory_space<vmem>>
      %dma_start3A_1053 = tpu.memref_squeeze %dma_start3A_1052 : memref<1x1x2048xf32, #tpu.memory_space<vmem>> -> memref<1x2048xf32, #tpu.memory_space<vmem>>
      tpu.enqueue_dma source(%dma_start3A_1053 : memref<1x2048xf32, #tpu.memory_space<vmem>>) target(%dma_start3A_1049 : memref<1x2048xf32, #tpu.memory_space<any>>) target_semaphore(%dma_start3A_1047 : memref<!tpu.dma_semaphore, #tpu.memory_space<semaphore_mem>>)
    } else {
    }
    %ge3A_269 = arith.constant 8192 : i32
    %ge3A_270 = arith.cmpi sge, %get3A_261, %ge3A_269 : i32
    %convert_element_type3A_271 = arith.extui %ge3A_270 : i1 to i32
    %cond3A_272 = arith.constant 0 : i32
    %cond3A_273 = arith.cmpi ne, %convert_element_type3A_271, %cond3A_272 : i32
    scf.if %cond3A_273 {
      %dma_start3A = tpu.memref_slice %arg6[%select_n3A_7] : memref<2x!tpu.dma_semaphore, #tpu.memory_space<semaphore_mem>> -> memref<1x!tpu.dma_semaphore, #tpu.memory_space<semaphore_mem>>
      %dma_start3A_1047 = tpu.memref_squeeze %dma_start3A : memref<1x!tpu.dma_semaphore, #tpu.memory_space<semaphore_mem>> -> memref<!tpu.dma_semaphore, #tpu.memory_space<semaphore_mem>>
      %dma_start3A_1048 = arith.constant 0 : i32
      %dma_start3A_1049 = tpu.memref_slice %arg4[%rem3A_263, %dma_start3A_1048] : memref<8192x2048xf32, #tpu.memory_space<any>> -> memref<1x2048xf32, #tpu.memory_space<any>>
      %dma_start3A_1050 = arith.constant 0 : i32
      %dma_start3A_1051 = tpu.memref_slice %arg2[%rem3A_263, %dma_start3A_1050] : memref<8192x2048xf32, #tpu.memory_space<any>> -> memref<1x2048xf32, #tpu.memory_space<any>>
      tpu.enqueue_dma source(%dma_start3A_1051 : memref<1x2048xf32, #tpu.memory_space<any>>) target(%dma_start3A_1049 : memref<1x2048xf32, #tpu.memory_space<any>>) target_semaphore(%dma_start3A_1047 : memref<!tpu.dma_semaphore, #tpu.memory_space<semaphore_mem>>)
    } else {
    }
    %add3A_274 = arith.constant 16 : i32
    %add3A_275 = arith.addi %mul3A_8, %add3A_274 : i32
    %get3A_276 = arith.index_cast %add3A_275 : i32 to index
    %get3A_277 = memref.load %arg1[%get3A_276] : memref<1024xi32, #tpu.memory_space<smem>>
    %rem3A_278 = arith.constant 8192 : i32
    %rem3A_279 = arith.remsi %get3A_277, %rem3A_278 : i32
    %lt3A_280 = arith.constant 8192 : i32
    %lt3A_281 = arith.cmpi slt, %get3A_277, %lt3A_280 : i32
    %convert_element_type3A_282 = arith.extui %lt3A_281 : i1 to i32
    %cond3A_283 = arith.constant 0 : i32
    %cond3A_284 = arith.cmpi ne, %convert_element_type3A_282, %cond3A_283 : i32
    scf.if %cond3A_284 {
      %dma_start3A = tpu.memref_slice %arg6[%select_n3A_7] : memref<2x!tpu.dma_semaphore, #tpu.memory_space<semaphore_mem>> -> memref<1x!tpu.dma_semaphore, #tpu.memory_space<semaphore_mem>>
      %dma_start3A_1047 = tpu.memref_squeeze %dma_start3A : memref<1x!tpu.dma_semaphore, #tpu.memory_space<semaphore_mem>> -> memref<!tpu.dma_semaphore, #tpu.memory_space<semaphore_mem>>
      %dma_start3A_1048 = arith.constant 0 : i32
      %dma_start3A_1049 = tpu.memref_slice %arg4[%rem3A_279, %dma_start3A_1048] : memref<8192x2048xf32, #tpu.memory_space<any>> -> memref<1x2048xf32, #tpu.memory_space<any>>
      %dma_start3A_1050 = arith.constant 16 : i32
      %dma_start3A_1051 = arith.constant 0 : i32
      %dma_start3A_1052 = tpu.memref_slice %arg5[%select_n3A_7, %dma_start3A_1050, %dma_start3A_1051] : memref<2x64x2048xf32, #tpu.memory_space<vmem>> -> memref<1x1x2048xf32, #tpu.memory_space<vmem>>
      %dma_start3A_1053 = tpu.memref_squeeze %dma_start3A_1052 : memref<1x1x2048xf32, #tpu.memory_space<vmem>> -> memref<1x2048xf32, #tpu.memory_space<vmem>>
      tpu.enqueue_dma source(%dma_start3A_1053 : memref<1x2048xf32, #tpu.memory_space<vmem>>) target(%dma_start3A_1049 : memref<1x2048xf32, #tpu.memory_space<any>>) target_semaphore(%dma_start3A_1047 : memref<!tpu.dma_semaphore, #tpu.memory_space<semaphore_mem>>)
    } else {
    }
    %ge3A_285 = arith.constant 8192 : i32
    %ge3A_286 = arith.cmpi sge, %get3A_277, %ge3A_285 : i32
    %convert_element_type3A_287 = arith.extui %ge3A_286 : i1 to i32
    %cond3A_288 = arith.constant 0 : i32
    %cond3A_289 = arith.cmpi ne, %convert_element_type3A_287, %cond3A_288 : i32
    scf.if %cond3A_289 {
      %dma_start3A = tpu.memref_slice %arg6[%select_n3A_7] : memref<2x!tpu.dma_semaphore, #tpu.memory_space<semaphore_mem>> -> memref<1x!tpu.dma_semaphore, #tpu.memory_space<semaphore_mem>>
      %dma_start3A_1047 = tpu.memref_squeeze %dma_start3A : memref<1x!tpu.dma_semaphore, #tpu.memory_space<semaphore_mem>> -> memref<!tpu.dma_semaphore, #tpu.memory_space<semaphore_mem>>
      %dma_start3A_1048 = arith.constant 0 : i32
      %dma_start3A_1049 = tpu.memref_slice %arg4[%rem3A_279, %dma_start3A_1048] : memref<8192x2048xf32, #tpu.memory_space<any>> -> memref<1x2048xf32, #tpu.memory_space<any>>
      %dma_start3A_1050 = arith.constant 0 : i32
      %dma_start3A_1051 = tpu.memref_slice %arg2[%rem3A_279, %dma_start3A_1050] : memref<8192x2048xf32, #tpu.memory_space<any>> -> memref<1x2048xf32, #tpu.memory_space<any>>
      tpu.enqueue_dma source(%dma_start3A_1051 : memref<1x2048xf32, #tpu.memory_space<any>>) target(%dma_start3A_1049 : memref<1x2048xf32, #tpu.memory_space<any>>) target_semaphore(%dma_start3A_1047 : memref<!tpu.dma_semaphore, #tpu.memory_space<semaphore_mem>>)
    } else {
    }
    %add3A_290 = arith.constant 17 : i32
    %add3A_291 = arith.addi %mul3A_8, %add3A_290 : i32
    %get3A_292 = arith.index_cast %add3A_291 : i32 to index
    %get3A_293 = memref.load %arg1[%get3A_292] : memref<1024xi32, #tpu.memory_space<smem>>
    %rem3A_294 = arith.constant 8192 : i32
    %rem3A_295 = arith.remsi %get3A_293, %rem3A_294 : i32
    %lt3A_296 = arith.constant 8192 : i32
    %lt3A_297 = arith.cmpi slt, %get3A_293, %lt3A_296 : i32
    %convert_element_type3A_298 = arith.extui %lt3A_297 : i1 to i32
    %cond3A_299 = arith.constant 0 : i32
    %cond3A_300 = arith.cmpi ne, %convert_element_type3A_298, %cond3A_299 : i32
    scf.if %cond3A_300 {
      %dma_start3A = tpu.memref_slice %arg6[%select_n3A_7] : memref<2x!tpu.dma_semaphore, #tpu.memory_space<semaphore_mem>> -> memref<1x!tpu.dma_semaphore, #tpu.memory_space<semaphore_mem>>
      %dma_start3A_1047 = tpu.memref_squeeze %dma_start3A : memref<1x!tpu.dma_semaphore, #tpu.memory_space<semaphore_mem>> -> memref<!tpu.dma_semaphore, #tpu.memory_space<semaphore_mem>>
      %dma_start3A_1048 = arith.constant 0 : i32
      %dma_start3A_1049 = tpu.memref_slice %arg4[%rem3A_295, %dma_start3A_1048] : memref<8192x2048xf32, #tpu.memory_space<any>> -> memref<1x2048xf32, #tpu.memory_space<any>>
      %dma_start3A_1050 = arith.constant 17 : i32
      %dma_start3A_1051 = arith.constant 0 : i32
      %dma_start3A_1052 = tpu.memref_slice %arg5[%select_n3A_7, %dma_start3A_1050, %dma_start3A_1051] : memref<2x64x2048xf32, #tpu.memory_space<vmem>> -> memref<1x1x2048xf32, #tpu.memory_space<vmem>>
      %dma_start3A_1053 = tpu.memref_squeeze %dma_start3A_1052 : memref<1x1x2048xf32, #tpu.memory_space<vmem>> -> memref<1x2048xf32, #tpu.memory_space<vmem>>
      tpu.enqueue_dma source(%dma_start3A_1053 : memref<1x2048xf32, #tpu.memory_space<vmem>>) target(%dma_start3A_1049 : memref<1x2048xf32, #tpu.memory_space<any>>) target_semaphore(%dma_start3A_1047 : memref<!tpu.dma_semaphore, #tpu.memory_space<semaphore_mem>>)
    } else {
    }
    %ge3A_301 = arith.constant 8192 : i32
    %ge3A_302 = arith.cmpi sge, %get3A_293, %ge3A_301 : i32
    %convert_element_type3A_303 = arith.extui %ge3A_302 : i1 to i32
    %cond3A_304 = arith.constant 0 : i32
    %cond3A_305 = arith.cmpi ne, %convert_element_type3A_303, %cond3A_304 : i32
    scf.if %cond3A_305 {
      %dma_start3A = tpu.memref_slice %arg6[%select_n3A_7] : memref<2x!tpu.dma_semaphore, #tpu.memory_space<semaphore_mem>> -> memref<1x!tpu.dma_semaphore, #tpu.memory_space<semaphore_mem>>
      %dma_start3A_1047 = tpu.memref_squeeze %dma_start3A : memref<1x!tpu.dma_semaphore, #tpu.memory_space<semaphore_mem>> -> memref<!tpu.dma_semaphore, #tpu.memory_space<semaphore_mem>>
      %dma_start3A_1048 = arith.constant 0 : i32
      %dma_start3A_1049 = tpu.memref_slice %arg4[%rem3A_295, %dma_start3A_1048] : memref<8192x2048xf32, #tpu.memory_space<any>> -> memref<1x2048xf32, #tpu.memory_space<any>>
      %dma_start3A_1050 = arith.constant 0 : i32
      %dma_start3A_1051 = tpu.memref_slice %arg2[%rem3A_295, %dma_start3A_1050] : memref<8192x2048xf32, #tpu.memory_space<any>> -> memref<1x2048xf32, #tpu.memory_space<any>>
      tpu.enqueue_dma source(%dma_start3A_1051 : memref<1x2048xf32, #tpu.memory_space<any>>) target(%dma_start3A_1049 : memref<1x2048xf32, #tpu.memory_space<any>>) target_semaphore(%dma_start3A_1047 : memref<!tpu.dma_semaphore, #tpu.memory_space<semaphore_mem>>)
    } else {
    }
    %add3A_306 = arith.constant 18 : i32
    %add3A_307 = arith.addi %mul3A_8, %add3A_306 : i32
    %get3A_308 = arith.index_cast %add3A_307 : i32 to index
    %get3A_309 = memref.load %arg1[%get3A_308] : memref<1024xi32, #tpu.memory_space<smem>>
    %rem3A_310 = arith.constant 8192 : i32
    %rem3A_311 = arith.remsi %get3A_309, %rem3A_310 : i32
    %lt3A_312 = arith.constant 8192 : i32
    %lt3A_313 = arith.cmpi slt, %get3A_309, %lt3A_312 : i32
    %convert_element_type3A_314 = arith.extui %lt3A_313 : i1 to i32
    %cond3A_315 = arith.constant 0 : i32
    %cond3A_316 = arith.cmpi ne, %convert_element_type3A_314, %cond3A_315 : i32
    scf.if %cond3A_316 {
      %dma_start3A = tpu.memref_slice %arg6[%select_n3A_7] : memref<2x!tpu.dma_semaphore, #tpu.memory_space<semaphore_mem>> -> memref<1x!tpu.dma_semaphore, #tpu.memory_space<semaphore_mem>>
      %dma_start3A_1047 = tpu.memref_squeeze %dma_start3A : memref<1x!tpu.dma_semaphore, #tpu.memory_space<semaphore_mem>> -> memref<!tpu.dma_semaphore, #tpu.memory_space<semaphore_mem>>
      %dma_start3A_1048 = arith.constant 0 : i32
      %dma_start3A_1049 = tpu.memref_slice %arg4[%rem3A_311, %dma_start3A_1048] : memref<8192x2048xf32, #tpu.memory_space<any>> -> memref<1x2048xf32, #tpu.memory_space<any>>
      %dma_start3A_1050 = arith.constant 18 : i32
      %dma_start3A_1051 = arith.constant 0 : i32
      %dma_start3A_1052 = tpu.memref_slice %arg5[%select_n3A_7, %dma_start3A_1050, %dma_start3A_1051] : memref<2x64x2048xf32, #tpu.memory_space<vmem>> -> memref<1x1x2048xf32, #tpu.memory_space<vmem>>
      %dma_start3A_1053 = tpu.memref_squeeze %dma_start3A_1052 : memref<1x1x2048xf32, #tpu.memory_space<vmem>> -> memref<1x2048xf32, #tpu.memory_space<vmem>>
      tpu.enqueue_dma source(%dma_start3A_1053 : memref<1x2048xf32, #tpu.memory_space<vmem>>) target(%dma_start3A_1049 : memref<1x2048xf32, #tpu.memory_space<any>>) target_semaphore(%dma_start3A_1047 : memref<!tpu.dma_semaphore, #tpu.memory_space<semaphore_mem>>)
    } else {
    }
    %ge3A_317 = arith.constant 8192 : i32
    %ge3A_318 = arith.cmpi sge, %get3A_309, %ge3A_317 : i32
    %convert_element_type3A_319 = arith.extui %ge3A_318 : i1 to i32
    %cond3A_320 = arith.constant 0 : i32
    %cond3A_321 = arith.cmpi ne, %convert_element_type3A_319, %cond3A_320 : i32
    scf.if %cond3A_321 {
      %dma_start3A = tpu.memref_slice %arg6[%select_n3A_7] : memref<2x!tpu.dma_semaphore, #tpu.memory_space<semaphore_mem>> -> memref<1x!tpu.dma_semaphore, #tpu.memory_space<semaphore_mem>>
      %dma_start3A_1047 = tpu.memref_squeeze %dma_start3A : memref<1x!tpu.dma_semaphore, #tpu.memory_space<semaphore_mem>> -> memref<!tpu.dma_semaphore, #tpu.memory_space<semaphore_mem>>
      %dma_start3A_1048 = arith.constant 0 : i32
      %dma_start3A_1049 = tpu.memref_slice %arg4[%rem3A_311, %dma_start3A_1048] : memref<8192x2048xf32, #tpu.memory_space<any>> -> memref<1x2048xf32, #tpu.memory_space<any>>
      %dma_start3A_1050 = arith.constant 0 : i32
      %dma_start3A_1051 = tpu.memref_slice %arg2[%rem3A_311, %dma_start3A_1050] : memref<8192x2048xf32, #tpu.memory_space<any>> -> memref<1x2048xf32, #tpu.memory_space<any>>
      tpu.enqueue_dma source(%dma_start3A_1051 : memref<1x2048xf32, #tpu.memory_space<any>>) target(%dma_start3A_1049 : memref<1x2048xf32, #tpu.memory_space<any>>) target_semaphore(%dma_start3A_1047 : memref<!tpu.dma_semaphore, #tpu.memory_space<semaphore_mem>>)
    } else {
    }
    %add3A_322 = arith.constant 19 : i32
    %add3A_323 = arith.addi %mul3A_8, %add3A_322 : i32
    %get3A_324 = arith.index_cast %add3A_323 : i32 to index
    %get3A_325 = memref.load %arg1[%get3A_324] : memref<1024xi32, #tpu.memory_space<smem>>
    %rem3A_326 = arith.constant 8192 : i32
    %rem3A_327 = arith.remsi %get3A_325, %rem3A_326 : i32
    %lt3A_328 = arith.constant 8192 : i32
    %lt3A_329 = arith.cmpi slt, %get3A_325, %lt3A_328 : i32
    %convert_element_type3A_330 = arith.extui %lt3A_329 : i1 to i32
    %cond3A_331 = arith.constant 0 : i32
    %cond3A_332 = arith.cmpi ne, %convert_element_type3A_330, %cond3A_331 : i32
    scf.if %cond3A_332 {
      %dma_start3A = tpu.memref_slice %arg6[%select_n3A_7] : memref<2x!tpu.dma_semaphore, #tpu.memory_space<semaphore_mem>> -> memref<1x!tpu.dma_semaphore, #tpu.memory_space<semaphore_mem>>
      %dma_start3A_1047 = tpu.memref_squeeze %dma_start3A : memref<1x!tpu.dma_semaphore, #tpu.memory_space<semaphore_mem>> -> memref<!tpu.dma_semaphore, #tpu.memory_space<semaphore_mem>>
      %dma_start3A_1048 = arith.constant 0 : i32
      %dma_start3A_1049 = tpu.memref_slice %arg4[%rem3A_327, %dma_start3A_1048] : memref<8192x2048xf32, #tpu.memory_space<any>> -> memref<1x2048xf32, #tpu.memory_space<any>>
      %dma_start3A_1050 = arith.constant 19 : i32
      %dma_start3A_1051 = arith.constant 0 : i32
      %dma_start3A_1052 = tpu.memref_slice %arg5[%select_n3A_7, %dma_start3A_1050, %dma_start3A_1051] : memref<2x64x2048xf32, #tpu.memory_space<vmem>> -> memref<1x1x2048xf32, #tpu.memory_space<vmem>>
      %dma_start3A_1053 = tpu.memref_squeeze %dma_start3A_1052 : memref<1x1x2048xf32, #tpu.memory_space<vmem>> -> memref<1x2048xf32, #tpu.memory_space<vmem>>
      tpu.enqueue_dma source(%dma_start3A_1053 : memref<1x2048xf32, #tpu.memory_space<vmem>>) target(%dma_start3A_1049 : memref<1x2048xf32, #tpu.memory_space<any>>) target_semaphore(%dma_start3A_1047 : memref<!tpu.dma_semaphore, #tpu.memory_space<semaphore_mem>>)
    } else {
    }
    %ge3A_333 = arith.constant 8192 : i32
    %ge3A_334 = arith.cmpi sge, %get3A_325, %ge3A_333 : i32
    %convert_element_type3A_335 = arith.extui %ge3A_334 : i1 to i32
    %cond3A_336 = arith.constant 0 : i32
    %cond3A_337 = arith.cmpi ne, %convert_element_type3A_335, %cond3A_336 : i32
    scf.if %cond3A_337 {
      %dma_start3A = tpu.memref_slice %arg6[%select_n3A_7] : memref<2x!tpu.dma_semaphore, #tpu.memory_space<semaphore_mem>> -> memref<1x!tpu.dma_semaphore, #tpu.memory_space<semaphore_mem>>
      %dma_start3A_1047 = tpu.memref_squeeze %dma_start3A : memref<1x!tpu.dma_semaphore, #tpu.memory_space<semaphore_mem>> -> memref<!tpu.dma_semaphore, #tpu.memory_space<semaphore_mem>>
      %dma_start3A_1048 = arith.constant 0 : i32
      %dma_start3A_1049 = tpu.memref_slice %arg4[%rem3A_327, %dma_start3A_1048] : memref<8192x2048xf32, #tpu.memory_space<any>> -> memref<1x2048xf32, #tpu.memory_space<any>>
      %dma_start3A_1050 = arith.constant 0 : i32
      %dma_start3A_1051 = tpu.memref_slice %arg2[%rem3A_327, %dma_start3A_1050] : memref<8192x2048xf32, #tpu.memory_space<any>> -> memref<1x2048xf32, #tpu.memory_space<any>>
      tpu.enqueue_dma source(%dma_start3A_1051 : memref<1x2048xf32, #tpu.memory_space<any>>) target(%dma_start3A_1049 : memref<1x2048xf32, #tpu.memory_space<any>>) target_semaphore(%dma_start3A_1047 : memref<!tpu.dma_semaphore, #tpu.memory_space<semaphore_mem>>)
    } else {
    }
    %add3A_338 = arith.constant 20 : i32
    %add3A_339 = arith.addi %mul3A_8, %add3A_338 : i32
    %get3A_340 = arith.index_cast %add3A_339 : i32 to index
    %get3A_341 = memref.load %arg1[%get3A_340] : memref<1024xi32, #tpu.memory_space<smem>>
    %rem3A_342 = arith.constant 8192 : i32
    %rem3A_343 = arith.remsi %get3A_341, %rem3A_342 : i32
    %lt3A_344 = arith.constant 8192 : i32
    %lt3A_345 = arith.cmpi slt, %get3A_341, %lt3A_344 : i32
    %convert_element_type3A_346 = arith.extui %lt3A_345 : i1 to i32
    %cond3A_347 = arith.constant 0 : i32
    %cond3A_348 = arith.cmpi ne, %convert_element_type3A_346, %cond3A_347 : i32
    scf.if %cond3A_348 {
      %dma_start3A = tpu.memref_slice %arg6[%select_n3A_7] : memref<2x!tpu.dma_semaphore, #tpu.memory_space<semaphore_mem>> -> memref<1x!tpu.dma_semaphore, #tpu.memory_space<semaphore_mem>>
      %dma_start3A_1047 = tpu.memref_squeeze %dma_start3A : memref<1x!tpu.dma_semaphore, #tpu.memory_space<semaphore_mem>> -> memref<!tpu.dma_semaphore, #tpu.memory_space<semaphore_mem>>
      %dma_start3A_1048 = arith.constant 0 : i32
      %dma_start3A_1049 = tpu.memref_slice %arg4[%rem3A_343, %dma_start3A_1048] : memref<8192x2048xf32, #tpu.memory_space<any>> -> memref<1x2048xf32, #tpu.memory_space<any>>
      %dma_start3A_1050 = arith.constant 20 : i32
      %dma_start3A_1051 = arith.constant 0 : i32
      %dma_start3A_1052 = tpu.memref_slice %arg5[%select_n3A_7, %dma_start3A_1050, %dma_start3A_1051] : memref<2x64x2048xf32, #tpu.memory_space<vmem>> -> memref<1x1x2048xf32, #tpu.memory_space<vmem>>
      %dma_start3A_1053 = tpu.memref_squeeze %dma_start3A_1052 : memref<1x1x2048xf32, #tpu.memory_space<vmem>> -> memref<1x2048xf32, #tpu.memory_space<vmem>>
      tpu.enqueue_dma source(%dma_start3A_1053 : memref<1x2048xf32, #tpu.memory_space<vmem>>) target(%dma_start3A_1049 : memref<1x2048xf32, #tpu.memory_space<any>>) target_semaphore(%dma_start3A_1047 : memref<!tpu.dma_semaphore, #tpu.memory_space<semaphore_mem>>)
    } else {
    }
    %ge3A_349 = arith.constant 8192 : i32
    %ge3A_350 = arith.cmpi sge, %get3A_341, %ge3A_349 : i32
    %convert_element_type3A_351 = arith.extui %ge3A_350 : i1 to i32
    %cond3A_352 = arith.constant 0 : i32
    %cond3A_353 = arith.cmpi ne, %convert_element_type3A_351, %cond3A_352 : i32
    scf.if %cond3A_353 {
      %dma_start3A = tpu.memref_slice %arg6[%select_n3A_7] : memref<2x!tpu.dma_semaphore, #tpu.memory_space<semaphore_mem>> -> memref<1x!tpu.dma_semaphore, #tpu.memory_space<semaphore_mem>>
      %dma_start3A_1047 = tpu.memref_squeeze %dma_start3A : memref<1x!tpu.dma_semaphore, #tpu.memory_space<semaphore_mem>> -> memref<!tpu.dma_semaphore, #tpu.memory_space<semaphore_mem>>
      %dma_start3A_1048 = arith.constant 0 : i32
      %dma_start3A_1049 = tpu.memref_slice %arg4[%rem3A_343, %dma_start3A_1048] : memref<8192x2048xf32, #tpu.memory_space<any>> -> memref<1x2048xf32, #tpu.memory_space<any>>
      %dma_start3A_1050 = arith.constant 0 : i32
      %dma_start3A_1051 = tpu.memref_slice %arg2[%rem3A_343, %dma_start3A_1050] : memref<8192x2048xf32, #tpu.memory_space<any>> -> memref<1x2048xf32, #tpu.memory_space<any>>
      tpu.enqueue_dma source(%dma_start3A_1051 : memref<1x2048xf32, #tpu.memory_space<any>>) target(%dma_start3A_1049 : memref<1x2048xf32, #tpu.memory_space<any>>) target_semaphore(%dma_start3A_1047 : memref<!tpu.dma_semaphore, #tpu.memory_space<semaphore_mem>>)
    } else {
    }
    %add3A_354 = arith.constant 21 : i32
    %add3A_355 = arith.addi %mul3A_8, %add3A_354 : i32
    %get3A_356 = arith.index_cast %add3A_355 : i32 to index
    %get3A_357 = memref.load %arg1[%get3A_356] : memref<1024xi32, #tpu.memory_space<smem>>
    %rem3A_358 = arith.constant 8192 : i32
    %rem3A_359 = arith.remsi %get3A_357, %rem3A_358 : i32
    %lt3A_360 = arith.constant 8192 : i32
    %lt3A_361 = arith.cmpi slt, %get3A_357, %lt3A_360 : i32
    %convert_element_type3A_362 = arith.extui %lt3A_361 : i1 to i32
    %cond3A_363 = arith.constant 0 : i32
    %cond3A_364 = arith.cmpi ne, %convert_element_type3A_362, %cond3A_363 : i32
    scf.if %cond3A_364 {
      %dma_start3A = tpu.memref_slice %arg6[%select_n3A_7] : memref<2x!tpu.dma_semaphore, #tpu.memory_space<semaphore_mem>> -> memref<1x!tpu.dma_semaphore, #tpu.memory_space<semaphore_mem>>
      %dma_start3A_1047 = tpu.memref_squeeze %dma_start3A : memref<1x!tpu.dma_semaphore, #tpu.memory_space<semaphore_mem>> -> memref<!tpu.dma_semaphore, #tpu.memory_space<semaphore_mem>>
      %dma_start3A_1048 = arith.constant 0 : i32
      %dma_start3A_1049 = tpu.memref_slice %arg4[%rem3A_359, %dma_start3A_1048] : memref<8192x2048xf32, #tpu.memory_space<any>> -> memref<1x2048xf32, #tpu.memory_space<any>>
      %dma_start3A_1050 = arith.constant 21 : i32
      %dma_start3A_1051 = arith.constant 0 : i32
      %dma_start3A_1052 = tpu.memref_slice %arg5[%select_n3A_7, %dma_start3A_1050, %dma_start3A_1051] : memref<2x64x2048xf32, #tpu.memory_space<vmem>> -> memref<1x1x2048xf32, #tpu.memory_space<vmem>>
      %dma_start3A_1053 = tpu.memref_squeeze %dma_start3A_1052 : memref<1x1x2048xf32, #tpu.memory_space<vmem>> -> memref<1x2048xf32, #tpu.memory_space<vmem>>
      tpu.enqueue_dma source(%dma_start3A_1053 : memref<1x2048xf32, #tpu.memory_space<vmem>>) target(%dma_start3A_1049 : memref<1x2048xf32, #tpu.memory_space<any>>) target_semaphore(%dma_start3A_1047 : memref<!tpu.dma_semaphore, #tpu.memory_space<semaphore_mem>>)
    } else {
    }
    %ge3A_365 = arith.constant 8192 : i32
    %ge3A_366 = arith.cmpi sge, %get3A_357, %ge3A_365 : i32
    %convert_element_type3A_367 = arith.extui %ge3A_366 : i1 to i32
    %cond3A_368 = arith.constant 0 : i32
    %cond3A_369 = arith.cmpi ne, %convert_element_type3A_367, %cond3A_368 : i32
    scf.if %cond3A_369 {
      %dma_start3A = tpu.memref_slice %arg6[%select_n3A_7] : memref<2x!tpu.dma_semaphore, #tpu.memory_space<semaphore_mem>> -> memref<1x!tpu.dma_semaphore, #tpu.memory_space<semaphore_mem>>
      %dma_start3A_1047 = tpu.memref_squeeze %dma_start3A : memref<1x!tpu.dma_semaphore, #tpu.memory_space<semaphore_mem>> -> memref<!tpu.dma_semaphore, #tpu.memory_space<semaphore_mem>>
      %dma_start3A_1048 = arith.constant 0 : i32
      %dma_start3A_1049 = tpu.memref_slice %arg4[%rem3A_359, %dma_start3A_1048] : memref<8192x2048xf32, #tpu.memory_space<any>> -> memref<1x2048xf32, #tpu.memory_space<any>>
      %dma_start3A_1050 = arith.constant 0 : i32
      %dma_start3A_1051 = tpu.memref_slice %arg2[%rem3A_359, %dma_start3A_1050] : memref<8192x2048xf32, #tpu.memory_space<any>> -> memref<1x2048xf32, #tpu.memory_space<any>>
      tpu.enqueue_dma source(%dma_start3A_1051 : memref<1x2048xf32, #tpu.memory_space<any>>) target(%dma_start3A_1049 : memref<1x2048xf32, #tpu.memory_space<any>>) target_semaphore(%dma_start3A_1047 : memref<!tpu.dma_semaphore, #tpu.memory_space<semaphore_mem>>)
    } else {
    }
    %add3A_370 = arith.constant 22 : i32
    %add3A_371 = arith.addi %mul3A_8, %add3A_370 : i32
    %get3A_372 = arith.index_cast %add3A_371 : i32 to index
    %get3A_373 = memref.load %arg1[%get3A_372] : memref<1024xi32, #tpu.memory_space<smem>>
    %rem3A_374 = arith.constant 8192 : i32
    %rem3A_375 = arith.remsi %get3A_373, %rem3A_374 : i32
    %lt3A_376 = arith.constant 8192 : i32
    %lt3A_377 = arith.cmpi slt, %get3A_373, %lt3A_376 : i32
    %convert_element_type3A_378 = arith.extui %lt3A_377 : i1 to i32
    %cond3A_379 = arith.constant 0 : i32
    %cond3A_380 = arith.cmpi ne, %convert_element_type3A_378, %cond3A_379 : i32
    scf.if %cond3A_380 {
      %dma_start3A = tpu.memref_slice %arg6[%select_n3A_7] : memref<2x!tpu.dma_semaphore, #tpu.memory_space<semaphore_mem>> -> memref<1x!tpu.dma_semaphore, #tpu.memory_space<semaphore_mem>>
      %dma_start3A_1047 = tpu.memref_squeeze %dma_start3A : memref<1x!tpu.dma_semaphore, #tpu.memory_space<semaphore_mem>> -> memref<!tpu.dma_semaphore, #tpu.memory_space<semaphore_mem>>
      %dma_start3A_1048 = arith.constant 0 : i32
      %dma_start3A_1049 = tpu.memref_slice %arg4[%rem3A_375, %dma_start3A_1048] : memref<8192x2048xf32, #tpu.memory_space<any>> -> memref<1x2048xf32, #tpu.memory_space<any>>
      %dma_start3A_1050 = arith.constant 22 : i32
      %dma_start3A_1051 = arith.constant 0 : i32
      %dma_start3A_1052 = tpu.memref_slice %arg5[%select_n3A_7, %dma_start3A_1050, %dma_start3A_1051] : memref<2x64x2048xf32, #tpu.memory_space<vmem>> -> memref<1x1x2048xf32, #tpu.memory_space<vmem>>
      %dma_start3A_1053 = tpu.memref_squeeze %dma_start3A_1052 : memref<1x1x2048xf32, #tpu.memory_space<vmem>> -> memref<1x2048xf32, #tpu.memory_space<vmem>>
      tpu.enqueue_dma source(%dma_start3A_1053 : memref<1x2048xf32, #tpu.memory_space<vmem>>) target(%dma_start3A_1049 : memref<1x2048xf32, #tpu.memory_space<any>>) target_semaphore(%dma_start3A_1047 : memref<!tpu.dma_semaphore, #tpu.memory_space<semaphore_mem>>)
    } else {
    }
    %ge3A_381 = arith.constant 8192 : i32
    %ge3A_382 = arith.cmpi sge, %get3A_373, %ge3A_381 : i32
    %convert_element_type3A_383 = arith.extui %ge3A_382 : i1 to i32
    %cond3A_384 = arith.constant 0 : i32
    %cond3A_385 = arith.cmpi ne, %convert_element_type3A_383, %cond3A_384 : i32
    scf.if %cond3A_385 {
      %dma_start3A = tpu.memref_slice %arg6[%select_n3A_7] : memref<2x!tpu.dma_semaphore, #tpu.memory_space<semaphore_mem>> -> memref<1x!tpu.dma_semaphore, #tpu.memory_space<semaphore_mem>>
      %dma_start3A_1047 = tpu.memref_squeeze %dma_start3A : memref<1x!tpu.dma_semaphore, #tpu.memory_space<semaphore_mem>> -> memref<!tpu.dma_semaphore, #tpu.memory_space<semaphore_mem>>
      %dma_start3A_1048 = arith.constant 0 : i32
      %dma_start3A_1049 = tpu.memref_slice %arg4[%rem3A_375, %dma_start3A_1048] : memref<8192x2048xf32, #tpu.memory_space<any>> -> memref<1x2048xf32, #tpu.memory_space<any>>
      %dma_start3A_1050 = arith.constant 0 : i32
      %dma_start3A_1051 = tpu.memref_slice %arg2[%rem3A_375, %dma_start3A_1050] : memref<8192x2048xf32, #tpu.memory_space<any>> -> memref<1x2048xf32, #tpu.memory_space<any>>
      tpu.enqueue_dma source(%dma_start3A_1051 : memref<1x2048xf32, #tpu.memory_space<any>>) target(%dma_start3A_1049 : memref<1x2048xf32, #tpu.memory_space<any>>) target_semaphore(%dma_start3A_1047 : memref<!tpu.dma_semaphore, #tpu.memory_space<semaphore_mem>>)
    } else {
    }
    %add3A_386 = arith.constant 23 : i32
    %add3A_387 = arith.addi %mul3A_8, %add3A_386 : i32
    %get3A_388 = arith.index_cast %add3A_387 : i32 to index
    %get3A_389 = memref.load %arg1[%get3A_388] : memref<1024xi32, #tpu.memory_space<smem>>
    %rem3A_390 = arith.constant 8192 : i32
    %rem3A_391 = arith.remsi %get3A_389, %rem3A_390 : i32
    %lt3A_392 = arith.constant 8192 : i32
    %lt3A_393 = arith.cmpi slt, %get3A_389, %lt3A_392 : i32
    %convert_element_type3A_394 = arith.extui %lt3A_393 : i1 to i32
    %cond3A_395 = arith.constant 0 : i32
    %cond3A_396 = arith.cmpi ne, %convert_element_type3A_394, %cond3A_395 : i32
    scf.if %cond3A_396 {
      %dma_start3A = tpu.memref_slice %arg6[%select_n3A_7] : memref<2x!tpu.dma_semaphore, #tpu.memory_space<semaphore_mem>> -> memref<1x!tpu.dma_semaphore, #tpu.memory_space<semaphore_mem>>
      %dma_start3A_1047 = tpu.memref_squeeze %dma_start3A : memref<1x!tpu.dma_semaphore, #tpu.memory_space<semaphore_mem>> -> memref<!tpu.dma_semaphore, #tpu.memory_space<semaphore_mem>>
      %dma_start3A_1048 = arith.constant 0 : i32
      %dma_start3A_1049 = tpu.memref_slice %arg4[%rem3A_391, %dma_start3A_1048] : memref<8192x2048xf32, #tpu.memory_space<any>> -> memref<1x2048xf32, #tpu.memory_space<any>>
      %dma_start3A_1050 = arith.constant 23 : i32
      %dma_start3A_1051 = arith.constant 0 : i32
      %dma_start3A_1052 = tpu.memref_slice %arg5[%select_n3A_7, %dma_start3A_1050, %dma_start3A_1051] : memref<2x64x2048xf32, #tpu.memory_space<vmem>> -> memref<1x1x2048xf32, #tpu.memory_space<vmem>>
      %dma_start3A_1053 = tpu.memref_squeeze %dma_start3A_1052 : memref<1x1x2048xf32, #tpu.memory_space<vmem>> -> memref<1x2048xf32, #tpu.memory_space<vmem>>
      tpu.enqueue_dma source(%dma_start3A_1053 : memref<1x2048xf32, #tpu.memory_space<vmem>>) target(%dma_start3A_1049 : memref<1x2048xf32, #tpu.memory_space<any>>) target_semaphore(%dma_start3A_1047 : memref<!tpu.dma_semaphore, #tpu.memory_space<semaphore_mem>>)
    } else {
    }
    %ge3A_397 = arith.constant 8192 : i32
    %ge3A_398 = arith.cmpi sge, %get3A_389, %ge3A_397 : i32
    %convert_element_type3A_399 = arith.extui %ge3A_398 : i1 to i32
    %cond3A_400 = arith.constant 0 : i32
    %cond3A_401 = arith.cmpi ne, %convert_element_type3A_399, %cond3A_400 : i32
    scf.if %cond3A_401 {
      %dma_start3A = tpu.memref_slice %arg6[%select_n3A_7] : memref<2x!tpu.dma_semaphore, #tpu.memory_space<semaphore_mem>> -> memref<1x!tpu.dma_semaphore, #tpu.memory_space<semaphore_mem>>
      %dma_start3A_1047 = tpu.memref_squeeze %dma_start3A : memref<1x!tpu.dma_semaphore, #tpu.memory_space<semaphore_mem>> -> memref<!tpu.dma_semaphore, #tpu.memory_space<semaphore_mem>>
      %dma_start3A_1048 = arith.constant 0 : i32
      %dma_start3A_1049 = tpu.memref_slice %arg4[%rem3A_391, %dma_start3A_1048] : memref<8192x2048xf32, #tpu.memory_space<any>> -> memref<1x2048xf32, #tpu.memory_space<any>>
      %dma_start3A_1050 = arith.constant 0 : i32
      %dma_start3A_1051 = tpu.memref_slice %arg2[%rem3A_391, %dma_start3A_1050] : memref<8192x2048xf32, #tpu.memory_space<any>> -> memref<1x2048xf32, #tpu.memory_space<any>>
      tpu.enqueue_dma source(%dma_start3A_1051 : memref<1x2048xf32, #tpu.memory_space<any>>) target(%dma_start3A_1049 : memref<1x2048xf32, #tpu.memory_space<any>>) target_semaphore(%dma_start3A_1047 : memref<!tpu.dma_semaphore, #tpu.memory_space<semaphore_mem>>)
    } else {
    }
    %add3A_402 = arith.constant 24 : i32
    %add3A_403 = arith.addi %mul3A_8, %add3A_402 : i32
    %get3A_404 = arith.index_cast %add3A_403 : i32 to index
    %get3A_405 = memref.load %arg1[%get3A_404] : memref<1024xi32, #tpu.memory_space<smem>>
    %rem3A_406 = arith.constant 8192 : i32
    %rem3A_407 = arith.remsi %get3A_405, %rem3A_406 : i32
    %lt3A_408 = arith.constant 8192 : i32
    %lt3A_409 = arith.cmpi slt, %get3A_405, %lt3A_408 : i32
    %convert_element_type3A_410 = arith.extui %lt3A_409 : i1 to i32
    %cond3A_411 = arith.constant 0 : i32
    %cond3A_412 = arith.cmpi ne, %convert_element_type3A_410, %cond3A_411 : i32
    scf.if %cond3A_412 {
      %dma_start3A = tpu.memref_slice %arg6[%select_n3A_7] : memref<2x!tpu.dma_semaphore, #tpu.memory_space<semaphore_mem>> -> memref<1x!tpu.dma_semaphore, #tpu.memory_space<semaphore_mem>>
      %dma_start3A_1047 = tpu.memref_squeeze %dma_start3A : memref<1x!tpu.dma_semaphore, #tpu.memory_space<semaphore_mem>> -> memref<!tpu.dma_semaphore, #tpu.memory_space<semaphore_mem>>
      %dma_start3A_1048 = arith.constant 0 : i32
      %dma_start3A_1049 = tpu.memref_slice %arg4[%rem3A_407, %dma_start3A_1048] : memref<8192x2048xf32, #tpu.memory_space<any>> -> memref<1x2048xf32, #tpu.memory_space<any>>
      %dma_start3A_1050 = arith.constant 24 : i32
      %dma_start3A_1051 = arith.constant 0 : i32
      %dma_start3A_1052 = tpu.memref_slice %arg5[%select_n3A_7, %dma_start3A_1050, %dma_start3A_1051] : memref<2x64x2048xf32, #tpu.memory_space<vmem>> -> memref<1x1x2048xf32, #tpu.memory_space<vmem>>
      %dma_start3A_1053 = tpu.memref_squeeze %dma_start3A_1052 : memref<1x1x2048xf32, #tpu.memory_space<vmem>> -> memref<1x2048xf32, #tpu.memory_space<vmem>>
      tpu.enqueue_dma source(%dma_start3A_1053 : memref<1x2048xf32, #tpu.memory_space<vmem>>) target(%dma_start3A_1049 : memref<1x2048xf32, #tpu.memory_space<any>>) target_semaphore(%dma_start3A_1047 : memref<!tpu.dma_semaphore, #tpu.memory_space<semaphore_mem>>)
    } else {
    }
    %ge3A_413 = arith.constant 8192 : i32
    %ge3A_414 = arith.cmpi sge, %get3A_405, %ge3A_413 : i32
    %convert_element_type3A_415 = arith.extui %ge3A_414 : i1 to i32
    %cond3A_416 = arith.constant 0 : i32
    %cond3A_417 = arith.cmpi ne, %convert_element_type3A_415, %cond3A_416 : i32
    scf.if %cond3A_417 {
      %dma_start3A = tpu.memref_slice %arg6[%select_n3A_7] : memref<2x!tpu.dma_semaphore, #tpu.memory_space<semaphore_mem>> -> memref<1x!tpu.dma_semaphore, #tpu.memory_space<semaphore_mem>>
      %dma_start3A_1047 = tpu.memref_squeeze %dma_start3A : memref<1x!tpu.dma_semaphore, #tpu.memory_space<semaphore_mem>> -> memref<!tpu.dma_semaphore, #tpu.memory_space<semaphore_mem>>
      %dma_start3A_1048 = arith.constant 0 : i32
      %dma_start3A_1049 = tpu.memref_slice %arg4[%rem3A_407, %dma_start3A_1048] : memref<8192x2048xf32, #tpu.memory_space<any>> -> memref<1x2048xf32, #tpu.memory_space<any>>
      %dma_start3A_1050 = arith.constant 0 : i32
      %dma_start3A_1051 = tpu.memref_slice %arg2[%rem3A_407, %dma_start3A_1050] : memref<8192x2048xf32, #tpu.memory_space<any>> -> memref<1x2048xf32, #tpu.memory_space<any>>
      tpu.enqueue_dma source(%dma_start3A_1051 : memref<1x2048xf32, #tpu.memory_space<any>>) target(%dma_start3A_1049 : memref<1x2048xf32, #tpu.memory_space<any>>) target_semaphore(%dma_start3A_1047 : memref<!tpu.dma_semaphore, #tpu.memory_space<semaphore_mem>>)
    } else {
    }
    %add3A_418 = arith.constant 25 : i32
    %add3A_419 = arith.addi %mul3A_8, %add3A_418 : i32
    %get3A_420 = arith.index_cast %add3A_419 : i32 to index
    %get3A_421 = memref.load %arg1[%get3A_420] : memref<1024xi32, #tpu.memory_space<smem>>
    %rem3A_422 = arith.constant 8192 : i32
    %rem3A_423 = arith.remsi %get3A_421, %rem3A_422 : i32
    %lt3A_424 = arith.constant 8192 : i32
    %lt3A_425 = arith.cmpi slt, %get3A_421, %lt3A_424 : i32
    %convert_element_type3A_426 = arith.extui %lt3A_425 : i1 to i32
    %cond3A_427 = arith.constant 0 : i32
    %cond3A_428 = arith.cmpi ne, %convert_element_type3A_426, %cond3A_427 : i32
    scf.if %cond3A_428 {
      %dma_start3A = tpu.memref_slice %arg6[%select_n3A_7] : memref<2x!tpu.dma_semaphore, #tpu.memory_space<semaphore_mem>> -> memref<1x!tpu.dma_semaphore, #tpu.memory_space<semaphore_mem>>
      %dma_start3A_1047 = tpu.memref_squeeze %dma_start3A : memref<1x!tpu.dma_semaphore, #tpu.memory_space<semaphore_mem>> -> memref<!tpu.dma_semaphore, #tpu.memory_space<semaphore_mem>>
      %dma_start3A_1048 = arith.constant 0 : i32
      %dma_start3A_1049 = tpu.memref_slice %arg4[%rem3A_423, %dma_start3A_1048] : memref<8192x2048xf32, #tpu.memory_space<any>> -> memref<1x2048xf32, #tpu.memory_space<any>>
      %dma_start3A_1050 = arith.constant 25 : i32
      %dma_start3A_1051 = arith.constant 0 : i32
      %dma_start3A_1052 = tpu.memref_slice %arg5[%select_n3A_7, %dma_start3A_1050, %dma_start3A_1051] : memref<2x64x2048xf32, #tpu.memory_space<vmem>> -> memref<1x1x2048xf32, #tpu.memory_space<vmem>>
      %dma_start3A_1053 = tpu.memref_squeeze %dma_start3A_1052 : memref<1x1x2048xf32, #tpu.memory_space<vmem>> -> memref<1x2048xf32, #tpu.memory_space<vmem>>
      tpu.enqueue_dma source(%dma_start3A_1053 : memref<1x2048xf32, #tpu.memory_space<vmem>>) target(%dma_start3A_1049 : memref<1x2048xf32, #tpu.memory_space<any>>) target_semaphore(%dma_start3A_1047 : memref<!tpu.dma_semaphore, #tpu.memory_space<semaphore_mem>>)
    } else {
    }
    %ge3A_429 = arith.constant 8192 : i32
    %ge3A_430 = arith.cmpi sge, %get3A_421, %ge3A_429 : i32
    %convert_element_type3A_431 = arith.extui %ge3A_430 : i1 to i32
    %cond3A_432 = arith.constant 0 : i32
    %cond3A_433 = arith.cmpi ne, %convert_element_type3A_431, %cond3A_432 : i32
    scf.if %cond3A_433 {
      %dma_start3A = tpu.memref_slice %arg6[%select_n3A_7] : memref<2x!tpu.dma_semaphore, #tpu.memory_space<semaphore_mem>> -> memref<1x!tpu.dma_semaphore, #tpu.memory_space<semaphore_mem>>
      %dma_start3A_1047 = tpu.memref_squeeze %dma_start3A : memref<1x!tpu.dma_semaphore, #tpu.memory_space<semaphore_mem>> -> memref<!tpu.dma_semaphore, #tpu.memory_space<semaphore_mem>>
      %dma_start3A_1048 = arith.constant 0 : i32
      %dma_start3A_1049 = tpu.memref_slice %arg4[%rem3A_423, %dma_start3A_1048] : memref<8192x2048xf32, #tpu.memory_space<any>> -> memref<1x2048xf32, #tpu.memory_space<any>>
      %dma_start3A_1050 = arith.constant 0 : i32
      %dma_start3A_1051 = tpu.memref_slice %arg2[%rem3A_423, %dma_start3A_1050] : memref<8192x2048xf32, #tpu.memory_space<any>> -> memref<1x2048xf32, #tpu.memory_space<any>>
      tpu.enqueue_dma source(%dma_start3A_1051 : memref<1x2048xf32, #tpu.memory_space<any>>) target(%dma_start3A_1049 : memref<1x2048xf32, #tpu.memory_space<any>>) target_semaphore(%dma_start3A_1047 : memref<!tpu.dma_semaphore, #tpu.memory_space<semaphore_mem>>)
    } else {
    }
    %add3A_434 = arith.constant 26 : i32
    %add3A_435 = arith.addi %mul3A_8, %add3A_434 : i32
    %get3A_436 = arith.index_cast %add3A_435 : i32 to index
    %get3A_437 = memref.load %arg1[%get3A_436] : memref<1024xi32, #tpu.memory_space<smem>>
    %rem3A_438 = arith.constant 8192 : i32
    %rem3A_439 = arith.remsi %get3A_437, %rem3A_438 : i32
    %lt3A_440 = arith.constant 8192 : i32
    %lt3A_441 = arith.cmpi slt, %get3A_437, %lt3A_440 : i32
    %convert_element_type3A_442 = arith.extui %lt3A_441 : i1 to i32
    %cond3A_443 = arith.constant 0 : i32
    %cond3A_444 = arith.cmpi ne, %convert_element_type3A_442, %cond3A_443 : i32
    scf.if %cond3A_444 {
      %dma_start3A = tpu.memref_slice %arg6[%select_n3A_7] : memref<2x!tpu.dma_semaphore, #tpu.memory_space<semaphore_mem>> -> memref<1x!tpu.dma_semaphore, #tpu.memory_space<semaphore_mem>>
      %dma_start3A_1047 = tpu.memref_squeeze %dma_start3A : memref<1x!tpu.dma_semaphore, #tpu.memory_space<semaphore_mem>> -> memref<!tpu.dma_semaphore, #tpu.memory_space<semaphore_mem>>
      %dma_start3A_1048 = arith.constant 0 : i32
      %dma_start3A_1049 = tpu.memref_slice %arg4[%rem3A_439, %dma_start3A_1048] : memref<8192x2048xf32, #tpu.memory_space<any>> -> memref<1x2048xf32, #tpu.memory_space<any>>
      %dma_start3A_1050 = arith.constant 26 : i32
      %dma_start3A_1051 = arith.constant 0 : i32
      %dma_start3A_1052 = tpu.memref_slice %arg5[%select_n3A_7, %dma_start3A_1050, %dma_start3A_1051] : memref<2x64x2048xf32, #tpu.memory_space<vmem>> -> memref<1x1x2048xf32, #tpu.memory_space<vmem>>
      %dma_start3A_1053 = tpu.memref_squeeze %dma_start3A_1052 : memref<1x1x2048xf32, #tpu.memory_space<vmem>> -> memref<1x2048xf32, #tpu.memory_space<vmem>>
      tpu.enqueue_dma source(%dma_start3A_1053 : memref<1x2048xf32, #tpu.memory_space<vmem>>) target(%dma_start3A_1049 : memref<1x2048xf32, #tpu.memory_space<any>>) target_semaphore(%dma_start3A_1047 : memref<!tpu.dma_semaphore, #tpu.memory_space<semaphore_mem>>)
    } else {
    }
    %ge3A_445 = arith.constant 8192 : i32
    %ge3A_446 = arith.cmpi sge, %get3A_437, %ge3A_445 : i32
    %convert_element_type3A_447 = arith.extui %ge3A_446 : i1 to i32
    %cond3A_448 = arith.constant 0 : i32
    %cond3A_449 = arith.cmpi ne, %convert_element_type3A_447, %cond3A_448 : i32
    scf.if %cond3A_449 {
      %dma_start3A = tpu.memref_slice %arg6[%select_n3A_7] : memref<2x!tpu.dma_semaphore, #tpu.memory_space<semaphore_mem>> -> memref<1x!tpu.dma_semaphore, #tpu.memory_space<semaphore_mem>>
      %dma_start3A_1047 = tpu.memref_squeeze %dma_start3A : memref<1x!tpu.dma_semaphore, #tpu.memory_space<semaphore_mem>> -> memref<!tpu.dma_semaphore, #tpu.memory_space<semaphore_mem>>
      %dma_start3A_1048 = arith.constant 0 : i32
      %dma_start3A_1049 = tpu.memref_slice %arg4[%rem3A_439, %dma_start3A_1048] : memref<8192x2048xf32, #tpu.memory_space<any>> -> memref<1x2048xf32, #tpu.memory_space<any>>
      %dma_start3A_1050 = arith.constant 0 : i32
      %dma_start3A_1051 = tpu.memref_slice %arg2[%rem3A_439, %dma_start3A_1050] : memref<8192x2048xf32, #tpu.memory_space<any>> -> memref<1x2048xf32, #tpu.memory_space<any>>
      tpu.enqueue_dma source(%dma_start3A_1051 : memref<1x2048xf32, #tpu.memory_space<any>>) target(%dma_start3A_1049 : memref<1x2048xf32, #tpu.memory_space<any>>) target_semaphore(%dma_start3A_1047 : memref<!tpu.dma_semaphore, #tpu.memory_space<semaphore_mem>>)
    } else {
    }
    %add3A_450 = arith.constant 27 : i32
    %add3A_451 = arith.addi %mul3A_8, %add3A_450 : i32
    %get3A_452 = arith.index_cast %add3A_451 : i32 to index
    %get3A_453 = memref.load %arg1[%get3A_452] : memref<1024xi32, #tpu.memory_space<smem>>
    %rem3A_454 = arith.constant 8192 : i32
    %rem3A_455 = arith.remsi %get3A_453, %rem3A_454 : i32
    %lt3A_456 = arith.constant 8192 : i32
    %lt3A_457 = arith.cmpi slt, %get3A_453, %lt3A_456 : i32
    %convert_element_type3A_458 = arith.extui %lt3A_457 : i1 to i32
    %cond3A_459 = arith.constant 0 : i32
    %cond3A_460 = arith.cmpi ne, %convert_element_type3A_458, %cond3A_459 : i32
    scf.if %cond3A_460 {
      %dma_start3A = tpu.memref_slice %arg6[%select_n3A_7] : memref<2x!tpu.dma_semaphore, #tpu.memory_space<semaphore_mem>> -> memref<1x!tpu.dma_semaphore, #tpu.memory_space<semaphore_mem>>
      %dma_start3A_1047 = tpu.memref_squeeze %dma_start3A : memref<1x!tpu.dma_semaphore, #tpu.memory_space<semaphore_mem>> -> memref<!tpu.dma_semaphore, #tpu.memory_space<semaphore_mem>>
      %dma_start3A_1048 = arith.constant 0 : i32
      %dma_start3A_1049 = tpu.memref_slice %arg4[%rem3A_455, %dma_start3A_1048] : memref<8192x2048xf32, #tpu.memory_space<any>> -> memref<1x2048xf32, #tpu.memory_space<any>>
      %dma_start3A_1050 = arith.constant 27 : i32
      %dma_start3A_1051 = arith.constant 0 : i32
      %dma_start3A_1052 = tpu.memref_slice %arg5[%select_n3A_7, %dma_start3A_1050, %dma_start3A_1051] : memref<2x64x2048xf32, #tpu.memory_space<vmem>> -> memref<1x1x2048xf32, #tpu.memory_space<vmem>>
      %dma_start3A_1053 = tpu.memref_squeeze %dma_start3A_1052 : memref<1x1x2048xf32, #tpu.memory_space<vmem>> -> memref<1x2048xf32, #tpu.memory_space<vmem>>
      tpu.enqueue_dma source(%dma_start3A_1053 : memref<1x2048xf32, #tpu.memory_space<vmem>>) target(%dma_start3A_1049 : memref<1x2048xf32, #tpu.memory_space<any>>) target_semaphore(%dma_start3A_1047 : memref<!tpu.dma_semaphore, #tpu.memory_space<semaphore_mem>>)
    } else {
    }
    %ge3A_461 = arith.constant 8192 : i32
    %ge3A_462 = arith.cmpi sge, %get3A_453, %ge3A_461 : i32
    %convert_element_type3A_463 = arith.extui %ge3A_462 : i1 to i32
    %cond3A_464 = arith.constant 0 : i32
    %cond3A_465 = arith.cmpi ne, %convert_element_type3A_463, %cond3A_464 : i32
    scf.if %cond3A_465 {
      %dma_start3A = tpu.memref_slice %arg6[%select_n3A_7] : memref<2x!tpu.dma_semaphore, #tpu.memory_space<semaphore_mem>> -> memref<1x!tpu.dma_semaphore, #tpu.memory_space<semaphore_mem>>
      %dma_start3A_1047 = tpu.memref_squeeze %dma_start3A : memref<1x!tpu.dma_semaphore, #tpu.memory_space<semaphore_mem>> -> memref<!tpu.dma_semaphore, #tpu.memory_space<semaphore_mem>>
      %dma_start3A_1048 = arith.constant 0 : i32
      %dma_start3A_1049 = tpu.memref_slice %arg4[%rem3A_455, %dma_start3A_1048] : memref<8192x2048xf32, #tpu.memory_space<any>> -> memref<1x2048xf32, #tpu.memory_space<any>>
      %dma_start3A_1050 = arith.constant 0 : i32
      %dma_start3A_1051 = tpu.memref_slice %arg2[%rem3A_455, %dma_start3A_1050] : memref<8192x2048xf32, #tpu.memory_space<any>> -> memref<1x2048xf32, #tpu.memory_space<any>>
      tpu.enqueue_dma source(%dma_start3A_1051 : memref<1x2048xf32, #tpu.memory_space<any>>) target(%dma_start3A_1049 : memref<1x2048xf32, #tpu.memory_space<any>>) target_semaphore(%dma_start3A_1047 : memref<!tpu.dma_semaphore, #tpu.memory_space<semaphore_mem>>)
    } else {
    }
    %add3A_466 = arith.constant 28 : i32
    %add3A_467 = arith.addi %mul3A_8, %add3A_466 : i32
    %get3A_468 = arith.index_cast %add3A_467 : i32 to index
    %get3A_469 = memref.load %arg1[%get3A_468] : memref<1024xi32, #tpu.memory_space<smem>>
    %rem3A_470 = arith.constant 8192 : i32
    %rem3A_471 = arith.remsi %get3A_469, %rem3A_470 : i32
    %lt3A_472 = arith.constant 8192 : i32
    %lt3A_473 = arith.cmpi slt, %get3A_469, %lt3A_472 : i32
    %convert_element_type3A_474 = arith.extui %lt3A_473 : i1 to i32
    %cond3A_475 = arith.constant 0 : i32
    %cond3A_476 = arith.cmpi ne, %convert_element_type3A_474, %cond3A_475 : i32
    scf.if %cond3A_476 {
      %dma_start3A = tpu.memref_slice %arg6[%select_n3A_7] : memref<2x!tpu.dma_semaphore, #tpu.memory_space<semaphore_mem>> -> memref<1x!tpu.dma_semaphore, #tpu.memory_space<semaphore_mem>>
      %dma_start3A_1047 = tpu.memref_squeeze %dma_start3A : memref<1x!tpu.dma_semaphore, #tpu.memory_space<semaphore_mem>> -> memref<!tpu.dma_semaphore, #tpu.memory_space<semaphore_mem>>
      %dma_start3A_1048 = arith.constant 0 : i32
      %dma_start3A_1049 = tpu.memref_slice %arg4[%rem3A_471, %dma_start3A_1048] : memref<8192x2048xf32, #tpu.memory_space<any>> -> memref<1x2048xf32, #tpu.memory_space<any>>
      %dma_start3A_1050 = arith.constant 28 : i32
      %dma_start3A_1051 = arith.constant 0 : i32
      %dma_start3A_1052 = tpu.memref_slice %arg5[%select_n3A_7, %dma_start3A_1050, %dma_start3A_1051] : memref<2x64x2048xf32, #tpu.memory_space<vmem>> -> memref<1x1x2048xf32, #tpu.memory_space<vmem>>
      %dma_start3A_1053 = tpu.memref_squeeze %dma_start3A_1052 : memref<1x1x2048xf32, #tpu.memory_space<vmem>> -> memref<1x2048xf32, #tpu.memory_space<vmem>>
      tpu.enqueue_dma source(%dma_start3A_1053 : memref<1x2048xf32, #tpu.memory_space<vmem>>) target(%dma_start3A_1049 : memref<1x2048xf32, #tpu.memory_space<any>>) target_semaphore(%dma_start3A_1047 : memref<!tpu.dma_semaphore, #tpu.memory_space<semaphore_mem>>)
    } else {
    }
    %ge3A_477 = arith.constant 8192 : i32
    %ge3A_478 = arith.cmpi sge, %get3A_469, %ge3A_477 : i32
    %convert_element_type3A_479 = arith.extui %ge3A_478 : i1 to i32
    %cond3A_480 = arith.constant 0 : i32
    %cond3A_481 = arith.cmpi ne, %convert_element_type3A_479, %cond3A_480 : i32
    scf.if %cond3A_481 {
      %dma_start3A = tpu.memref_slice %arg6[%select_n3A_7] : memref<2x!tpu.dma_semaphore, #tpu.memory_space<semaphore_mem>> -> memref<1x!tpu.dma_semaphore, #tpu.memory_space<semaphore_mem>>
      %dma_start3A_1047 = tpu.memref_squeeze %dma_start3A : memref<1x!tpu.dma_semaphore, #tpu.memory_space<semaphore_mem>> -> memref<!tpu.dma_semaphore, #tpu.memory_space<semaphore_mem>>
      %dma_start3A_1048 = arith.constant 0 : i32
      %dma_start3A_1049 = tpu.memref_slice %arg4[%rem3A_471, %dma_start3A_1048] : memref<8192x2048xf32, #tpu.memory_space<any>> -> memref<1x2048xf32, #tpu.memory_space<any>>
      %dma_start3A_1050 = arith.constant 0 : i32
      %dma_start3A_1051 = tpu.memref_slice %arg2[%rem3A_471, %dma_start3A_1050] : memref<8192x2048xf32, #tpu.memory_space<any>> -> memref<1x2048xf32, #tpu.memory_space<any>>
      tpu.enqueue_dma source(%dma_start3A_1051 : memref<1x2048xf32, #tpu.memory_space<any>>) target(%dma_start3A_1049 : memref<1x2048xf32, #tpu.memory_space<any>>) target_semaphore(%dma_start3A_1047 : memref<!tpu.dma_semaphore, #tpu.memory_space<semaphore_mem>>)
    } else {
    }
    %add3A_482 = arith.constant 29 : i32
    %add3A_483 = arith.addi %mul3A_8, %add3A_482 : i32
    %get3A_484 = arith.index_cast %add3A_483 : i32 to index
    %get3A_485 = memref.load %arg1[%get3A_484] : memref<1024xi32, #tpu.memory_space<smem>>
    %rem3A_486 = arith.constant 8192 : i32
    %rem3A_487 = arith.remsi %get3A_485, %rem3A_486 : i32
    %lt3A_488 = arith.constant 8192 : i32
    %lt3A_489 = arith.cmpi slt, %get3A_485, %lt3A_488 : i32
    %convert_element_type3A_490 = arith.extui %lt3A_489 : i1 to i32
    %cond3A_491 = arith.constant 0 : i32
    %cond3A_492 = arith.cmpi ne, %convert_element_type3A_490, %cond3A_491 : i32
    scf.if %cond3A_492 {
      %dma_start3A = tpu.memref_slice %arg6[%select_n3A_7] : memref<2x!tpu.dma_semaphore, #tpu.memory_space<semaphore_mem>> -> memref<1x!tpu.dma_semaphore, #tpu.memory_space<semaphore_mem>>
      %dma_start3A_1047 = tpu.memref_squeeze %dma_start3A : memref<1x!tpu.dma_semaphore, #tpu.memory_space<semaphore_mem>> -> memref<!tpu.dma_semaphore, #tpu.memory_space<semaphore_mem>>
      %dma_start3A_1048 = arith.constant 0 : i32
      %dma_start3A_1049 = tpu.memref_slice %arg4[%rem3A_487, %dma_start3A_1048] : memref<8192x2048xf32, #tpu.memory_space<any>> -> memref<1x2048xf32, #tpu.memory_space<any>>
      %dma_start3A_1050 = arith.constant 29 : i32
      %dma_start3A_1051 = arith.constant 0 : i32
      %dma_start3A_1052 = tpu.memref_slice %arg5[%select_n3A_7, %dma_start3A_1050, %dma_start3A_1051] : memref<2x64x2048xf32, #tpu.memory_space<vmem>> -> memref<1x1x2048xf32, #tpu.memory_space<vmem>>
      %dma_start3A_1053 = tpu.memref_squeeze %dma_start3A_1052 : memref<1x1x2048xf32, #tpu.memory_space<vmem>> -> memref<1x2048xf32, #tpu.memory_space<vmem>>
      tpu.enqueue_dma source(%dma_start3A_1053 : memref<1x2048xf32, #tpu.memory_space<vmem>>) target(%dma_start3A_1049 : memref<1x2048xf32, #tpu.memory_space<any>>) target_semaphore(%dma_start3A_1047 : memref<!tpu.dma_semaphore, #tpu.memory_space<semaphore_mem>>)
    } else {
    }
    %ge3A_493 = arith.constant 8192 : i32
    %ge3A_494 = arith.cmpi sge, %get3A_485, %ge3A_493 : i32
    %convert_element_type3A_495 = arith.extui %ge3A_494 : i1 to i32
    %cond3A_496 = arith.constant 0 : i32
    %cond3A_497 = arith.cmpi ne, %convert_element_type3A_495, %cond3A_496 : i32
    scf.if %cond3A_497 {
      %dma_start3A = tpu.memref_slice %arg6[%select_n3A_7] : memref<2x!tpu.dma_semaphore, #tpu.memory_space<semaphore_mem>> -> memref<1x!tpu.dma_semaphore, #tpu.memory_space<semaphore_mem>>
      %dma_start3A_1047 = tpu.memref_squeeze %dma_start3A : memref<1x!tpu.dma_semaphore, #tpu.memory_space<semaphore_mem>> -> memref<!tpu.dma_semaphore, #tpu.memory_space<semaphore_mem>>
      %dma_start3A_1048 = arith.constant 0 : i32
      %dma_start3A_1049 = tpu.memref_slice %arg4[%rem3A_487, %dma_start3A_1048] : memref<8192x2048xf32, #tpu.memory_space<any>> -> memref<1x2048xf32, #tpu.memory_space<any>>
      %dma_start3A_1050 = arith.constant 0 : i32
      %dma_start3A_1051 = tpu.memref_slice %arg2[%rem3A_487, %dma_start3A_1050] : memref<8192x2048xf32, #tpu.memory_space<any>> -> memref<1x2048xf32, #tpu.memory_space<any>>
      tpu.enqueue_dma source(%dma_start3A_1051 : memref<1x2048xf32, #tpu.memory_space<any>>) target(%dma_start3A_1049 : memref<1x2048xf32, #tpu.memory_space<any>>) target_semaphore(%dma_start3A_1047 : memref<!tpu.dma_semaphore, #tpu.memory_space<semaphore_mem>>)
    } else {
    }
    %add3A_498 = arith.constant 30 : i32
    %add3A_499 = arith.addi %mul3A_8, %add3A_498 : i32
    %get3A_500 = arith.index_cast %add3A_499 : i32 to index
    %get3A_501 = memref.load %arg1[%get3A_500] : memref<1024xi32, #tpu.memory_space<smem>>
    %rem3A_502 = arith.constant 8192 : i32
    %rem3A_503 = arith.remsi %get3A_501, %rem3A_502 : i32
    %lt3A_504 = arith.constant 8192 : i32
    %lt3A_505 = arith.cmpi slt, %get3A_501, %lt3A_504 : i32
    %convert_element_type3A_506 = arith.extui %lt3A_505 : i1 to i32
    %cond3A_507 = arith.constant 0 : i32
    %cond3A_508 = arith.cmpi ne, %convert_element_type3A_506, %cond3A_507 : i32
    scf.if %cond3A_508 {
      %dma_start3A = tpu.memref_slice %arg6[%select_n3A_7] : memref<2x!tpu.dma_semaphore, #tpu.memory_space<semaphore_mem>> -> memref<1x!tpu.dma_semaphore, #tpu.memory_space<semaphore_mem>>
      %dma_start3A_1047 = tpu.memref_squeeze %dma_start3A : memref<1x!tpu.dma_semaphore, #tpu.memory_space<semaphore_mem>> -> memref<!tpu.dma_semaphore, #tpu.memory_space<semaphore_mem>>
      %dma_start3A_1048 = arith.constant 0 : i32
      %dma_start3A_1049 = tpu.memref_slice %arg4[%rem3A_503, %dma_start3A_1048] : memref<8192x2048xf32, #tpu.memory_space<any>> -> memref<1x2048xf32, #tpu.memory_space<any>>
      %dma_start3A_1050 = arith.constant 30 : i32
      %dma_start3A_1051 = arith.constant 0 : i32
      %dma_start3A_1052 = tpu.memref_slice %arg5[%select_n3A_7, %dma_start3A_1050, %dma_start3A_1051] : memref<2x64x2048xf32, #tpu.memory_space<vmem>> -> memref<1x1x2048xf32, #tpu.memory_space<vmem>>
      %dma_start3A_1053 = tpu.memref_squeeze %dma_start3A_1052 : memref<1x1x2048xf32, #tpu.memory_space<vmem>> -> memref<1x2048xf32, #tpu.memory_space<vmem>>
      tpu.enqueue_dma source(%dma_start3A_1053 : memref<1x2048xf32, #tpu.memory_space<vmem>>) target(%dma_start3A_1049 : memref<1x2048xf32, #tpu.memory_space<any>>) target_semaphore(%dma_start3A_1047 : memref<!tpu.dma_semaphore, #tpu.memory_space<semaphore_mem>>)
    } else {
    }
    %ge3A_509 = arith.constant 8192 : i32
    %ge3A_510 = arith.cmpi sge, %get3A_501, %ge3A_509 : i32
    %convert_element_type3A_511 = arith.extui %ge3A_510 : i1 to i32
    %cond3A_512 = arith.constant 0 : i32
    %cond3A_513 = arith.cmpi ne, %convert_element_type3A_511, %cond3A_512 : i32
    scf.if %cond3A_513 {
      %dma_start3A = tpu.memref_slice %arg6[%select_n3A_7] : memref<2x!tpu.dma_semaphore, #tpu.memory_space<semaphore_mem>> -> memref<1x!tpu.dma_semaphore, #tpu.memory_space<semaphore_mem>>
      %dma_start3A_1047 = tpu.memref_squeeze %dma_start3A : memref<1x!tpu.dma_semaphore, #tpu.memory_space<semaphore_mem>> -> memref<!tpu.dma_semaphore, #tpu.memory_space<semaphore_mem>>
      %dma_start3A_1048 = arith.constant 0 : i32
      %dma_start3A_1049 = tpu.memref_slice %arg4[%rem3A_503, %dma_start3A_1048] : memref<8192x2048xf32, #tpu.memory_space<any>> -> memref<1x2048xf32, #tpu.memory_space<any>>
      %dma_start3A_1050 = arith.constant 0 : i32
      %dma_start3A_1051 = tpu.memref_slice %arg2[%rem3A_503, %dma_start3A_1050] : memref<8192x2048xf32, #tpu.memory_space<any>> -> memref<1x2048xf32, #tpu.memory_space<any>>
      tpu.enqueue_dma source(%dma_start3A_1051 : memref<1x2048xf32, #tpu.memory_space<any>>) target(%dma_start3A_1049 : memref<1x2048xf32, #tpu.memory_space<any>>) target_semaphore(%dma_start3A_1047 : memref<!tpu.dma_semaphore, #tpu.memory_space<semaphore_mem>>)
    } else {
    }
    %add3A_514 = arith.constant 31 : i32
    %add3A_515 = arith.addi %mul3A_8, %add3A_514 : i32
    %get3A_516 = arith.index_cast %add3A_515 : i32 to index
    %get3A_517 = memref.load %arg1[%get3A_516] : memref<1024xi32, #tpu.memory_space<smem>>
    %rem3A_518 = arith.constant 8192 : i32
    %rem3A_519 = arith.remsi %get3A_517, %rem3A_518 : i32
    %lt3A_520 = arith.constant 8192 : i32
    %lt3A_521 = arith.cmpi slt, %get3A_517, %lt3A_520 : i32
    %convert_element_type3A_522 = arith.extui %lt3A_521 : i1 to i32
    %cond3A_523 = arith.constant 0 : i32
    %cond3A_524 = arith.cmpi ne, %convert_element_type3A_522, %cond3A_523 : i32
    scf.if %cond3A_524 {
      %dma_start3A = tpu.memref_slice %arg6[%select_n3A_7] : memref<2x!tpu.dma_semaphore, #tpu.memory_space<semaphore_mem>> -> memref<1x!tpu.dma_semaphore, #tpu.memory_space<semaphore_mem>>
      %dma_start3A_1047 = tpu.memref_squeeze %dma_start3A : memref<1x!tpu.dma_semaphore, #tpu.memory_space<semaphore_mem>> -> memref<!tpu.dma_semaphore, #tpu.memory_space<semaphore_mem>>
      %dma_start3A_1048 = arith.constant 0 : i32
      %dma_start3A_1049 = tpu.memref_slice %arg4[%rem3A_519, %dma_start3A_1048] : memref<8192x2048xf32, #tpu.memory_space<any>> -> memref<1x2048xf32, #tpu.memory_space<any>>
      %dma_start3A_1050 = arith.constant 31 : i32
      %dma_start3A_1051 = arith.constant 0 : i32
      %dma_start3A_1052 = tpu.memref_slice %arg5[%select_n3A_7, %dma_start3A_1050, %dma_start3A_1051] : memref<2x64x2048xf32, #tpu.memory_space<vmem>> -> memref<1x1x2048xf32, #tpu.memory_space<vmem>>
      %dma_start3A_1053 = tpu.memref_squeeze %dma_start3A_1052 : memref<1x1x2048xf32, #tpu.memory_space<vmem>> -> memref<1x2048xf32, #tpu.memory_space<vmem>>
      tpu.enqueue_dma source(%dma_start3A_1053 : memref<1x2048xf32, #tpu.memory_space<vmem>>) target(%dma_start3A_1049 : memref<1x2048xf32, #tpu.memory_space<any>>) target_semaphore(%dma_start3A_1047 : memref<!tpu.dma_semaphore, #tpu.memory_space<semaphore_mem>>)
    } else {
    }
    %ge3A_525 = arith.constant 8192 : i32
    %ge3A_526 = arith.cmpi sge, %get3A_517, %ge3A_525 : i32
    %convert_element_type3A_527 = arith.extui %ge3A_526 : i1 to i32
    %cond3A_528 = arith.constant 0 : i32
    %cond3A_529 = arith.cmpi ne, %convert_element_type3A_527, %cond3A_528 : i32
    scf.if %cond3A_529 {
      %dma_start3A = tpu.memref_slice %arg6[%select_n3A_7] : memref<2x!tpu.dma_semaphore, #tpu.memory_space<semaphore_mem>> -> memref<1x!tpu.dma_semaphore, #tpu.memory_space<semaphore_mem>>
      %dma_start3A_1047 = tpu.memref_squeeze %dma_start3A : memref<1x!tpu.dma_semaphore, #tpu.memory_space<semaphore_mem>> -> memref<!tpu.dma_semaphore, #tpu.memory_space<semaphore_mem>>
      %dma_start3A_1048 = arith.constant 0 : i32
      %dma_start3A_1049 = tpu.memref_slice %arg4[%rem3A_519, %dma_start3A_1048] : memref<8192x2048xf32, #tpu.memory_space<any>> -> memref<1x2048xf32, #tpu.memory_space<any>>
      %dma_start3A_1050 = arith.constant 0 : i32
      %dma_start3A_1051 = tpu.memref_slice %arg2[%rem3A_519, %dma_start3A_1050] : memref<8192x2048xf32, #tpu.memory_space<any>> -> memref<1x2048xf32, #tpu.memory_space<any>>
      tpu.enqueue_dma source(%dma_start3A_1051 : memref<1x2048xf32, #tpu.memory_space<any>>) target(%dma_start3A_1049 : memref<1x2048xf32, #tpu.memory_space<any>>) target_semaphore(%dma_start3A_1047 : memref<!tpu.dma_semaphore, #tpu.memory_space<semaphore_mem>>)
    } else {
    }
    %add3A_530 = arith.constant 32 : i32
    %add3A_531 = arith.addi %mul3A_8, %add3A_530 : i32
    %get3A_532 = arith.index_cast %add3A_531 : i32 to index
    %get3A_533 = memref.load %arg1[%get3A_532] : memref<1024xi32, #tpu.memory_space<smem>>
    %rem3A_534 = arith.constant 8192 : i32
    %rem3A_535 = arith.remsi %get3A_533, %rem3A_534 : i32
    %lt3A_536 = arith.constant 8192 : i32
    %lt3A_537 = arith.cmpi slt, %get3A_533, %lt3A_536 : i32
    %convert_element_type3A_538 = arith.extui %lt3A_537 : i1 to i32
    %cond3A_539 = arith.constant 0 : i32
    %cond3A_540 = arith.cmpi ne, %convert_element_type3A_538, %cond3A_539 : i32
    scf.if %cond3A_540 {
      %dma_start3A = tpu.memref_slice %arg6[%select_n3A_7] : memref<2x!tpu.dma_semaphore, #tpu.memory_space<semaphore_mem>> -> memref<1x!tpu.dma_semaphore, #tpu.memory_space<semaphore_mem>>
      %dma_start3A_1047 = tpu.memref_squeeze %dma_start3A : memref<1x!tpu.dma_semaphore, #tpu.memory_space<semaphore_mem>> -> memref<!tpu.dma_semaphore, #tpu.memory_space<semaphore_mem>>
      %dma_start3A_1048 = arith.constant 0 : i32
      %dma_start3A_1049 = tpu.memref_slice %arg4[%rem3A_535, %dma_start3A_1048] : memref<8192x2048xf32, #tpu.memory_space<any>> -> memref<1x2048xf32, #tpu.memory_space<any>>
      %dma_start3A_1050 = arith.constant 32 : i32
      %dma_start3A_1051 = arith.constant 0 : i32
      %dma_start3A_1052 = tpu.memref_slice %arg5[%select_n3A_7, %dma_start3A_1050, %dma_start3A_1051] : memref<2x64x2048xf32, #tpu.memory_space<vmem>> -> memref<1x1x2048xf32, #tpu.memory_space<vmem>>
      %dma_start3A_1053 = tpu.memref_squeeze %dma_start3A_1052 : memref<1x1x2048xf32, #tpu.memory_space<vmem>> -> memref<1x2048xf32, #tpu.memory_space<vmem>>
      tpu.enqueue_dma source(%dma_start3A_1053 : memref<1x2048xf32, #tpu.memory_space<vmem>>) target(%dma_start3A_1049 : memref<1x2048xf32, #tpu.memory_space<any>>) target_semaphore(%dma_start3A_1047 : memref<!tpu.dma_semaphore, #tpu.memory_space<semaphore_mem>>)
    } else {
    }
    %ge3A_541 = arith.constant 8192 : i32
    %ge3A_542 = arith.cmpi sge, %get3A_533, %ge3A_541 : i32
    %convert_element_type3A_543 = arith.extui %ge3A_542 : i1 to i32
    %cond3A_544 = arith.constant 0 : i32
    %cond3A_545 = arith.cmpi ne, %convert_element_type3A_543, %cond3A_544 : i32
    scf.if %cond3A_545 {
      %dma_start3A = tpu.memref_slice %arg6[%select_n3A_7] : memref<2x!tpu.dma_semaphore, #tpu.memory_space<semaphore_mem>> -> memref<1x!tpu.dma_semaphore, #tpu.memory_space<semaphore_mem>>
      %dma_start3A_1047 = tpu.memref_squeeze %dma_start3A : memref<1x!tpu.dma_semaphore, #tpu.memory_space<semaphore_mem>> -> memref<!tpu.dma_semaphore, #tpu.memory_space<semaphore_mem>>
      %dma_start3A_1048 = arith.constant 0 : i32
      %dma_start3A_1049 = tpu.memref_slice %arg4[%rem3A_535, %dma_start3A_1048] : memref<8192x2048xf32, #tpu.memory_space<any>> -> memref<1x2048xf32, #tpu.memory_space<any>>
      %dma_start3A_1050 = arith.constant 0 : i32
      %dma_start3A_1051 = tpu.memref_slice %arg2[%rem3A_535, %dma_start3A_1050] : memref<8192x2048xf32, #tpu.memory_space<any>> -> memref<1x2048xf32, #tpu.memory_space<any>>
      tpu.enqueue_dma source(%dma_start3A_1051 : memref<1x2048xf32, #tpu.memory_space<any>>) target(%dma_start3A_1049 : memref<1x2048xf32, #tpu.memory_space<any>>) target_semaphore(%dma_start3A_1047 : memref<!tpu.dma_semaphore, #tpu.memory_space<semaphore_mem>>)
    } else {
    }
    %add3A_546 = arith.constant 33 : i32
    %add3A_547 = arith.addi %mul3A_8, %add3A_546 : i32
    %get3A_548 = arith.index_cast %add3A_547 : i32 to index
    %get3A_549 = memref.load %arg1[%get3A_548] : memref<1024xi32, #tpu.memory_space<smem>>
    %rem3A_550 = arith.constant 8192 : i32
    %rem3A_551 = arith.remsi %get3A_549, %rem3A_550 : i32
    %lt3A_552 = arith.constant 8192 : i32
    %lt3A_553 = arith.cmpi slt, %get3A_549, %lt3A_552 : i32
    %convert_element_type3A_554 = arith.extui %lt3A_553 : i1 to i32
    %cond3A_555 = arith.constant 0 : i32
    %cond3A_556 = arith.cmpi ne, %convert_element_type3A_554, %cond3A_555 : i32
    scf.if %cond3A_556 {
      %dma_start3A = tpu.memref_slice %arg6[%select_n3A_7] : memref<2x!tpu.dma_semaphore, #tpu.memory_space<semaphore_mem>> -> memref<1x!tpu.dma_semaphore, #tpu.memory_space<semaphore_mem>>
      %dma_start3A_1047 = tpu.memref_squeeze %dma_start3A : memref<1x!tpu.dma_semaphore, #tpu.memory_space<semaphore_mem>> -> memref<!tpu.dma_semaphore, #tpu.memory_space<semaphore_mem>>
      %dma_start3A_1048 = arith.constant 0 : i32
      %dma_start3A_1049 = tpu.memref_slice %arg4[%rem3A_551, %dma_start3A_1048] : memref<8192x2048xf32, #tpu.memory_space<any>> -> memref<1x2048xf32, #tpu.memory_space<any>>
      %dma_start3A_1050 = arith.constant 33 : i32
      %dma_start3A_1051 = arith.constant 0 : i32
      %dma_start3A_1052 = tpu.memref_slice %arg5[%select_n3A_7, %dma_start3A_1050, %dma_start3A_1051] : memref<2x64x2048xf32, #tpu.memory_space<vmem>> -> memref<1x1x2048xf32, #tpu.memory_space<vmem>>
      %dma_start3A_1053 = tpu.memref_squeeze %dma_start3A_1052 : memref<1x1x2048xf32, #tpu.memory_space<vmem>> -> memref<1x2048xf32, #tpu.memory_space<vmem>>
      tpu.enqueue_dma source(%dma_start3A_1053 : memref<1x2048xf32, #tpu.memory_space<vmem>>) target(%dma_start3A_1049 : memref<1x2048xf32, #tpu.memory_space<any>>) target_semaphore(%dma_start3A_1047 : memref<!tpu.dma_semaphore, #tpu.memory_space<semaphore_mem>>)
    } else {
    }
    %ge3A_557 = arith.constant 8192 : i32
    %ge3A_558 = arith.cmpi sge, %get3A_549, %ge3A_557 : i32
    %convert_element_type3A_559 = arith.extui %ge3A_558 : i1 to i32
    %cond3A_560 = arith.constant 0 : i32
    %cond3A_561 = arith.cmpi ne, %convert_element_type3A_559, %cond3A_560 : i32
    scf.if %cond3A_561 {
      %dma_start3A = tpu.memref_slice %arg6[%select_n3A_7] : memref<2x!tpu.dma_semaphore, #tpu.memory_space<semaphore_mem>> -> memref<1x!tpu.dma_semaphore, #tpu.memory_space<semaphore_mem>>
      %dma_start3A_1047 = tpu.memref_squeeze %dma_start3A : memref<1x!tpu.dma_semaphore, #tpu.memory_space<semaphore_mem>> -> memref<!tpu.dma_semaphore, #tpu.memory_space<semaphore_mem>>
      %dma_start3A_1048 = arith.constant 0 : i32
      %dma_start3A_1049 = tpu.memref_slice %arg4[%rem3A_551, %dma_start3A_1048] : memref<8192x2048xf32, #tpu.memory_space<any>> -> memref<1x2048xf32, #tpu.memory_space<any>>
      %dma_start3A_1050 = arith.constant 0 : i32
      %dma_start3A_1051 = tpu.memref_slice %arg2[%rem3A_551, %dma_start3A_1050] : memref<8192x2048xf32, #tpu.memory_space<any>> -> memref<1x2048xf32, #tpu.memory_space<any>>
      tpu.enqueue_dma source(%dma_start3A_1051 : memref<1x2048xf32, #tpu.memory_space<any>>) target(%dma_start3A_1049 : memref<1x2048xf32, #tpu.memory_space<any>>) target_semaphore(%dma_start3A_1047 : memref<!tpu.dma_semaphore, #tpu.memory_space<semaphore_mem>>)
    } else {
    }
    %add3A_562 = arith.constant 34 : i32
    %add3A_563 = arith.addi %mul3A_8, %add3A_562 : i32
    %get3A_564 = arith.index_cast %add3A_563 : i32 to index
    %get3A_565 = memref.load %arg1[%get3A_564] : memref<1024xi32, #tpu.memory_space<smem>>
    %rem3A_566 = arith.constant 8192 : i32
    %rem3A_567 = arith.remsi %get3A_565, %rem3A_566 : i32
    %lt3A_568 = arith.constant 8192 : i32
    %lt3A_569 = arith.cmpi slt, %get3A_565, %lt3A_568 : i32
    %convert_element_type3A_570 = arith.extui %lt3A_569 : i1 to i32
    %cond3A_571 = arith.constant 0 : i32
    %cond3A_572 = arith.cmpi ne, %convert_element_type3A_570, %cond3A_571 : i32
    scf.if %cond3A_572 {
      %dma_start3A = tpu.memref_slice %arg6[%select_n3A_7] : memref<2x!tpu.dma_semaphore, #tpu.memory_space<semaphore_mem>> -> memref<1x!tpu.dma_semaphore, #tpu.memory_space<semaphore_mem>>
      %dma_start3A_1047 = tpu.memref_squeeze %dma_start3A : memref<1x!tpu.dma_semaphore, #tpu.memory_space<semaphore_mem>> -> memref<!tpu.dma_semaphore, #tpu.memory_space<semaphore_mem>>
      %dma_start3A_1048 = arith.constant 0 : i32
      %dma_start3A_1049 = tpu.memref_slice %arg4[%rem3A_567, %dma_start3A_1048] : memref<8192x2048xf32, #tpu.memory_space<any>> -> memref<1x2048xf32, #tpu.memory_space<any>>
      %dma_start3A_1050 = arith.constant 34 : i32
      %dma_start3A_1051 = arith.constant 0 : i32
      %dma_start3A_1052 = tpu.memref_slice %arg5[%select_n3A_7, %dma_start3A_1050, %dma_start3A_1051] : memref<2x64x2048xf32, #tpu.memory_space<vmem>> -> memref<1x1x2048xf32, #tpu.memory_space<vmem>>
      %dma_start3A_1053 = tpu.memref_squeeze %dma_start3A_1052 : memref<1x1x2048xf32, #tpu.memory_space<vmem>> -> memref<1x2048xf32, #tpu.memory_space<vmem>>
      tpu.enqueue_dma source(%dma_start3A_1053 : memref<1x2048xf32, #tpu.memory_space<vmem>>) target(%dma_start3A_1049 : memref<1x2048xf32, #tpu.memory_space<any>>) target_semaphore(%dma_start3A_1047 : memref<!tpu.dma_semaphore, #tpu.memory_space<semaphore_mem>>)
    } else {
    }
    %ge3A_573 = arith.constant 8192 : i32
    %ge3A_574 = arith.cmpi sge, %get3A_565, %ge3A_573 : i32
    %convert_element_type3A_575 = arith.extui %ge3A_574 : i1 to i32
    %cond3A_576 = arith.constant 0 : i32
    %cond3A_577 = arith.cmpi ne, %convert_element_type3A_575, %cond3A_576 : i32
    scf.if %cond3A_577 {
      %dma_start3A = tpu.memref_slice %arg6[%select_n3A_7] : memref<2x!tpu.dma_semaphore, #tpu.memory_space<semaphore_mem>> -> memref<1x!tpu.dma_semaphore, #tpu.memory_space<semaphore_mem>>
      %dma_start3A_1047 = tpu.memref_squeeze %dma_start3A : memref<1x!tpu.dma_semaphore, #tpu.memory_space<semaphore_mem>> -> memref<!tpu.dma_semaphore, #tpu.memory_space<semaphore_mem>>
      %dma_start3A_1048 = arith.constant 0 : i32
      %dma_start3A_1049 = tpu.memref_slice %arg4[%rem3A_567, %dma_start3A_1048] : memref<8192x2048xf32, #tpu.memory_space<any>> -> memref<1x2048xf32, #tpu.memory_space<any>>
      %dma_start3A_1050 = arith.constant 0 : i32
      %dma_start3A_1051 = tpu.memref_slice %arg2[%rem3A_567, %dma_start3A_1050] : memref<8192x2048xf32, #tpu.memory_space<any>> -> memref<1x2048xf32, #tpu.memory_space<any>>
      tpu.enqueue_dma source(%dma_start3A_1051 : memref<1x2048xf32, #tpu.memory_space<any>>) target(%dma_start3A_1049 : memref<1x2048xf32, #tpu.memory_space<any>>) target_semaphore(%dma_start3A_1047 : memref<!tpu.dma_semaphore, #tpu.memory_space<semaphore_mem>>)
    } else {
    }
    %add3A_578 = arith.constant 35 : i32
    %add3A_579 = arith.addi %mul3A_8, %add3A_578 : i32
    %get3A_580 = arith.index_cast %add3A_579 : i32 to index
    %get3A_581 = memref.load %arg1[%get3A_580] : memref<1024xi32, #tpu.memory_space<smem>>
    %rem3A_582 = arith.constant 8192 : i32
    %rem3A_583 = arith.remsi %get3A_581, %rem3A_582 : i32
    %lt3A_584 = arith.constant 8192 : i32
    %lt3A_585 = arith.cmpi slt, %get3A_581, %lt3A_584 : i32
    %convert_element_type3A_586 = arith.extui %lt3A_585 : i1 to i32
    %cond3A_587 = arith.constant 0 : i32
    %cond3A_588 = arith.cmpi ne, %convert_element_type3A_586, %cond3A_587 : i32
    scf.if %cond3A_588 {
      %dma_start3A = tpu.memref_slice %arg6[%select_n3A_7] : memref<2x!tpu.dma_semaphore, #tpu.memory_space<semaphore_mem>> -> memref<1x!tpu.dma_semaphore, #tpu.memory_space<semaphore_mem>>
      %dma_start3A_1047 = tpu.memref_squeeze %dma_start3A : memref<1x!tpu.dma_semaphore, #tpu.memory_space<semaphore_mem>> -> memref<!tpu.dma_semaphore, #tpu.memory_space<semaphore_mem>>
      %dma_start3A_1048 = arith.constant 0 : i32
      %dma_start3A_1049 = tpu.memref_slice %arg4[%rem3A_583, %dma_start3A_1048] : memref<8192x2048xf32, #tpu.memory_space<any>> -> memref<1x2048xf32, #tpu.memory_space<any>>
      %dma_start3A_1050 = arith.constant 35 : i32
      %dma_start3A_1051 = arith.constant 0 : i32
      %dma_start3A_1052 = tpu.memref_slice %arg5[%select_n3A_7, %dma_start3A_1050, %dma_start3A_1051] : memref<2x64x2048xf32, #tpu.memory_space<vmem>> -> memref<1x1x2048xf32, #tpu.memory_space<vmem>>
      %dma_start3A_1053 = tpu.memref_squeeze %dma_start3A_1052 : memref<1x1x2048xf32, #tpu.memory_space<vmem>> -> memref<1x2048xf32, #tpu.memory_space<vmem>>
      tpu.enqueue_dma source(%dma_start3A_1053 : memref<1x2048xf32, #tpu.memory_space<vmem>>) target(%dma_start3A_1049 : memref<1x2048xf32, #tpu.memory_space<any>>) target_semaphore(%dma_start3A_1047 : memref<!tpu.dma_semaphore, #tpu.memory_space<semaphore_mem>>)
    } else {
    }
    %ge3A_589 = arith.constant 8192 : i32
    %ge3A_590 = arith.cmpi sge, %get3A_581, %ge3A_589 : i32
    %convert_element_type3A_591 = arith.extui %ge3A_590 : i1 to i32
    %cond3A_592 = arith.constant 0 : i32
    %cond3A_593 = arith.cmpi ne, %convert_element_type3A_591, %cond3A_592 : i32
    scf.if %cond3A_593 {
      %dma_start3A = tpu.memref_slice %arg6[%select_n3A_7] : memref<2x!tpu.dma_semaphore, #tpu.memory_space<semaphore_mem>> -> memref<1x!tpu.dma_semaphore, #tpu.memory_space<semaphore_mem>>
      %dma_start3A_1047 = tpu.memref_squeeze %dma_start3A : memref<1x!tpu.dma_semaphore, #tpu.memory_space<semaphore_mem>> -> memref<!tpu.dma_semaphore, #tpu.memory_space<semaphore_mem>>
      %dma_start3A_1048 = arith.constant 0 : i32
      %dma_start3A_1049 = tpu.memref_slice %arg4[%rem3A_583, %dma_start3A_1048] : memref<8192x2048xf32, #tpu.memory_space<any>> -> memref<1x2048xf32, #tpu.memory_space<any>>
      %dma_start3A_1050 = arith.constant 0 : i32
      %dma_start3A_1051 = tpu.memref_slice %arg2[%rem3A_583, %dma_start3A_1050] : memref<8192x2048xf32, #tpu.memory_space<any>> -> memref<1x2048xf32, #tpu.memory_space<any>>
      tpu.enqueue_dma source(%dma_start3A_1051 : memref<1x2048xf32, #tpu.memory_space<any>>) target(%dma_start3A_1049 : memref<1x2048xf32, #tpu.memory_space<any>>) target_semaphore(%dma_start3A_1047 : memref<!tpu.dma_semaphore, #tpu.memory_space<semaphore_mem>>)
    } else {
    }
    %add3A_594 = arith.constant 36 : i32
    %add3A_595 = arith.addi %mul3A_8, %add3A_594 : i32
    %get3A_596 = arith.index_cast %add3A_595 : i32 to index
    %get3A_597 = memref.load %arg1[%get3A_596] : memref<1024xi32, #tpu.memory_space<smem>>
    %rem3A_598 = arith.constant 8192 : i32
    %rem3A_599 = arith.remsi %get3A_597, %rem3A_598 : i32
    %lt3A_600 = arith.constant 8192 : i32
    %lt3A_601 = arith.cmpi slt, %get3A_597, %lt3A_600 : i32
    %convert_element_type3A_602 = arith.extui %lt3A_601 : i1 to i32
    %cond3A_603 = arith.constant 0 : i32
    %cond3A_604 = arith.cmpi ne, %convert_element_type3A_602, %cond3A_603 : i32
    scf.if %cond3A_604 {
      %dma_start3A = tpu.memref_slice %arg6[%select_n3A_7] : memref<2x!tpu.dma_semaphore, #tpu.memory_space<semaphore_mem>> -> memref<1x!tpu.dma_semaphore, #tpu.memory_space<semaphore_mem>>
      %dma_start3A_1047 = tpu.memref_squeeze %dma_start3A : memref<1x!tpu.dma_semaphore, #tpu.memory_space<semaphore_mem>> -> memref<!tpu.dma_semaphore, #tpu.memory_space<semaphore_mem>>
      %dma_start3A_1048 = arith.constant 0 : i32
      %dma_start3A_1049 = tpu.memref_slice %arg4[%rem3A_599, %dma_start3A_1048] : memref<8192x2048xf32, #tpu.memory_space<any>> -> memref<1x2048xf32, #tpu.memory_space<any>>
      %dma_start3A_1050 = arith.constant 36 : i32
      %dma_start3A_1051 = arith.constant 0 : i32
      %dma_start3A_1052 = tpu.memref_slice %arg5[%select_n3A_7, %dma_start3A_1050, %dma_start3A_1051] : memref<2x64x2048xf32, #tpu.memory_space<vmem>> -> memref<1x1x2048xf32, #tpu.memory_space<vmem>>
      %dma_start3A_1053 = tpu.memref_squeeze %dma_start3A_1052 : memref<1x1x2048xf32, #tpu.memory_space<vmem>> -> memref<1x2048xf32, #tpu.memory_space<vmem>>
      tpu.enqueue_dma source(%dma_start3A_1053 : memref<1x2048xf32, #tpu.memory_space<vmem>>) target(%dma_start3A_1049 : memref<1x2048xf32, #tpu.memory_space<any>>) target_semaphore(%dma_start3A_1047 : memref<!tpu.dma_semaphore, #tpu.memory_space<semaphore_mem>>)
    } else {
    }
    %ge3A_605 = arith.constant 8192 : i32
    %ge3A_606 = arith.cmpi sge, %get3A_597, %ge3A_605 : i32
    %convert_element_type3A_607 = arith.extui %ge3A_606 : i1 to i32
    %cond3A_608 = arith.constant 0 : i32
    %cond3A_609 = arith.cmpi ne, %convert_element_type3A_607, %cond3A_608 : i32
    scf.if %cond3A_609 {
      %dma_start3A = tpu.memref_slice %arg6[%select_n3A_7] : memref<2x!tpu.dma_semaphore, #tpu.memory_space<semaphore_mem>> -> memref<1x!tpu.dma_semaphore, #tpu.memory_space<semaphore_mem>>
      %dma_start3A_1047 = tpu.memref_squeeze %dma_start3A : memref<1x!tpu.dma_semaphore, #tpu.memory_space<semaphore_mem>> -> memref<!tpu.dma_semaphore, #tpu.memory_space<semaphore_mem>>
      %dma_start3A_1048 = arith.constant 0 : i32
      %dma_start3A_1049 = tpu.memref_slice %arg4[%rem3A_599, %dma_start3A_1048] : memref<8192x2048xf32, #tpu.memory_space<any>> -> memref<1x2048xf32, #tpu.memory_space<any>>
      %dma_start3A_1050 = arith.constant 0 : i32
      %dma_start3A_1051 = tpu.memref_slice %arg2[%rem3A_599, %dma_start3A_1050] : memref<8192x2048xf32, #tpu.memory_space<any>> -> memref<1x2048xf32, #tpu.memory_space<any>>
      tpu.enqueue_dma source(%dma_start3A_1051 : memref<1x2048xf32, #tpu.memory_space<any>>) target(%dma_start3A_1049 : memref<1x2048xf32, #tpu.memory_space<any>>) target_semaphore(%dma_start3A_1047 : memref<!tpu.dma_semaphore, #tpu.memory_space<semaphore_mem>>)
    } else {
    }
    %add3A_610 = arith.constant 37 : i32
    %add3A_611 = arith.addi %mul3A_8, %add3A_610 : i32
    %get3A_612 = arith.index_cast %add3A_611 : i32 to index
    %get3A_613 = memref.load %arg1[%get3A_612] : memref<1024xi32, #tpu.memory_space<smem>>
    %rem3A_614 = arith.constant 8192 : i32
    %rem3A_615 = arith.remsi %get3A_613, %rem3A_614 : i32
    %lt3A_616 = arith.constant 8192 : i32
    %lt3A_617 = arith.cmpi slt, %get3A_613, %lt3A_616 : i32
    %convert_element_type3A_618 = arith.extui %lt3A_617 : i1 to i32
    %cond3A_619 = arith.constant 0 : i32
    %cond3A_620 = arith.cmpi ne, %convert_element_type3A_618, %cond3A_619 : i32
    scf.if %cond3A_620 {
      %dma_start3A = tpu.memref_slice %arg6[%select_n3A_7] : memref<2x!tpu.dma_semaphore, #tpu.memory_space<semaphore_mem>> -> memref<1x!tpu.dma_semaphore, #tpu.memory_space<semaphore_mem>>
      %dma_start3A_1047 = tpu.memref_squeeze %dma_start3A : memref<1x!tpu.dma_semaphore, #tpu.memory_space<semaphore_mem>> -> memref<!tpu.dma_semaphore, #tpu.memory_space<semaphore_mem>>
      %dma_start3A_1048 = arith.constant 0 : i32
      %dma_start3A_1049 = tpu.memref_slice %arg4[%rem3A_615, %dma_start3A_1048] : memref<8192x2048xf32, #tpu.memory_space<any>> -> memref<1x2048xf32, #tpu.memory_space<any>>
      %dma_start3A_1050 = arith.constant 37 : i32
      %dma_start3A_1051 = arith.constant 0 : i32
      %dma_start3A_1052 = tpu.memref_slice %arg5[%select_n3A_7, %dma_start3A_1050, %dma_start3A_1051] : memref<2x64x2048xf32, #tpu.memory_space<vmem>> -> memref<1x1x2048xf32, #tpu.memory_space<vmem>>
      %dma_start3A_1053 = tpu.memref_squeeze %dma_start3A_1052 : memref<1x1x2048xf32, #tpu.memory_space<vmem>> -> memref<1x2048xf32, #tpu.memory_space<vmem>>
      tpu.enqueue_dma source(%dma_start3A_1053 : memref<1x2048xf32, #tpu.memory_space<vmem>>) target(%dma_start3A_1049 : memref<1x2048xf32, #tpu.memory_space<any>>) target_semaphore(%dma_start3A_1047 : memref<!tpu.dma_semaphore, #tpu.memory_space<semaphore_mem>>)
    } else {
    }
    %ge3A_621 = arith.constant 8192 : i32
    %ge3A_622 = arith.cmpi sge, %get3A_613, %ge3A_621 : i32
    %convert_element_type3A_623 = arith.extui %ge3A_622 : i1 to i32
    %cond3A_624 = arith.constant 0 : i32
    %cond3A_625 = arith.cmpi ne, %convert_element_type3A_623, %cond3A_624 : i32
    scf.if %cond3A_625 {
      %dma_start3A = tpu.memref_slice %arg6[%select_n3A_7] : memref<2x!tpu.dma_semaphore, #tpu.memory_space<semaphore_mem>> -> memref<1x!tpu.dma_semaphore, #tpu.memory_space<semaphore_mem>>
      %dma_start3A_1047 = tpu.memref_squeeze %dma_start3A : memref<1x!tpu.dma_semaphore, #tpu.memory_space<semaphore_mem>> -> memref<!tpu.dma_semaphore, #tpu.memory_space<semaphore_mem>>
      %dma_start3A_1048 = arith.constant 0 : i32
      %dma_start3A_1049 = tpu.memref_slice %arg4[%rem3A_615, %dma_start3A_1048] : memref<8192x2048xf32, #tpu.memory_space<any>> -> memref<1x2048xf32, #tpu.memory_space<any>>
      %dma_start3A_1050 = arith.constant 0 : i32
      %dma_start3A_1051 = tpu.memref_slice %arg2[%rem3A_615, %dma_start3A_1050] : memref<8192x2048xf32, #tpu.memory_space<any>> -> memref<1x2048xf32, #tpu.memory_space<any>>
      tpu.enqueue_dma source(%dma_start3A_1051 : memref<1x2048xf32, #tpu.memory_space<any>>) target(%dma_start3A_1049 : memref<1x2048xf32, #tpu.memory_space<any>>) target_semaphore(%dma_start3A_1047 : memref<!tpu.dma_semaphore, #tpu.memory_space<semaphore_mem>>)
    } else {
    }
    %add3A_626 = arith.constant 38 : i32
    %add3A_627 = arith.addi %mul3A_8, %add3A_626 : i32
    %get3A_628 = arith.index_cast %add3A_627 : i32 to index
    %get3A_629 = memref.load %arg1[%get3A_628] : memref<1024xi32, #tpu.memory_space<smem>>
    %rem3A_630 = arith.constant 8192 : i32
    %rem3A_631 = arith.remsi %get3A_629, %rem3A_630 : i32
    %lt3A_632 = arith.constant 8192 : i32
    %lt3A_633 = arith.cmpi slt, %get3A_629, %lt3A_632 : i32
    %convert_element_type3A_634 = arith.extui %lt3A_633 : i1 to i32
    %cond3A_635 = arith.constant 0 : i32
    %cond3A_636 = arith.cmpi ne, %convert_element_type3A_634, %cond3A_635 : i32
    scf.if %cond3A_636 {
      %dma_start3A = tpu.memref_slice %arg6[%select_n3A_7] : memref<2x!tpu.dma_semaphore, #tpu.memory_space<semaphore_mem>> -> memref<1x!tpu.dma_semaphore, #tpu.memory_space<semaphore_mem>>
      %dma_start3A_1047 = tpu.memref_squeeze %dma_start3A : memref<1x!tpu.dma_semaphore, #tpu.memory_space<semaphore_mem>> -> memref<!tpu.dma_semaphore, #tpu.memory_space<semaphore_mem>>
      %dma_start3A_1048 = arith.constant 0 : i32
      %dma_start3A_1049 = tpu.memref_slice %arg4[%rem3A_631, %dma_start3A_1048] : memref<8192x2048xf32, #tpu.memory_space<any>> -> memref<1x2048xf32, #tpu.memory_space<any>>
      %dma_start3A_1050 = arith.constant 38 : i32
      %dma_start3A_1051 = arith.constant 0 : i32
      %dma_start3A_1052 = tpu.memref_slice %arg5[%select_n3A_7, %dma_start3A_1050, %dma_start3A_1051] : memref<2x64x2048xf32, #tpu.memory_space<vmem>> -> memref<1x1x2048xf32, #tpu.memory_space<vmem>>
      %dma_start3A_1053 = tpu.memref_squeeze %dma_start3A_1052 : memref<1x1x2048xf32, #tpu.memory_space<vmem>> -> memref<1x2048xf32, #tpu.memory_space<vmem>>
      tpu.enqueue_dma source(%dma_start3A_1053 : memref<1x2048xf32, #tpu.memory_space<vmem>>) target(%dma_start3A_1049 : memref<1x2048xf32, #tpu.memory_space<any>>) target_semaphore(%dma_start3A_1047 : memref<!tpu.dma_semaphore, #tpu.memory_space<semaphore_mem>>)
    } else {
    }
    %ge3A_637 = arith.constant 8192 : i32
    %ge3A_638 = arith.cmpi sge, %get3A_629, %ge3A_637 : i32
    %convert_element_type3A_639 = arith.extui %ge3A_638 : i1 to i32
    %cond3A_640 = arith.constant 0 : i32
    %cond3A_641 = arith.cmpi ne, %convert_element_type3A_639, %cond3A_640 : i32
    scf.if %cond3A_641 {
      %dma_start3A = tpu.memref_slice %arg6[%select_n3A_7] : memref<2x!tpu.dma_semaphore, #tpu.memory_space<semaphore_mem>> -> memref<1x!tpu.dma_semaphore, #tpu.memory_space<semaphore_mem>>
      %dma_start3A_1047 = tpu.memref_squeeze %dma_start3A : memref<1x!tpu.dma_semaphore, #tpu.memory_space<semaphore_mem>> -> memref<!tpu.dma_semaphore, #tpu.memory_space<semaphore_mem>>
      %dma_start3A_1048 = arith.constant 0 : i32
      %dma_start3A_1049 = tpu.memref_slice %arg4[%rem3A_631, %dma_start3A_1048] : memref<8192x2048xf32, #tpu.memory_space<any>> -> memref<1x2048xf32, #tpu.memory_space<any>>
      %dma_start3A_1050 = arith.constant 0 : i32
      %dma_start3A_1051 = tpu.memref_slice %arg2[%rem3A_631, %dma_start3A_1050] : memref<8192x2048xf32, #tpu.memory_space<any>> -> memref<1x2048xf32, #tpu.memory_space<any>>
      tpu.enqueue_dma source(%dma_start3A_1051 : memref<1x2048xf32, #tpu.memory_space<any>>) target(%dma_start3A_1049 : memref<1x2048xf32, #tpu.memory_space<any>>) target_semaphore(%dma_start3A_1047 : memref<!tpu.dma_semaphore, #tpu.memory_space<semaphore_mem>>)
    } else {
    }
    %add3A_642 = arith.constant 39 : i32
    %add3A_643 = arith.addi %mul3A_8, %add3A_642 : i32
    %get3A_644 = arith.index_cast %add3A_643 : i32 to index
    %get3A_645 = memref.load %arg1[%get3A_644] : memref<1024xi32, #tpu.memory_space<smem>>
    %rem3A_646 = arith.constant 8192 : i32
    %rem3A_647 = arith.remsi %get3A_645, %rem3A_646 : i32
    %lt3A_648 = arith.constant 8192 : i32
    %lt3A_649 = arith.cmpi slt, %get3A_645, %lt3A_648 : i32
    %convert_element_type3A_650 = arith.extui %lt3A_649 : i1 to i32
    %cond3A_651 = arith.constant 0 : i32
    %cond3A_652 = arith.cmpi ne, %convert_element_type3A_650, %cond3A_651 : i32
    scf.if %cond3A_652 {
      %dma_start3A = tpu.memref_slice %arg6[%select_n3A_7] : memref<2x!tpu.dma_semaphore, #tpu.memory_space<semaphore_mem>> -> memref<1x!tpu.dma_semaphore, #tpu.memory_space<semaphore_mem>>
      %dma_start3A_1047 = tpu.memref_squeeze %dma_start3A : memref<1x!tpu.dma_semaphore, #tpu.memory_space<semaphore_mem>> -> memref<!tpu.dma_semaphore, #tpu.memory_space<semaphore_mem>>
      %dma_start3A_1048 = arith.constant 0 : i32
      %dma_start3A_1049 = tpu.memref_slice %arg4[%rem3A_647, %dma_start3A_1048] : memref<8192x2048xf32, #tpu.memory_space<any>> -> memref<1x2048xf32, #tpu.memory_space<any>>
      %dma_start3A_1050 = arith.constant 39 : i32
      %dma_start3A_1051 = arith.constant 0 : i32
      %dma_start3A_1052 = tpu.memref_slice %arg5[%select_n3A_7, %dma_start3A_1050, %dma_start3A_1051] : memref<2x64x2048xf32, #tpu.memory_space<vmem>> -> memref<1x1x2048xf32, #tpu.memory_space<vmem>>
      %dma_start3A_1053 = tpu.memref_squeeze %dma_start3A_1052 : memref<1x1x2048xf32, #tpu.memory_space<vmem>> -> memref<1x2048xf32, #tpu.memory_space<vmem>>
      tpu.enqueue_dma source(%dma_start3A_1053 : memref<1x2048xf32, #tpu.memory_space<vmem>>) target(%dma_start3A_1049 : memref<1x2048xf32, #tpu.memory_space<any>>) target_semaphore(%dma_start3A_1047 : memref<!tpu.dma_semaphore, #tpu.memory_space<semaphore_mem>>)
    } else {
    }
    %ge3A_653 = arith.constant 8192 : i32
    %ge3A_654 = arith.cmpi sge, %get3A_645, %ge3A_653 : i32
    %convert_element_type3A_655 = arith.extui %ge3A_654 : i1 to i32
    %cond3A_656 = arith.constant 0 : i32
    %cond3A_657 = arith.cmpi ne, %convert_element_type3A_655, %cond3A_656 : i32
    scf.if %cond3A_657 {
      %dma_start3A = tpu.memref_slice %arg6[%select_n3A_7] : memref<2x!tpu.dma_semaphore, #tpu.memory_space<semaphore_mem>> -> memref<1x!tpu.dma_semaphore, #tpu.memory_space<semaphore_mem>>
      %dma_start3A_1047 = tpu.memref_squeeze %dma_start3A : memref<1x!tpu.dma_semaphore, #tpu.memory_space<semaphore_mem>> -> memref<!tpu.dma_semaphore, #tpu.memory_space<semaphore_mem>>
      %dma_start3A_1048 = arith.constant 0 : i32
      %dma_start3A_1049 = tpu.memref_slice %arg4[%rem3A_647, %dma_start3A_1048] : memref<8192x2048xf32, #tpu.memory_space<any>> -> memref<1x2048xf32, #tpu.memory_space<any>>
      %dma_start3A_1050 = arith.constant 0 : i32
      %dma_start3A_1051 = tpu.memref_slice %arg2[%rem3A_647, %dma_start3A_1050] : memref<8192x2048xf32, #tpu.memory_space<any>> -> memref<1x2048xf32, #tpu.memory_space<any>>
      tpu.enqueue_dma source(%dma_start3A_1051 : memref<1x2048xf32, #tpu.memory_space<any>>) target(%dma_start3A_1049 : memref<1x2048xf32, #tpu.memory_space<any>>) target_semaphore(%dma_start3A_1047 : memref<!tpu.dma_semaphore, #tpu.memory_space<semaphore_mem>>)
    } else {
    }
    %add3A_658 = arith.constant 40 : i32
    %add3A_659 = arith.addi %mul3A_8, %add3A_658 : i32
    %get3A_660 = arith.index_cast %add3A_659 : i32 to index
    %get3A_661 = memref.load %arg1[%get3A_660] : memref<1024xi32, #tpu.memory_space<smem>>
    %rem3A_662 = arith.constant 8192 : i32
    %rem3A_663 = arith.remsi %get3A_661, %rem3A_662 : i32
    %lt3A_664 = arith.constant 8192 : i32
    %lt3A_665 = arith.cmpi slt, %get3A_661, %lt3A_664 : i32
    %convert_element_type3A_666 = arith.extui %lt3A_665 : i1 to i32
    %cond3A_667 = arith.constant 0 : i32
    %cond3A_668 = arith.cmpi ne, %convert_element_type3A_666, %cond3A_667 : i32
    scf.if %cond3A_668 {
      %dma_start3A = tpu.memref_slice %arg6[%select_n3A_7] : memref<2x!tpu.dma_semaphore, #tpu.memory_space<semaphore_mem>> -> memref<1x!tpu.dma_semaphore, #tpu.memory_space<semaphore_mem>>
      %dma_start3A_1047 = tpu.memref_squeeze %dma_start3A : memref<1x!tpu.dma_semaphore, #tpu.memory_space<semaphore_mem>> -> memref<!tpu.dma_semaphore, #tpu.memory_space<semaphore_mem>>
      %dma_start3A_1048 = arith.constant 0 : i32
      %dma_start3A_1049 = tpu.memref_slice %arg4[%rem3A_663, %dma_start3A_1048] : memref<8192x2048xf32, #tpu.memory_space<any>> -> memref<1x2048xf32, #tpu.memory_space<any>>
      %dma_start3A_1050 = arith.constant 40 : i32
      %dma_start3A_1051 = arith.constant 0 : i32
      %dma_start3A_1052 = tpu.memref_slice %arg5[%select_n3A_7, %dma_start3A_1050, %dma_start3A_1051] : memref<2x64x2048xf32, #tpu.memory_space<vmem>> -> memref<1x1x2048xf32, #tpu.memory_space<vmem>>
      %dma_start3A_1053 = tpu.memref_squeeze %dma_start3A_1052 : memref<1x1x2048xf32, #tpu.memory_space<vmem>> -> memref<1x2048xf32, #tpu.memory_space<vmem>>
      tpu.enqueue_dma source(%dma_start3A_1053 : memref<1x2048xf32, #tpu.memory_space<vmem>>) target(%dma_start3A_1049 : memref<1x2048xf32, #tpu.memory_space<any>>) target_semaphore(%dma_start3A_1047 : memref<!tpu.dma_semaphore, #tpu.memory_space<semaphore_mem>>)
    } else {
    }
    %ge3A_669 = arith.constant 8192 : i32
    %ge3A_670 = arith.cmpi sge, %get3A_661, %ge3A_669 : i32
    %convert_element_type3A_671 = arith.extui %ge3A_670 : i1 to i32
    %cond3A_672 = arith.constant 0 : i32
    %cond3A_673 = arith.cmpi ne, %convert_element_type3A_671, %cond3A_672 : i32
    scf.if %cond3A_673 {
      %dma_start3A = tpu.memref_slice %arg6[%select_n3A_7] : memref<2x!tpu.dma_semaphore, #tpu.memory_space<semaphore_mem>> -> memref<1x!tpu.dma_semaphore, #tpu.memory_space<semaphore_mem>>
      %dma_start3A_1047 = tpu.memref_squeeze %dma_start3A : memref<1x!tpu.dma_semaphore, #tpu.memory_space<semaphore_mem>> -> memref<!tpu.dma_semaphore, #tpu.memory_space<semaphore_mem>>
      %dma_start3A_1048 = arith.constant 0 : i32
      %dma_start3A_1049 = tpu.memref_slice %arg4[%rem3A_663, %dma_start3A_1048] : memref<8192x2048xf32, #tpu.memory_space<any>> -> memref<1x2048xf32, #tpu.memory_space<any>>
      %dma_start3A_1050 = arith.constant 0 : i32
      %dma_start3A_1051 = tpu.memref_slice %arg2[%rem3A_663, %dma_start3A_1050] : memref<8192x2048xf32, #tpu.memory_space<any>> -> memref<1x2048xf32, #tpu.memory_space<any>>
      tpu.enqueue_dma source(%dma_start3A_1051 : memref<1x2048xf32, #tpu.memory_space<any>>) target(%dma_start3A_1049 : memref<1x2048xf32, #tpu.memory_space<any>>) target_semaphore(%dma_start3A_1047 : memref<!tpu.dma_semaphore, #tpu.memory_space<semaphore_mem>>)
    } else {
    }
    %add3A_674 = arith.constant 41 : i32
    %add3A_675 = arith.addi %mul3A_8, %add3A_674 : i32
    %get3A_676 = arith.index_cast %add3A_675 : i32 to index
    %get3A_677 = memref.load %arg1[%get3A_676] : memref<1024xi32, #tpu.memory_space<smem>>
    %rem3A_678 = arith.constant 8192 : i32
    %rem3A_679 = arith.remsi %get3A_677, %rem3A_678 : i32
    %lt3A_680 = arith.constant 8192 : i32
    %lt3A_681 = arith.cmpi slt, %get3A_677, %lt3A_680 : i32
    %convert_element_type3A_682 = arith.extui %lt3A_681 : i1 to i32
    %cond3A_683 = arith.constant 0 : i32
    %cond3A_684 = arith.cmpi ne, %convert_element_type3A_682, %cond3A_683 : i32
    scf.if %cond3A_684 {
      %dma_start3A = tpu.memref_slice %arg6[%select_n3A_7] : memref<2x!tpu.dma_semaphore, #tpu.memory_space<semaphore_mem>> -> memref<1x!tpu.dma_semaphore, #tpu.memory_space<semaphore_mem>>
      %dma_start3A_1047 = tpu.memref_squeeze %dma_start3A : memref<1x!tpu.dma_semaphore, #tpu.memory_space<semaphore_mem>> -> memref<!tpu.dma_semaphore, #tpu.memory_space<semaphore_mem>>
      %dma_start3A_1048 = arith.constant 0 : i32
      %dma_start3A_1049 = tpu.memref_slice %arg4[%rem3A_679, %dma_start3A_1048] : memref<8192x2048xf32, #tpu.memory_space<any>> -> memref<1x2048xf32, #tpu.memory_space<any>>
      %dma_start3A_1050 = arith.constant 41 : i32
      %dma_start3A_1051 = arith.constant 0 : i32
      %dma_start3A_1052 = tpu.memref_slice %arg5[%select_n3A_7, %dma_start3A_1050, %dma_start3A_1051] : memref<2x64x2048xf32, #tpu.memory_space<vmem>> -> memref<1x1x2048xf32, #tpu.memory_space<vmem>>
      %dma_start3A_1053 = tpu.memref_squeeze %dma_start3A_1052 : memref<1x1x2048xf32, #tpu.memory_space<vmem>> -> memref<1x2048xf32, #tpu.memory_space<vmem>>
      tpu.enqueue_dma source(%dma_start3A_1053 : memref<1x2048xf32, #tpu.memory_space<vmem>>) target(%dma_start3A_1049 : memref<1x2048xf32, #tpu.memory_space<any>>) target_semaphore(%dma_start3A_1047 : memref<!tpu.dma_semaphore, #tpu.memory_space<semaphore_mem>>)
    } else {
    }
    %ge3A_685 = arith.constant 8192 : i32
    %ge3A_686 = arith.cmpi sge, %get3A_677, %ge3A_685 : i32
    %convert_element_type3A_687 = arith.extui %ge3A_686 : i1 to i32
    %cond3A_688 = arith.constant 0 : i32
    %cond3A_689 = arith.cmpi ne, %convert_element_type3A_687, %cond3A_688 : i32
    scf.if %cond3A_689 {
      %dma_start3A = tpu.memref_slice %arg6[%select_n3A_7] : memref<2x!tpu.dma_semaphore, #tpu.memory_space<semaphore_mem>> -> memref<1x!tpu.dma_semaphore, #tpu.memory_space<semaphore_mem>>
      %dma_start3A_1047 = tpu.memref_squeeze %dma_start3A : memref<1x!tpu.dma_semaphore, #tpu.memory_space<semaphore_mem>> -> memref<!tpu.dma_semaphore, #tpu.memory_space<semaphore_mem>>
      %dma_start3A_1048 = arith.constant 0 : i32
      %dma_start3A_1049 = tpu.memref_slice %arg4[%rem3A_679, %dma_start3A_1048] : memref<8192x2048xf32, #tpu.memory_space<any>> -> memref<1x2048xf32, #tpu.memory_space<any>>
      %dma_start3A_1050 = arith.constant 0 : i32
      %dma_start3A_1051 = tpu.memref_slice %arg2[%rem3A_679, %dma_start3A_1050] : memref<8192x2048xf32, #tpu.memory_space<any>> -> memref<1x2048xf32, #tpu.memory_space<any>>
      tpu.enqueue_dma source(%dma_start3A_1051 : memref<1x2048xf32, #tpu.memory_space<any>>) target(%dma_start3A_1049 : memref<1x2048xf32, #tpu.memory_space<any>>) target_semaphore(%dma_start3A_1047 : memref<!tpu.dma_semaphore, #tpu.memory_space<semaphore_mem>>)
    } else {
    }
    %add3A_690 = arith.constant 42 : i32
    %add3A_691 = arith.addi %mul3A_8, %add3A_690 : i32
    %get3A_692 = arith.index_cast %add3A_691 : i32 to index
    %get3A_693 = memref.load %arg1[%get3A_692] : memref<1024xi32, #tpu.memory_space<smem>>
    %rem3A_694 = arith.constant 8192 : i32
    %rem3A_695 = arith.remsi %get3A_693, %rem3A_694 : i32
    %lt3A_696 = arith.constant 8192 : i32
    %lt3A_697 = arith.cmpi slt, %get3A_693, %lt3A_696 : i32
    %convert_element_type3A_698 = arith.extui %lt3A_697 : i1 to i32
    %cond3A_699 = arith.constant 0 : i32
    %cond3A_700 = arith.cmpi ne, %convert_element_type3A_698, %cond3A_699 : i32
    scf.if %cond3A_700 {
      %dma_start3A = tpu.memref_slice %arg6[%select_n3A_7] : memref<2x!tpu.dma_semaphore, #tpu.memory_space<semaphore_mem>> -> memref<1x!tpu.dma_semaphore, #tpu.memory_space<semaphore_mem>>
      %dma_start3A_1047 = tpu.memref_squeeze %dma_start3A : memref<1x!tpu.dma_semaphore, #tpu.memory_space<semaphore_mem>> -> memref<!tpu.dma_semaphore, #tpu.memory_space<semaphore_mem>>
      %dma_start3A_1048 = arith.constant 0 : i32
      %dma_start3A_1049 = tpu.memref_slice %arg4[%rem3A_695, %dma_start3A_1048] : memref<8192x2048xf32, #tpu.memory_space<any>> -> memref<1x2048xf32, #tpu.memory_space<any>>
      %dma_start3A_1050 = arith.constant 42 : i32
      %dma_start3A_1051 = arith.constant 0 : i32
      %dma_start3A_1052 = tpu.memref_slice %arg5[%select_n3A_7, %dma_start3A_1050, %dma_start3A_1051] : memref<2x64x2048xf32, #tpu.memory_space<vmem>> -> memref<1x1x2048xf32, #tpu.memory_space<vmem>>
      %dma_start3A_1053 = tpu.memref_squeeze %dma_start3A_1052 : memref<1x1x2048xf32, #tpu.memory_space<vmem>> -> memref<1x2048xf32, #tpu.memory_space<vmem>>
      tpu.enqueue_dma source(%dma_start3A_1053 : memref<1x2048xf32, #tpu.memory_space<vmem>>) target(%dma_start3A_1049 : memref<1x2048xf32, #tpu.memory_space<any>>) target_semaphore(%dma_start3A_1047 : memref<!tpu.dma_semaphore, #tpu.memory_space<semaphore_mem>>)
    } else {
    }
    %ge3A_701 = arith.constant 8192 : i32
    %ge3A_702 = arith.cmpi sge, %get3A_693, %ge3A_701 : i32
    %convert_element_type3A_703 = arith.extui %ge3A_702 : i1 to i32
    %cond3A_704 = arith.constant 0 : i32
    %cond3A_705 = arith.cmpi ne, %convert_element_type3A_703, %cond3A_704 : i32
    scf.if %cond3A_705 {
      %dma_start3A = tpu.memref_slice %arg6[%select_n3A_7] : memref<2x!tpu.dma_semaphore, #tpu.memory_space<semaphore_mem>> -> memref<1x!tpu.dma_semaphore, #tpu.memory_space<semaphore_mem>>
      %dma_start3A_1047 = tpu.memref_squeeze %dma_start3A : memref<1x!tpu.dma_semaphore, #tpu.memory_space<semaphore_mem>> -> memref<!tpu.dma_semaphore, #tpu.memory_space<semaphore_mem>>
      %dma_start3A_1048 = arith.constant 0 : i32
      %dma_start3A_1049 = tpu.memref_slice %arg4[%rem3A_695, %dma_start3A_1048] : memref<8192x2048xf32, #tpu.memory_space<any>> -> memref<1x2048xf32, #tpu.memory_space<any>>
      %dma_start3A_1050 = arith.constant 0 : i32
      %dma_start3A_1051 = tpu.memref_slice %arg2[%rem3A_695, %dma_start3A_1050] : memref<8192x2048xf32, #tpu.memory_space<any>> -> memref<1x2048xf32, #tpu.memory_space<any>>
      tpu.enqueue_dma source(%dma_start3A_1051 : memref<1x2048xf32, #tpu.memory_space<any>>) target(%dma_start3A_1049 : memref<1x2048xf32, #tpu.memory_space<any>>) target_semaphore(%dma_start3A_1047 : memref<!tpu.dma_semaphore, #tpu.memory_space<semaphore_mem>>)
    } else {
    }
    %add3A_706 = arith.constant 43 : i32
    %add3A_707 = arith.addi %mul3A_8, %add3A_706 : i32
    %get3A_708 = arith.index_cast %add3A_707 : i32 to index
    %get3A_709 = memref.load %arg1[%get3A_708] : memref<1024xi32, #tpu.memory_space<smem>>
    %rem3A_710 = arith.constant 8192 : i32
    %rem3A_711 = arith.remsi %get3A_709, %rem3A_710 : i32
    %lt3A_712 = arith.constant 8192 : i32
    %lt3A_713 = arith.cmpi slt, %get3A_709, %lt3A_712 : i32
    %convert_element_type3A_714 = arith.extui %lt3A_713 : i1 to i32
    %cond3A_715 = arith.constant 0 : i32
    %cond3A_716 = arith.cmpi ne, %convert_element_type3A_714, %cond3A_715 : i32
    scf.if %cond3A_716 {
      %dma_start3A = tpu.memref_slice %arg6[%select_n3A_7] : memref<2x!tpu.dma_semaphore, #tpu.memory_space<semaphore_mem>> -> memref<1x!tpu.dma_semaphore, #tpu.memory_space<semaphore_mem>>
      %dma_start3A_1047 = tpu.memref_squeeze %dma_start3A : memref<1x!tpu.dma_semaphore, #tpu.memory_space<semaphore_mem>> -> memref<!tpu.dma_semaphore, #tpu.memory_space<semaphore_mem>>
      %dma_start3A_1048 = arith.constant 0 : i32
      %dma_start3A_1049 = tpu.memref_slice %arg4[%rem3A_711, %dma_start3A_1048] : memref<8192x2048xf32, #tpu.memory_space<any>> -> memref<1x2048xf32, #tpu.memory_space<any>>
      %dma_start3A_1050 = arith.constant 43 : i32
      %dma_start3A_1051 = arith.constant 0 : i32
      %dma_start3A_1052 = tpu.memref_slice %arg5[%select_n3A_7, %dma_start3A_1050, %dma_start3A_1051] : memref<2x64x2048xf32, #tpu.memory_space<vmem>> -> memref<1x1x2048xf32, #tpu.memory_space<vmem>>
      %dma_start3A_1053 = tpu.memref_squeeze %dma_start3A_1052 : memref<1x1x2048xf32, #tpu.memory_space<vmem>> -> memref<1x2048xf32, #tpu.memory_space<vmem>>
      tpu.enqueue_dma source(%dma_start3A_1053 : memref<1x2048xf32, #tpu.memory_space<vmem>>) target(%dma_start3A_1049 : memref<1x2048xf32, #tpu.memory_space<any>>) target_semaphore(%dma_start3A_1047 : memref<!tpu.dma_semaphore, #tpu.memory_space<semaphore_mem>>)
    } else {
    }
    %ge3A_717 = arith.constant 8192 : i32
    %ge3A_718 = arith.cmpi sge, %get3A_709, %ge3A_717 : i32
    %convert_element_type3A_719 = arith.extui %ge3A_718 : i1 to i32
    %cond3A_720 = arith.constant 0 : i32
    %cond3A_721 = arith.cmpi ne, %convert_element_type3A_719, %cond3A_720 : i32
    scf.if %cond3A_721 {
      %dma_start3A = tpu.memref_slice %arg6[%select_n3A_7] : memref<2x!tpu.dma_semaphore, #tpu.memory_space<semaphore_mem>> -> memref<1x!tpu.dma_semaphore, #tpu.memory_space<semaphore_mem>>
      %dma_start3A_1047 = tpu.memref_squeeze %dma_start3A : memref<1x!tpu.dma_semaphore, #tpu.memory_space<semaphore_mem>> -> memref<!tpu.dma_semaphore, #tpu.memory_space<semaphore_mem>>
      %dma_start3A_1048 = arith.constant 0 : i32
      %dma_start3A_1049 = tpu.memref_slice %arg4[%rem3A_711, %dma_start3A_1048] : memref<8192x2048xf32, #tpu.memory_space<any>> -> memref<1x2048xf32, #tpu.memory_space<any>>
      %dma_start3A_1050 = arith.constant 0 : i32
      %dma_start3A_1051 = tpu.memref_slice %arg2[%rem3A_711, %dma_start3A_1050] : memref<8192x2048xf32, #tpu.memory_space<any>> -> memref<1x2048xf32, #tpu.memory_space<any>>
      tpu.enqueue_dma source(%dma_start3A_1051 : memref<1x2048xf32, #tpu.memory_space<any>>) target(%dma_start3A_1049 : memref<1x2048xf32, #tpu.memory_space<any>>) target_semaphore(%dma_start3A_1047 : memref<!tpu.dma_semaphore, #tpu.memory_space<semaphore_mem>>)
    } else {
    }
    %add3A_722 = arith.constant 44 : i32
    %add3A_723 = arith.addi %mul3A_8, %add3A_722 : i32
    %get3A_724 = arith.index_cast %add3A_723 : i32 to index
    %get3A_725 = memref.load %arg1[%get3A_724] : memref<1024xi32, #tpu.memory_space<smem>>
    %rem3A_726 = arith.constant 8192 : i32
    %rem3A_727 = arith.remsi %get3A_725, %rem3A_726 : i32
    %lt3A_728 = arith.constant 8192 : i32
    %lt3A_729 = arith.cmpi slt, %get3A_725, %lt3A_728 : i32
    %convert_element_type3A_730 = arith.extui %lt3A_729 : i1 to i32
    %cond3A_731 = arith.constant 0 : i32
    %cond3A_732 = arith.cmpi ne, %convert_element_type3A_730, %cond3A_731 : i32
    scf.if %cond3A_732 {
      %dma_start3A = tpu.memref_slice %arg6[%select_n3A_7] : memref<2x!tpu.dma_semaphore, #tpu.memory_space<semaphore_mem>> -> memref<1x!tpu.dma_semaphore, #tpu.memory_space<semaphore_mem>>
      %dma_start3A_1047 = tpu.memref_squeeze %dma_start3A : memref<1x!tpu.dma_semaphore, #tpu.memory_space<semaphore_mem>> -> memref<!tpu.dma_semaphore, #tpu.memory_space<semaphore_mem>>
      %dma_start3A_1048 = arith.constant 0 : i32
      %dma_start3A_1049 = tpu.memref_slice %arg4[%rem3A_727, %dma_start3A_1048] : memref<8192x2048xf32, #tpu.memory_space<any>> -> memref<1x2048xf32, #tpu.memory_space<any>>
      %dma_start3A_1050 = arith.constant 44 : i32
      %dma_start3A_1051 = arith.constant 0 : i32
      %dma_start3A_1052 = tpu.memref_slice %arg5[%select_n3A_7, %dma_start3A_1050, %dma_start3A_1051] : memref<2x64x2048xf32, #tpu.memory_space<vmem>> -> memref<1x1x2048xf32, #tpu.memory_space<vmem>>
      %dma_start3A_1053 = tpu.memref_squeeze %dma_start3A_1052 : memref<1x1x2048xf32, #tpu.memory_space<vmem>> -> memref<1x2048xf32, #tpu.memory_space<vmem>>
      tpu.enqueue_dma source(%dma_start3A_1053 : memref<1x2048xf32, #tpu.memory_space<vmem>>) target(%dma_start3A_1049 : memref<1x2048xf32, #tpu.memory_space<any>>) target_semaphore(%dma_start3A_1047 : memref<!tpu.dma_semaphore, #tpu.memory_space<semaphore_mem>>)
    } else {
    }
    %ge3A_733 = arith.constant 8192 : i32
    %ge3A_734 = arith.cmpi sge, %get3A_725, %ge3A_733 : i32
    %convert_element_type3A_735 = arith.extui %ge3A_734 : i1 to i32
    %cond3A_736 = arith.constant 0 : i32
    %cond3A_737 = arith.cmpi ne, %convert_element_type3A_735, %cond3A_736 : i32
    scf.if %cond3A_737 {
      %dma_start3A = tpu.memref_slice %arg6[%select_n3A_7] : memref<2x!tpu.dma_semaphore, #tpu.memory_space<semaphore_mem>> -> memref<1x!tpu.dma_semaphore, #tpu.memory_space<semaphore_mem>>
      %dma_start3A_1047 = tpu.memref_squeeze %dma_start3A : memref<1x!tpu.dma_semaphore, #tpu.memory_space<semaphore_mem>> -> memref<!tpu.dma_semaphore, #tpu.memory_space<semaphore_mem>>
      %dma_start3A_1048 = arith.constant 0 : i32
      %dma_start3A_1049 = tpu.memref_slice %arg4[%rem3A_727, %dma_start3A_1048] : memref<8192x2048xf32, #tpu.memory_space<any>> -> memref<1x2048xf32, #tpu.memory_space<any>>
      %dma_start3A_1050 = arith.constant 0 : i32
      %dma_start3A_1051 = tpu.memref_slice %arg2[%rem3A_727, %dma_start3A_1050] : memref<8192x2048xf32, #tpu.memory_space<any>> -> memref<1x2048xf32, #tpu.memory_space<any>>
      tpu.enqueue_dma source(%dma_start3A_1051 : memref<1x2048xf32, #tpu.memory_space<any>>) target(%dma_start3A_1049 : memref<1x2048xf32, #tpu.memory_space<any>>) target_semaphore(%dma_start3A_1047 : memref<!tpu.dma_semaphore, #tpu.memory_space<semaphore_mem>>)
    } else {
    }
    %add3A_738 = arith.constant 45 : i32
    %add3A_739 = arith.addi %mul3A_8, %add3A_738 : i32
    %get3A_740 = arith.index_cast %add3A_739 : i32 to index
    %get3A_741 = memref.load %arg1[%get3A_740] : memref<1024xi32, #tpu.memory_space<smem>>
    %rem3A_742 = arith.constant 8192 : i32
    %rem3A_743 = arith.remsi %get3A_741, %rem3A_742 : i32
    %lt3A_744 = arith.constant 8192 : i32
    %lt3A_745 = arith.cmpi slt, %get3A_741, %lt3A_744 : i32
    %convert_element_type3A_746 = arith.extui %lt3A_745 : i1 to i32
    %cond3A_747 = arith.constant 0 : i32
    %cond3A_748 = arith.cmpi ne, %convert_element_type3A_746, %cond3A_747 : i32
    scf.if %cond3A_748 {
      %dma_start3A = tpu.memref_slice %arg6[%select_n3A_7] : memref<2x!tpu.dma_semaphore, #tpu.memory_space<semaphore_mem>> -> memref<1x!tpu.dma_semaphore, #tpu.memory_space<semaphore_mem>>
      %dma_start3A_1047 = tpu.memref_squeeze %dma_start3A : memref<1x!tpu.dma_semaphore, #tpu.memory_space<semaphore_mem>> -> memref<!tpu.dma_semaphore, #tpu.memory_space<semaphore_mem>>
      %dma_start3A_1048 = arith.constant 0 : i32
      %dma_start3A_1049 = tpu.memref_slice %arg4[%rem3A_743, %dma_start3A_1048] : memref<8192x2048xf32, #tpu.memory_space<any>> -> memref<1x2048xf32, #tpu.memory_space<any>>
      %dma_start3A_1050 = arith.constant 45 : i32
      %dma_start3A_1051 = arith.constant 0 : i32
      %dma_start3A_1052 = tpu.memref_slice %arg5[%select_n3A_7, %dma_start3A_1050, %dma_start3A_1051] : memref<2x64x2048xf32, #tpu.memory_space<vmem>> -> memref<1x1x2048xf32, #tpu.memory_space<vmem>>
      %dma_start3A_1053 = tpu.memref_squeeze %dma_start3A_1052 : memref<1x1x2048xf32, #tpu.memory_space<vmem>> -> memref<1x2048xf32, #tpu.memory_space<vmem>>
      tpu.enqueue_dma source(%dma_start3A_1053 : memref<1x2048xf32, #tpu.memory_space<vmem>>) target(%dma_start3A_1049 : memref<1x2048xf32, #tpu.memory_space<any>>) target_semaphore(%dma_start3A_1047 : memref<!tpu.dma_semaphore, #tpu.memory_space<semaphore_mem>>)
    } else {
    }
    %ge3A_749 = arith.constant 8192 : i32
    %ge3A_750 = arith.cmpi sge, %get3A_741, %ge3A_749 : i32
    %convert_element_type3A_751 = arith.extui %ge3A_750 : i1 to i32
    %cond3A_752 = arith.constant 0 : i32
    %cond3A_753 = arith.cmpi ne, %convert_element_type3A_751, %cond3A_752 : i32
    scf.if %cond3A_753 {
      %dma_start3A = tpu.memref_slice %arg6[%select_n3A_7] : memref<2x!tpu.dma_semaphore, #tpu.memory_space<semaphore_mem>> -> memref<1x!tpu.dma_semaphore, #tpu.memory_space<semaphore_mem>>
      %dma_start3A_1047 = tpu.memref_squeeze %dma_start3A : memref<1x!tpu.dma_semaphore, #tpu.memory_space<semaphore_mem>> -> memref<!tpu.dma_semaphore, #tpu.memory_space<semaphore_mem>>
      %dma_start3A_1048 = arith.constant 0 : i32
      %dma_start3A_1049 = tpu.memref_slice %arg4[%rem3A_743, %dma_start3A_1048] : memref<8192x2048xf32, #tpu.memory_space<any>> -> memref<1x2048xf32, #tpu.memory_space<any>>
      %dma_start3A_1050 = arith.constant 0 : i32
      %dma_start3A_1051 = tpu.memref_slice %arg2[%rem3A_743, %dma_start3A_1050] : memref<8192x2048xf32, #tpu.memory_space<any>> -> memref<1x2048xf32, #tpu.memory_space<any>>
      tpu.enqueue_dma source(%dma_start3A_1051 : memref<1x2048xf32, #tpu.memory_space<any>>) target(%dma_start3A_1049 : memref<1x2048xf32, #tpu.memory_space<any>>) target_semaphore(%dma_start3A_1047 : memref<!tpu.dma_semaphore, #tpu.memory_space<semaphore_mem>>)
    } else {
    }
    %add3A_754 = arith.constant 46 : i32
    %add3A_755 = arith.addi %mul3A_8, %add3A_754 : i32
    %get3A_756 = arith.index_cast %add3A_755 : i32 to index
    %get3A_757 = memref.load %arg1[%get3A_756] : memref<1024xi32, #tpu.memory_space<smem>>
    %rem3A_758 = arith.constant 8192 : i32
    %rem3A_759 = arith.remsi %get3A_757, %rem3A_758 : i32
    %lt3A_760 = arith.constant 8192 : i32
    %lt3A_761 = arith.cmpi slt, %get3A_757, %lt3A_760 : i32
    %convert_element_type3A_762 = arith.extui %lt3A_761 : i1 to i32
    %cond3A_763 = arith.constant 0 : i32
    %cond3A_764 = arith.cmpi ne, %convert_element_type3A_762, %cond3A_763 : i32
    scf.if %cond3A_764 {
      %dma_start3A = tpu.memref_slice %arg6[%select_n3A_7] : memref<2x!tpu.dma_semaphore, #tpu.memory_space<semaphore_mem>> -> memref<1x!tpu.dma_semaphore, #tpu.memory_space<semaphore_mem>>
      %dma_start3A_1047 = tpu.memref_squeeze %dma_start3A : memref<1x!tpu.dma_semaphore, #tpu.memory_space<semaphore_mem>> -> memref<!tpu.dma_semaphore, #tpu.memory_space<semaphore_mem>>
      %dma_start3A_1048 = arith.constant 0 : i32
      %dma_start3A_1049 = tpu.memref_slice %arg4[%rem3A_759, %dma_start3A_1048] : memref<8192x2048xf32, #tpu.memory_space<any>> -> memref<1x2048xf32, #tpu.memory_space<any>>
      %dma_start3A_1050 = arith.constant 46 : i32
      %dma_start3A_1051 = arith.constant 0 : i32
      %dma_start3A_1052 = tpu.memref_slice %arg5[%select_n3A_7, %dma_start3A_1050, %dma_start3A_1051] : memref<2x64x2048xf32, #tpu.memory_space<vmem>> -> memref<1x1x2048xf32, #tpu.memory_space<vmem>>
      %dma_start3A_1053 = tpu.memref_squeeze %dma_start3A_1052 : memref<1x1x2048xf32, #tpu.memory_space<vmem>> -> memref<1x2048xf32, #tpu.memory_space<vmem>>
      tpu.enqueue_dma source(%dma_start3A_1053 : memref<1x2048xf32, #tpu.memory_space<vmem>>) target(%dma_start3A_1049 : memref<1x2048xf32, #tpu.memory_space<any>>) target_semaphore(%dma_start3A_1047 : memref<!tpu.dma_semaphore, #tpu.memory_space<semaphore_mem>>)
    } else {
    }
    %ge3A_765 = arith.constant 8192 : i32
    %ge3A_766 = arith.cmpi sge, %get3A_757, %ge3A_765 : i32
    %convert_element_type3A_767 = arith.extui %ge3A_766 : i1 to i32
    %cond3A_768 = arith.constant 0 : i32
    %cond3A_769 = arith.cmpi ne, %convert_element_type3A_767, %cond3A_768 : i32
    scf.if %cond3A_769 {
      %dma_start3A = tpu.memref_slice %arg6[%select_n3A_7] : memref<2x!tpu.dma_semaphore, #tpu.memory_space<semaphore_mem>> -> memref<1x!tpu.dma_semaphore, #tpu.memory_space<semaphore_mem>>
      %dma_start3A_1047 = tpu.memref_squeeze %dma_start3A : memref<1x!tpu.dma_semaphore, #tpu.memory_space<semaphore_mem>> -> memref<!tpu.dma_semaphore, #tpu.memory_space<semaphore_mem>>
      %dma_start3A_1048 = arith.constant 0 : i32
      %dma_start3A_1049 = tpu.memref_slice %arg4[%rem3A_759, %dma_start3A_1048] : memref<8192x2048xf32, #tpu.memory_space<any>> -> memref<1x2048xf32, #tpu.memory_space<any>>
      %dma_start3A_1050 = arith.constant 0 : i32
      %dma_start3A_1051 = tpu.memref_slice %arg2[%rem3A_759, %dma_start3A_1050] : memref<8192x2048xf32, #tpu.memory_space<any>> -> memref<1x2048xf32, #tpu.memory_space<any>>
      tpu.enqueue_dma source(%dma_start3A_1051 : memref<1x2048xf32, #tpu.memory_space<any>>) target(%dma_start3A_1049 : memref<1x2048xf32, #tpu.memory_space<any>>) target_semaphore(%dma_start3A_1047 : memref<!tpu.dma_semaphore, #tpu.memory_space<semaphore_mem>>)
    } else {
    }
    %add3A_770 = arith.constant 47 : i32
    %add3A_771 = arith.addi %mul3A_8, %add3A_770 : i32
    %get3A_772 = arith.index_cast %add3A_771 : i32 to index
    %get3A_773 = memref.load %arg1[%get3A_772] : memref<1024xi32, #tpu.memory_space<smem>>
    %rem3A_774 = arith.constant 8192 : i32
    %rem3A_775 = arith.remsi %get3A_773, %rem3A_774 : i32
    %lt3A_776 = arith.constant 8192 : i32
    %lt3A_777 = arith.cmpi slt, %get3A_773, %lt3A_776 : i32
    %convert_element_type3A_778 = arith.extui %lt3A_777 : i1 to i32
    %cond3A_779 = arith.constant 0 : i32
    %cond3A_780 = arith.cmpi ne, %convert_element_type3A_778, %cond3A_779 : i32
    scf.if %cond3A_780 {
      %dma_start3A = tpu.memref_slice %arg6[%select_n3A_7] : memref<2x!tpu.dma_semaphore, #tpu.memory_space<semaphore_mem>> -> memref<1x!tpu.dma_semaphore, #tpu.memory_space<semaphore_mem>>
      %dma_start3A_1047 = tpu.memref_squeeze %dma_start3A : memref<1x!tpu.dma_semaphore, #tpu.memory_space<semaphore_mem>> -> memref<!tpu.dma_semaphore, #tpu.memory_space<semaphore_mem>>
      %dma_start3A_1048 = arith.constant 0 : i32
      %dma_start3A_1049 = tpu.memref_slice %arg4[%rem3A_775, %dma_start3A_1048] : memref<8192x2048xf32, #tpu.memory_space<any>> -> memref<1x2048xf32, #tpu.memory_space<any>>
      %dma_start3A_1050 = arith.constant 47 : i32
      %dma_start3A_1051 = arith.constant 0 : i32
      %dma_start3A_1052 = tpu.memref_slice %arg5[%select_n3A_7, %dma_start3A_1050, %dma_start3A_1051] : memref<2x64x2048xf32, #tpu.memory_space<vmem>> -> memref<1x1x2048xf32, #tpu.memory_space<vmem>>
      %dma_start3A_1053 = tpu.memref_squeeze %dma_start3A_1052 : memref<1x1x2048xf32, #tpu.memory_space<vmem>> -> memref<1x2048xf32, #tpu.memory_space<vmem>>
      tpu.enqueue_dma source(%dma_start3A_1053 : memref<1x2048xf32, #tpu.memory_space<vmem>>) target(%dma_start3A_1049 : memref<1x2048xf32, #tpu.memory_space<any>>) target_semaphore(%dma_start3A_1047 : memref<!tpu.dma_semaphore, #tpu.memory_space<semaphore_mem>>)
    } else {
    }
    %ge3A_781 = arith.constant 8192 : i32
    %ge3A_782 = arith.cmpi sge, %get3A_773, %ge3A_781 : i32
    %convert_element_type3A_783 = arith.extui %ge3A_782 : i1 to i32
    %cond3A_784 = arith.constant 0 : i32
    %cond3A_785 = arith.cmpi ne, %convert_element_type3A_783, %cond3A_784 : i32
    scf.if %cond3A_785 {
      %dma_start3A = tpu.memref_slice %arg6[%select_n3A_7] : memref<2x!tpu.dma_semaphore, #tpu.memory_space<semaphore_mem>> -> memref<1x!tpu.dma_semaphore, #tpu.memory_space<semaphore_mem>>
      %dma_start3A_1047 = tpu.memref_squeeze %dma_start3A : memref<1x!tpu.dma_semaphore, #tpu.memory_space<semaphore_mem>> -> memref<!tpu.dma_semaphore, #tpu.memory_space<semaphore_mem>>
      %dma_start3A_1048 = arith.constant 0 : i32
      %dma_start3A_1049 = tpu.memref_slice %arg4[%rem3A_775, %dma_start3A_1048] : memref<8192x2048xf32, #tpu.memory_space<any>> -> memref<1x2048xf32, #tpu.memory_space<any>>
      %dma_start3A_1050 = arith.constant 0 : i32
      %dma_start3A_1051 = tpu.memref_slice %arg2[%rem3A_775, %dma_start3A_1050] : memref<8192x2048xf32, #tpu.memory_space<any>> -> memref<1x2048xf32, #tpu.memory_space<any>>
      tpu.enqueue_dma source(%dma_start3A_1051 : memref<1x2048xf32, #tpu.memory_space<any>>) target(%dma_start3A_1049 : memref<1x2048xf32, #tpu.memory_space<any>>) target_semaphore(%dma_start3A_1047 : memref<!tpu.dma_semaphore, #tpu.memory_space<semaphore_mem>>)
    } else {
    }
    %add3A_786 = arith.constant 48 : i32
    %add3A_787 = arith.addi %mul3A_8, %add3A_786 : i32
    %get3A_788 = arith.index_cast %add3A_787 : i32 to index
    %get3A_789 = memref.load %arg1[%get3A_788] : memref<1024xi32, #tpu.memory_space<smem>>
    %rem3A_790 = arith.constant 8192 : i32
    %rem3A_791 = arith.remsi %get3A_789, %rem3A_790 : i32
    %lt3A_792 = arith.constant 8192 : i32
    %lt3A_793 = arith.cmpi slt, %get3A_789, %lt3A_792 : i32
    %convert_element_type3A_794 = arith.extui %lt3A_793 : i1 to i32
    %cond3A_795 = arith.constant 0 : i32
    %cond3A_796 = arith.cmpi ne, %convert_element_type3A_794, %cond3A_795 : i32
    scf.if %cond3A_796 {
      %dma_start3A = tpu.memref_slice %arg6[%select_n3A_7] : memref<2x!tpu.dma_semaphore, #tpu.memory_space<semaphore_mem>> -> memref<1x!tpu.dma_semaphore, #tpu.memory_space<semaphore_mem>>
      %dma_start3A_1047 = tpu.memref_squeeze %dma_start3A : memref<1x!tpu.dma_semaphore, #tpu.memory_space<semaphore_mem>> -> memref<!tpu.dma_semaphore, #tpu.memory_space<semaphore_mem>>
      %dma_start3A_1048 = arith.constant 0 : i32
      %dma_start3A_1049 = tpu.memref_slice %arg4[%rem3A_791, %dma_start3A_1048] : memref<8192x2048xf32, #tpu.memory_space<any>> -> memref<1x2048xf32, #tpu.memory_space<any>>
      %dma_start3A_1050 = arith.constant 48 : i32
      %dma_start3A_1051 = arith.constant 0 : i32
      %dma_start3A_1052 = tpu.memref_slice %arg5[%select_n3A_7, %dma_start3A_1050, %dma_start3A_1051] : memref<2x64x2048xf32, #tpu.memory_space<vmem>> -> memref<1x1x2048xf32, #tpu.memory_space<vmem>>
      %dma_start3A_1053 = tpu.memref_squeeze %dma_start3A_1052 : memref<1x1x2048xf32, #tpu.memory_space<vmem>> -> memref<1x2048xf32, #tpu.memory_space<vmem>>
      tpu.enqueue_dma source(%dma_start3A_1053 : memref<1x2048xf32, #tpu.memory_space<vmem>>) target(%dma_start3A_1049 : memref<1x2048xf32, #tpu.memory_space<any>>) target_semaphore(%dma_start3A_1047 : memref<!tpu.dma_semaphore, #tpu.memory_space<semaphore_mem>>)
    } else {
    }
    %ge3A_797 = arith.constant 8192 : i32
    %ge3A_798 = arith.cmpi sge, %get3A_789, %ge3A_797 : i32
    %convert_element_type3A_799 = arith.extui %ge3A_798 : i1 to i32
    %cond3A_800 = arith.constant 0 : i32
    %cond3A_801 = arith.cmpi ne, %convert_element_type3A_799, %cond3A_800 : i32
    scf.if %cond3A_801 {
      %dma_start3A = tpu.memref_slice %arg6[%select_n3A_7] : memref<2x!tpu.dma_semaphore, #tpu.memory_space<semaphore_mem>> -> memref<1x!tpu.dma_semaphore, #tpu.memory_space<semaphore_mem>>
      %dma_start3A_1047 = tpu.memref_squeeze %dma_start3A : memref<1x!tpu.dma_semaphore, #tpu.memory_space<semaphore_mem>> -> memref<!tpu.dma_semaphore, #tpu.memory_space<semaphore_mem>>
      %dma_start3A_1048 = arith.constant 0 : i32
      %dma_start3A_1049 = tpu.memref_slice %arg4[%rem3A_791, %dma_start3A_1048] : memref<8192x2048xf32, #tpu.memory_space<any>> -> memref<1x2048xf32, #tpu.memory_space<any>>
      %dma_start3A_1050 = arith.constant 0 : i32
      %dma_start3A_1051 = tpu.memref_slice %arg2[%rem3A_791, %dma_start3A_1050] : memref<8192x2048xf32, #tpu.memory_space<any>> -> memref<1x2048xf32, #tpu.memory_space<any>>
      tpu.enqueue_dma source(%dma_start3A_1051 : memref<1x2048xf32, #tpu.memory_space<any>>) target(%dma_start3A_1049 : memref<1x2048xf32, #tpu.memory_space<any>>) target_semaphore(%dma_start3A_1047 : memref<!tpu.dma_semaphore, #tpu.memory_space<semaphore_mem>>)
    } else {
    }
    %add3A_802 = arith.constant 49 : i32
    %add3A_803 = arith.addi %mul3A_8, %add3A_802 : i32
    %get3A_804 = arith.index_cast %add3A_803 : i32 to index
    %get3A_805 = memref.load %arg1[%get3A_804] : memref<1024xi32, #tpu.memory_space<smem>>
    %rem3A_806 = arith.constant 8192 : i32
    %rem3A_807 = arith.remsi %get3A_805, %rem3A_806 : i32
    %lt3A_808 = arith.constant 8192 : i32
    %lt3A_809 = arith.cmpi slt, %get3A_805, %lt3A_808 : i32
    %convert_element_type3A_810 = arith.extui %lt3A_809 : i1 to i32
    %cond3A_811 = arith.constant 0 : i32
    %cond3A_812 = arith.cmpi ne, %convert_element_type3A_810, %cond3A_811 : i32
    scf.if %cond3A_812 {
      %dma_start3A = tpu.memref_slice %arg6[%select_n3A_7] : memref<2x!tpu.dma_semaphore, #tpu.memory_space<semaphore_mem>> -> memref<1x!tpu.dma_semaphore, #tpu.memory_space<semaphore_mem>>
      %dma_start3A_1047 = tpu.memref_squeeze %dma_start3A : memref<1x!tpu.dma_semaphore, #tpu.memory_space<semaphore_mem>> -> memref<!tpu.dma_semaphore, #tpu.memory_space<semaphore_mem>>
      %dma_start3A_1048 = arith.constant 0 : i32
      %dma_start3A_1049 = tpu.memref_slice %arg4[%rem3A_807, %dma_start3A_1048] : memref<8192x2048xf32, #tpu.memory_space<any>> -> memref<1x2048xf32, #tpu.memory_space<any>>
      %dma_start3A_1050 = arith.constant 49 : i32
      %dma_start3A_1051 = arith.constant 0 : i32
      %dma_start3A_1052 = tpu.memref_slice %arg5[%select_n3A_7, %dma_start3A_1050, %dma_start3A_1051] : memref<2x64x2048xf32, #tpu.memory_space<vmem>> -> memref<1x1x2048xf32, #tpu.memory_space<vmem>>
      %dma_start3A_1053 = tpu.memref_squeeze %dma_start3A_1052 : memref<1x1x2048xf32, #tpu.memory_space<vmem>> -> memref<1x2048xf32, #tpu.memory_space<vmem>>
      tpu.enqueue_dma source(%dma_start3A_1053 : memref<1x2048xf32, #tpu.memory_space<vmem>>) target(%dma_start3A_1049 : memref<1x2048xf32, #tpu.memory_space<any>>) target_semaphore(%dma_start3A_1047 : memref<!tpu.dma_semaphore, #tpu.memory_space<semaphore_mem>>)
    } else {
    }
    %ge3A_813 = arith.constant 8192 : i32
    %ge3A_814 = arith.cmpi sge, %get3A_805, %ge3A_813 : i32
    %convert_element_type3A_815 = arith.extui %ge3A_814 : i1 to i32
    %cond3A_816 = arith.constant 0 : i32
    %cond3A_817 = arith.cmpi ne, %convert_element_type3A_815, %cond3A_816 : i32
    scf.if %cond3A_817 {
      %dma_start3A = tpu.memref_slice %arg6[%select_n3A_7] : memref<2x!tpu.dma_semaphore, #tpu.memory_space<semaphore_mem>> -> memref<1x!tpu.dma_semaphore, #tpu.memory_space<semaphore_mem>>
      %dma_start3A_1047 = tpu.memref_squeeze %dma_start3A : memref<1x!tpu.dma_semaphore, #tpu.memory_space<semaphore_mem>> -> memref<!tpu.dma_semaphore, #tpu.memory_space<semaphore_mem>>
      %dma_start3A_1048 = arith.constant 0 : i32
      %dma_start3A_1049 = tpu.memref_slice %arg4[%rem3A_807, %dma_start3A_1048] : memref<8192x2048xf32, #tpu.memory_space<any>> -> memref<1x2048xf32, #tpu.memory_space<any>>
      %dma_start3A_1050 = arith.constant 0 : i32
      %dma_start3A_1051 = tpu.memref_slice %arg2[%rem3A_807, %dma_start3A_1050] : memref<8192x2048xf32, #tpu.memory_space<any>> -> memref<1x2048xf32, #tpu.memory_space<any>>
      tpu.enqueue_dma source(%dma_start3A_1051 : memref<1x2048xf32, #tpu.memory_space<any>>) target(%dma_start3A_1049 : memref<1x2048xf32, #tpu.memory_space<any>>) target_semaphore(%dma_start3A_1047 : memref<!tpu.dma_semaphore, #tpu.memory_space<semaphore_mem>>)
    } else {
    }
    %add3A_818 = arith.constant 50 : i32
    %add3A_819 = arith.addi %mul3A_8, %add3A_818 : i32
    %get3A_820 = arith.index_cast %add3A_819 : i32 to index
    %get3A_821 = memref.load %arg1[%get3A_820] : memref<1024xi32, #tpu.memory_space<smem>>
    %rem3A_822 = arith.constant 8192 : i32
    %rem3A_823 = arith.remsi %get3A_821, %rem3A_822 : i32
    %lt3A_824 = arith.constant 8192 : i32
    %lt3A_825 = arith.cmpi slt, %get3A_821, %lt3A_824 : i32
    %convert_element_type3A_826 = arith.extui %lt3A_825 : i1 to i32
    %cond3A_827 = arith.constant 0 : i32
    %cond3A_828 = arith.cmpi ne, %convert_element_type3A_826, %cond3A_827 : i32
    scf.if %cond3A_828 {
      %dma_start3A = tpu.memref_slice %arg6[%select_n3A_7] : memref<2x!tpu.dma_semaphore, #tpu.memory_space<semaphore_mem>> -> memref<1x!tpu.dma_semaphore, #tpu.memory_space<semaphore_mem>>
      %dma_start3A_1047 = tpu.memref_squeeze %dma_start3A : memref<1x!tpu.dma_semaphore, #tpu.memory_space<semaphore_mem>> -> memref<!tpu.dma_semaphore, #tpu.memory_space<semaphore_mem>>
      %dma_start3A_1048 = arith.constant 0 : i32
      %dma_start3A_1049 = tpu.memref_slice %arg4[%rem3A_823, %dma_start3A_1048] : memref<8192x2048xf32, #tpu.memory_space<any>> -> memref<1x2048xf32, #tpu.memory_space<any>>
      %dma_start3A_1050 = arith.constant 50 : i32
      %dma_start3A_1051 = arith.constant 0 : i32
      %dma_start3A_1052 = tpu.memref_slice %arg5[%select_n3A_7, %dma_start3A_1050, %dma_start3A_1051] : memref<2x64x2048xf32, #tpu.memory_space<vmem>> -> memref<1x1x2048xf32, #tpu.memory_space<vmem>>
      %dma_start3A_1053 = tpu.memref_squeeze %dma_start3A_1052 : memref<1x1x2048xf32, #tpu.memory_space<vmem>> -> memref<1x2048xf32, #tpu.memory_space<vmem>>
      tpu.enqueue_dma source(%dma_start3A_1053 : memref<1x2048xf32, #tpu.memory_space<vmem>>) target(%dma_start3A_1049 : memref<1x2048xf32, #tpu.memory_space<any>>) target_semaphore(%dma_start3A_1047 : memref<!tpu.dma_semaphore, #tpu.memory_space<semaphore_mem>>)
    } else {
    }
    %ge3A_829 = arith.constant 8192 : i32
    %ge3A_830 = arith.cmpi sge, %get3A_821, %ge3A_829 : i32
    %convert_element_type3A_831 = arith.extui %ge3A_830 : i1 to i32
    %cond3A_832 = arith.constant 0 : i32
    %cond3A_833 = arith.cmpi ne, %convert_element_type3A_831, %cond3A_832 : i32
    scf.if %cond3A_833 {
      %dma_start3A = tpu.memref_slice %arg6[%select_n3A_7] : memref<2x!tpu.dma_semaphore, #tpu.memory_space<semaphore_mem>> -> memref<1x!tpu.dma_semaphore, #tpu.memory_space<semaphore_mem>>
      %dma_start3A_1047 = tpu.memref_squeeze %dma_start3A : memref<1x!tpu.dma_semaphore, #tpu.memory_space<semaphore_mem>> -> memref<!tpu.dma_semaphore, #tpu.memory_space<semaphore_mem>>
      %dma_start3A_1048 = arith.constant 0 : i32
      %dma_start3A_1049 = tpu.memref_slice %arg4[%rem3A_823, %dma_start3A_1048] : memref<8192x2048xf32, #tpu.memory_space<any>> -> memref<1x2048xf32, #tpu.memory_space<any>>
      %dma_start3A_1050 = arith.constant 0 : i32
      %dma_start3A_1051 = tpu.memref_slice %arg2[%rem3A_823, %dma_start3A_1050] : memref<8192x2048xf32, #tpu.memory_space<any>> -> memref<1x2048xf32, #tpu.memory_space<any>>
      tpu.enqueue_dma source(%dma_start3A_1051 : memref<1x2048xf32, #tpu.memory_space<any>>) target(%dma_start3A_1049 : memref<1x2048xf32, #tpu.memory_space<any>>) target_semaphore(%dma_start3A_1047 : memref<!tpu.dma_semaphore, #tpu.memory_space<semaphore_mem>>)
    } else {
    }
    %add3A_834 = arith.constant 51 : i32
    %add3A_835 = arith.addi %mul3A_8, %add3A_834 : i32
    %get3A_836 = arith.index_cast %add3A_835 : i32 to index
    %get3A_837 = memref.load %arg1[%get3A_836] : memref<1024xi32, #tpu.memory_space<smem>>
    %rem3A_838 = arith.constant 8192 : i32
    %rem3A_839 = arith.remsi %get3A_837, %rem3A_838 : i32
    %lt3A_840 = arith.constant 8192 : i32
    %lt3A_841 = arith.cmpi slt, %get3A_837, %lt3A_840 : i32
    %convert_element_type3A_842 = arith.extui %lt3A_841 : i1 to i32
    %cond3A_843 = arith.constant 0 : i32
    %cond3A_844 = arith.cmpi ne, %convert_element_type3A_842, %cond3A_843 : i32
    scf.if %cond3A_844 {
      %dma_start3A = tpu.memref_slice %arg6[%select_n3A_7] : memref<2x!tpu.dma_semaphore, #tpu.memory_space<semaphore_mem>> -> memref<1x!tpu.dma_semaphore, #tpu.memory_space<semaphore_mem>>
      %dma_start3A_1047 = tpu.memref_squeeze %dma_start3A : memref<1x!tpu.dma_semaphore, #tpu.memory_space<semaphore_mem>> -> memref<!tpu.dma_semaphore, #tpu.memory_space<semaphore_mem>>
      %dma_start3A_1048 = arith.constant 0 : i32
      %dma_start3A_1049 = tpu.memref_slice %arg4[%rem3A_839, %dma_start3A_1048] : memref<8192x2048xf32, #tpu.memory_space<any>> -> memref<1x2048xf32, #tpu.memory_space<any>>
      %dma_start3A_1050 = arith.constant 51 : i32
      %dma_start3A_1051 = arith.constant 0 : i32
      %dma_start3A_1052 = tpu.memref_slice %arg5[%select_n3A_7, %dma_start3A_1050, %dma_start3A_1051] : memref<2x64x2048xf32, #tpu.memory_space<vmem>> -> memref<1x1x2048xf32, #tpu.memory_space<vmem>>
      %dma_start3A_1053 = tpu.memref_squeeze %dma_start3A_1052 : memref<1x1x2048xf32, #tpu.memory_space<vmem>> -> memref<1x2048xf32, #tpu.memory_space<vmem>>
      tpu.enqueue_dma source(%dma_start3A_1053 : memref<1x2048xf32, #tpu.memory_space<vmem>>) target(%dma_start3A_1049 : memref<1x2048xf32, #tpu.memory_space<any>>) target_semaphore(%dma_start3A_1047 : memref<!tpu.dma_semaphore, #tpu.memory_space<semaphore_mem>>)
    } else {
    }
    %ge3A_845 = arith.constant 8192 : i32
    %ge3A_846 = arith.cmpi sge, %get3A_837, %ge3A_845 : i32
    %convert_element_type3A_847 = arith.extui %ge3A_846 : i1 to i32
    %cond3A_848 = arith.constant 0 : i32
    %cond3A_849 = arith.cmpi ne, %convert_element_type3A_847, %cond3A_848 : i32
    scf.if %cond3A_849 {
      %dma_start3A = tpu.memref_slice %arg6[%select_n3A_7] : memref<2x!tpu.dma_semaphore, #tpu.memory_space<semaphore_mem>> -> memref<1x!tpu.dma_semaphore, #tpu.memory_space<semaphore_mem>>
      %dma_start3A_1047 = tpu.memref_squeeze %dma_start3A : memref<1x!tpu.dma_semaphore, #tpu.memory_space<semaphore_mem>> -> memref<!tpu.dma_semaphore, #tpu.memory_space<semaphore_mem>>
      %dma_start3A_1048 = arith.constant 0 : i32
      %dma_start3A_1049 = tpu.memref_slice %arg4[%rem3A_839, %dma_start3A_1048] : memref<8192x2048xf32, #tpu.memory_space<any>> -> memref<1x2048xf32, #tpu.memory_space<any>>
      %dma_start3A_1050 = arith.constant 0 : i32
      %dma_start3A_1051 = tpu.memref_slice %arg2[%rem3A_839, %dma_start3A_1050] : memref<8192x2048xf32, #tpu.memory_space<any>> -> memref<1x2048xf32, #tpu.memory_space<any>>
      tpu.enqueue_dma source(%dma_start3A_1051 : memref<1x2048xf32, #tpu.memory_space<any>>) target(%dma_start3A_1049 : memref<1x2048xf32, #tpu.memory_space<any>>) target_semaphore(%dma_start3A_1047 : memref<!tpu.dma_semaphore, #tpu.memory_space<semaphore_mem>>)
    } else {
    }
    %add3A_850 = arith.constant 52 : i32
    %add3A_851 = arith.addi %mul3A_8, %add3A_850 : i32
    %get3A_852 = arith.index_cast %add3A_851 : i32 to index
    %get3A_853 = memref.load %arg1[%get3A_852] : memref<1024xi32, #tpu.memory_space<smem>>
    %rem3A_854 = arith.constant 8192 : i32
    %rem3A_855 = arith.remsi %get3A_853, %rem3A_854 : i32
    %lt3A_856 = arith.constant 8192 : i32
    %lt3A_857 = arith.cmpi slt, %get3A_853, %lt3A_856 : i32
    %convert_element_type3A_858 = arith.extui %lt3A_857 : i1 to i32
    %cond3A_859 = arith.constant 0 : i32
    %cond3A_860 = arith.cmpi ne, %convert_element_type3A_858, %cond3A_859 : i32
    scf.if %cond3A_860 {
      %dma_start3A = tpu.memref_slice %arg6[%select_n3A_7] : memref<2x!tpu.dma_semaphore, #tpu.memory_space<semaphore_mem>> -> memref<1x!tpu.dma_semaphore, #tpu.memory_space<semaphore_mem>>
      %dma_start3A_1047 = tpu.memref_squeeze %dma_start3A : memref<1x!tpu.dma_semaphore, #tpu.memory_space<semaphore_mem>> -> memref<!tpu.dma_semaphore, #tpu.memory_space<semaphore_mem>>
      %dma_start3A_1048 = arith.constant 0 : i32
      %dma_start3A_1049 = tpu.memref_slice %arg4[%rem3A_855, %dma_start3A_1048] : memref<8192x2048xf32, #tpu.memory_space<any>> -> memref<1x2048xf32, #tpu.memory_space<any>>
      %dma_start3A_1050 = arith.constant 52 : i32
      %dma_start3A_1051 = arith.constant 0 : i32
      %dma_start3A_1052 = tpu.memref_slice %arg5[%select_n3A_7, %dma_start3A_1050, %dma_start3A_1051] : memref<2x64x2048xf32, #tpu.memory_space<vmem>> -> memref<1x1x2048xf32, #tpu.memory_space<vmem>>
      %dma_start3A_1053 = tpu.memref_squeeze %dma_start3A_1052 : memref<1x1x2048xf32, #tpu.memory_space<vmem>> -> memref<1x2048xf32, #tpu.memory_space<vmem>>
      tpu.enqueue_dma source(%dma_start3A_1053 : memref<1x2048xf32, #tpu.memory_space<vmem>>) target(%dma_start3A_1049 : memref<1x2048xf32, #tpu.memory_space<any>>) target_semaphore(%dma_start3A_1047 : memref<!tpu.dma_semaphore, #tpu.memory_space<semaphore_mem>>)
    } else {
    }
    %ge3A_861 = arith.constant 8192 : i32
    %ge3A_862 = arith.cmpi sge, %get3A_853, %ge3A_861 : i32
    %convert_element_type3A_863 = arith.extui %ge3A_862 : i1 to i32
    %cond3A_864 = arith.constant 0 : i32
    %cond3A_865 = arith.cmpi ne, %convert_element_type3A_863, %cond3A_864 : i32
    scf.if %cond3A_865 {
      %dma_start3A = tpu.memref_slice %arg6[%select_n3A_7] : memref<2x!tpu.dma_semaphore, #tpu.memory_space<semaphore_mem>> -> memref<1x!tpu.dma_semaphore, #tpu.memory_space<semaphore_mem>>
      %dma_start3A_1047 = tpu.memref_squeeze %dma_start3A : memref<1x!tpu.dma_semaphore, #tpu.memory_space<semaphore_mem>> -> memref<!tpu.dma_semaphore, #tpu.memory_space<semaphore_mem>>
      %dma_start3A_1048 = arith.constant 0 : i32
      %dma_start3A_1049 = tpu.memref_slice %arg4[%rem3A_855, %dma_start3A_1048] : memref<8192x2048xf32, #tpu.memory_space<any>> -> memref<1x2048xf32, #tpu.memory_space<any>>
      %dma_start3A_1050 = arith.constant 0 : i32
      %dma_start3A_1051 = tpu.memref_slice %arg2[%rem3A_855, %dma_start3A_1050] : memref<8192x2048xf32, #tpu.memory_space<any>> -> memref<1x2048xf32, #tpu.memory_space<any>>
      tpu.enqueue_dma source(%dma_start3A_1051 : memref<1x2048xf32, #tpu.memory_space<any>>) target(%dma_start3A_1049 : memref<1x2048xf32, #tpu.memory_space<any>>) target_semaphore(%dma_start3A_1047 : memref<!tpu.dma_semaphore, #tpu.memory_space<semaphore_mem>>)
    } else {
    }
    %add3A_866 = arith.constant 53 : i32
    %add3A_867 = arith.addi %mul3A_8, %add3A_866 : i32
    %get3A_868 = arith.index_cast %add3A_867 : i32 to index
    %get3A_869 = memref.load %arg1[%get3A_868] : memref<1024xi32, #tpu.memory_space<smem>>
    %rem3A_870 = arith.constant 8192 : i32
    %rem3A_871 = arith.remsi %get3A_869, %rem3A_870 : i32
    %lt3A_872 = arith.constant 8192 : i32
    %lt3A_873 = arith.cmpi slt, %get3A_869, %lt3A_872 : i32
    %convert_element_type3A_874 = arith.extui %lt3A_873 : i1 to i32
    %cond3A_875 = arith.constant 0 : i32
    %cond3A_876 = arith.cmpi ne, %convert_element_type3A_874, %cond3A_875 : i32
    scf.if %cond3A_876 {
      %dma_start3A = tpu.memref_slice %arg6[%select_n3A_7] : memref<2x!tpu.dma_semaphore, #tpu.memory_space<semaphore_mem>> -> memref<1x!tpu.dma_semaphore, #tpu.memory_space<semaphore_mem>>
      %dma_start3A_1047 = tpu.memref_squeeze %dma_start3A : memref<1x!tpu.dma_semaphore, #tpu.memory_space<semaphore_mem>> -> memref<!tpu.dma_semaphore, #tpu.memory_space<semaphore_mem>>
      %dma_start3A_1048 = arith.constant 0 : i32
      %dma_start3A_1049 = tpu.memref_slice %arg4[%rem3A_871, %dma_start3A_1048] : memref<8192x2048xf32, #tpu.memory_space<any>> -> memref<1x2048xf32, #tpu.memory_space<any>>
      %dma_start3A_1050 = arith.constant 53 : i32
      %dma_start3A_1051 = arith.constant 0 : i32
      %dma_start3A_1052 = tpu.memref_slice %arg5[%select_n3A_7, %dma_start3A_1050, %dma_start3A_1051] : memref<2x64x2048xf32, #tpu.memory_space<vmem>> -> memref<1x1x2048xf32, #tpu.memory_space<vmem>>
      %dma_start3A_1053 = tpu.memref_squeeze %dma_start3A_1052 : memref<1x1x2048xf32, #tpu.memory_space<vmem>> -> memref<1x2048xf32, #tpu.memory_space<vmem>>
      tpu.enqueue_dma source(%dma_start3A_1053 : memref<1x2048xf32, #tpu.memory_space<vmem>>) target(%dma_start3A_1049 : memref<1x2048xf32, #tpu.memory_space<any>>) target_semaphore(%dma_start3A_1047 : memref<!tpu.dma_semaphore, #tpu.memory_space<semaphore_mem>>)
    } else {
    }
    %ge3A_877 = arith.constant 8192 : i32
    %ge3A_878 = arith.cmpi sge, %get3A_869, %ge3A_877 : i32
    %convert_element_type3A_879 = arith.extui %ge3A_878 : i1 to i32
    %cond3A_880 = arith.constant 0 : i32
    %cond3A_881 = arith.cmpi ne, %convert_element_type3A_879, %cond3A_880 : i32
    scf.if %cond3A_881 {
      %dma_start3A = tpu.memref_slice %arg6[%select_n3A_7] : memref<2x!tpu.dma_semaphore, #tpu.memory_space<semaphore_mem>> -> memref<1x!tpu.dma_semaphore, #tpu.memory_space<semaphore_mem>>
      %dma_start3A_1047 = tpu.memref_squeeze %dma_start3A : memref<1x!tpu.dma_semaphore, #tpu.memory_space<semaphore_mem>> -> memref<!tpu.dma_semaphore, #tpu.memory_space<semaphore_mem>>
      %dma_start3A_1048 = arith.constant 0 : i32
      %dma_start3A_1049 = tpu.memref_slice %arg4[%rem3A_871, %dma_start3A_1048] : memref<8192x2048xf32, #tpu.memory_space<any>> -> memref<1x2048xf32, #tpu.memory_space<any>>
      %dma_start3A_1050 = arith.constant 0 : i32
      %dma_start3A_1051 = tpu.memref_slice %arg2[%rem3A_871, %dma_start3A_1050] : memref<8192x2048xf32, #tpu.memory_space<any>> -> memref<1x2048xf32, #tpu.memory_space<any>>
      tpu.enqueue_dma source(%dma_start3A_1051 : memref<1x2048xf32, #tpu.memory_space<any>>) target(%dma_start3A_1049 : memref<1x2048xf32, #tpu.memory_space<any>>) target_semaphore(%dma_start3A_1047 : memref<!tpu.dma_semaphore, #tpu.memory_space<semaphore_mem>>)
    } else {
    }
    %add3A_882 = arith.constant 54 : i32
    %add3A_883 = arith.addi %mul3A_8, %add3A_882 : i32
    %get3A_884 = arith.index_cast %add3A_883 : i32 to index
    %get3A_885 = memref.load %arg1[%get3A_884] : memref<1024xi32, #tpu.memory_space<smem>>
    %rem3A_886 = arith.constant 8192 : i32
    %rem3A_887 = arith.remsi %get3A_885, %rem3A_886 : i32
    %lt3A_888 = arith.constant 8192 : i32
    %lt3A_889 = arith.cmpi slt, %get3A_885, %lt3A_888 : i32
    %convert_element_type3A_890 = arith.extui %lt3A_889 : i1 to i32
    %cond3A_891 = arith.constant 0 : i32
    %cond3A_892 = arith.cmpi ne, %convert_element_type3A_890, %cond3A_891 : i32
    scf.if %cond3A_892 {
      %dma_start3A = tpu.memref_slice %arg6[%select_n3A_7] : memref<2x!tpu.dma_semaphore, #tpu.memory_space<semaphore_mem>> -> memref<1x!tpu.dma_semaphore, #tpu.memory_space<semaphore_mem>>
      %dma_start3A_1047 = tpu.memref_squeeze %dma_start3A : memref<1x!tpu.dma_semaphore, #tpu.memory_space<semaphore_mem>> -> memref<!tpu.dma_semaphore, #tpu.memory_space<semaphore_mem>>
      %dma_start3A_1048 = arith.constant 0 : i32
      %dma_start3A_1049 = tpu.memref_slice %arg4[%rem3A_887, %dma_start3A_1048] : memref<8192x2048xf32, #tpu.memory_space<any>> -> memref<1x2048xf32, #tpu.memory_space<any>>
      %dma_start3A_1050 = arith.constant 54 : i32
      %dma_start3A_1051 = arith.constant 0 : i32
      %dma_start3A_1052 = tpu.memref_slice %arg5[%select_n3A_7, %dma_start3A_1050, %dma_start3A_1051] : memref<2x64x2048xf32, #tpu.memory_space<vmem>> -> memref<1x1x2048xf32, #tpu.memory_space<vmem>>
      %dma_start3A_1053 = tpu.memref_squeeze %dma_start3A_1052 : memref<1x1x2048xf32, #tpu.memory_space<vmem>> -> memref<1x2048xf32, #tpu.memory_space<vmem>>
      tpu.enqueue_dma source(%dma_start3A_1053 : memref<1x2048xf32, #tpu.memory_space<vmem>>) target(%dma_start3A_1049 : memref<1x2048xf32, #tpu.memory_space<any>>) target_semaphore(%dma_start3A_1047 : memref<!tpu.dma_semaphore, #tpu.memory_space<semaphore_mem>>)
    } else {
    }
    %ge3A_893 = arith.constant 8192 : i32
    %ge3A_894 = arith.cmpi sge, %get3A_885, %ge3A_893 : i32
    %convert_element_type3A_895 = arith.extui %ge3A_894 : i1 to i32
    %cond3A_896 = arith.constant 0 : i32
    %cond3A_897 = arith.cmpi ne, %convert_element_type3A_895, %cond3A_896 : i32
    scf.if %cond3A_897 {
      %dma_start3A = tpu.memref_slice %arg6[%select_n3A_7] : memref<2x!tpu.dma_semaphore, #tpu.memory_space<semaphore_mem>> -> memref<1x!tpu.dma_semaphore, #tpu.memory_space<semaphore_mem>>
      %dma_start3A_1047 = tpu.memref_squeeze %dma_start3A : memref<1x!tpu.dma_semaphore, #tpu.memory_space<semaphore_mem>> -> memref<!tpu.dma_semaphore, #tpu.memory_space<semaphore_mem>>
      %dma_start3A_1048 = arith.constant 0 : i32
      %dma_start3A_1049 = tpu.memref_slice %arg4[%rem3A_887, %dma_start3A_1048] : memref<8192x2048xf32, #tpu.memory_space<any>> -> memref<1x2048xf32, #tpu.memory_space<any>>
      %dma_start3A_1050 = arith.constant 0 : i32
      %dma_start3A_1051 = tpu.memref_slice %arg2[%rem3A_887, %dma_start3A_1050] : memref<8192x2048xf32, #tpu.memory_space<any>> -> memref<1x2048xf32, #tpu.memory_space<any>>
      tpu.enqueue_dma source(%dma_start3A_1051 : memref<1x2048xf32, #tpu.memory_space<any>>) target(%dma_start3A_1049 : memref<1x2048xf32, #tpu.memory_space<any>>) target_semaphore(%dma_start3A_1047 : memref<!tpu.dma_semaphore, #tpu.memory_space<semaphore_mem>>)
    } else {
    }
    %add3A_898 = arith.constant 55 : i32
    %add3A_899 = arith.addi %mul3A_8, %add3A_898 : i32
    %get3A_900 = arith.index_cast %add3A_899 : i32 to index
    %get3A_901 = memref.load %arg1[%get3A_900] : memref<1024xi32, #tpu.memory_space<smem>>
    %rem3A_902 = arith.constant 8192 : i32
    %rem3A_903 = arith.remsi %get3A_901, %rem3A_902 : i32
    %lt3A_904 = arith.constant 8192 : i32
    %lt3A_905 = arith.cmpi slt, %get3A_901, %lt3A_904 : i32
    %convert_element_type3A_906 = arith.extui %lt3A_905 : i1 to i32
    %cond3A_907 = arith.constant 0 : i32
    %cond3A_908 = arith.cmpi ne, %convert_element_type3A_906, %cond3A_907 : i32
    scf.if %cond3A_908 {
      %dma_start3A = tpu.memref_slice %arg6[%select_n3A_7] : memref<2x!tpu.dma_semaphore, #tpu.memory_space<semaphore_mem>> -> memref<1x!tpu.dma_semaphore, #tpu.memory_space<semaphore_mem>>
      %dma_start3A_1047 = tpu.memref_squeeze %dma_start3A : memref<1x!tpu.dma_semaphore, #tpu.memory_space<semaphore_mem>> -> memref<!tpu.dma_semaphore, #tpu.memory_space<semaphore_mem>>
      %dma_start3A_1048 = arith.constant 0 : i32
      %dma_start3A_1049 = tpu.memref_slice %arg4[%rem3A_903, %dma_start3A_1048] : memref<8192x2048xf32, #tpu.memory_space<any>> -> memref<1x2048xf32, #tpu.memory_space<any>>
      %dma_start3A_1050 = arith.constant 55 : i32
      %dma_start3A_1051 = arith.constant 0 : i32
      %dma_start3A_1052 = tpu.memref_slice %arg5[%select_n3A_7, %dma_start3A_1050, %dma_start3A_1051] : memref<2x64x2048xf32, #tpu.memory_space<vmem>> -> memref<1x1x2048xf32, #tpu.memory_space<vmem>>
      %dma_start3A_1053 = tpu.memref_squeeze %dma_start3A_1052 : memref<1x1x2048xf32, #tpu.memory_space<vmem>> -> memref<1x2048xf32, #tpu.memory_space<vmem>>
      tpu.enqueue_dma source(%dma_start3A_1053 : memref<1x2048xf32, #tpu.memory_space<vmem>>) target(%dma_start3A_1049 : memref<1x2048xf32, #tpu.memory_space<any>>) target_semaphore(%dma_start3A_1047 : memref<!tpu.dma_semaphore, #tpu.memory_space<semaphore_mem>>)
    } else {
    }
    %ge3A_909 = arith.constant 8192 : i32
    %ge3A_910 = arith.cmpi sge, %get3A_901, %ge3A_909 : i32
    %convert_element_type3A_911 = arith.extui %ge3A_910 : i1 to i32
    %cond3A_912 = arith.constant 0 : i32
    %cond3A_913 = arith.cmpi ne, %convert_element_type3A_911, %cond3A_912 : i32
    scf.if %cond3A_913 {
      %dma_start3A = tpu.memref_slice %arg6[%select_n3A_7] : memref<2x!tpu.dma_semaphore, #tpu.memory_space<semaphore_mem>> -> memref<1x!tpu.dma_semaphore, #tpu.memory_space<semaphore_mem>>
      %dma_start3A_1047 = tpu.memref_squeeze %dma_start3A : memref<1x!tpu.dma_semaphore, #tpu.memory_space<semaphore_mem>> -> memref<!tpu.dma_semaphore, #tpu.memory_space<semaphore_mem>>
      %dma_start3A_1048 = arith.constant 0 : i32
      %dma_start3A_1049 = tpu.memref_slice %arg4[%rem3A_903, %dma_start3A_1048] : memref<8192x2048xf32, #tpu.memory_space<any>> -> memref<1x2048xf32, #tpu.memory_space<any>>
      %dma_start3A_1050 = arith.constant 0 : i32
      %dma_start3A_1051 = tpu.memref_slice %arg2[%rem3A_903, %dma_start3A_1050] : memref<8192x2048xf32, #tpu.memory_space<any>> -> memref<1x2048xf32, #tpu.memory_space<any>>
      tpu.enqueue_dma source(%dma_start3A_1051 : memref<1x2048xf32, #tpu.memory_space<any>>) target(%dma_start3A_1049 : memref<1x2048xf32, #tpu.memory_space<any>>) target_semaphore(%dma_start3A_1047 : memref<!tpu.dma_semaphore, #tpu.memory_space<semaphore_mem>>)
    } else {
    }
    %add3A_914 = arith.constant 56 : i32
    %add3A_915 = arith.addi %mul3A_8, %add3A_914 : i32
    %get3A_916 = arith.index_cast %add3A_915 : i32 to index
    %get3A_917 = memref.load %arg1[%get3A_916] : memref<1024xi32, #tpu.memory_space<smem>>
    %rem3A_918 = arith.constant 8192 : i32
    %rem3A_919 = arith.remsi %get3A_917, %rem3A_918 : i32
    %lt3A_920 = arith.constant 8192 : i32
    %lt3A_921 = arith.cmpi slt, %get3A_917, %lt3A_920 : i32
    %convert_element_type3A_922 = arith.extui %lt3A_921 : i1 to i32
    %cond3A_923 = arith.constant 0 : i32
    %cond3A_924 = arith.cmpi ne, %convert_element_type3A_922, %cond3A_923 : i32
    scf.if %cond3A_924 {
      %dma_start3A = tpu.memref_slice %arg6[%select_n3A_7] : memref<2x!tpu.dma_semaphore, #tpu.memory_space<semaphore_mem>> -> memref<1x!tpu.dma_semaphore, #tpu.memory_space<semaphore_mem>>
      %dma_start3A_1047 = tpu.memref_squeeze %dma_start3A : memref<1x!tpu.dma_semaphore, #tpu.memory_space<semaphore_mem>> -> memref<!tpu.dma_semaphore, #tpu.memory_space<semaphore_mem>>
      %dma_start3A_1048 = arith.constant 0 : i32
      %dma_start3A_1049 = tpu.memref_slice %arg4[%rem3A_919, %dma_start3A_1048] : memref<8192x2048xf32, #tpu.memory_space<any>> -> memref<1x2048xf32, #tpu.memory_space<any>>
      %dma_start3A_1050 = arith.constant 56 : i32
      %dma_start3A_1051 = arith.constant 0 : i32
      %dma_start3A_1052 = tpu.memref_slice %arg5[%select_n3A_7, %dma_start3A_1050, %dma_start3A_1051] : memref<2x64x2048xf32, #tpu.memory_space<vmem>> -> memref<1x1x2048xf32, #tpu.memory_space<vmem>>
      %dma_start3A_1053 = tpu.memref_squeeze %dma_start3A_1052 : memref<1x1x2048xf32, #tpu.memory_space<vmem>> -> memref<1x2048xf32, #tpu.memory_space<vmem>>
      tpu.enqueue_dma source(%dma_start3A_1053 : memref<1x2048xf32, #tpu.memory_space<vmem>>) target(%dma_start3A_1049 : memref<1x2048xf32, #tpu.memory_space<any>>) target_semaphore(%dma_start3A_1047 : memref<!tpu.dma_semaphore, #tpu.memory_space<semaphore_mem>>)
    } else {
    }
    %ge3A_925 = arith.constant 8192 : i32
    %ge3A_926 = arith.cmpi sge, %get3A_917, %ge3A_925 : i32
    %convert_element_type3A_927 = arith.extui %ge3A_926 : i1 to i32
    %cond3A_928 = arith.constant 0 : i32
    %cond3A_929 = arith.cmpi ne, %convert_element_type3A_927, %cond3A_928 : i32
    scf.if %cond3A_929 {
      %dma_start3A = tpu.memref_slice %arg6[%select_n3A_7] : memref<2x!tpu.dma_semaphore, #tpu.memory_space<semaphore_mem>> -> memref<1x!tpu.dma_semaphore, #tpu.memory_space<semaphore_mem>>
      %dma_start3A_1047 = tpu.memref_squeeze %dma_start3A : memref<1x!tpu.dma_semaphore, #tpu.memory_space<semaphore_mem>> -> memref<!tpu.dma_semaphore, #tpu.memory_space<semaphore_mem>>
      %dma_start3A_1048 = arith.constant 0 : i32
      %dma_start3A_1049 = tpu.memref_slice %arg4[%rem3A_919, %dma_start3A_1048] : memref<8192x2048xf32, #tpu.memory_space<any>> -> memref<1x2048xf32, #tpu.memory_space<any>>
      %dma_start3A_1050 = arith.constant 0 : i32
      %dma_start3A_1051 = tpu.memref_slice %arg2[%rem3A_919, %dma_start3A_1050] : memref<8192x2048xf32, #tpu.memory_space<any>> -> memref<1x2048xf32, #tpu.memory_space<any>>
      tpu.enqueue_dma source(%dma_start3A_1051 : memref<1x2048xf32, #tpu.memory_space<any>>) target(%dma_start3A_1049 : memref<1x2048xf32, #tpu.memory_space<any>>) target_semaphore(%dma_start3A_1047 : memref<!tpu.dma_semaphore, #tpu.memory_space<semaphore_mem>>)
    } else {
    }
    %add3A_930 = arith.constant 57 : i32
    %add3A_931 = arith.addi %mul3A_8, %add3A_930 : i32
    %get3A_932 = arith.index_cast %add3A_931 : i32 to index
    %get3A_933 = memref.load %arg1[%get3A_932] : memref<1024xi32, #tpu.memory_space<smem>>
    %rem3A_934 = arith.constant 8192 : i32
    %rem3A_935 = arith.remsi %get3A_933, %rem3A_934 : i32
    %lt3A_936 = arith.constant 8192 : i32
    %lt3A_937 = arith.cmpi slt, %get3A_933, %lt3A_936 : i32
    %convert_element_type3A_938 = arith.extui %lt3A_937 : i1 to i32
    %cond3A_939 = arith.constant 0 : i32
    %cond3A_940 = arith.cmpi ne, %convert_element_type3A_938, %cond3A_939 : i32
    scf.if %cond3A_940 {
      %dma_start3A = tpu.memref_slice %arg6[%select_n3A_7] : memref<2x!tpu.dma_semaphore, #tpu.memory_space<semaphore_mem>> -> memref<1x!tpu.dma_semaphore, #tpu.memory_space<semaphore_mem>>
      %dma_start3A_1047 = tpu.memref_squeeze %dma_start3A : memref<1x!tpu.dma_semaphore, #tpu.memory_space<semaphore_mem>> -> memref<!tpu.dma_semaphore, #tpu.memory_space<semaphore_mem>>
      %dma_start3A_1048 = arith.constant 0 : i32
      %dma_start3A_1049 = tpu.memref_slice %arg4[%rem3A_935, %dma_start3A_1048] : memref<8192x2048xf32, #tpu.memory_space<any>> -> memref<1x2048xf32, #tpu.memory_space<any>>
      %dma_start3A_1050 = arith.constant 57 : i32
      %dma_start3A_1051 = arith.constant 0 : i32
      %dma_start3A_1052 = tpu.memref_slice %arg5[%select_n3A_7, %dma_start3A_1050, %dma_start3A_1051] : memref<2x64x2048xf32, #tpu.memory_space<vmem>> -> memref<1x1x2048xf32, #tpu.memory_space<vmem>>
      %dma_start3A_1053 = tpu.memref_squeeze %dma_start3A_1052 : memref<1x1x2048xf32, #tpu.memory_space<vmem>> -> memref<1x2048xf32, #tpu.memory_space<vmem>>
      tpu.enqueue_dma source(%dma_start3A_1053 : memref<1x2048xf32, #tpu.memory_space<vmem>>) target(%dma_start3A_1049 : memref<1x2048xf32, #tpu.memory_space<any>>) target_semaphore(%dma_start3A_1047 : memref<!tpu.dma_semaphore, #tpu.memory_space<semaphore_mem>>)
    } else {
    }
    %ge3A_941 = arith.constant 8192 : i32
    %ge3A_942 = arith.cmpi sge, %get3A_933, %ge3A_941 : i32
    %convert_element_type3A_943 = arith.extui %ge3A_942 : i1 to i32
    %cond3A_944 = arith.constant 0 : i32
    %cond3A_945 = arith.cmpi ne, %convert_element_type3A_943, %cond3A_944 : i32
    scf.if %cond3A_945 {
      %dma_start3A = tpu.memref_slice %arg6[%select_n3A_7] : memref<2x!tpu.dma_semaphore, #tpu.memory_space<semaphore_mem>> -> memref<1x!tpu.dma_semaphore, #tpu.memory_space<semaphore_mem>>
      %dma_start3A_1047 = tpu.memref_squeeze %dma_start3A : memref<1x!tpu.dma_semaphore, #tpu.memory_space<semaphore_mem>> -> memref<!tpu.dma_semaphore, #tpu.memory_space<semaphore_mem>>
      %dma_start3A_1048 = arith.constant 0 : i32
      %dma_start3A_1049 = tpu.memref_slice %arg4[%rem3A_935, %dma_start3A_1048] : memref<8192x2048xf32, #tpu.memory_space<any>> -> memref<1x2048xf32, #tpu.memory_space<any>>
      %dma_start3A_1050 = arith.constant 0 : i32
      %dma_start3A_1051 = tpu.memref_slice %arg2[%rem3A_935, %dma_start3A_1050] : memref<8192x2048xf32, #tpu.memory_space<any>> -> memref<1x2048xf32, #tpu.memory_space<any>>
      tpu.enqueue_dma source(%dma_start3A_1051 : memref<1x2048xf32, #tpu.memory_space<any>>) target(%dma_start3A_1049 : memref<1x2048xf32, #tpu.memory_space<any>>) target_semaphore(%dma_start3A_1047 : memref<!tpu.dma_semaphore, #tpu.memory_space<semaphore_mem>>)
    } else {
    }
    %add3A_946 = arith.constant 58 : i32
    %add3A_947 = arith.addi %mul3A_8, %add3A_946 : i32
    %get3A_948 = arith.index_cast %add3A_947 : i32 to index
    %get3A_949 = memref.load %arg1[%get3A_948] : memref<1024xi32, #tpu.memory_space<smem>>
    %rem3A_950 = arith.constant 8192 : i32
    %rem3A_951 = arith.remsi %get3A_949, %rem3A_950 : i32
    %lt3A_952 = arith.constant 8192 : i32
    %lt3A_953 = arith.cmpi slt, %get3A_949, %lt3A_952 : i32
    %convert_element_type3A_954 = arith.extui %lt3A_953 : i1 to i32
    %cond3A_955 = arith.constant 0 : i32
    %cond3A_956 = arith.cmpi ne, %convert_element_type3A_954, %cond3A_955 : i32
    scf.if %cond3A_956 {
      %dma_start3A = tpu.memref_slice %arg6[%select_n3A_7] : memref<2x!tpu.dma_semaphore, #tpu.memory_space<semaphore_mem>> -> memref<1x!tpu.dma_semaphore, #tpu.memory_space<semaphore_mem>>
      %dma_start3A_1047 = tpu.memref_squeeze %dma_start3A : memref<1x!tpu.dma_semaphore, #tpu.memory_space<semaphore_mem>> -> memref<!tpu.dma_semaphore, #tpu.memory_space<semaphore_mem>>
      %dma_start3A_1048 = arith.constant 0 : i32
      %dma_start3A_1049 = tpu.memref_slice %arg4[%rem3A_951, %dma_start3A_1048] : memref<8192x2048xf32, #tpu.memory_space<any>> -> memref<1x2048xf32, #tpu.memory_space<any>>
      %dma_start3A_1050 = arith.constant 58 : i32
      %dma_start3A_1051 = arith.constant 0 : i32
      %dma_start3A_1052 = tpu.memref_slice %arg5[%select_n3A_7, %dma_start3A_1050, %dma_start3A_1051] : memref<2x64x2048xf32, #tpu.memory_space<vmem>> -> memref<1x1x2048xf32, #tpu.memory_space<vmem>>
      %dma_start3A_1053 = tpu.memref_squeeze %dma_start3A_1052 : memref<1x1x2048xf32, #tpu.memory_space<vmem>> -> memref<1x2048xf32, #tpu.memory_space<vmem>>
      tpu.enqueue_dma source(%dma_start3A_1053 : memref<1x2048xf32, #tpu.memory_space<vmem>>) target(%dma_start3A_1049 : memref<1x2048xf32, #tpu.memory_space<any>>) target_semaphore(%dma_start3A_1047 : memref<!tpu.dma_semaphore, #tpu.memory_space<semaphore_mem>>)
    } else {
    }
    %ge3A_957 = arith.constant 8192 : i32
    %ge3A_958 = arith.cmpi sge, %get3A_949, %ge3A_957 : i32
    %convert_element_type3A_959 = arith.extui %ge3A_958 : i1 to i32
    %cond3A_960 = arith.constant 0 : i32
    %cond3A_961 = arith.cmpi ne, %convert_element_type3A_959, %cond3A_960 : i32
    scf.if %cond3A_961 {
      %dma_start3A = tpu.memref_slice %arg6[%select_n3A_7] : memref<2x!tpu.dma_semaphore, #tpu.memory_space<semaphore_mem>> -> memref<1x!tpu.dma_semaphore, #tpu.memory_space<semaphore_mem>>
      %dma_start3A_1047 = tpu.memref_squeeze %dma_start3A : memref<1x!tpu.dma_semaphore, #tpu.memory_space<semaphore_mem>> -> memref<!tpu.dma_semaphore, #tpu.memory_space<semaphore_mem>>
      %dma_start3A_1048 = arith.constant 0 : i32
      %dma_start3A_1049 = tpu.memref_slice %arg4[%rem3A_951, %dma_start3A_1048] : memref<8192x2048xf32, #tpu.memory_space<any>> -> memref<1x2048xf32, #tpu.memory_space<any>>
      %dma_start3A_1050 = arith.constant 0 : i32
      %dma_start3A_1051 = tpu.memref_slice %arg2[%rem3A_951, %dma_start3A_1050] : memref<8192x2048xf32, #tpu.memory_space<any>> -> memref<1x2048xf32, #tpu.memory_space<any>>
      tpu.enqueue_dma source(%dma_start3A_1051 : memref<1x2048xf32, #tpu.memory_space<any>>) target(%dma_start3A_1049 : memref<1x2048xf32, #tpu.memory_space<any>>) target_semaphore(%dma_start3A_1047 : memref<!tpu.dma_semaphore, #tpu.memory_space<semaphore_mem>>)
    } else {
    }
    %add3A_962 = arith.constant 59 : i32
    %add3A_963 = arith.addi %mul3A_8, %add3A_962 : i32
    %get3A_964 = arith.index_cast %add3A_963 : i32 to index
    %get3A_965 = memref.load %arg1[%get3A_964] : memref<1024xi32, #tpu.memory_space<smem>>
    %rem3A_966 = arith.constant 8192 : i32
    %rem3A_967 = arith.remsi %get3A_965, %rem3A_966 : i32
    %lt3A_968 = arith.constant 8192 : i32
    %lt3A_969 = arith.cmpi slt, %get3A_965, %lt3A_968 : i32
    %convert_element_type3A_970 = arith.extui %lt3A_969 : i1 to i32
    %cond3A_971 = arith.constant 0 : i32
    %cond3A_972 = arith.cmpi ne, %convert_element_type3A_970, %cond3A_971 : i32
    scf.if %cond3A_972 {
      %dma_start3A = tpu.memref_slice %arg6[%select_n3A_7] : memref<2x!tpu.dma_semaphore, #tpu.memory_space<semaphore_mem>> -> memref<1x!tpu.dma_semaphore, #tpu.memory_space<semaphore_mem>>
      %dma_start3A_1047 = tpu.memref_squeeze %dma_start3A : memref<1x!tpu.dma_semaphore, #tpu.memory_space<semaphore_mem>> -> memref<!tpu.dma_semaphore, #tpu.memory_space<semaphore_mem>>
      %dma_start3A_1048 = arith.constant 0 : i32
      %dma_start3A_1049 = tpu.memref_slice %arg4[%rem3A_967, %dma_start3A_1048] : memref<8192x2048xf32, #tpu.memory_space<any>> -> memref<1x2048xf32, #tpu.memory_space<any>>
      %dma_start3A_1050 = arith.constant 59 : i32
      %dma_start3A_1051 = arith.constant 0 : i32
      %dma_start3A_1052 = tpu.memref_slice %arg5[%select_n3A_7, %dma_start3A_1050, %dma_start3A_1051] : memref<2x64x2048xf32, #tpu.memory_space<vmem>> -> memref<1x1x2048xf32, #tpu.memory_space<vmem>>
      %dma_start3A_1053 = tpu.memref_squeeze %dma_start3A_1052 : memref<1x1x2048xf32, #tpu.memory_space<vmem>> -> memref<1x2048xf32, #tpu.memory_space<vmem>>
      tpu.enqueue_dma source(%dma_start3A_1053 : memref<1x2048xf32, #tpu.memory_space<vmem>>) target(%dma_start3A_1049 : memref<1x2048xf32, #tpu.memory_space<any>>) target_semaphore(%dma_start3A_1047 : memref<!tpu.dma_semaphore, #tpu.memory_space<semaphore_mem>>)
    } else {
    }
    %ge3A_973 = arith.constant 8192 : i32
    %ge3A_974 = arith.cmpi sge, %get3A_965, %ge3A_973 : i32
    %convert_element_type3A_975 = arith.extui %ge3A_974 : i1 to i32
    %cond3A_976 = arith.constant 0 : i32
    %cond3A_977 = arith.cmpi ne, %convert_element_type3A_975, %cond3A_976 : i32
    scf.if %cond3A_977 {
      %dma_start3A = tpu.memref_slice %arg6[%select_n3A_7] : memref<2x!tpu.dma_semaphore, #tpu.memory_space<semaphore_mem>> -> memref<1x!tpu.dma_semaphore, #tpu.memory_space<semaphore_mem>>
      %dma_start3A_1047 = tpu.memref_squeeze %dma_start3A : memref<1x!tpu.dma_semaphore, #tpu.memory_space<semaphore_mem>> -> memref<!tpu.dma_semaphore, #tpu.memory_space<semaphore_mem>>
      %dma_start3A_1048 = arith.constant 0 : i32
      %dma_start3A_1049 = tpu.memref_slice %arg4[%rem3A_967, %dma_start3A_1048] : memref<8192x2048xf32, #tpu.memory_space<any>> -> memref<1x2048xf32, #tpu.memory_space<any>>
      %dma_start3A_1050 = arith.constant 0 : i32
      %dma_start3A_1051 = tpu.memref_slice %arg2[%rem3A_967, %dma_start3A_1050] : memref<8192x2048xf32, #tpu.memory_space<any>> -> memref<1x2048xf32, #tpu.memory_space<any>>
      tpu.enqueue_dma source(%dma_start3A_1051 : memref<1x2048xf32, #tpu.memory_space<any>>) target(%dma_start3A_1049 : memref<1x2048xf32, #tpu.memory_space<any>>) target_semaphore(%dma_start3A_1047 : memref<!tpu.dma_semaphore, #tpu.memory_space<semaphore_mem>>)
    } else {
    }
    %add3A_978 = arith.constant 60 : i32
    %add3A_979 = arith.addi %mul3A_8, %add3A_978 : i32
    %get3A_980 = arith.index_cast %add3A_979 : i32 to index
    %get3A_981 = memref.load %arg1[%get3A_980] : memref<1024xi32, #tpu.memory_space<smem>>
    %rem3A_982 = arith.constant 8192 : i32
    %rem3A_983 = arith.remsi %get3A_981, %rem3A_982 : i32
    %lt3A_984 = arith.constant 8192 : i32
    %lt3A_985 = arith.cmpi slt, %get3A_981, %lt3A_984 : i32
    %convert_element_type3A_986 = arith.extui %lt3A_985 : i1 to i32
    %cond3A_987 = arith.constant 0 : i32
    %cond3A_988 = arith.cmpi ne, %convert_element_type3A_986, %cond3A_987 : i32
    scf.if %cond3A_988 {
      %dma_start3A = tpu.memref_slice %arg6[%select_n3A_7] : memref<2x!tpu.dma_semaphore, #tpu.memory_space<semaphore_mem>> -> memref<1x!tpu.dma_semaphore, #tpu.memory_space<semaphore_mem>>
      %dma_start3A_1047 = tpu.memref_squeeze %dma_start3A : memref<1x!tpu.dma_semaphore, #tpu.memory_space<semaphore_mem>> -> memref<!tpu.dma_semaphore, #tpu.memory_space<semaphore_mem>>
      %dma_start3A_1048 = arith.constant 0 : i32
      %dma_start3A_1049 = tpu.memref_slice %arg4[%rem3A_983, %dma_start3A_1048] : memref<8192x2048xf32, #tpu.memory_space<any>> -> memref<1x2048xf32, #tpu.memory_space<any>>
      %dma_start3A_1050 = arith.constant 60 : i32
      %dma_start3A_1051 = arith.constant 0 : i32
      %dma_start3A_1052 = tpu.memref_slice %arg5[%select_n3A_7, %dma_start3A_1050, %dma_start3A_1051] : memref<2x64x2048xf32, #tpu.memory_space<vmem>> -> memref<1x1x2048xf32, #tpu.memory_space<vmem>>
      %dma_start3A_1053 = tpu.memref_squeeze %dma_start3A_1052 : memref<1x1x2048xf32, #tpu.memory_space<vmem>> -> memref<1x2048xf32, #tpu.memory_space<vmem>>
      tpu.enqueue_dma source(%dma_start3A_1053 : memref<1x2048xf32, #tpu.memory_space<vmem>>) target(%dma_start3A_1049 : memref<1x2048xf32, #tpu.memory_space<any>>) target_semaphore(%dma_start3A_1047 : memref<!tpu.dma_semaphore, #tpu.memory_space<semaphore_mem>>)
    } else {
    }
    %ge3A_989 = arith.constant 8192 : i32
    %ge3A_990 = arith.cmpi sge, %get3A_981, %ge3A_989 : i32
    %convert_element_type3A_991 = arith.extui %ge3A_990 : i1 to i32
    %cond3A_992 = arith.constant 0 : i32
    %cond3A_993 = arith.cmpi ne, %convert_element_type3A_991, %cond3A_992 : i32
    scf.if %cond3A_993 {
      %dma_start3A = tpu.memref_slice %arg6[%select_n3A_7] : memref<2x!tpu.dma_semaphore, #tpu.memory_space<semaphore_mem>> -> memref<1x!tpu.dma_semaphore, #tpu.memory_space<semaphore_mem>>
      %dma_start3A_1047 = tpu.memref_squeeze %dma_start3A : memref<1x!tpu.dma_semaphore, #tpu.memory_space<semaphore_mem>> -> memref<!tpu.dma_semaphore, #tpu.memory_space<semaphore_mem>>
      %dma_start3A_1048 = arith.constant 0 : i32
      %dma_start3A_1049 = tpu.memref_slice %arg4[%rem3A_983, %dma_start3A_1048] : memref<8192x2048xf32, #tpu.memory_space<any>> -> memref<1x2048xf32, #tpu.memory_space<any>>
      %dma_start3A_1050 = arith.constant 0 : i32
      %dma_start3A_1051 = tpu.memref_slice %arg2[%rem3A_983, %dma_start3A_1050] : memref<8192x2048xf32, #tpu.memory_space<any>> -> memref<1x2048xf32, #tpu.memory_space<any>>
      tpu.enqueue_dma source(%dma_start3A_1051 : memref<1x2048xf32, #tpu.memory_space<any>>) target(%dma_start3A_1049 : memref<1x2048xf32, #tpu.memory_space<any>>) target_semaphore(%dma_start3A_1047 : memref<!tpu.dma_semaphore, #tpu.memory_space<semaphore_mem>>)
    } else {
    }
    %add3A_994 = arith.constant 61 : i32
    %add3A_995 = arith.addi %mul3A_8, %add3A_994 : i32
    %get3A_996 = arith.index_cast %add3A_995 : i32 to index
    %get3A_997 = memref.load %arg1[%get3A_996] : memref<1024xi32, #tpu.memory_space<smem>>
    %rem3A_998 = arith.constant 8192 : i32
    %rem3A_999 = arith.remsi %get3A_997, %rem3A_998 : i32
    %lt3A_1000 = arith.constant 8192 : i32
    %lt3A_1001 = arith.cmpi slt, %get3A_997, %lt3A_1000 : i32
    %convert_element_type3A_1002 = arith.extui %lt3A_1001 : i1 to i32
    %cond3A_1003 = arith.constant 0 : i32
    %cond3A_1004 = arith.cmpi ne, %convert_element_type3A_1002, %cond3A_1003 : i32
    scf.if %cond3A_1004 {
      %dma_start3A = tpu.memref_slice %arg6[%select_n3A_7] : memref<2x!tpu.dma_semaphore, #tpu.memory_space<semaphore_mem>> -> memref<1x!tpu.dma_semaphore, #tpu.memory_space<semaphore_mem>>
      %dma_start3A_1047 = tpu.memref_squeeze %dma_start3A : memref<1x!tpu.dma_semaphore, #tpu.memory_space<semaphore_mem>> -> memref<!tpu.dma_semaphore, #tpu.memory_space<semaphore_mem>>
      %dma_start3A_1048 = arith.constant 0 : i32
      %dma_start3A_1049 = tpu.memref_slice %arg4[%rem3A_999, %dma_start3A_1048] : memref<8192x2048xf32, #tpu.memory_space<any>> -> memref<1x2048xf32, #tpu.memory_space<any>>
      %dma_start3A_1050 = arith.constant 61 : i32
      %dma_start3A_1051 = arith.constant 0 : i32
      %dma_start3A_1052 = tpu.memref_slice %arg5[%select_n3A_7, %dma_start3A_1050, %dma_start3A_1051] : memref<2x64x2048xf32, #tpu.memory_space<vmem>> -> memref<1x1x2048xf32, #tpu.memory_space<vmem>>
      %dma_start3A_1053 = tpu.memref_squeeze %dma_start3A_1052 : memref<1x1x2048xf32, #tpu.memory_space<vmem>> -> memref<1x2048xf32, #tpu.memory_space<vmem>>
      tpu.enqueue_dma source(%dma_start3A_1053 : memref<1x2048xf32, #tpu.memory_space<vmem>>) target(%dma_start3A_1049 : memref<1x2048xf32, #tpu.memory_space<any>>) target_semaphore(%dma_start3A_1047 : memref<!tpu.dma_semaphore, #tpu.memory_space<semaphore_mem>>)
    } else {
    }
    %ge3A_1005 = arith.constant 8192 : i32
    %ge3A_1006 = arith.cmpi sge, %get3A_997, %ge3A_1005 : i32
    %convert_element_type3A_1007 = arith.extui %ge3A_1006 : i1 to i32
    %cond3A_1008 = arith.constant 0 : i32
    %cond3A_1009 = arith.cmpi ne, %convert_element_type3A_1007, %cond3A_1008 : i32
    scf.if %cond3A_1009 {
      %dma_start3A = tpu.memref_slice %arg6[%select_n3A_7] : memref<2x!tpu.dma_semaphore, #tpu.memory_space<semaphore_mem>> -> memref<1x!tpu.dma_semaphore, #tpu.memory_space<semaphore_mem>>
      %dma_start3A_1047 = tpu.memref_squeeze %dma_start3A : memref<1x!tpu.dma_semaphore, #tpu.memory_space<semaphore_mem>> -> memref<!tpu.dma_semaphore, #tpu.memory_space<semaphore_mem>>
      %dma_start3A_1048 = arith.constant 0 : i32
      %dma_start3A_1049 = tpu.memref_slice %arg4[%rem3A_999, %dma_start3A_1048] : memref<8192x2048xf32, #tpu.memory_space<any>> -> memref<1x2048xf32, #tpu.memory_space<any>>
      %dma_start3A_1050 = arith.constant 0 : i32
      %dma_start3A_1051 = tpu.memref_slice %arg2[%rem3A_999, %dma_start3A_1050] : memref<8192x2048xf32, #tpu.memory_space<any>> -> memref<1x2048xf32, #tpu.memory_space<any>>
      tpu.enqueue_dma source(%dma_start3A_1051 : memref<1x2048xf32, #tpu.memory_space<any>>) target(%dma_start3A_1049 : memref<1x2048xf32, #tpu.memory_space<any>>) target_semaphore(%dma_start3A_1047 : memref<!tpu.dma_semaphore, #tpu.memory_space<semaphore_mem>>)
    } else {
    }
    %add3A_1010 = arith.constant 62 : i32
    %add3A_1011 = arith.addi %mul3A_8, %add3A_1010 : i32
    %get3A_1012 = arith.index_cast %add3A_1011 : i32 to index
    %get3A_1013 = memref.load %arg1[%get3A_1012] : memref<1024xi32, #tpu.memory_space<smem>>
    %rem3A_1014 = arith.constant 8192 : i32
    %rem3A_1015 = arith.remsi %get3A_1013, %rem3A_1014 : i32
    %lt3A_1016 = arith.constant 8192 : i32
    %lt3A_1017 = arith.cmpi slt, %get3A_1013, %lt3A_1016 : i32
    %convert_element_type3A_1018 = arith.extui %lt3A_1017 : i1 to i32
    %cond3A_1019 = arith.constant 0 : i32
    %cond3A_1020 = arith.cmpi ne, %convert_element_type3A_1018, %cond3A_1019 : i32
    scf.if %cond3A_1020 {
      %dma_start3A = tpu.memref_slice %arg6[%select_n3A_7] : memref<2x!tpu.dma_semaphore, #tpu.memory_space<semaphore_mem>> -> memref<1x!tpu.dma_semaphore, #tpu.memory_space<semaphore_mem>>
      %dma_start3A_1047 = tpu.memref_squeeze %dma_start3A : memref<1x!tpu.dma_semaphore, #tpu.memory_space<semaphore_mem>> -> memref<!tpu.dma_semaphore, #tpu.memory_space<semaphore_mem>>
      %dma_start3A_1048 = arith.constant 0 : i32
      %dma_start3A_1049 = tpu.memref_slice %arg4[%rem3A_1015, %dma_start3A_1048] : memref<8192x2048xf32, #tpu.memory_space<any>> -> memref<1x2048xf32, #tpu.memory_space<any>>
      %dma_start3A_1050 = arith.constant 62 : i32
      %dma_start3A_1051 = arith.constant 0 : i32
      %dma_start3A_1052 = tpu.memref_slice %arg5[%select_n3A_7, %dma_start3A_1050, %dma_start3A_1051] : memref<2x64x2048xf32, #tpu.memory_space<vmem>> -> memref<1x1x2048xf32, #tpu.memory_space<vmem>>
      %dma_start3A_1053 = tpu.memref_squeeze %dma_start3A_1052 : memref<1x1x2048xf32, #tpu.memory_space<vmem>> -> memref<1x2048xf32, #tpu.memory_space<vmem>>
      tpu.enqueue_dma source(%dma_start3A_1053 : memref<1x2048xf32, #tpu.memory_space<vmem>>) target(%dma_start3A_1049 : memref<1x2048xf32, #tpu.memory_space<any>>) target_semaphore(%dma_start3A_1047 : memref<!tpu.dma_semaphore, #tpu.memory_space<semaphore_mem>>)
    } else {
    }
    %ge3A_1021 = arith.constant 8192 : i32
    %ge3A_1022 = arith.cmpi sge, %get3A_1013, %ge3A_1021 : i32
    %convert_element_type3A_1023 = arith.extui %ge3A_1022 : i1 to i32
    %cond3A_1024 = arith.constant 0 : i32
    %cond3A_1025 = arith.cmpi ne, %convert_element_type3A_1023, %cond3A_1024 : i32
    scf.if %cond3A_1025 {
      %dma_start3A = tpu.memref_slice %arg6[%select_n3A_7] : memref<2x!tpu.dma_semaphore, #tpu.memory_space<semaphore_mem>> -> memref<1x!tpu.dma_semaphore, #tpu.memory_space<semaphore_mem>>
      %dma_start3A_1047 = tpu.memref_squeeze %dma_start3A : memref<1x!tpu.dma_semaphore, #tpu.memory_space<semaphore_mem>> -> memref<!tpu.dma_semaphore, #tpu.memory_space<semaphore_mem>>
      %dma_start3A_1048 = arith.constant 0 : i32
      %dma_start3A_1049 = tpu.memref_slice %arg4[%rem3A_1015, %dma_start3A_1048] : memref<8192x2048xf32, #tpu.memory_space<any>> -> memref<1x2048xf32, #tpu.memory_space<any>>
      %dma_start3A_1050 = arith.constant 0 : i32
      %dma_start3A_1051 = tpu.memref_slice %arg2[%rem3A_1015, %dma_start3A_1050] : memref<8192x2048xf32, #tpu.memory_space<any>> -> memref<1x2048xf32, #tpu.memory_space<any>>
      tpu.enqueue_dma source(%dma_start3A_1051 : memref<1x2048xf32, #tpu.memory_space<any>>) target(%dma_start3A_1049 : memref<1x2048xf32, #tpu.memory_space<any>>) target_semaphore(%dma_start3A_1047 : memref<!tpu.dma_semaphore, #tpu.memory_space<semaphore_mem>>)
    } else {
    }
    %add3A_1026 = arith.constant 63 : i32
    %add3A_1027 = arith.addi %mul3A_8, %add3A_1026 : i32
    %get3A_1028 = arith.index_cast %add3A_1027 : i32 to index
    %get3A_1029 = memref.load %arg1[%get3A_1028] : memref<1024xi32, #tpu.memory_space<smem>>
    %rem3A_1030 = arith.constant 8192 : i32
    %rem3A_1031 = arith.remsi %get3A_1029, %rem3A_1030 : i32
    %lt3A_1032 = arith.constant 8192 : i32
    %lt3A_1033 = arith.cmpi slt, %get3A_1029, %lt3A_1032 : i32
    %convert_element_type3A_1034 = arith.extui %lt3A_1033 : i1 to i32
    %cond3A_1035 = arith.constant 0 : i32
    %cond3A_1036 = arith.cmpi ne, %convert_element_type3A_1034, %cond3A_1035 : i32
    scf.if %cond3A_1036 {
      %dma_start3A = tpu.memref_slice %arg6[%select_n3A_7] : memref<2x!tpu.dma_semaphore, #tpu.memory_space<semaphore_mem>> -> memref<1x!tpu.dma_semaphore, #tpu.memory_space<semaphore_mem>>
      %dma_start3A_1047 = tpu.memref_squeeze %dma_start3A : memref<1x!tpu.dma_semaphore, #tpu.memory_space<semaphore_mem>> -> memref<!tpu.dma_semaphore, #tpu.memory_space<semaphore_mem>>
      %dma_start3A_1048 = arith.constant 0 : i32
      %dma_start3A_1049 = tpu.memref_slice %arg4[%rem3A_1031, %dma_start3A_1048] : memref<8192x2048xf32, #tpu.memory_space<any>> -> memref<1x2048xf32, #tpu.memory_space<any>>
      %dma_start3A_1050 = arith.constant 63 : i32
      %dma_start3A_1051 = arith.constant 0 : i32
      %dma_start3A_1052 = tpu.memref_slice %arg5[%select_n3A_7, %dma_start3A_1050, %dma_start3A_1051] : memref<2x64x2048xf32, #tpu.memory_space<vmem>> -> memref<1x1x2048xf32, #tpu.memory_space<vmem>>
      %dma_start3A_1053 = tpu.memref_squeeze %dma_start3A_1052 : memref<1x1x2048xf32, #tpu.memory_space<vmem>> -> memref<1x2048xf32, #tpu.memory_space<vmem>>
      tpu.enqueue_dma source(%dma_start3A_1053 : memref<1x2048xf32, #tpu.memory_space<vmem>>) target(%dma_start3A_1049 : memref<1x2048xf32, #tpu.memory_space<any>>) target_semaphore(%dma_start3A_1047 : memref<!tpu.dma_semaphore, #tpu.memory_space<semaphore_mem>>)
    } else {
    }
    %ge3A_1037 = arith.constant 8192 : i32
    %ge3A_1038 = arith.cmpi sge, %get3A_1029, %ge3A_1037 : i32
    %convert_element_type3A_1039 = arith.extui %ge3A_1038 : i1 to i32
    %cond3A_1040 = arith.constant 0 : i32
    %cond3A_1041 = arith.cmpi ne, %convert_element_type3A_1039, %cond3A_1040 : i32
    scf.if %cond3A_1041 {
      %dma_start3A = tpu.memref_slice %arg6[%select_n3A_7] : memref<2x!tpu.dma_semaphore, #tpu.memory_space<semaphore_mem>> -> memref<1x!tpu.dma_semaphore, #tpu.memory_space<semaphore_mem>>
      %dma_start3A_1047 = tpu.memref_squeeze %dma_start3A : memref<1x!tpu.dma_semaphore, #tpu.memory_space<semaphore_mem>> -> memref<!tpu.dma_semaphore, #tpu.memory_space<semaphore_mem>>
      %dma_start3A_1048 = arith.constant 0 : i32
      %dma_start3A_1049 = tpu.memref_slice %arg4[%rem3A_1031, %dma_start3A_1048] : memref<8192x2048xf32, #tpu.memory_space<any>> -> memref<1x2048xf32, #tpu.memory_space<any>>
      %dma_start3A_1050 = arith.constant 0 : i32
      %dma_start3A_1051 = tpu.memref_slice %arg2[%rem3A_1031, %dma_start3A_1050] : memref<8192x2048xf32, #tpu.memory_space<any>> -> memref<1x2048xf32, #tpu.memory_space<any>>
      tpu.enqueue_dma source(%dma_start3A_1051 : memref<1x2048xf32, #tpu.memory_space<any>>) target(%dma_start3A_1049 : memref<1x2048xf32, #tpu.memory_space<any>>) target_semaphore(%dma_start3A_1047 : memref<!tpu.dma_semaphore, #tpu.memory_space<semaphore_mem>>)
    } else {
    }
    %eq3A_1042 = arith.constant 15 : i32
    %eq3A_1043 = arith.cmpi eq, %arg0, %eq3A_1042 : i32
    %convert_element_type3A_1044 = arith.extui %eq3A_1043 : i1 to i32
    %cond3A_1045 = arith.constant 0 : i32
    %cond3A_1046 = arith.cmpi ne, %convert_element_type3A_1044, %cond3A_1045 : i32
    scf.if %cond3A_1046 {
      %sub3A = arith.constant 1 : i32
      %sub3A_1047 = arith.subi %sub3A, %select_n3A_7 : i32
      %dma_wait3A = tpu.memref_slice %arg6[%sub3A_1047] : memref<2x!tpu.dma_semaphore, #tpu.memory_space<semaphore_mem>> -> memref<1x!tpu.dma_semaphore, #tpu.memory_space<semaphore_mem>>
      %dma_wait3A_1048 = tpu.memref_squeeze %dma_wait3A : memref<1x!tpu.dma_semaphore, #tpu.memory_space<semaphore_mem>> -> memref<!tpu.dma_semaphore, #tpu.memory_space<semaphore_mem>>
      %dma_wait3A_1049 = arith.constant 0 : i32
      %dma_wait3A_1050 = arith.constant 0 : i32
      %dma_wait3A_1051 = tpu.memref_slice %arg5[%sub3A_1047, %dma_wait3A_1049, %dma_wait3A_1050] : memref<2x64x2048xf32, #tpu.memory_space<vmem>> -> memref<1x64x2048xf32, #tpu.memory_space<vmem>>
      %dma_wait3A_1052 = tpu.memref_squeeze %dma_wait3A_1051 : memref<1x64x2048xf32, #tpu.memory_space<vmem>> -> memref<64x2048xf32, #tpu.memory_space<vmem>>
      %dma_wait3A_1053 = arith.constant 0 : i32
      %dma_wait3A_1054 = arith.constant 0 : i32
      %dma_wait3A_1055 = tpu.memref_slice %arg2[%dma_wait3A_1053, %dma_wait3A_1054] : memref<8192x2048xf32, #tpu.memory_space<any>> -> memref<64x2048xf32, #tpu.memory_space<any>>
      tpu.wait_dma2 semaphore(%dma_wait3A_1048 : memref<!tpu.dma_semaphore, #tpu.memory_space<semaphore_mem>>) src(%dma_wait3A_1055 : memref<64x2048xf32, #tpu.memory_space<any>>) dst(%dma_wait3A_1052 : memref<64x2048xf32, #tpu.memory_space<vmem>>)
      %dma_wait3A_1056 = tpu.memref_slice %arg6[%select_n3A_7] : memref<2x!tpu.dma_semaphore, #tpu.memory_space<semaphore_mem>> -> memref<1x!tpu.dma_semaphore, #tpu.memory_space<semaphore_mem>>
      %dma_wait3A_1057 = tpu.memref_squeeze %dma_wait3A_1056 : memref<1x!tpu.dma_semaphore, #tpu.memory_space<semaphore_mem>> -> memref<!tpu.dma_semaphore, #tpu.memory_space<semaphore_mem>>
      %dma_wait3A_1058 = arith.constant 0 : i32
      %dma_wait3A_1059 = arith.constant 0 : i32
      %dma_wait3A_1060 = tpu.memref_slice %arg5[%select_n3A_7, %dma_wait3A_1058, %dma_wait3A_1059] : memref<2x64x2048xf32, #tpu.memory_space<vmem>> -> memref<1x64x2048xf32, #tpu.memory_space<vmem>>
      %dma_wait3A_1061 = tpu.memref_squeeze %dma_wait3A_1060 : memref<1x64x2048xf32, #tpu.memory_space<vmem>> -> memref<64x2048xf32, #tpu.memory_space<vmem>>
      %dma_wait3A_1062 = arith.constant 0 : i32
      %dma_wait3A_1063 = arith.constant 0 : i32
      %dma_wait3A_1064 = tpu.memref_slice %arg2[%dma_wait3A_1062, %dma_wait3A_1063] : memref<8192x2048xf32, #tpu.memory_space<any>> -> memref<64x2048xf32, #tpu.memory_space<any>>
      tpu.wait_dma2 semaphore(%dma_wait3A_1057 : memref<!tpu.dma_semaphore, #tpu.memory_space<semaphore_mem>>) src(%dma_wait3A_1064 : memref<64x2048xf32, #tpu.memory_space<any>>) dst(%dma_wait3A_1061 : memref<64x2048xf32, #tpu.memory_space<vmem>>)
    } else {
    }
    return
  }
  func.func @transform_1(%arg0: i32, %arg1: memref<1024xi32, #tpu.memory_space<smem>>) -> (i32, i32) {
    %c0_i32 = arith.constant 0 : i32
    %c0_i32_0 = arith.constant 0 : i32
    return %arg0, %c0_i32 : i32, i32
  }
}

</mosaic_0001>

<sc_bundles>
// kernel: kernel.7.cloned.1.call-start
scs
__scs_entry_jumppad:
0x0: {  	(pc) =	sbr.rel $0x88, $3  }
0x1: {  	(tag) =	ssettag $0x0;
	lr =	simm.s32 $0x1  }
0x2: {  	[smem:$0x3F9A] =	sst lr;
	_ =	strace $0xD0000000  }
0x3: {  	_ = 	snop  }
0x4: {  	_ = 	snop  }
0x5: {  	_ = 	snop  }
0x6: {  	_ = 	snop  }
0x7: {  	_ = 	snop  }
__scs_overlays_trampoline_lowered:
0x8: {  	[smem:$0x3FA9] =	sst s0  }
0x9: {  	[smem:$0x3FAA] =	sst s1  }
0xa: {  	[smem:$0x3FAB] =	sst s2  }
0xb: {  	[smem:$0x3FAC] =	sst s3  }
0xc: {  	[smem:$0x3FAD] =	sst s4  }
0xd: {  	[smem:$0x3FAE] =	sst s5  }
0xe: {  	[smem:$0x3FAF] =	sst s6  }
0xf: {  	[smem:$0x3FB0] =	sst s7  }
0x10: {  	[smem:$0x3FB1] =	sst s8  }
0x11: {  	[smem:$0x3FB2] =	sst s9;
	s0 =	simm.s32 @!p0 $0x0  }
0x12: {  	s1 =	sld [smem:$0x3F98];
	s0 =	simm.s32 @p0 $0x1  }
0x13: {  	[smem:$0x3FB3] =	sst s0;
	s0 =	simm.s32 @!p1 $0x0  }
0x14: {  	s2 =	sld [smem:$0x3F97];
	s0 =	simm.s32 @p1 $0x1  }
0x15: {  	[smem:$0x3FB4] =	sst s0;
	s0 =	simm.s32 @!p2 $0x0  }
0x16: {  	s3 =	sld [smem:$0x3FDB];
	s0 =	simm.s32 @p2 $0x1  }
0x17: {  	s4 =	simm.s32 $0x1BF5;
	[smem:$0x3FB6] =	sst s0  }
0x18: {  	s0 =	sld [smem:$0x3F99];
	_ =	swait.ge [sflag:s4], $0x0  }
0x19: {  	s7 =	sld [smem:$0x3F9A]  }
0x1a: {  	s8 =	sadd.s32 $0xFFFFE003, lr  }
0x1b: {  	s9 =	sadd.s32 $0xFFFFFEF7, lr;
	s5 =	simm.s32 $0xFFFFFFFF;
	p2 =	slt.u32 s8, $0xFFFFF086  }
0x1c: {  	p1 =	slt.u32 s9, $0xF7A;
	s5 =	simm.s32 @!p2 $0x0  }
0x1d: {  	s5 =	simm.s32 @p1 $0x1;
	p0 =	seq.s32 s7, s2  }
0x1e: {  	s7 =	smul.u32 @!p0 $0xF7A, s2;
	p2 =	seq.s32 @!p0 s5, $0x0  }
0x1f: {  	s9 =	smul.u32 $0xF7A, s1;
	s8 =	simm.s32 @!p0 $0x1BF5;
	p2 =	por !p2, p0  }
0x20: {  	[sflag:s8] =	ssyncset.s32 @!p0 $0xFFFFF086;
	s6 =	sadd.s32 @!p0 s3, s7;
	s7 =	simm.s32 @!p0 $0x108  }
0x21: {  	s3 =	sadd.s32 s3, s9;
	s6 =	sadd.s32 @!p0 $0x88, s6;
	s7 =	simm.s32 @p2 $0x1082  }
0x22: {  	[simem:s7], [sflag:s8] =	dma.local @!p0 [hbm:s6], $0xF7A  }
0x23: {  	s9 =	sor.u32 $0xD0000000, s2;
	s6 =	simm.s32 $0x108;
	_ =	swait.ge @!p0 [sflag:s8], $0x0  }
0x24: {  	s3 =	sadd.s32 $0x88, s3;
	s6 =	simm.s32 @!p1 $0x1082;
	[sflag:s4] =	ssyncset.s32 $0xFFFFF086  }
0x25: {  	[simem:s6], [sflag:s4] =	dma.local [hbm:s3], $0xF7A  }
0x26: {  	[smem:$0x3F9A] =	sst s1;
	(tag) =	ssettag s2;
	_ =	strace s9  }
0x27: {  	s1 =	sld [smem:$0x3FAA]  }
0x28: {  	s2 =	sld [smem:$0x3FAB]  }
0x29: {  	s4 =	sld [smem:$0x3FAD]  }
0x2a: {  	p0 =	seq.s32 s5, $0x0;
	s5 =	sld [smem:$0x3FAE]  }
0x2b: {  	s6 =	sld [smem:$0x3FAF]  }
0x2c: {  	s7 =	sld [smem:$0x3FB0]  }
0x2d: {  	s3 =	simm.s32 $0x108;
	s8 =	sld [smem:$0x3FB1]  }
0x2e: {  	s3 =	simm.s32 @!p0 $0x1082;
	s9 =	sld [smem:$0x3FB2]  }
0x2f: {  	lr =	sadd.s32 s0, s3;
	s0 =	sld [smem:$0x3FA9]  }
0x30: {  	s3 =	sld [smem:$0x3FAC]  }
0x31: {  	[smem:$0x3FB5] =	sst s10  }
0x32: {  	s10 =	sld [smem:$0x3FB3];
	_ =	sdelay $0x3  }
0x33: {  	p0 =	seq.s32 s10, $0x1;
	s10 =	sld [smem:$0x3FB5];
	_ =	sdelay $0x3  }
0x34: {  	[smem:$0x3FB5] =	sst s10  }
0x35: {  	s10 =	sld [smem:$0x3FB4];
	_ =	sdelay $0x3  }
0x36: {  	p1 =	seq.s32 s10, $0x1;
	s10 =	sld [smem:$0x3FB5];
	_ =	sdelay $0x3  }
0x37: {  	[smem:$0x3FB5] =	sst s10  }
0x38: {  	s10 =	sld [smem:$0x3FB6]  }
0x39: {  	_ = 	snop;
	(pc) =	sbr.ind lr, $3  }
0x3a: {  	_ = 	snop  }
0x3b: {  	_ = 	snop  }
0x3c: {  	p2 =	seq.s32 s10, $0x1;
	s10 =	sld [smem:$0x3FB5]  }
0x3d: {  	_ =	shalt  }
0x3e: {  	_ =	shalt  }
0x3f: {  	_ =	shalt  }
0x40: {  	_ =	shalt  }
0x41: {  	_ =	shalt  }
0x42: {  	_ =	shalt  }
0x43: {  	_ =	shalt  }
0x44: {  	_ =	shalt  }
0x45: {  	_ =	shalt  }
0x46: {  	_ =	shalt  }
0x47: {  	_ =	shalt  }
0x48: {  	_ =	shalt  }
0x49: {  	_ =	shalt  }
0x4a: {  	_ =	shalt  }
0x4b: {  	_ =	shalt  }
0x4c: {  	_ =	shalt  }
0x4d: {  	_ =	shalt  }
0x4e: {  	_ =	shalt  }
0x4f: {  	_ =	shalt  }
0x50: {  	_ =	shalt  }
0x51: {  	_ =	shalt  }
0x52: {  	_ =	shalt  }
0x53: {  	_ =	shalt  }
0x54: {  	_ =	shalt  }
0x55: {  	_ =	shalt  }
0x56: {  	_ =	shalt  }
0x57: {  	_ =	shalt  }
0x58: {  	_ =	shalt  }
0x59: {  	_ =	shalt  }
0x5a: {  	_ =	shalt  }
0x5b: {  	_ =	shalt  }
0x5c: {  	_ =	shalt  }
0x5d: {  	_ =	shalt  }
0x5e: {  	_ =	shalt  }
0x5f: {  	_ =	shalt  }
0x60: {  	_ =	shalt  }
0x61: {  	_ =	shalt  }
0x62: {  	_ =	shalt  }
0x63: {  	_ =	shalt  }
0x64: {  	_ =	shalt  }
0x65: {  	_ =	shalt  }
0x66: {  	_ =	shalt  }
0x67: {  	_ =	shalt  }
0x68: {  	_ =	shalt  }
0x69: {  	_ =	shalt  }
0x6a: {  	_ =	shalt  }
0x6b: {  	_ =	shalt  }
0x6c: {  	_ =	shalt  }
0x6d: {  	_ =	shalt  }
0x6e: {  	_ =	shalt  }
0x6f: {  	_ =	shalt  }
0x70: {  	_ =	shalt  }
0x71: {  	_ =	shalt  }
0x72: {  	_ =	shalt  }
0x73: {  	_ =	shalt  }
0x74: {  	_ =	shalt  }
0x75: {  	_ =	shalt  }
0x76: {  	_ =	shalt  }
0x77: {  	_ =	shalt  }
0x78: {  	_ =	shalt  }
0x79: {  	_ =	shalt  }
0x7a: {  	_ =	shalt  }
0x7b: {  	_ =	shalt  }
0x7c: {  	_ =	shalt  }
0x7d: {  	_ =	shalt  }
0x7e: {  	_ =	shalt  }
0x7f: {  	_ =	shalt  }
0x80: {  	_ =	shalt  }
0x81: {  	_ =	shalt  }
0x82: {  	_ =	shalt  }
0x83: {  	_ =	shalt  }
0x84: {  	_ =	shalt  }
0x85: {  	_ =	shalt  }
0x86: {  	_ =	shalt  }
0x87: {  	_ =	shalt  }
.Lfunc_end0:
.L_simem_size_0:
called_computation_lowered:
.L_overlay_start_0:
0x88: {  	s2 =	sld [smem:$0x3FD9]  }
0x89: {  	s3 =	sld [smem:$0x3FFE];
	_ =	sdelay $0x1  }
0x8a: {  	s1 =	srdreg.scid  }
0x8b: {  	s0 =	sand.u32 $0x1, s1  }
0x8c: {  	s17 =	sshll.u32 s0, $0xA;
	s2 =	sadd.s32 s3, s2  }
0x8d: {  	s2 =	sadd.s32 s2, s17  }
0x8e: {  	[smem:$0x3FC1] =	sst s2  }
0x8f: {  	_ = 	snop  }
0x90: {  	s2 =	sld [smem:$0x3FD0];
	(tm) =	ssettm $0x1  }
0x91: {  	s18 =	sld [smem:$0x3FFB];
	_ =	sdelay $0x3  }
0x92: {  	_ =	strace s18  }
0x93: {  	s3 =	sld [smem:$0x3FFC];
	_ =	sdelay $0x3  }
0x94: {  	_ =	strace s3  }
0x95: {  	s3 =	sld [smem:$0x3FFD];
	_ =	sdelay $0x3  }
0x96: {  	_ =	strace s3  }
0x97: {  	_ =	strace $0x8FFFFFFF  }
0x98: {  	s19 =	sld [smem:$0x3FDB];
	_ =	sdelay $0x1  }
0x99: {  	s4 =	simm.s32 $_scs_section_size  }
0x9a: {  	s5 =	simm.s32 $_size__tile_overlayer_lowered;
	s6 =	simm.s32 $_tile_overlayer_lowered  }
0x9b: {  	s22 =	simm.s32 $0x1BFF;
	s21 =	sshll.u32 s6, $0x1;
	s3 =	sadd.s32 s4, s19  }
0x9c: {  	s7 =	simm.s32 $0x0;
	s20 =	sshll.u32 s5, $0x1;
	s5 =	sadd.s32 s21, s3  }
0x9d: {  	[timem:s7], [sflag:s22] =	dma.local [hbm:s5], s20  }
0x9e: {  	_ =	swait.ge [sflag:s22], s20  }
0x9f: {  	s4 =	ssub.s32 $0x0, s20;
	[sflag:s22] =	ssyncset.done $0x0  }
0xa0: {  	[sflag:s22] =	ssyncadd.s32 s4;
	_ =	sdelay $0x1  }
0xa1: {  	s23 =	simm.s32 $0x1B8B  }
0xa2: {  	_ =	swait.ge [sflag:s23], $0x1  }
0xa3: {  	[sflag:s23] =	ssyncset.done $0x0  }
0xa4: {  	s25 =	simm.s32 $0x1B8E;
	s24 =	sld [smem:$0x3FFE];
	[sflag:s23] =	ssyncadd.s32 $0xFFFFFFFF  }
0xa5: {  	s26 =	simm.s32 $execute0_lowered;
	[smem:$0x3FD2] =	sst s25  }
0xa6: {  	s5 =	sshll.u32 s26, $0x1;
	_ =	strace $0x80000046;
	[dreg:$0x1] =	wrdreg $0xFFFFFFFF  }
0xa7: {  	s28 =	simm.s32 $_size_execute0_lowered;
	s3 =	sadd.s32 s3, s5;
	[dreg:$0x0] =	wrdreg $0x0  }
0xa8: {  	s5 =	sshll.u32 s28, $0x1;
	[dreg:$0x2] =	wrdreg s3  }
0xa9: {  	[dreg:$0x3] =	wrdreg s5  }
0xaa: {  	[dreg:$0x4] =	wrdreg $0xC0  }
0xab: {  	_ =	task [dreg:s7], $0x5FFFF  }
0xac: {  	[dreg:$0x1] =	wrdreg $0xFFFFFFFF  }
0xad: {  	[dreg:$0x0] =	wrdreg $0x60  }
0xae: {  	[dreg:$0x2] =	wrdreg s2  }
0xaf: {  	[dreg:$0x3] =	wrdreg s24  }
0xb0: {  	[dreg:$0x4] =	wrdreg $0x9  }
0xb1: {  	_ =	task.clear_ibuf [dreg:s7], $0x5FFFF;
	_ =	strace $0x90000046  }
0xb2: {  	s29 =	simm.s32 $0x9;
	_ =	strace $0x80000048  }
0xb3: {  	_ =	swait.ge [sflag:s29], $0x1  }
0xb4: {  	[sflag:s29] =	ssyncadd.s32 $0xFFFFFFFF  }
0xb5: {  	_ =	strace $0x90000048  }
0xb6: {  	_ =	sfence  }
0xb7: {  	s30 =	sld [smem:$0x0];
	_ =	sdelay $0x2  }
0xb8: {  	s31 =	sshll.u32 s1, $0xD;
	s1 =	sshrl.u32 s1, $0x2  }
0xb9: {  	s3 =	sand.u32 $0x4000, s31;
	s1 =	sadd.s32 s1, s30  }
0xba: {  	s0 =	sor.u32 s3, s0;
	s1 =	sshll.u32 s1, $0x11  }
0xbb: {  	s0 =	sor.u32 s1, s0  }
0xbc: {  	s0 =	sadd.s32 $0x8F2B, s0  }
0xbd: {  	[sflag:s0] =	ssyncadd.remote.s32 $0x1  }
0xbe: {  	_ =	sfence.sel $0xFFFF  }
0xbf: {  	[dreg:$0x0] =	wrdreg $0xFFFFFFFF;
	(pc) =	sbr.abs _section_cstart, $3  }
0xc0: {  	[dreg:$0x1] =	wrdreg $0xFFFFFFFF  }
0xc1: {  	_ =	task.clear_ibuf [dreg:s7], $0x2FFFF;
	_ =	strace $0x9FFFFFFF  }
0xc2: {  	(tm) =	ssettm $0x7FFFFFFF  }
0xc3: {  	_ =	shalt  }
tec
execute0_lowered:
.L_overlay_start_1:
0x0: {  	(tag) =	ssettag $0x1  }
0x1: {  	s1 =	srdreg.scid;
	s2 =	rddreg [dreg:$0x0]  }
0x2: {  	s0 =	stileid.u32;
	s5 =	rddreg [dreg:$0x1];
	s18 =	simm.s32 $0x880  }
0x3: {  	s19 =	simm.s32 $0x1080;
	s20 =	simm.s32 $0x1880;
	s21 =	simm.s32 $0x2080  }
0x4: {  	s23 =	simm.s32 $0x2880;
	s24 =	simm.s32 $0x3080;
	s1 =	sand.u32 $0x1, s1  }
0x5: {  	s25 =	simm.s32 $0x3880;
	s3 =	sshll.u32 s0, $0x6;
	s4 =	sshll.u32 s1, $0x5  }
0x6: {  	s7 =	simm.s32 $0x4080;
	s4 =	sor.u32 s4, s3;
	s3 =	simm.s32 $0x0  }
0x7: {  	s8 =	simm.s32 $0x4880;
	s9 =	simm.s32 $0x5080;
	[smem:$0x7FF] =	sst s3  }
0x8: {  	s10 =	simm.s32 $0x5880;
	_ =	strace $0x80000047;
	[dreg:$0x5] =	wrdreg s18  }
0x9: {  	s11 =	simm.s32 $0x6080;
	s12 =	simm.s32 $0x6880;
	[dreg:$0x6] =	wrdreg s19  }
0xa: {  	s26 =	simm.s32 $0x7080;
	s13 =	simm.s32 $0x80;
	[dreg:$0x7] =	wrdreg s20  }
0xb: {  	s15 =	simm.s32 $0x8080;
	s16 =	simm.s32 $0x8880;
	[dreg:$0x8] =	wrdreg s21  }
0xc: {  	s28 =	simm.s32 $0xE080;
	s29 =	simm.s32 $0xE880;
	[dreg:$0x9] =	wrdreg s23  }
0xd: {  	s30 =	simm.s32 $0xF080;
	s1 =	ssub.s32 $0x2, s1;
	[dreg:$0xa] =	wrdreg s24  }
0xe: {  	s31 =	simm.s32 $0xF880;
	s22 =	sshrl.u32 s1, $0x1;
	[dreg:$0xb] =	wrdreg s25  }
0xf: {  	s6 =	sshrl.u32 s4, $0x3;
	s4 =	sshll.u32 s4, $0x8;
	[dreg:$0xc] =	wrdreg s7  }
0x10: {  	s1 =	ssub.s32 s1, s22;
	s22 =	simm.s32 $0xB880;
	[dreg:$0xd] =	wrdreg s8  }
0x11: {  	s6 =	sadd.s32 s6, s5;
	s4 =	sadd.s32 s4, s5;
	[dreg:$0xe] =	wrdreg s9  }
0x12: {  	s5 =	sadd.s32 $0x200, s2;
	s7 =	sadd.s32 $0x400, s2;
	[dreg:$0xf] =	wrdreg s10  }
0x13: {  	s8 =	sadd.s32 $0x500, s2;
	s9 =	sadd.s32 $0x600, s2;
	[dreg:$0x10] =	wrdreg s11  }
0x14: {  	s10 =	sadd.s32 $0x700, s2;
	s11 =	smax.u32 s1, $0x1;
	[dreg:$0x11] =	wrdreg s12  }
0x15: {  	s12 =	simm.s32 $0x2;
	[dreg:$0x12] =	wrdreg s26;
	s18 =	simm.s32 $0x9880  }
0x16: {  	s19 =	simm.s32 $0xA080;
	s20 =	simm.s32 $0xA880;
	s21 =	simm.s32 $0xB080  }
0x17: {  	s23 =	simm.s32 $0xC080;
	s24 =	simm.s32 $0xC880;
	s25 =	simm.s32 $0xD080  }
0x18: {  	v2 =	vlaneseq.u32;
	s26 =	simm.s32 $0xD880;
	s1 =	simm.s32 $0x1;
	s17 =	sadd.s32 $0xC00, s6  }
0x19: {  	vm0 =	vmmov $0xffff;
	v1 =	vshrl.u32 v2, $0x3;
	s4 =	sadd.s32 $0xE00, s4;
	s6 =	sadd.s32 $0x300, s2;
	[dreg:$0x3] =	wrdreg s17  }
0x1a: {  	v0 =	vand.u32 $0x7, v2;
	v2 =	vor.u32 $0x8, v2;
	v1 =	vmul.u32 $0x8, v1;
	[dreg:$0x4] =	wrdreg s4;
	s4 =	sadd.s32 $0x100, s2;
	s17 =	simm.s32 $0x9080  }
.LBB2_1:
0x1b: {  	s0 =	rddreg [dreg:$0x3]  }
0x1c: {  	[tilespmem:s3], [sflag:$0x2] =	stream.linear.gather [hbm4b:s0+s3], $0x20, $0x38;
	[tilespmem:$0x10080] =	vst v63  }
0x1d: {  	_ =	swait.ge [sflag:s12], $0x20  }
0x1e: {  	[sflag:s12] =	ssyncset.done $0x0  }
0x1f: {  	[sflag:s12] =	ssyncadd.s32 $0xFFFFFFE0  }
0x20: {  	v3 =	vld [tilespmem:$0x0];
	_ =	sdelay $0x4  }
0x21: {  	v4 =	vshll.u32 v3, $0x4  }
0x22: {  	v3 =	vand.u32 $0x7, v3;
	v4 =	vand.u32 $0xFFFFFF80, v4  }
0x23: {  	v3 =	vor.u32 v3, v4  }
0x24: {  	v4 =	vperm.xlane v3, v0;
	_ =	sdelay $0x1  }
0x25: {  	v4 =	vadd.s32 v1, v4;
	_ =	sdelay $0x4  }
0x26: {  	[tilespmem:s13], [sflag:$0x1] =	stream.indirect_vreg.gather [hbm4b:s2+s3], $0x80, v4, vm0, $0xb8;
	[tilespmem:$0x10080] =	vst v63  }
0x27: {  	s0 =	rddreg [dreg:$0x5]  }
0x28: {  	[tilespmem:s0], [sflag:$0x1] =	stream.indirect_vreg.gather [hbm4b:s4+s3], $0x80, v4, vm0, $0xb8;
	[tilespmem:$0x10080] =	vst v63  }
0x29: {  	s14 =	rddreg [dreg:$0x6]  }
0x2a: {  	[tilespmem:s14], [sflag:$0x1] =	stream.indirect_vreg.gather [hbm4b:s5+s3], $0x80, v4, vm0, $0xb8;
	[tilespmem:$0x10080] =	vst v63  }
0x2b: {  	s0 =	rddreg [dreg:$0x7]  }
0x2c: {  	[tilespmem:s0], [sflag:$0x1] =	stream.indirect_vreg.gather [hbm4b:s6+s3], $0x80, v4, vm0, $0xb8;
	[tilespmem:$0x10080] =	vst v63  }
0x2d: {  	s14 =	rddreg [dreg:$0x8]  }
0x2e: {  	[tilespmem:s14], [sflag:$0x1] =	stream.indirect_vreg.gather [hbm4b:s7+s3], $0x80, v4, vm0, $0xb8;
	[tilespmem:$0x10080] =	vst v63  }
0x2f: {  	v3 =	vperm.xlane v3, v2;
	s0 =	rddreg [dreg:$0x9]  }
0x30: {  	[tilespmem:s0], [sflag:$0x1] =	stream.indirect_vreg.gather [hbm4b:s8+s3], $0x80, v4, vm0, $0xb8;
	[tilespmem:$0x10080] =	vst v63  }
0x31: {  	v3 =	vadd.s32 v1, v3;
	s14 =	rddreg [dreg:$0xa]  }
0x32: {  	[tilespmem:s14], [sflag:$0x1] =	stream.indirect_vreg.gather [hbm4b:s9+s3], $0x80, v4, vm0, $0xb8;
	[tilespmem:$0x10080] =	vst v63  }
0x33: {  	s0 =	rddreg [dreg:$0xb]  }
0x34: {  	[tilespmem:s0], [sflag:$0x1] =	stream.indirect_vreg.gather [hbm4b:s10+s3], $0x80, v4, vm0, $0xb8;
	[tilespmem:$0x10080] =	vst v63  }
0x35: {  	s14 =	rddreg [dreg:$0xc]  }
0x36: {  	[tilespmem:s14], [sflag:$0x1] =	stream.indirect_vreg.gather [hbm4b:s2+s3], $0x80, v3, vm0, $0xb8;
	[tilespmem:$0x10080] =	vst v63  }
0x37: {  	s0 =	rddreg [dreg:$0xd]  }
0x38: {  	[tilespmem:s0], [sflag:$0x1] =	stream.indirect_vreg.gather [hbm4b:s4+s3], $0x80, v3, vm0, $0xb8;
	[tilespmem:$0x10080] =	vst v63  }
0x39: {  	s14 =	rddreg [dreg:$0xe]  }
0x3a: {  	[tilespmem:s14], [sflag:$0x1] =	stream.indirect_vreg.gather [hbm4b:s5+s3], $0x80, v3, vm0, $0xb8;
	[tilespmem:$0x10080] =	vst v63  }
0x3b: {  	s0 =	rddreg [dreg:$0xf]  }
0x3c: {  	[tilespmem:s0], [sflag:$0x1] =	stream.indirect_vreg.gather [hbm4b:s6+s3], $0x80, v3, vm0, $0xb8;
	[tilespmem:$0x10080] =	vst v63  }
0x3d: {  	s14 =	rddreg [dreg:$0x10]  }
0x3e: {  	[tilespmem:s14], [sflag:$0x1] =	stream.indirect_vreg.gather [hbm4b:s7+s3], $0x80, v3, vm0, $0xb8;
	[tilespmem:$0x10080] =	vst v63  }
0x3f: {  	s0 =	rddreg [dreg:$0x11]  }
0x40: {  	[tilespmem:s0], [sflag:$0x1] =	stream.indirect_vreg.gather [hbm4b:s8+s3], $0x80, v3, vm0, $0xb8;
	[tilespmem:$0x10080] =	vst v63  }
0x41: {  	s14 =	rddreg [dreg:$0x12]  }
0x42: {  	[tilespmem:s14], [sflag:$0x1] =	stream.indirect_vreg.gather [hbm4b:s9+s3], $0x80, v3, vm0, $0xb8;
	[tilespmem:$0x10080] =	vst v63  }
0x43: {  	s14 =	simm.s32 $0x7880  }
0x44: {  	[tilespmem:s14], [sflag:$0x1] =	stream.indirect_vreg.gather [hbm4b:s10+s3], $0x80, v3, vm0, $0xb8;
	[tilespmem:$0x10080] =	vst v63  }
0x45: {  	v3 =	vld [tilespmem:$0x10];
	_ =	sdelay $0x4  }
0x46: {  	v63 =	vshll.u32 v3, $0x4  }
0x47: {  	v3 =	vand.u32 $0x7, v3;
	v4 =	vand.u32 $0xFFFFFF80, v63  }
0x48: {  	v3 =	vor.u32 v3, v4  }
0x49: {  	v4 =	vperm.xlane v3, v0;
	_ =	sdelay $0x1  }
0x4a: {  	v4 =	vadd.s32 v1, v4;
	_ =	sdelay $0x4  }
0x4b: {  	[tilespmem:s15], [sflag:$0x1] =	stream.indirect_vreg.gather [hbm4b:s2+s3], $0x80, v4, vm0, $0xb8;
	[tilespmem:$0x10080] =	vst v63  }
0x4c: {  	_ = 	snop  }
0x4d: {  	[tilespmem:s16], [sflag:$0x1] =	stream.indirect_vreg.gather [hbm4b:s4+s3], $0x80, v4, vm0, $0xb8;
	[tilespmem:$0x10080] =	vst v63  }
0x4e: {  	_ = 	snop  }
0x4f: {  	[tilespmem:s17], [sflag:$0x1] =	stream.indirect_vreg.gather [hbm4b:s5+s3], $0x80, v4, vm0, $0xb8;
	[tilespmem:$0x10080] =	vst v63  }
0x50: {  	_ = 	snop  }
0x51: {  	[tilespmem:s18], [sflag:$0x1] =	stream.indirect_vreg.gather [hbm4b:s6+s3], $0x80, v4, vm0, $0xb8;
	[tilespmem:$0x10080] =	vst v63  }
0x52: {  	_ = 	snop  }
0x53: {  	[tilespmem:s19], [sflag:$0x1] =	stream.indirect_vreg.gather [hbm4b:s7+s3], $0x80, v4, vm0, $0xb8;
	[tilespmem:$0x10080] =	vst v63  }
0x54: {  	v3 =	vperm.xlane v3, v2  }
0x55: {  	[tilespmem:s20], [sflag:$0x1] =	stream.indirect_vreg.gather [hbm4b:s8+s3], $0x80, v4, vm0, $0xb8;
	[tilespmem:$0x10080] =	vst v63  }
0x56: {  	v3 =	vadd.s32 v1, v3  }
0x57: {  	[tilespmem:s21], [sflag:$0x1] =	stream.indirect_vreg.gather [hbm4b:s9+s3], $0x80, v4, vm0, $0xb8;
	[tilespmem:$0x10080] =	vst v63  }
0x58: {  	_ = 	snop  }
0x59: {  	[tilespmem:s22], [sflag:$0x1] =	stream.indirect_vreg.gather [hbm4b:s10+s3], $0x80, v4, vm0, $0xb8;
	[tilespmem:$0x10080] =	vst v63  }
0x5a: {  	_ = 	snop  }
0x5b: {  	[tilespmem:s23], [sflag:$0x1] =	stream.indirect_vreg.gather [hbm4b:s2+s3], $0x80, v3, vm0, $0xb8;
	[tilespmem:$0x10080] =	vst v63  }
0x5c: {  	_ = 	snop  }
0x5d: {  	[tilespmem:s24], [sflag:$0x1] =	stream.indirect_vreg.gather [hbm4b:s4+s3], $0x80, v3, vm0, $0xb8;
	[tilespmem:$0x10080] =	vst v63  }
0x5e: {  	_ = 	snop  }
0x5f: {  	[tilespmem:s25], [sflag:$0x1] =	stream.indirect_vreg.gather [hbm4b:s5+s3], $0x80, v3, vm0, $0xb8;
	[tilespmem:$0x10080] =	vst v63  }
0x60: {  	_ = 	snop  }
0x61: {  	[tilespmem:s26], [sflag:$0x1] =	stream.indirect_vreg.gather [hbm4b:s6+s3], $0x80, v3, vm0, $0xb8;
	[tilespmem:$0x10080] =	vst v63  }
0x62: {  	_ = 	snop  }
0x63: {  	[tilespmem:s28], [sflag:$0x1] =	stream.indirect_vreg.gather [hbm4b:s7+s3], $0x80, v3, vm0, $0xb8;
	[tilespmem:$0x10080] =	vst v63  }
0x64: {  	_ = 	snop  }
0x65: {  	[tilespmem:s29], [sflag:$0x1] =	stream.indirect_vreg.gather [hbm4b:s8+s3], $0x80, v3, vm0, $0xb8;
	[tilespmem:$0x10080] =	vst v63  }
0x66: {  	_ = 	snop  }
0x67: {  	[tilespmem:s30], [sflag:$0x1] =	stream.indirect_vreg.gather [hbm4b:s9+s3], $0x80, v3, vm0, $0xb8;
	[tilespmem:$0x10080] =	vst v63  }
0x68: {  	_ = 	snop  }
0x69: {  	[tilespmem:s31], [sflag:$0x1] =	stream.indirect_vreg.gather [hbm4b:s10+s3], $0x80, v3, vm0, $0xb8;
	[tilespmem:$0x10080] =	vst v63  }
0x6a: {  	_ =	swait.ge [sflag:s1], $0x10000  }
0x6b: {  	p0 =	sne.s32 s11, $0x1;
	[sflag:s1] =	ssyncset.done $0x0  }
.Ltmp0:
0x6c: {  	s14 =	rddreg [dreg:$0x4];
	[sflag:s1] =	ssyncadd.s32 $0xFFFF0000;
	(pc) =	sbr.rel @p0 .LBB2_1-.Ltmp0, $4  }
0x6d: {  	[hbm4b:s14+s3] =	stream.linear.scatter [tilespmem:s13], [sflag:$0x2], $0x10000, $0x38;
	[tilespmem:$0x10080] =	vst v63  }
0x6e: {  	_ =	swait.ge [sflag:s12], $0x10000  }
0x6f: {  	[sflag:s12] =	ssyncset.done $0x0  }
0x70: {  	s11 =	sadd.s32 $0xFFFFFFFF, s11;
	[sflag:s12] =	ssyncadd.s32 $0xFFFF0000  }
0x71: {  	_ =	sfence.sel $0x180000  }
0x72: {  	[bflag:$0x0] =	sbarrier.arrive $0xFFFF  }
0x73: {  	_ =	strace $0x90000047  }
0x74: {  	s0 =	stileid.u32;
	[bflag:$0x2] =	sbarrier.arrive $0xFFFF  }
0x75: {  	p0 =	sne.s32 s0, $0x0;
	s0 =	rddreg [dreg:$0x2]  }
0x76: {  	s0 =	sadd.s32 @!p0 $0x100000, s0  }
0x77: {  	[sflag:s0] =	ssyncadd.tile.s32 @!p0 $0x1;
	_ =	shalt  }
.Lfunc_end2:
_tile_overlayer_lowered:
.L_overlay_start_2:
0x78: {  	(tag) =	ssettag $0x2  }
0x79: {  	s0 =	rddreg [dreg:$0x0];
	s2 =	stileid.u32  }
0x7a: {  	s1 =	rddreg [dreg:$0x1];
	p0 =	sne.s32 s2, $0x0  }
0x7b: {  	s3 =	rddreg [dreg:$0x2];
	[bflag:$0x3] =	sbarrier.arrive $0xFFFF;
	s2 =	simm.s32 @!p0 $0x1C02  }
0x7c: {  	[timem:s3], [sflag:s2] =	dma.local @!p0 [hbm:s0], s1  }
0x7d: {  	s0 =	simm.s32 @!p0 $0x2  }
0x7e: {  	_ =	swait.ge @!p0 [sflag:s0], s1  }
0x7f: {  	s1 =	ssub.s32 @!p0 $0x0, s1;
	[sflag:s0] =	ssyncset.done @!p0 $0x0  }
0x80: {  	[sflag:s0] =	ssyncadd.s32 @!p0 s1  }
0x81: {  	[bflag:$0x3] =	sbarrier.arrive $0xFFFF  }
0x82: {  	_ =	shalt  }

</sc_bundles>
